<compile_context>
chip_gen: v7x
topology: tpu7x:2x2x1
jax: 0.10.2.dev20260603
libtpu: 0.0.44.dev20260713+nightly
codegen_flags: <defaults>
</compile_context>

<pallas_src>
import functools

import jax
import jax.numpy as jnp
from jax import lax
from jax.experimental import pallas as pl
from jax.experimental.pallas import tpu as pltpu
from jax.experimental.pallas import tpu_sc as plsc

_R = 1000
_RPAD = 1024
_WPAD = 128
_NR = 8
_ER = 8
_D = 32
_OUT = 32
_NL = 3
_NES = 64
_NNS = 32
_NEXT = 16

_NC = 2
_NS = 16
_NW = _NC * _NS
_CHR = 8
_NBUF = 2


def _table_body(esT, nsT, eiT, evT, en0T, en1T, atT, bdT, exT,
                WlT, blT, WoT, boT, prod, table_out, idx_out):
    f32 = jnp.float32

    def onehot(idx_row, k):
        ks = lax.broadcasted_iota(jnp.int32, (k, _RPAD), 0)
        return (idx_row == ks).astype(f32)

    edge_h = []
    for e in range(_ER):
        edge_h.append(jnp.dot(atT[...], onehot(esT[e:e + 1, :], _NES),
                              preferred_element_type=f32))
    node_h = []
    for n in range(_NR):
        hb = jnp.dot(bdT[...], onehot(nsT[n:n + 1, :], _NNS),
                     preferred_element_type=f32)
        hx = jnp.dot(exT[...], onehot(eiT[n:n + 1, :], _NEXT),
                     preferred_element_type=f32)
        node_h.append(hb + evT[n:n + 1, :] * hx)

    A = []
    for e in range(_ER):
        e0 = en0T[e:e + 1, :]
        e1 = en1T[e:e + 1, :]
        A.append([(e0 == n).astype(f32) + (e1 == n).astype(f32)
                  for n in range(_NR)])

    acc = jnp.zeros((_OUT, _RPAD), f32)
    for l in range(_NL):
        Wl = WlT[_D * l:_D * (l + 1), :]
        Wo = WoT[_D * l:_D * (l + 1), :]
        bl = blT[:, l:l + 1]
        bo = boT[:, l:l + 1]
        v_e = []
        for e in range(_ER):
            m = edge_h[e]
            for n in range(_NR):
                m = m + A[e][n] * node_h[n]
            v_e.append(m)
        v_n = []
        for n in range(_NR):
            m = node_h[n]
            for e in range(_ER):
                m = m + A[e][n] * edge_h[e]
            v_n.append(m)
        for v in v_e + v_n:
            acc = acc + jnp.maximum(
                jnp.dot(Wo, v, preferred_element_type=f32) + bo, 0.0)
        for e in range(_ER):
            edge_h[e] = jnp.maximum(
                jnp.dot(Wl, v_e[e], preferred_element_type=f32) + bl, 0.0)
        for n in range(_NR):
            node_h[n] = jnp.maximum(
                jnp.dot(Wl, v_n[n], preferred_element_type=f32) + bl, 0.0)

    lane = lax.broadcasted_iota(jnp.int32, (_OUT, _RPAD), 1)
    masked = jnp.where(lane < _R, acc, 0.0)
    tp = jnp.transpose(masked)
    table_out[:, 0:_OUT] = tp
    table_out[:, _OUT:_WPAD] = jnp.zeros((_RPAD, _WPAD - _OUT), f32)

    seq_l = prod.shape[1]
    idx_out[:, 0:seq_l] = prod[...]
    idx_out[:, seq_l:_WPAD] = jnp.zeros(
        (prod.shape[0], _WPAD - seq_l), jnp.int32)


def _compute_table(esT, nsT, eiT, evT, en0T, en1T, atT, bdT, exT,
                   WlT, blT, WoT, boT, prod):
    return pl.pallas_call(
        _table_body,
        out_shape=(
            jax.ShapeDtypeStruct((_RPAD, _WPAD), jnp.float32),
            jax.ShapeDtypeStruct((prod.shape[0], _WPAD), jnp.int32),
        ),
    )(esT, nsT, eiT, evT, en0T, en1T, atT, bdT, exT, WlT, blT, WoT, boT, prod)


def _sc_gather(table128, idx128, b, seq_l):
    tok = b * seq_l
    bpr = b // _NW
    mesh = plsc.VectorSubcoreMesh(core_axis_name="c", subcore_axis_name="s")

    bpw = bpr * seq_l
    nlv = (seq_l + 15) // 16
    cpad = bpr * seq_l + 16 * nlv
    chunks = [(i * 128, 128) for i in range(bpw // 128)]
    if bpw % 128:
        chunks.append((bpw - bpw % 128, bpw % 128))
    nch = len(chunks)

    @functools.partial(
        pl.kernel,
        out_type=jax.ShapeDtypeStruct((tok, _WPAD), jnp.float32),
        mesh=mesh,
        scratch_types=[
            pltpu.VMEM((bpr, _WPAD), jnp.int32),
            pltpu.VMEM((cpad,), jnp.int32),
            [pltpu.VMEM((128, _WPAD), jnp.float32) for _ in range(_NBUF)],
            pltpu.SemaphoreType.DMA,
            pltpu.SemaphoreType.DMA,
        ],
    )
    def gather_k(table_hbm, idx_hbm, out_hbm, idx_v, cflat, bufs, gsem, wsem):
        wid = lax.axis_index("s") * _NC + lax.axis_index("c")
        rbase = wid * bpr
        tbase = wid * bpw
        pltpu.sync_copy(idx_hbm.at[pl.ds(rbase, bpr)], idx_v)
        for r in range(bpr):
            for k in range(nlv):
                cflat[pl.ds(seq_l * r + 16 * k, 16)] = idx_v[r, pl.ds(16 * k, 16)]
        ghs = [None] * nch
        whs = [None] * nch

        def wstart(c):
            off, ln = chunks[c]
            ghs[c].wait()
            whs[c] = pltpu.async_copy(
                bufs[c % _NBUF].at[pl.ds(0, ln)],
                out_hbm.at[pl.ds(tbase + off, ln)],
                wsem)

        for c, (off, ln) in enumerate(chunks):
            if c >= _NBUF:
                whs[c - _NBUF].wait()
            ghs[c] = pltpu.async_copy(
                table_hbm.at[cflat.at[pl.ds(off, ln)]],
                bufs[c % _NBUF].at[pl.ds(0, ln)],
                gsem)
            if c >= 1:
                wstart(c - 1)
        wstart(nch - 1)
        for c in range(max(0, nch - _NBUF), nch):
            whs[c].wait()

    return gather_k(table128, idx128)


def kernel(prod_rule_idx_seq, atom_embed, bond_embed, ext_id_embed,
           W_l2l, b_l2l, W_l2o, b_l2o,
           rule_edge_sym, rule_node_sym, rule_ext_id, rule_ext_valid,
           rule_edge_nodes):
    b, seq_l = prod_rule_idx_seq.shape

    def padT(x):
        return jnp.pad(x, ((0, _RPAD - _R), (0, 0))).T

    esT = padT(rule_edge_sym).astype(jnp.int32)
    nsT = padT(rule_node_sym).astype(jnp.int32)
    eiT = padT(rule_ext_id).astype(jnp.int32)
    evT = padT(rule_ext_valid).astype(jnp.float32)
    en0T = padT(rule_edge_nodes[:, :, 0]).astype(jnp.int32)
    en1T = padT(rule_edge_nodes[:, :, 1]).astype(jnp.int32)

    atT = atom_embed.T
    bdT = bond_embed.T
    exT = ext_id_embed.T
    WlT = jnp.concatenate([W_l2l[i].T for i in range(_NL)], axis=0)
    WoT = jnp.concatenate([W_l2o[i].T for i in range(_NL)], axis=0)
    blT = b_l2l.T
    boT = b_l2o.T

    table128, idx128 = _compute_table(
        esT, nsT, eiT, evT, en0T, en1T, atT, bdT, exT,
        WlT, blT, WoT, boT, prod_rule_idx_seq.astype(jnp.int32))

    out_wide = _sc_gather(table128, idx128, b, seq_l)
    return out_wide[:, :_OUT].reshape(b, seq_l, _OUT)

# --- scband reference (transcript-rebuilt; emitter-appended) ---
"""Pipeline reference for scband-molecular-prod-rule-embedding-5076651344547 (READ-ONLY COPY).

The authoritative reference and input builder live on the scoring server;
editing this copy changes nothing except your own understanding.
"""

import jax, jax.numpy as jnp
import numpy as np

R = 1000      # num prod rules; idx == R means padding/skip
NR = 8        # nodes per rule
ER = 8        # edges per rule
D = 32        # element_embed_dim
OUT = 32      # out_dim
NL = 3        # num_layers
NES = 64      # num_edge_symbol (atom_embed rows)
NNS = 32      # num_node_symbol (bond_embed rows)
NEXT = 16     # num_ext_id
B = 1024
L = 50


def setup_inputs(seed: int = 0) -> dict:
    key = jax.random.key(seed)
    ks = jax.random.split(key, 9)
    rng = np.random.default_rng(0)
    inp = {}
    inp['prod_rule_idx_seq'] = jax.random.randint(ks[0], (B, L), 0, R + 1, dtype=jnp.int32)
    # learned parameters
    inp['atom_embed'] = jax.random.normal(ks[1], (NES, D), dtype=jnp.float32)
    inp['bond_embed'] = jax.random.normal(ks[2], (NNS, D), dtype=jnp.float32)
    inp['ext_id_embed'] = jax.random.normal(ks[3], (NEXT, D), dtype=jnp.float32)
    inp['W_l2l'] = jax.random.normal(ks[4], (NL, D, D), dtype=jnp.float32) / np.sqrt(D)
    inp['b_l2l'] = jax.random.normal(ks[5], (NL, D), dtype=jnp.float32) * 0.01
    inp['W_l2o'] = jax.random.normal(ks[6], (NL, D, OUT), dtype=jnp.float32) / np.sqrt(D)
    inp['b_l2o'] = jax.random.normal(ks[7], (NL, OUT), dtype=jnp.float32) * 0.01
    # synthetic prod-rule corpus (structural constants)
    inp['rule_edge_sym'] = jnp.asarray(rng.integers(0, NES, (R, ER)), dtype=jnp.int32)
    inp['rule_node_sym'] = jnp.asarray(rng.integers(0, NNS, (R, NR)), dtype=jnp.int32)
    inp['rule_ext_id'] = jnp.asarray(rng.integers(0, NEXT, (R, NR)), dtype=jnp.int32)
    inp['rule_ext_valid'] = jnp.asarray(rng.integers(0, 2, (R, NR)), dtype=jnp.int32)
    inp['rule_edge_nodes'] = jnp.asarray(rng.integers(0, NR, (R, ER, 2)), dtype=jnp.int32)
    return inp


def reference(prod_rule_idx_seq, atom_embed, bond_embed, ext_id_embed,
              W_l2l, b_l2l, W_l2o, b_l2o,
              rule_edge_sym, rule_node_sym, rule_ext_id, rule_ext_valid, rule_edge_nodes):
    idx = prod_rule_idx_seq
    valid = (idx < R).astype(jnp.float32)          # idx == R -> skip (output stays zero)
    sidx = jnp.minimum(idx, R - 1)
    # gather per-token rule graph structure
    es = rule_edge_sym[sidx]                       # [B,L,ER]
    ns = rule_node_sym[sidx]                       # [B,L,NR]
    ei = rule_ext_id[sidx]                         # [B,L,NR]
    ev = rule_ext_valid[sidx].astype(jnp.float32)  # [B,L,NR]
    en = rule_edge_nodes[sidx]                     # [B,L,ER,2]
    # initial layer-wise embeddings (atom_embed indexed by edge symbols, bond_embed by node symbols)
    edge_h = atom_embed[es]                                              # [B,L,ER,D]
    node_h = bond_embed[ns] + ev[..., None] * ext_id_embed[ei]           # [B,L,NR,D]
    onehot = (en[..., None] == jnp.arange(NR)).astype(jnp.float32)       # [B,L,ER,2,NR]
    out = jnp.zeros(idx.shape + (OUT,), dtype=jnp.float32)
    for l in range(NL):
        # edge messages: v_e = edge_h[e] + sum_{n in nodes_in_edge(e)} node_h[n]
        enf = en.reshape(en.shape[0], en.shape[1], ER * 2)
        g = jnp.take_along_axis(node_h, enf[..., None], axis=2)
        g = g.reshape(en.shape[0], en.shape[1], ER, 2, D)
        v_e = edge_h + g.sum(axis=3)                                     # [B,L,ER,D]
        # node messages: v_n = node_h[n] + sum_{e in adj_edges(n)} edge_h[e]
        adj = jnp.einsum('blesn,bled->blnd', onehot, edge_h)
        v_n = node_h + adj                                               # [B,L,NR,D]
        out = out + jax.nn.relu(v_e @ W_l2o[l] + b_l2o[l]).sum(axis=2)
        out = out + jax.nn.relu(v_n @ W_l2o[l] + b_l2o[l]).sum(axis=2)
        edge_h = jax.nn.relu(v_e @ W_l2l[l] + b_l2l[l])
        node_h = jax.nn.relu(v_n @ W_l2l[l] + b_l2l[l])
    return out * valid[..., None]

if __name__ == "__main__":
    import jax
    _d = setup_inputs()
    print(jax.jit(kernel)(*tuple(_d.values())))

</pallas_src>

<mosaic_0001>
#map = affine_map<(d0, d1) -> (0, 0)>
module attributes {stable_mosaic.version = 14 : i64} {
  func.func @gather_k(%arg0: i32, %arg1: i32, %arg2: memref<1024x128xf32, #tpu.memory_space<hbm>>, %arg3: memref<1024x128xi32, #tpu.memory_space<hbm>>, %arg4: memref<51200x128xf32, #tpu.memory_space<hbm>>, %arg5: memref<32x128xi32, #tpu.memory_space<vmem>>, %arg6: memref<1664xi32, #tpu.memory_space<vmem>>, %arg7: memref<128x128xf32, #tpu.memory_space<vmem>>, %arg8: memref<128x128xf32, #tpu.memory_space<vmem>>, %arg9: memref<!tpu.dma_semaphore, #tpu.memory_space<semaphore_mem>>, %arg10: memref<!tpu.dma_semaphore, #tpu.memory_space<semaphore_mem>>) attributes {dimension_semantics = [#tpu.dimension_semantics<core_parallel>, #tpu.dimension_semantics<subcore_parallel>], iteration_bounds = array<i64: 2, 16>, scalar_prefetch = 0 : i64, scratch_operands = 6 : i64, tpu.core_type = #tpu.core_type<sc_vector_subcore>, window_params = [{transform_indices = #map}, {transform_indices = #map}, {transform_indices = #map}]} {
    %mul3A = arith.constant 2 : i32
    %mul3A_0 = arith.muli %arg1, %mul3A : i32
    %add3A = arith.addi %mul3A_0, %arg0 : i32
    %mul3A_1 = arith.constant 32 : i32
    %mul3A_2 = arith.muli %add3A, %mul3A_1 : i32
    %mul3A_3 = arith.constant 1600 : i32
    %mul3A_4 = arith.muli %add3A, %mul3A_3 : i32
    "tpu.region"() ({
      %run_scoped3A = tpu.sem_alloc : memref<!tpu.dma_semaphore, #tpu.memory_space<semaphore_mem>>
      %dma_start3A_1647 = arith.constant 0 : i32
      %dma_start3A_1648 = tpu.memref_slice %arg3[%mul3A_2, %dma_start3A_1647] : memref<1024x128xi32, #tpu.memory_space<hbm>> -> memref<32x128xi32, #tpu.memory_space<hbm>>
      %dma_start3A_1649 = arith.constant 0 : i32
      %dma_start3A_1650 = tpu.memref_slice %arg3[%mul3A_2, %dma_start3A_1649] : memref<1024x128xi32, #tpu.memory_space<hbm>> -> memref<32x128xi32, #tpu.memory_space<hbm>>
      tpu.enqueue_dma source(%dma_start3A_1650 : memref<32x128xi32, #tpu.memory_space<hbm>>) target(%arg5 : memref<32x128xi32, #tpu.memory_space<vmem>>) target_semaphore(%run_scoped3A : memref<!tpu.dma_semaphore, #tpu.memory_space<semaphore_mem>>)
      %dma_wait3A_1651 = arith.constant 0 : i32
      %dma_wait3A_1652 = tpu.memref_slice %arg3[%mul3A_2, %dma_wait3A_1651] : memref<1024x128xi32, #tpu.memory_space<hbm>> -> memref<32x128xi32, #tpu.memory_space<hbm>>
      %dma_wait3A_1653 = arith.constant 0 : i32
      %dma_wait3A_1654 = tpu.memref_slice %arg3[%mul3A_2, %dma_wait3A_1653] : memref<1024x128xi32, #tpu.memory_space<hbm>> -> memref<32x128xi32, #tpu.memory_space<hbm>>
      tpu.wait_dma2 semaphore(%run_scoped3A : memref<!tpu.dma_semaphore, #tpu.memory_space<semaphore_mem>>) src(%dma_wait3A_1654 : memref<32x128xi32, #tpu.memory_space<hbm>>) dst(%arg5 : memref<32x128xi32, #tpu.memory_space<vmem>>)
      tpu.yield
    }) : () -> ()
    %get3A = arith.constant 0 : i32
    %get3A_5 = arith.index_cast %get3A : i32 to index
    %get3A_6 = arith.constant 0 : index
    %get3A_7 = tpu.vector_load %arg5[%get3A_5, %get3A_6] {strides = array<i32>} : memref<32x128xi32, #tpu.memory_space<vmem>>, vector<1x16xi32>,
    %get3A_8 = vector.shape_cast %get3A_7 : vector<1x16xi32> to vector<16xi32>
    %swap3A = arith.constant 0 : index
    %swap3A_9 = tpu.vector_load %arg6[%swap3A] {strides = array<i32>} : memref<1664xi32, #tpu.memory_space<vmem>>, vector<16xi32>,
    %swap3A_10 = vector.shape_cast %swap3A_9 : vector<16xi32> to vector<16xi32>
    %swap3A_11 = vector.shape_cast %get3A_8 : vector<16xi32> to vector<16xi32>
    tpu.vector_store %arg6[%swap3A], %swap3A_11 {strides = array<i32>} : memref<1664xi32, #tpu.memory_space<vmem>>, vector<16xi32>,
    %get3A_12 = arith.constant 0 : i32
    %get3A_13 = arith.index_cast %get3A_12 : i32 to index
    %get3A_14 = arith.constant 16 : index
    %get3A_15 = tpu.vector_load %arg5[%get3A_13, %get3A_14] {strides = array<i32>} : memref<32x128xi32, #tpu.memory_space<vmem>>, vector<1x16xi32>,
    %get3A_16 = vector.shape_cast %get3A_15 : vector<1x16xi32> to vector<16xi32>
    %swap3A_17 = arith.constant 16 : index
    %swap3A_18 = tpu.vector_load %arg6[%swap3A_17] {strides = array<i32>} : memref<1664xi32, #tpu.memory_space<vmem>>, vector<16xi32>,
    %swap3A_19 = vector.shape_cast %swap3A_18 : vector<16xi32> to vector<16xi32>
    %swap3A_20 = vector.shape_cast %get3A_16 : vector<16xi32> to vector<16xi32>
    tpu.vector_store %arg6[%swap3A_17], %swap3A_20 {strides = array<i32>} : memref<1664xi32, #tpu.memory_space<vmem>>, vector<16xi32>,
    %get3A_21 = arith.constant 0 : i32
    %get3A_22 = arith.index_cast %get3A_21 : i32 to index
    %get3A_23 = arith.constant 32 : index
    %get3A_24 = tpu.vector_load %arg5[%get3A_22, %get3A_23] {strides = array<i32>} : memref<32x128xi32, #tpu.memory_space<vmem>>, vector<1x16xi32>,
    %get3A_25 = vector.shape_cast %get3A_24 : vector<1x16xi32> to vector<16xi32>
    %swap3A_26 = arith.constant 32 : index
    %swap3A_27 = tpu.vector_load %arg6[%swap3A_26] {strides = array<i32>} : memref<1664xi32, #tpu.memory_space<vmem>>, vector<16xi32>,
    %swap3A_28 = vector.shape_cast %swap3A_27 : vector<16xi32> to vector<16xi32>
    %swap3A_29 = vector.shape_cast %get3A_25 : vector<16xi32> to vector<16xi32>
    tpu.vector_store %arg6[%swap3A_26], %swap3A_29 {strides = array<i32>} : memref<1664xi32, #tpu.memory_space<vmem>>, vector<16xi32>,
    %get3A_30 = arith.constant 0 : i32
    %get3A_31 = arith.index_cast %get3A_30 : i32 to index
    %get3A_32 = arith.constant 48 : index
    %get3A_33 = tpu.vector_load %arg5[%get3A_31, %get3A_32] {strides = array<i32>} : memref<32x128xi32, #tpu.memory_space<vmem>>, vector<1x16xi32>,
    %get3A_34 = vector.shape_cast %get3A_33 : vector<1x16xi32> to vector<16xi32>
    %swap3A_35 = arith.constant 48 : index
    %swap3A_36 = tpu.vector_load %arg6[%swap3A_35] {strides = array<i32>} : memref<1664xi32, #tpu.memory_space<vmem>>, vector<16xi32>,
    %swap3A_37 = vector.shape_cast %swap3A_36 : vector<16xi32> to vector<16xi32>
    %swap3A_38 = vector.shape_cast %get3A_34 : vector<16xi32> to vector<16xi32>
    tpu.vector_store %arg6[%swap3A_35], %swap3A_38 {strides = array<i32>} : memref<1664xi32, #tpu.memory_space<vmem>>, vector<16xi32>,
    %get3A_39 = arith.constant 1 : i32
    %get3A_40 = arith.index_cast %get3A_39 : i32 to index
    %get3A_41 = arith.constant 0 : index
    %get3A_42 = tpu.vector_load %arg5[%get3A_40, %get3A_41] {strides = array<i32>} : memref<32x128xi32, #tpu.memory_space<vmem>>, vector<1x16xi32>,
    %get3A_43 = vector.shape_cast %get3A_42 : vector<1x16xi32> to vector<16xi32>
    %swap3A_44 = arith.constant 50 : index
    %swap3A_45 = tpu.vector_load %arg6[%swap3A_44] {strides = array<i32>} : memref<1664xi32, #tpu.memory_space<vmem>>, vector<16xi32>,
    %swap3A_46 = vector.shape_cast %swap3A_45 : vector<16xi32> to vector<16xi32>
    %swap3A_47 = vector.shape_cast %get3A_43 : vector<16xi32> to vector<16xi32>
    tpu.vector_store %arg6[%swap3A_44], %swap3A_47 {strides = array<i32>} : memref<1664xi32, #tpu.memory_space<vmem>>, vector<16xi32>,
    %get3A_48 = arith.constant 1 : i32
    %get3A_49 = arith.index_cast %get3A_48 : i32 to index
    %get3A_50 = arith.constant 16 : index
    %get3A_51 = tpu.vector_load %arg5[%get3A_49, %get3A_50] {strides = array<i32>} : memref<32x128xi32, #tpu.memory_space<vmem>>, vector<1x16xi32>,
    %get3A_52 = vector.shape_cast %get3A_51 : vector<1x16xi32> to vector<16xi32>
    %swap3A_53 = arith.constant 66 : index
    %swap3A_54 = tpu.vector_load %arg6[%swap3A_53] {strides = array<i32>} : memref<1664xi32, #tpu.memory_space<vmem>>, vector<16xi32>,
    %swap3A_55 = vector.shape_cast %swap3A_54 : vector<16xi32> to vector<16xi32>
    %swap3A_56 = vector.shape_cast %get3A_52 : vector<16xi32> to vector<16xi32>
    tpu.vector_store %arg6[%swap3A_53], %swap3A_56 {strides = array<i32>} : memref<1664xi32, #tpu.memory_space<vmem>>, vector<16xi32>,
    %get3A_57 = arith.constant 1 : i32
    %get3A_58 = arith.index_cast %get3A_57 : i32 to index
    %get3A_59 = arith.constant 32 : index
    %get3A_60 = tpu.vector_load %arg5[%get3A_58, %get3A_59] {strides = array<i32>} : memref<32x128xi32, #tpu.memory_space<vmem>>, vector<1x16xi32>,
    %get3A_61 = vector.shape_cast %get3A_60 : vector<1x16xi32> to vector<16xi32>
    %swap3A_62 = arith.constant 82 : index
    %swap3A_63 = tpu.vector_load %arg6[%swap3A_62] {strides = array<i32>} : memref<1664xi32, #tpu.memory_space<vmem>>, vector<16xi32>,
    %swap3A_64 = vector.shape_cast %swap3A_63 : vector<16xi32> to vector<16xi32>
    %swap3A_65 = vector.shape_cast %get3A_61 : vector<16xi32> to vector<16xi32>
    tpu.vector_store %arg6[%swap3A_62], %swap3A_65 {strides = array<i32>} : memref<1664xi32, #tpu.memory_space<vmem>>, vector<16xi32>,
    %get3A_66 = arith.constant 1 : i32
    %get3A_67 = arith.index_cast %get3A_66 : i32 to index
    %get3A_68 = arith.constant 48 : index
    %get3A_69 = tpu.vector_load %arg5[%get3A_67, %get3A_68] {strides = array<i32>} : memref<32x128xi32, #tpu.memory_space<vmem>>, vector<1x16xi32>,
    %get3A_70 = vector.shape_cast %get3A_69 : vector<1x16xi32> to vector<16xi32>
    %swap3A_71 = arith.constant 98 : index
    %swap3A_72 = tpu.vector_load %arg6[%swap3A_71] {strides = array<i32>} : memref<1664xi32, #tpu.memory_space<vmem>>, vector<16xi32>,
    %swap3A_73 = vector.shape_cast %swap3A_72 : vector<16xi32> to vector<16xi32>
    %swap3A_74 = vector.shape_cast %get3A_70 : vector<16xi32> to vector<16xi32>
    tpu.vector_store %arg6[%swap3A_71], %swap3A_74 {strides = array<i32>} : memref<1664xi32, #tpu.memory_space<vmem>>, vector<16xi32>,
    %get3A_75 = arith.constant 2 : i32
    %get3A_76 = arith.index_cast %get3A_75 : i32 to index
    %get3A_77 = arith.constant 0 : index
    %get3A_78 = tpu.vector_load %arg5[%get3A_76, %get3A_77] {strides = array<i32>} : memref<32x128xi32, #tpu.memory_space<vmem>>, vector<1x16xi32>,
    %get3A_79 = vector.shape_cast %get3A_78 : vector<1x16xi32> to vector<16xi32>
    %swap3A_80 = arith.constant 100 : index
    %swap3A_81 = tpu.vector_load %arg6[%swap3A_80] {strides = array<i32>} : memref<1664xi32, #tpu.memory_space<vmem>>, vector<16xi32>,
    %swap3A_82 = vector.shape_cast %swap3A_81 : vector<16xi32> to vector<16xi32>
    %swap3A_83 = vector.shape_cast %get3A_79 : vector<16xi32> to vector<16xi32>
    tpu.vector_store %arg6[%swap3A_80], %swap3A_83 {strides = array<i32>} : memref<1664xi32, #tpu.memory_space<vmem>>, vector<16xi32>,
    %get3A_84 = arith.constant 2 : i32
    %get3A_85 = arith.index_cast %get3A_84 : i32 to index
    %get3A_86 = arith.constant 16 : index
    %get3A_87 = tpu.vector_load %arg5[%get3A_85, %get3A_86] {strides = array<i32>} : memref<32x128xi32, #tpu.memory_space<vmem>>, vector<1x16xi32>,
    %get3A_88 = vector.shape_cast %get3A_87 : vector<1x16xi32> to vector<16xi32>
    %swap3A_89 = arith.constant 116 : index
    %swap3A_90 = tpu.vector_load %arg6[%swap3A_89] {strides = array<i32>} : memref<1664xi32, #tpu.memory_space<vmem>>, vector<16xi32>,
    %swap3A_91 = vector.shape_cast %swap3A_90 : vector<16xi32> to vector<16xi32>
    %swap3A_92 = vector.shape_cast %get3A_88 : vector<16xi32> to vector<16xi32>
    tpu.vector_store %arg6[%swap3A_89], %swap3A_92 {strides = array<i32>} : memref<1664xi32, #tpu.memory_space<vmem>>, vector<16xi32>,
    %get3A_93 = arith.constant 2 : i32
    %get3A_94 = arith.index_cast %get3A_93 : i32 to index
    %get3A_95 = arith.constant 32 : index
    %get3A_96 = tpu.vector_load %arg5[%get3A_94, %get3A_95] {strides = array<i32>} : memref<32x128xi32, #tpu.memory_space<vmem>>, vector<1x16xi32>,
    %get3A_97 = vector.shape_cast %get3A_96 : vector<1x16xi32> to vector<16xi32>
    %swap3A_98 = arith.constant 132 : index
    %swap3A_99 = tpu.vector_load %arg6[%swap3A_98] {strides = array<i32>} : memref<1664xi32, #tpu.memory_space<vmem>>, vector<16xi32>,
    %swap3A_100 = vector.shape_cast %swap3A_99 : vector<16xi32> to vector<16xi32>
    %swap3A_101 = vector.shape_cast %get3A_97 : vector<16xi32> to vector<16xi32>
    tpu.vector_store %arg6[%swap3A_98], %swap3A_101 {strides = array<i32>} : memref<1664xi32, #tpu.memory_space<vmem>>, vector<16xi32>,
    %get3A_102 = arith.constant 2 : i32
    %get3A_103 = arith.index_cast %get3A_102 : i32 to index
    %get3A_104 = arith.constant 48 : index
    %get3A_105 = tpu.vector_load %arg5[%get3A_103, %get3A_104] {strides = array<i32>} : memref<32x128xi32, #tpu.memory_space<vmem>>, vector<1x16xi32>,
    %get3A_106 = vector.shape_cast %get3A_105 : vector<1x16xi32> to vector<16xi32>
    %swap3A_107 = arith.constant 148 : index
    %swap3A_108 = tpu.vector_load %arg6[%swap3A_107] {strides = array<i32>} : memref<1664xi32, #tpu.memory_space<vmem>>, vector<16xi32>,
    %swap3A_109 = vector.shape_cast %swap3A_108 : vector<16xi32> to vector<16xi32>
    %swap3A_110 = vector.shape_cast %get3A_106 : vector<16xi32> to vector<16xi32>
    tpu.vector_store %arg6[%swap3A_107], %swap3A_110 {strides = array<i32>} : memref<1664xi32, #tpu.memory_space<vmem>>, vector<16xi32>,
    %get3A_111 = arith.constant 3 : i32
    %get3A_112 = arith.index_cast %get3A_111 : i32 to index
    %get3A_113 = arith.constant 0 : index
    %get3A_114 = tpu.vector_load %arg5[%get3A_112, %get3A_113] {strides = array<i32>} : memref<32x128xi32, #tpu.memory_space<vmem>>, vector<1x16xi32>,
    %get3A_115 = vector.shape_cast %get3A_114 : vector<1x16xi32> to vector<16xi32>
    %swap3A_116 = arith.constant 150 : index
    %swap3A_117 = tpu.vector_load %arg6[%swap3A_116] {strides = array<i32>} : memref<1664xi32, #tpu.memory_space<vmem>>, vector<16xi32>,
    %swap3A_118 = vector.shape_cast %swap3A_117 : vector<16xi32> to vector<16xi32>
    %swap3A_119 = vector.shape_cast %get3A_115 : vector<16xi32> to vector<16xi32>
    tpu.vector_store %arg6[%swap3A_116], %swap3A_119 {strides = array<i32>} : memref<1664xi32, #tpu.memory_space<vmem>>, vector<16xi32>,
    %get3A_120 = arith.constant 3 : i32
    %get3A_121 = arith.index_cast %get3A_120 : i32 to index
    %get3A_122 = arith.constant 16 : index
    %get3A_123 = tpu.vector_load %arg5[%get3A_121, %get3A_122] {strides = array<i32>} : memref<32x128xi32, #tpu.memory_space<vmem>>, vector<1x16xi32>,
    %get3A_124 = vector.shape_cast %get3A_123 : vector<1x16xi32> to vector<16xi32>
    %swap3A_125 = arith.constant 166 : index
    %swap3A_126 = tpu.vector_load %arg6[%swap3A_125] {strides = array<i32>} : memref<1664xi32, #tpu.memory_space<vmem>>, vector<16xi32>,
    %swap3A_127 = vector.shape_cast %swap3A_126 : vector<16xi32> to vector<16xi32>
    %swap3A_128 = vector.shape_cast %get3A_124 : vector<16xi32> to vector<16xi32>
    tpu.vector_store %arg6[%swap3A_125], %swap3A_128 {strides = array<i32>} : memref<1664xi32, #tpu.memory_space<vmem>>, vector<16xi32>,
    %get3A_129 = arith.constant 3 : i32
    %get3A_130 = arith.index_cast %get3A_129 : i32 to index
    %get3A_131 = arith.constant 32 : index
    %get3A_132 = tpu.vector_load %arg5[%get3A_130, %get3A_131] {strides = array<i32>} : memref<32x128xi32, #tpu.memory_space<vmem>>, vector<1x16xi32>,
    %get3A_133 = vector.shape_cast %get3A_132 : vector<1x16xi32> to vector<16xi32>
    %swap3A_134 = arith.constant 182 : index
    %swap3A_135 = tpu.vector_load %arg6[%swap3A_134] {strides = array<i32>} : memref<1664xi32, #tpu.memory_space<vmem>>, vector<16xi32>,
    %swap3A_136 = vector.shape_cast %swap3A_135 : vector<16xi32> to vector<16xi32>
    %swap3A_137 = vector.shape_cast %get3A_133 : vector<16xi32> to vector<16xi32>
    tpu.vector_store %arg6[%swap3A_134], %swap3A_137 {strides = array<i32>} : memref<1664xi32, #tpu.memory_space<vmem>>, vector<16xi32>,
    %get3A_138 = arith.constant 3 : i32
    %get3A_139 = arith.index_cast %get3A_138 : i32 to index
    %get3A_140 = arith.constant 48 : index
    %get3A_141 = tpu.vector_load %arg5[%get3A_139, %get3A_140] {strides = array<i32>} : memref<32x128xi32, #tpu.memory_space<vmem>>, vector<1x16xi32>,
    %get3A_142 = vector.shape_cast %get3A_141 : vector<1x16xi32> to vector<16xi32>
    %swap3A_143 = arith.constant 198 : index
    %swap3A_144 = tpu.vector_load %arg6[%swap3A_143] {strides = array<i32>} : memref<1664xi32, #tpu.memory_space<vmem>>, vector<16xi32>,
    %swap3A_145 = vector.shape_cast %swap3A_144 : vector<16xi32> to vector<16xi32>
    %swap3A_146 = vector.shape_cast %get3A_142 : vector<16xi32> to vector<16xi32>
    tpu.vector_store %arg6[%swap3A_143], %swap3A_146 {strides = array<i32>} : memref<1664xi32, #tpu.memory_space<vmem>>, vector<16xi32>,
    %get3A_147 = arith.constant 4 : i32
    %get3A_148 = arith.index_cast %get3A_147 : i32 to index
    %get3A_149 = arith.constant 0 : index
    %get3A_150 = tpu.vector_load %arg5[%get3A_148, %get3A_149] {strides = array<i32>} : memref<32x128xi32, #tpu.memory_space<vmem>>, vector<1x16xi32>,
    %get3A_151 = vector.shape_cast %get3A_150 : vector<1x16xi32> to vector<16xi32>
    %swap3A_152 = arith.constant 200 : index
    %swap3A_153 = tpu.vector_load %arg6[%swap3A_152] {strides = array<i32>} : memref<1664xi32, #tpu.memory_space<vmem>>, vector<16xi32>,
    %swap3A_154 = vector.shape_cast %swap3A_153 : vector<16xi32> to vector<16xi32>
    %swap3A_155 = vector.shape_cast %get3A_151 : vector<16xi32> to vector<16xi32>
    tpu.vector_store %arg6[%swap3A_152], %swap3A_155 {strides = array<i32>} : memref<1664xi32, #tpu.memory_space<vmem>>, vector<16xi32>,
    %get3A_156 = arith.constant 4 : i32
    %get3A_157 = arith.index_cast %get3A_156 : i32 to index
    %get3A_158 = arith.constant 16 : index
    %get3A_159 = tpu.vector_load %arg5[%get3A_157, %get3A_158] {strides = array<i32>} : memref<32x128xi32, #tpu.memory_space<vmem>>, vector<1x16xi32>,
    %get3A_160 = vector.shape_cast %get3A_159 : vector<1x16xi32> to vector<16xi32>
    %swap3A_161 = arith.constant 216 : index
    %swap3A_162 = tpu.vector_load %arg6[%swap3A_161] {strides = array<i32>} : memref<1664xi32, #tpu.memory_space<vmem>>, vector<16xi32>,
    %swap3A_163 = vector.shape_cast %swap3A_162 : vector<16xi32> to vector<16xi32>
    %swap3A_164 = vector.shape_cast %get3A_160 : vector<16xi32> to vector<16xi32>
    tpu.vector_store %arg6[%swap3A_161], %swap3A_164 {strides = array<i32>} : memref<1664xi32, #tpu.memory_space<vmem>>, vector<16xi32>,
    %get3A_165 = arith.constant 4 : i32
    %get3A_166 = arith.index_cast %get3A_165 : i32 to index
    %get3A_167 = arith.constant 32 : index
    %get3A_168 = tpu.vector_load %arg5[%get3A_166, %get3A_167] {strides = array<i32>} : memref<32x128xi32, #tpu.memory_space<vmem>>, vector<1x16xi32>,
    %get3A_169 = vector.shape_cast %get3A_168 : vector<1x16xi32> to vector<16xi32>
    %swap3A_170 = arith.constant 232 : index
    %swap3A_171 = tpu.vector_load %arg6[%swap3A_170] {strides = array<i32>} : memref<1664xi32, #tpu.memory_space<vmem>>, vector<16xi32>,
    %swap3A_172 = vector.shape_cast %swap3A_171 : vector<16xi32> to vector<16xi32>
    %swap3A_173 = vector.shape_cast %get3A_169 : vector<16xi32> to vector<16xi32>
    tpu.vector_store %arg6[%swap3A_170], %swap3A_173 {strides = array<i32>} : memref<1664xi32, #tpu.memory_space<vmem>>, vector<16xi32>,
    %get3A_174 = arith.constant 4 : i32
    %get3A_175 = arith.index_cast %get3A_174 : i32 to index
    %get3A_176 = arith.constant 48 : index
    %get3A_177 = tpu.vector_load %arg5[%get3A_175, %get3A_176] {strides = array<i32>} : memref<32x128xi32, #tpu.memory_space<vmem>>, vector<1x16xi32>,
    %get3A_178 = vector.shape_cast %get3A_177 : vector<1x16xi32> to vector<16xi32>
    %swap3A_179 = arith.constant 248 : index
    %swap3A_180 = tpu.vector_load %arg6[%swap3A_179] {strides = array<i32>} : memref<1664xi32, #tpu.memory_space<vmem>>, vector<16xi32>,
    %swap3A_181 = vector.shape_cast %swap3A_180 : vector<16xi32> to vector<16xi32>
    %swap3A_182 = vector.shape_cast %get3A_178 : vector<16xi32> to vector<16xi32>
    tpu.vector_store %arg6[%swap3A_179], %swap3A_182 {strides = array<i32>} : memref<1664xi32, #tpu.memory_space<vmem>>, vector<16xi32>,
    %get3A_183 = arith.constant 5 : i32
    %get3A_184 = arith.index_cast %get3A_183 : i32 to index
    %get3A_185 = arith.constant 0 : index
    %get3A_186 = tpu.vector_load %arg5[%get3A_184, %get3A_185] {strides = array<i32>} : memref<32x128xi32, #tpu.memory_space<vmem>>, vector<1x16xi32>,
    %get3A_187 = vector.shape_cast %get3A_186 : vector<1x16xi32> to vector<16xi32>
    %swap3A_188 = arith.constant 250 : index
    %swap3A_189 = tpu.vector_load %arg6[%swap3A_188] {strides = array<i32>} : memref<1664xi32, #tpu.memory_space<vmem>>, vector<16xi32>,
    %swap3A_190 = vector.shape_cast %swap3A_189 : vector<16xi32> to vector<16xi32>
    %swap3A_191 = vector.shape_cast %get3A_187 : vector<16xi32> to vector<16xi32>
    tpu.vector_store %arg6[%swap3A_188], %swap3A_191 {strides = array<i32>} : memref<1664xi32, #tpu.memory_space<vmem>>, vector<16xi32>,
    %get3A_192 = arith.constant 5 : i32
    %get3A_193 = arith.index_cast %get3A_192 : i32 to index
    %get3A_194 = arith.constant 16 : index
    %get3A_195 = tpu.vector_load %arg5[%get3A_193, %get3A_194] {strides = array<i32>} : memref<32x128xi32, #tpu.memory_space<vmem>>, vector<1x16xi32>,
    %get3A_196 = vector.shape_cast %get3A_195 : vector<1x16xi32> to vector<16xi32>
    %swap3A_197 = arith.constant 266 : index
    %swap3A_198 = tpu.vector_load %arg6[%swap3A_197] {strides = array<i32>} : memref<1664xi32, #tpu.memory_space<vmem>>, vector<16xi32>,
    %swap3A_199 = vector.shape_cast %swap3A_198 : vector<16xi32> to vector<16xi32>
    %swap3A_200 = vector.shape_cast %get3A_196 : vector<16xi32> to vector<16xi32>
    tpu.vector_store %arg6[%swap3A_197], %swap3A_200 {strides = array<i32>} : memref<1664xi32, #tpu.memory_space<vmem>>, vector<16xi32>,
    %get3A_201 = arith.constant 5 : i32
    %get3A_202 = arith.index_cast %get3A_201 : i32 to index
    %get3A_203 = arith.constant 32 : index
    %get3A_204 = tpu.vector_load %arg5[%get3A_202, %get3A_203] {strides = array<i32>} : memref<32x128xi32, #tpu.memory_space<vmem>>, vector<1x16xi32>,
    %get3A_205 = vector.shape_cast %get3A_204 : vector<1x16xi32> to vector<16xi32>
    %swap3A_206 = arith.constant 282 : index
    %swap3A_207 = tpu.vector_load %arg6[%swap3A_206] {strides = array<i32>} : memref<1664xi32, #tpu.memory_space<vmem>>, vector<16xi32>,
    %swap3A_208 = vector.shape_cast %swap3A_207 : vector<16xi32> to vector<16xi32>
    %swap3A_209 = vector.shape_cast %get3A_205 : vector<16xi32> to vector<16xi32>
    tpu.vector_store %arg6[%swap3A_206], %swap3A_209 {strides = array<i32>} : memref<1664xi32, #tpu.memory_space<vmem>>, vector<16xi32>,
    %get3A_210 = arith.constant 5 : i32
    %get3A_211 = arith.index_cast %get3A_210 : i32 to index
    %get3A_212 = arith.constant 48 : index
    %get3A_213 = tpu.vector_load %arg5[%get3A_211, %get3A_212] {strides = array<i32>} : memref<32x128xi32, #tpu.memory_space<vmem>>, vector<1x16xi32>,
    %get3A_214 = vector.shape_cast %get3A_213 : vector<1x16xi32> to vector<16xi32>
    %swap3A_215 = arith.constant 298 : index
    %swap3A_216 = tpu.vector_load %arg6[%swap3A_215] {strides = array<i32>} : memref<1664xi32, #tpu.memory_space<vmem>>, vector<16xi32>,
    %swap3A_217 = vector.shape_cast %swap3A_216 : vector<16xi32> to vector<16xi32>
    %swap3A_218 = vector.shape_cast %get3A_214 : vector<16xi32> to vector<16xi32>
    tpu.vector_store %arg6[%swap3A_215], %swap3A_218 {strides = array<i32>} : memref<1664xi32, #tpu.memory_space<vmem>>, vector<16xi32>,
    %get3A_219 = arith.constant 6 : i32
    %get3A_220 = arith.index_cast %get3A_219 : i32 to index
    %get3A_221 = arith.constant 0 : index
    %get3A_222 = tpu.vector_load %arg5[%get3A_220, %get3A_221] {strides = array<i32>} : memref<32x128xi32, #tpu.memory_space<vmem>>, vector<1x16xi32>,
    %get3A_223 = vector.shape_cast %get3A_222 : vector<1x16xi32> to vector<16xi32>
    %swap3A_224 = arith.constant 300 : index
    %swap3A_225 = tpu.vector_load %arg6[%swap3A_224] {strides = array<i32>} : memref<1664xi32, #tpu.memory_space<vmem>>, vector<16xi32>,
    %swap3A_226 = vector.shape_cast %swap3A_225 : vector<16xi32> to vector<16xi32>
    %swap3A_227 = vector.shape_cast %get3A_223 : vector<16xi32> to vector<16xi32>
    tpu.vector_store %arg6[%swap3A_224], %swap3A_227 {strides = array<i32>} : memref<1664xi32, #tpu.memory_space<vmem>>, vector<16xi32>,
    %get3A_228 = arith.constant 6 : i32
    %get3A_229 = arith.index_cast %get3A_228 : i32 to index
    %get3A_230 = arith.constant 16 : index
    %get3A_231 = tpu.vector_load %arg5[%get3A_229, %get3A_230] {strides = array<i32>} : memref<32x128xi32, #tpu.memory_space<vmem>>, vector<1x16xi32>,
    %get3A_232 = vector.shape_cast %get3A_231 : vector<1x16xi32> to vector<16xi32>
    %swap3A_233 = arith.constant 316 : index
    %swap3A_234 = tpu.vector_load %arg6[%swap3A_233] {strides = array<i32>} : memref<1664xi32, #tpu.memory_space<vmem>>, vector<16xi32>,
    %swap3A_235 = vector.shape_cast %swap3A_234 : vector<16xi32> to vector<16xi32>
    %swap3A_236 = vector.shape_cast %get3A_232 : vector<16xi32> to vector<16xi32>
    tpu.vector_store %arg6[%swap3A_233], %swap3A_236 {strides = array<i32>} : memref<1664xi32, #tpu.memory_space<vmem>>, vector<16xi32>,
    %get3A_237 = arith.constant 6 : i32
    %get3A_238 = arith.index_cast %get3A_237 : i32 to index
    %get3A_239 = arith.constant 32 : index
    %get3A_240 = tpu.vector_load %arg5[%get3A_238, %get3A_239] {strides = array<i32>} : memref<32x128xi32, #tpu.memory_space<vmem>>, vector<1x16xi32>,
    %get3A_241 = vector.shape_cast %get3A_240 : vector<1x16xi32> to vector<16xi32>
    %swap3A_242 = arith.constant 332 : index
    %swap3A_243 = tpu.vector_load %arg6[%swap3A_242] {strides = array<i32>} : memref<1664xi32, #tpu.memory_space<vmem>>, vector<16xi32>,
    %swap3A_244 = vector.shape_cast %swap3A_243 : vector<16xi32> to vector<16xi32>
    %swap3A_245 = vector.shape_cast %get3A_241 : vector<16xi32> to vector<16xi32>
    tpu.vector_store %arg6[%swap3A_242], %swap3A_245 {strides = array<i32>} : memref<1664xi32, #tpu.memory_space<vmem>>, vector<16xi32>,
    %get3A_246 = arith.constant 6 : i32
    %get3A_247 = arith.index_cast %get3A_246 : i32 to index
    %get3A_248 = arith.constant 48 : index
    %get3A_249 = tpu.vector_load %arg5[%get3A_247, %get3A_248] {strides = array<i32>} : memref<32x128xi32, #tpu.memory_space<vmem>>, vector<1x16xi32>,
    %get3A_250 = vector.shape_cast %get3A_249 : vector<1x16xi32> to vector<16xi32>
    %swap3A_251 = arith.constant 348 : index
    %swap3A_252 = tpu.vector_load %arg6[%swap3A_251] {strides = array<i32>} : memref<1664xi32, #tpu.memory_space<vmem>>, vector<16xi32>,
    %swap3A_253 = vector.shape_cast %swap3A_252 : vector<16xi32> to vector<16xi32>
    %swap3A_254 = vector.shape_cast %get3A_250 : vector<16xi32> to vector<16xi32>
    tpu.vector_store %arg6[%swap3A_251], %swap3A_254 {strides = array<i32>} : memref<1664xi32, #tpu.memory_space<vmem>>, vector<16xi32>,
    %get3A_255 = arith.constant 7 : i32
    %get3A_256 = arith.index_cast %get3A_255 : i32 to index
    %get3A_257 = arith.constant 0 : index
    %get3A_258 = tpu.vector_load %arg5[%get3A_256, %get3A_257] {strides = array<i32>} : memref<32x128xi32, #tpu.memory_space<vmem>>, vector<1x16xi32>,
    %get3A_259 = vector.shape_cast %get3A_258 : vector<1x16xi32> to vector<16xi32>
    %swap3A_260 = arith.constant 350 : index
    %swap3A_261 = tpu.vector_load %arg6[%swap3A_260] {strides = array<i32>} : memref<1664xi32, #tpu.memory_space<vmem>>, vector<16xi32>,
    %swap3A_262 = vector.shape_cast %swap3A_261 : vector<16xi32> to vector<16xi32>
    %swap3A_263 = vector.shape_cast %get3A_259 : vector<16xi32> to vector<16xi32>
    tpu.vector_store %arg6[%swap3A_260], %swap3A_263 {strides = array<i32>} : memref<1664xi32, #tpu.memory_space<vmem>>, vector<16xi32>,
    %get3A_264 = arith.constant 7 : i32
    %get3A_265 = arith.index_cast %get3A_264 : i32 to index
    %get3A_266 = arith.constant 16 : index
    %get3A_267 = tpu.vector_load %arg5[%get3A_265, %get3A_266] {strides = array<i32>} : memref<32x128xi32, #tpu.memory_space<vmem>>, vector<1x16xi32>,
    %get3A_268 = vector.shape_cast %get3A_267 : vector<1x16xi32> to vector<16xi32>
    %swap3A_269 = arith.constant 366 : index
    %swap3A_270 = tpu.vector_load %arg6[%swap3A_269] {strides = array<i32>} : memref<1664xi32, #tpu.memory_space<vmem>>, vector<16xi32>,
    %swap3A_271 = vector.shape_cast %swap3A_270 : vector<16xi32> to vector<16xi32>
    %swap3A_272 = vector.shape_cast %get3A_268 : vector<16xi32> to vector<16xi32>
    tpu.vector_store %arg6[%swap3A_269], %swap3A_272 {strides = array<i32>} : memref<1664xi32, #tpu.memory_space<vmem>>, vector<16xi32>,
    %get3A_273 = arith.constant 7 : i32
    %get3A_274 = arith.index_cast %get3A_273 : i32 to index
    %get3A_275 = arith.constant 32 : index
    %get3A_276 = tpu.vector_load %arg5[%get3A_274, %get3A_275] {strides = array<i32>} : memref<32x128xi32, #tpu.memory_space<vmem>>, vector<1x16xi32>,
    %get3A_277 = vector.shape_cast %get3A_276 : vector<1x16xi32> to vector<16xi32>
    %swap3A_278 = arith.constant 382 : index
    %swap3A_279 = tpu.vector_load %arg6[%swap3A_278] {strides = array<i32>} : memref<1664xi32, #tpu.memory_space<vmem>>, vector<16xi32>,
    %swap3A_280 = vector.shape_cast %swap3A_279 : vector<16xi32> to vector<16xi32>
    %swap3A_281 = vector.shape_cast %get3A_277 : vector<16xi32> to vector<16xi32>
    tpu.vector_store %arg6[%swap3A_278], %swap3A_281 {strides = array<i32>} : memref<1664xi32, #tpu.memory_space<vmem>>, vector<16xi32>,
    %get3A_282 = arith.constant 7 : i32
    %get3A_283 = arith.index_cast %get3A_282 : i32 to index
    %get3A_284 = arith.constant 48 : index
    %get3A_285 = tpu.vector_load %arg5[%get3A_283, %get3A_284] {strides = array<i32>} : memref<32x128xi32, #tpu.memory_space<vmem>>, vector<1x16xi32>,
    %get3A_286 = vector.shape_cast %get3A_285 : vector<1x16xi32> to vector<16xi32>
    %swap3A_287 = arith.constant 398 : index
    %swap3A_288 = tpu.vector_load %arg6[%swap3A_287] {strides = array<i32>} : memref<1664xi32, #tpu.memory_space<vmem>>, vector<16xi32>,
    %swap3A_289 = vector.shape_cast %swap3A_288 : vector<16xi32> to vector<16xi32>
    %swap3A_290 = vector.shape_cast %get3A_286 : vector<16xi32> to vector<16xi32>
    tpu.vector_store %arg6[%swap3A_287], %swap3A_290 {strides = array<i32>} : memref<1664xi32, #tpu.memory_space<vmem>>, vector<16xi32>,
    %get3A_291 = arith.constant 8 : i32
    %get3A_292 = arith.index_cast %get3A_291 : i32 to index
    %get3A_293 = arith.constant 0 : index
    %get3A_294 = tpu.vector_load %arg5[%get3A_292, %get3A_293] {strides = array<i32>} : memref<32x128xi32, #tpu.memory_space<vmem>>, vector<1x16xi32>,
    %get3A_295 = vector.shape_cast %get3A_294 : vector<1x16xi32> to vector<16xi32>
    %swap3A_296 = arith.constant 400 : index
    %swap3A_297 = tpu.vector_load %arg6[%swap3A_296] {strides = array<i32>} : memref<1664xi32, #tpu.memory_space<vmem>>, vector<16xi32>,
    %swap3A_298 = vector.shape_cast %swap3A_297 : vector<16xi32> to vector<16xi32>
    %swap3A_299 = vector.shape_cast %get3A_295 : vector<16xi32> to vector<16xi32>
    tpu.vector_store %arg6[%swap3A_296], %swap3A_299 {strides = array<i32>} : memref<1664xi32, #tpu.memory_space<vmem>>, vector<16xi32>,
    %get3A_300 = arith.constant 8 : i32
    %get3A_301 = arith.index_cast %get3A_300 : i32 to index
    %get3A_302 = arith.constant 16 : index
    %get3A_303 = tpu.vector_load %arg5[%get3A_301, %get3A_302] {strides = array<i32>} : memref<32x128xi32, #tpu.memory_space<vmem>>, vector<1x16xi32>,
    %get3A_304 = vector.shape_cast %get3A_303 : vector<1x16xi32> to vector<16xi32>
    %swap3A_305 = arith.constant 416 : index
    %swap3A_306 = tpu.vector_load %arg6[%swap3A_305] {strides = array<i32>} : memref<1664xi32, #tpu.memory_space<vmem>>, vector<16xi32>,
    %swap3A_307 = vector.shape_cast %swap3A_306 : vector<16xi32> to vector<16xi32>
    %swap3A_308 = vector.shape_cast %get3A_304 : vector<16xi32> to vector<16xi32>
    tpu.vector_store %arg6[%swap3A_305], %swap3A_308 {strides = array<i32>} : memref<1664xi32, #tpu.memory_space<vmem>>, vector<16xi32>,
    %get3A_309 = arith.constant 8 : i32
    %get3A_310 = arith.index_cast %get3A_309 : i32 to index
    %get3A_311 = arith.constant 32 : index
    %get3A_312 = tpu.vector_load %arg5[%get3A_310, %get3A_311] {strides = array<i32>} : memref<32x128xi32, #tpu.memory_space<vmem>>, vector<1x16xi32>,
    %get3A_313 = vector.shape_cast %get3A_312 : vector<1x16xi32> to vector<16xi32>
    %swap3A_314 = arith.constant 432 : index
    %swap3A_315 = tpu.vector_load %arg6[%swap3A_314] {strides = array<i32>} : memref<1664xi32, #tpu.memory_space<vmem>>, vector<16xi32>,
    %swap3A_316 = vector.shape_cast %swap3A_315 : vector<16xi32> to vector<16xi32>
    %swap3A_317 = vector.shape_cast %get3A_313 : vector<16xi32> to vector<16xi32>
    tpu.vector_store %arg6[%swap3A_314], %swap3A_317 {strides = array<i32>} : memref<1664xi32, #tpu.memory_space<vmem>>, vector<16xi32>,
    %get3A_318 = arith.constant 8 : i32
    %get3A_319 = arith.index_cast %get3A_318 : i32 to index
    %get3A_320 = arith.constant 48 : index
    %get3A_321 = tpu.vector_load %arg5[%get3A_319, %get3A_320] {strides = array<i32>} : memref<32x128xi32, #tpu.memory_space<vmem>>, vector<1x16xi32>,
    %get3A_322 = vector.shape_cast %get3A_321 : vector<1x16xi32> to vector<16xi32>
    %swap3A_323 = arith.constant 448 : index
    %swap3A_324 = tpu.vector_load %arg6[%swap3A_323] {strides = array<i32>} : memref<1664xi32, #tpu.memory_space<vmem>>, vector<16xi32>,
    %swap3A_325 = vector.shape_cast %swap3A_324 : vector<16xi32> to vector<16xi32>
    %swap3A_326 = vector.shape_cast %get3A_322 : vector<16xi32> to vector<16xi32>
    tpu.vector_store %arg6[%swap3A_323], %swap3A_326 {strides = array<i32>} : memref<1664xi32, #tpu.memory_space<vmem>>, vector<16xi32>,
    %get3A_327 = arith.constant 9 : i32
    %get3A_328 = arith.index_cast %get3A_327 : i32 to index
    %get3A_329 = arith.constant 0 : index
    %get3A_330 = tpu.vector_load %arg5[%get3A_328, %get3A_329] {strides = array<i32>} : memref<32x128xi32, #tpu.memory_space<vmem>>, vector<1x16xi32>,
    %get3A_331 = vector.shape_cast %get3A_330 : vector<1x16xi32> to vector<16xi32>
    %swap3A_332 = arith.constant 450 : index
    %swap3A_333 = tpu.vector_load %arg6[%swap3A_332] {strides = array<i32>} : memref<1664xi32, #tpu.memory_space<vmem>>, vector<16xi32>,
    %swap3A_334 = vector.shape_cast %swap3A_333 : vector<16xi32> to vector<16xi32>
    %swap3A_335 = vector.shape_cast %get3A_331 : vector<16xi32> to vector<16xi32>
    tpu.vector_store %arg6[%swap3A_332], %swap3A_335 {strides = array<i32>} : memref<1664xi32, #tpu.memory_space<vmem>>, vector<16xi32>,
    %get3A_336 = arith.constant 9 : i32
    %get3A_337 = arith.index_cast %get3A_336 : i32 to index
    %get3A_338 = arith.constant 16 : index
    %get3A_339 = tpu.vector_load %arg5[%get3A_337, %get3A_338] {strides = array<i32>} : memref<32x128xi32, #tpu.memory_space<vmem>>, vector<1x16xi32>,
    %get3A_340 = vector.shape_cast %get3A_339 : vector<1x16xi32> to vector<16xi32>
    %swap3A_341 = arith.constant 466 : index
    %swap3A_342 = tpu.vector_load %arg6[%swap3A_341] {strides = array<i32>} : memref<1664xi32, #tpu.memory_space<vmem>>, vector<16xi32>,
    %swap3A_343 = vector.shape_cast %swap3A_342 : vector<16xi32> to vector<16xi32>
    %swap3A_344 = vector.shape_cast %get3A_340 : vector<16xi32> to vector<16xi32>
    tpu.vector_store %arg6[%swap3A_341], %swap3A_344 {strides = array<i32>} : memref<1664xi32, #tpu.memory_space<vmem>>, vector<16xi32>,
    %get3A_345 = arith.constant 9 : i32
    %get3A_346 = arith.index_cast %get3A_345 : i32 to index
    %get3A_347 = arith.constant 32 : index
    %get3A_348 = tpu.vector_load %arg5[%get3A_346, %get3A_347] {strides = array<i32>} : memref<32x128xi32, #tpu.memory_space<vmem>>, vector<1x16xi32>,
    %get3A_349 = vector.shape_cast %get3A_348 : vector<1x16xi32> to vector<16xi32>
    %swap3A_350 = arith.constant 482 : index
    %swap3A_351 = tpu.vector_load %arg6[%swap3A_350] {strides = array<i32>} : memref<1664xi32, #tpu.memory_space<vmem>>, vector<16xi32>,
    %swap3A_352 = vector.shape_cast %swap3A_351 : vector<16xi32> to vector<16xi32>
    %swap3A_353 = vector.shape_cast %get3A_349 : vector<16xi32> to vector<16xi32>
    tpu.vector_store %arg6[%swap3A_350], %swap3A_353 {strides = array<i32>} : memref<1664xi32, #tpu.memory_space<vmem>>, vector<16xi32>,
    %get3A_354 = arith.constant 9 : i32
    %get3A_355 = arith.index_cast %get3A_354 : i32 to index
    %get3A_356 = arith.constant 48 : index
    %get3A_357 = tpu.vector_load %arg5[%get3A_355, %get3A_356] {strides = array<i32>} : memref<32x128xi32, #tpu.memory_space<vmem>>, vector<1x16xi32>,
    %get3A_358 = vector.shape_cast %get3A_357 : vector<1x16xi32> to vector<16xi32>
    %swap3A_359 = arith.constant 498 : index
    %swap3A_360 = tpu.vector_load %arg6[%swap3A_359] {strides = array<i32>} : memref<1664xi32, #tpu.memory_space<vmem>>, vector<16xi32>,
    %swap3A_361 = vector.shape_cast %swap3A_360 : vector<16xi32> to vector<16xi32>
    %swap3A_362 = vector.shape_cast %get3A_358 : vector<16xi32> to vector<16xi32>
    tpu.vector_store %arg6[%swap3A_359], %swap3A_362 {strides = array<i32>} : memref<1664xi32, #tpu.memory_space<vmem>>, vector<16xi32>,
    %get3A_363 = arith.constant 10 : i32
    %get3A_364 = arith.index_cast %get3A_363 : i32 to index
    %get3A_365 = arith.constant 0 : index
    %get3A_366 = tpu.vector_load %arg5[%get3A_364, %get3A_365] {strides = array<i32>} : memref<32x128xi32, #tpu.memory_space<vmem>>, vector<1x16xi32>,
    %get3A_367 = vector.shape_cast %get3A_366 : vector<1x16xi32> to vector<16xi32>
    %swap3A_368 = arith.constant 500 : index
    %swap3A_369 = tpu.vector_load %arg6[%swap3A_368] {strides = array<i32>} : memref<1664xi32, #tpu.memory_space<vmem>>, vector<16xi32>,
    %swap3A_370 = vector.shape_cast %swap3A_369 : vector<16xi32> to vector<16xi32>
    %swap3A_371 = vector.shape_cast %get3A_367 : vector<16xi32> to vector<16xi32>
    tpu.vector_store %arg6[%swap3A_368], %swap3A_371 {strides = array<i32>} : memref<1664xi32, #tpu.memory_space<vmem>>, vector<16xi32>,
    %get3A_372 = arith.constant 10 : i32
    %get3A_373 = arith.index_cast %get3A_372 : i32 to index
    %get3A_374 = arith.constant 16 : index
    %get3A_375 = tpu.vector_load %arg5[%get3A_373, %get3A_374] {strides = array<i32>} : memref<32x128xi32, #tpu.memory_space<vmem>>, vector<1x16xi32>,
    %get3A_376 = vector.shape_cast %get3A_375 : vector<1x16xi32> to vector<16xi32>
    %swap3A_377 = arith.constant 516 : index
    %swap3A_378 = tpu.vector_load %arg6[%swap3A_377] {strides = array<i32>} : memref<1664xi32, #tpu.memory_space<vmem>>, vector<16xi32>,
    %swap3A_379 = vector.shape_cast %swap3A_378 : vector<16xi32> to vector<16xi32>
    %swap3A_380 = vector.shape_cast %get3A_376 : vector<16xi32> to vector<16xi32>
    tpu.vector_store %arg6[%swap3A_377], %swap3A_380 {strides = array<i32>} : memref<1664xi32, #tpu.memory_space<vmem>>, vector<16xi32>,
    %get3A_381 = arith.constant 10 : i32
    %get3A_382 = arith.index_cast %get3A_381 : i32 to index
    %get3A_383 = arith.constant 32 : index
    %get3A_384 = tpu.vector_load %arg5[%get3A_382, %get3A_383] {strides = array<i32>} : memref<32x128xi32, #tpu.memory_space<vmem>>, vector<1x16xi32>,
    %get3A_385 = vector.shape_cast %get3A_384 : vector<1x16xi32> to vector<16xi32>
    %swap3A_386 = arith.constant 532 : index
    %swap3A_387 = tpu.vector_load %arg6[%swap3A_386] {strides = array<i32>} : memref<1664xi32, #tpu.memory_space<vmem>>, vector<16xi32>,
    %swap3A_388 = vector.shape_cast %swap3A_387 : vector<16xi32> to vector<16xi32>
    %swap3A_389 = vector.shape_cast %get3A_385 : vector<16xi32> to vector<16xi32>
    tpu.vector_store %arg6[%swap3A_386], %swap3A_389 {strides = array<i32>} : memref<1664xi32, #tpu.memory_space<vmem>>, vector<16xi32>,
    %get3A_390 = arith.constant 10 : i32
    %get3A_391 = arith.index_cast %get3A_390 : i32 to index
    %get3A_392 = arith.constant 48 : index
    %get3A_393 = tpu.vector_load %arg5[%get3A_391, %get3A_392] {strides = array<i32>} : memref<32x128xi32, #tpu.memory_space<vmem>>, vector<1x16xi32>,
    %get3A_394 = vector.shape_cast %get3A_393 : vector<1x16xi32> to vector<16xi32>
    %swap3A_395 = arith.constant 548 : index
    %swap3A_396 = tpu.vector_load %arg6[%swap3A_395] {strides = array<i32>} : memref<1664xi32, #tpu.memory_space<vmem>>, vector<16xi32>,
    %swap3A_397 = vector.shape_cast %swap3A_396 : vector<16xi32> to vector<16xi32>
    %swap3A_398 = vector.shape_cast %get3A_394 : vector<16xi32> to vector<16xi32>
    tpu.vector_store %arg6[%swap3A_395], %swap3A_398 {strides = array<i32>} : memref<1664xi32, #tpu.memory_space<vmem>>, vector<16xi32>,
    %get3A_399 = arith.constant 11 : i32
    %get3A_400 = arith.index_cast %get3A_399 : i32 to index
    %get3A_401 = arith.constant 0 : index
    %get3A_402 = tpu.vector_load %arg5[%get3A_400, %get3A_401] {strides = array<i32>} : memref<32x128xi32, #tpu.memory_space<vmem>>, vector<1x16xi32>,
    %get3A_403 = vector.shape_cast %get3A_402 : vector<1x16xi32> to vector<16xi32>
    %swap3A_404 = arith.constant 550 : index
    %swap3A_405 = tpu.vector_load %arg6[%swap3A_404] {strides = array<i32>} : memref<1664xi32, #tpu.memory_space<vmem>>, vector<16xi32>,
    %swap3A_406 = vector.shape_cast %swap3A_405 : vector<16xi32> to vector<16xi32>
    %swap3A_407 = vector.shape_cast %get3A_403 : vector<16xi32> to vector<16xi32>
    tpu.vector_store %arg6[%swap3A_404], %swap3A_407 {strides = array<i32>} : memref<1664xi32, #tpu.memory_space<vmem>>, vector<16xi32>,
    %get3A_408 = arith.constant 11 : i32
    %get3A_409 = arith.index_cast %get3A_408 : i32 to index
    %get3A_410 = arith.constant 16 : index
    %get3A_411 = tpu.vector_load %arg5[%get3A_409, %get3A_410] {strides = array<i32>} : memref<32x128xi32, #tpu.memory_space<vmem>>, vector<1x16xi32>,
    %get3A_412 = vector.shape_cast %get3A_411 : vector<1x16xi32> to vector<16xi32>
    %swap3A_413 = arith.constant 566 : index
    %swap3A_414 = tpu.vector_load %arg6[%swap3A_413] {strides = array<i32>} : memref<1664xi32, #tpu.memory_space<vmem>>, vector<16xi32>,
    %swap3A_415 = vector.shape_cast %swap3A_414 : vector<16xi32> to vector<16xi32>
    %swap3A_416 = vector.shape_cast %get3A_412 : vector<16xi32> to vector<16xi32>
    tpu.vector_store %arg6[%swap3A_413], %swap3A_416 {strides = array<i32>} : memref<1664xi32, #tpu.memory_space<vmem>>, vector<16xi32>,
    %get3A_417 = arith.constant 11 : i32
    %get3A_418 = arith.index_cast %get3A_417 : i32 to index
    %get3A_419 = arith.constant 32 : index
    %get3A_420 = tpu.vector_load %arg5[%get3A_418, %get3A_419] {strides = array<i32>} : memref<32x128xi32, #tpu.memory_space<vmem>>, vector<1x16xi32>,
    %get3A_421 = vector.shape_cast %get3A_420 : vector<1x16xi32> to vector<16xi32>
    %swap3A_422 = arith.constant 582 : index
    %swap3A_423 = tpu.vector_load %arg6[%swap3A_422] {strides = array<i32>} : memref<1664xi32, #tpu.memory_space<vmem>>, vector<16xi32>,
    %swap3A_424 = vector.shape_cast %swap3A_423 : vector<16xi32> to vector<16xi32>
    %swap3A_425 = vector.shape_cast %get3A_421 : vector<16xi32> to vector<16xi32>
    tpu.vector_store %arg6[%swap3A_422], %swap3A_425 {strides = array<i32>} : memref<1664xi32, #tpu.memory_space<vmem>>, vector<16xi32>,
    %get3A_426 = arith.constant 11 : i32
    %get3A_427 = arith.index_cast %get3A_426 : i32 to index
    %get3A_428 = arith.constant 48 : index
    %get3A_429 = tpu.vector_load %arg5[%get3A_427, %get3A_428] {strides = array<i32>} : memref<32x128xi32, #tpu.memory_space<vmem>>, vector<1x16xi32>,
    %get3A_430 = vector.shape_cast %get3A_429 : vector<1x16xi32> to vector<16xi32>
    %swap3A_431 = arith.constant 598 : index
    %swap3A_432 = tpu.vector_load %arg6[%swap3A_431] {strides = array<i32>} : memref<1664xi32, #tpu.memory_space<vmem>>, vector<16xi32>,
    %swap3A_433 = vector.shape_cast %swap3A_432 : vector<16xi32> to vector<16xi32>
    %swap3A_434 = vector.shape_cast %get3A_430 : vector<16xi32> to vector<16xi32>
    tpu.vector_store %arg6[%swap3A_431], %swap3A_434 {strides = array<i32>} : memref<1664xi32, #tpu.memory_space<vmem>>, vector<16xi32>,
    %get3A_435 = arith.constant 12 : i32
    %get3A_436 = arith.index_cast %get3A_435 : i32 to index
    %get3A_437 = arith.constant 0 : index
    %get3A_438 = tpu.vector_load %arg5[%get3A_436, %get3A_437] {strides = array<i32>} : memref<32x128xi32, #tpu.memory_space<vmem>>, vector<1x16xi32>,
    %get3A_439 = vector.shape_cast %get3A_438 : vector<1x16xi32> to vector<16xi32>
    %swap3A_440 = arith.constant 600 : index
    %swap3A_441 = tpu.vector_load %arg6[%swap3A_440] {strides = array<i32>} : memref<1664xi32, #tpu.memory_space<vmem>>, vector<16xi32>,
    %swap3A_442 = vector.shape_cast %swap3A_441 : vector<16xi32> to vector<16xi32>
    %swap3A_443 = vector.shape_cast %get3A_439 : vector<16xi32> to vector<16xi32>
    tpu.vector_store %arg6[%swap3A_440], %swap3A_443 {strides = array<i32>} : memref<1664xi32, #tpu.memory_space<vmem>>, vector<16xi32>,
    %get3A_444 = arith.constant 12 : i32
    %get3A_445 = arith.index_cast %get3A_444 : i32 to index
    %get3A_446 = arith.constant 16 : index
    %get3A_447 = tpu.vector_load %arg5[%get3A_445, %get3A_446] {strides = array<i32>} : memref<32x128xi32, #tpu.memory_space<vmem>>, vector<1x16xi32>,
    %get3A_448 = vector.shape_cast %get3A_447 : vector<1x16xi32> to vector<16xi32>
    %swap3A_449 = arith.constant 616 : index
    %swap3A_450 = tpu.vector_load %arg6[%swap3A_449] {strides = array<i32>} : memref<1664xi32, #tpu.memory_space<vmem>>, vector<16xi32>,
    %swap3A_451 = vector.shape_cast %swap3A_450 : vector<16xi32> to vector<16xi32>
    %swap3A_452 = vector.shape_cast %get3A_448 : vector<16xi32> to vector<16xi32>
    tpu.vector_store %arg6[%swap3A_449], %swap3A_452 {strides = array<i32>} : memref<1664xi32, #tpu.memory_space<vmem>>, vector<16xi32>,
    %get3A_453 = arith.constant 12 : i32
    %get3A_454 = arith.index_cast %get3A_453 : i32 to index
    %get3A_455 = arith.constant 32 : index
    %get3A_456 = tpu.vector_load %arg5[%get3A_454, %get3A_455] {strides = array<i32>} : memref<32x128xi32, #tpu.memory_space<vmem>>, vector<1x16xi32>,
    %get3A_457 = vector.shape_cast %get3A_456 : vector<1x16xi32> to vector<16xi32>
    %swap3A_458 = arith.constant 632 : index
    %swap3A_459 = tpu.vector_load %arg6[%swap3A_458] {strides = array<i32>} : memref<1664xi32, #tpu.memory_space<vmem>>, vector<16xi32>,
    %swap3A_460 = vector.shape_cast %swap3A_459 : vector<16xi32> to vector<16xi32>
    %swap3A_461 = vector.shape_cast %get3A_457 : vector<16xi32> to vector<16xi32>
    tpu.vector_store %arg6[%swap3A_458], %swap3A_461 {strides = array<i32>} : memref<1664xi32, #tpu.memory_space<vmem>>, vector<16xi32>,
    %get3A_462 = arith.constant 12 : i32
    %get3A_463 = arith.index_cast %get3A_462 : i32 to index
    %get3A_464 = arith.constant 48 : index
    %get3A_465 = tpu.vector_load %arg5[%get3A_463, %get3A_464] {strides = array<i32>} : memref<32x128xi32, #tpu.memory_space<vmem>>, vector<1x16xi32>,
    %get3A_466 = vector.shape_cast %get3A_465 : vector<1x16xi32> to vector<16xi32>
    %swap3A_467 = arith.constant 648 : index
    %swap3A_468 = tpu.vector_load %arg6[%swap3A_467] {strides = array<i32>} : memref<1664xi32, #tpu.memory_space<vmem>>, vector<16xi32>,
    %swap3A_469 = vector.shape_cast %swap3A_468 : vector<16xi32> to vector<16xi32>
    %swap3A_470 = vector.shape_cast %get3A_466 : vector<16xi32> to vector<16xi32>
    tpu.vector_store %arg6[%swap3A_467], %swap3A_470 {strides = array<i32>} : memref<1664xi32, #tpu.memory_space<vmem>>, vector<16xi32>,
    %get3A_471 = arith.constant 13 : i32
    %get3A_472 = arith.index_cast %get3A_471 : i32 to index
    %get3A_473 = arith.constant 0 : index
    %get3A_474 = tpu.vector_load %arg5[%get3A_472, %get3A_473] {strides = array<i32>} : memref<32x128xi32, #tpu.memory_space<vmem>>, vector<1x16xi32>,
    %get3A_475 = vector.shape_cast %get3A_474 : vector<1x16xi32> to vector<16xi32>
    %swap3A_476 = arith.constant 650 : index
    %swap3A_477 = tpu.vector_load %arg6[%swap3A_476] {strides = array<i32>} : memref<1664xi32, #tpu.memory_space<vmem>>, vector<16xi32>,
    %swap3A_478 = vector.shape_cast %swap3A_477 : vector<16xi32> to vector<16xi32>
    %swap3A_479 = vector.shape_cast %get3A_475 : vector<16xi32> to vector<16xi32>
    tpu.vector_store %arg6[%swap3A_476], %swap3A_479 {strides = array<i32>} : memref<1664xi32, #tpu.memory_space<vmem>>, vector<16xi32>,
    %get3A_480 = arith.constant 13 : i32
    %get3A_481 = arith.index_cast %get3A_480 : i32 to index
    %get3A_482 = arith.constant 16 : index
    %get3A_483 = tpu.vector_load %arg5[%get3A_481, %get3A_482] {strides = array<i32>} : memref<32x128xi32, #tpu.memory_space<vmem>>, vector<1x16xi32>,
    %get3A_484 = vector.shape_cast %get3A_483 : vector<1x16xi32> to vector<16xi32>
    %swap3A_485 = arith.constant 666 : index
    %swap3A_486 = tpu.vector_load %arg6[%swap3A_485] {strides = array<i32>} : memref<1664xi32, #tpu.memory_space<vmem>>, vector<16xi32>,
    %swap3A_487 = vector.shape_cast %swap3A_486 : vector<16xi32> to vector<16xi32>
    %swap3A_488 = vector.shape_cast %get3A_484 : vector<16xi32> to vector<16xi32>
    tpu.vector_store %arg6[%swap3A_485], %swap3A_488 {strides = array<i32>} : memref<1664xi32, #tpu.memory_space<vmem>>, vector<16xi32>,
    %get3A_489 = arith.constant 13 : i32
    %get3A_490 = arith.index_cast %get3A_489 : i32 to index
    %get3A_491 = arith.constant 32 : index
    %get3A_492 = tpu.vector_load %arg5[%get3A_490, %get3A_491] {strides = array<i32>} : memref<32x128xi32, #tpu.memory_space<vmem>>, vector<1x16xi32>,
    %get3A_493 = vector.shape_cast %get3A_492 : vector<1x16xi32> to vector<16xi32>
    %swap3A_494 = arith.constant 682 : index
    %swap3A_495 = tpu.vector_load %arg6[%swap3A_494] {strides = array<i32>} : memref<1664xi32, #tpu.memory_space<vmem>>, vector<16xi32>,
    %swap3A_496 = vector.shape_cast %swap3A_495 : vector<16xi32> to vector<16xi32>
    %swap3A_497 = vector.shape_cast %get3A_493 : vector<16xi32> to vector<16xi32>
    tpu.vector_store %arg6[%swap3A_494], %swap3A_497 {strides = array<i32>} : memref<1664xi32, #tpu.memory_space<vmem>>, vector<16xi32>,
    %get3A_498 = arith.constant 13 : i32
    %get3A_499 = arith.index_cast %get3A_498 : i32 to index
    %get3A_500 = arith.constant 48 : index
    %get3A_501 = tpu.vector_load %arg5[%get3A_499, %get3A_500] {strides = array<i32>} : memref<32x128xi32, #tpu.memory_space<vmem>>, vector<1x16xi32>,
    %get3A_502 = vector.shape_cast %get3A_501 : vector<1x16xi32> to vector<16xi32>
    %swap3A_503 = arith.constant 698 : index
    %swap3A_504 = tpu.vector_load %arg6[%swap3A_503] {strides = array<i32>} : memref<1664xi32, #tpu.memory_space<vmem>>, vector<16xi32>,
    %swap3A_505 = vector.shape_cast %swap3A_504 : vector<16xi32> to vector<16xi32>
    %swap3A_506 = vector.shape_cast %get3A_502 : vector<16xi32> to vector<16xi32>
    tpu.vector_store %arg6[%swap3A_503], %swap3A_506 {strides = array<i32>} : memref<1664xi32, #tpu.memory_space<vmem>>, vector<16xi32>,
    %get3A_507 = arith.constant 14 : i32
    %get3A_508 = arith.index_cast %get3A_507 : i32 to index
    %get3A_509 = arith.constant 0 : index
    %get3A_510 = tpu.vector_load %arg5[%get3A_508, %get3A_509] {strides = array<i32>} : memref<32x128xi32, #tpu.memory_space<vmem>>, vector<1x16xi32>,
    %get3A_511 = vector.shape_cast %get3A_510 : vector<1x16xi32> to vector<16xi32>
    %swap3A_512 = arith.constant 700 : index
    %swap3A_513 = tpu.vector_load %arg6[%swap3A_512] {strides = array<i32>} : memref<1664xi32, #tpu.memory_space<vmem>>, vector<16xi32>,
    %swap3A_514 = vector.shape_cast %swap3A_513 : vector<16xi32> to vector<16xi32>
    %swap3A_515 = vector.shape_cast %get3A_511 : vector<16xi32> to vector<16xi32>
    tpu.vector_store %arg6[%swap3A_512], %swap3A_515 {strides = array<i32>} : memref<1664xi32, #tpu.memory_space<vmem>>, vector<16xi32>,
    %get3A_516 = arith.constant 14 : i32
    %get3A_517 = arith.index_cast %get3A_516 : i32 to index
    %get3A_518 = arith.constant 16 : index
    %get3A_519 = tpu.vector_load %arg5[%get3A_517, %get3A_518] {strides = array<i32>} : memref<32x128xi32, #tpu.memory_space<vmem>>, vector<1x16xi32>,
    %get3A_520 = vector.shape_cast %get3A_519 : vector<1x16xi32> to vector<16xi32>
    %swap3A_521 = arith.constant 716 : index
    %swap3A_522 = tpu.vector_load %arg6[%swap3A_521] {strides = array<i32>} : memref<1664xi32, #tpu.memory_space<vmem>>, vector<16xi32>,
    %swap3A_523 = vector.shape_cast %swap3A_522 : vector<16xi32> to vector<16xi32>
    %swap3A_524 = vector.shape_cast %get3A_520 : vector<16xi32> to vector<16xi32>
    tpu.vector_store %arg6[%swap3A_521], %swap3A_524 {strides = array<i32>} : memref<1664xi32, #tpu.memory_space<vmem>>, vector<16xi32>,
    %get3A_525 = arith.constant 14 : i32
    %get3A_526 = arith.index_cast %get3A_525 : i32 to index
    %get3A_527 = arith.constant 32 : index
    %get3A_528 = tpu.vector_load %arg5[%get3A_526, %get3A_527] {strides = array<i32>} : memref<32x128xi32, #tpu.memory_space<vmem>>, vector<1x16xi32>,
    %get3A_529 = vector.shape_cast %get3A_528 : vector<1x16xi32> to vector<16xi32>
    %swap3A_530 = arith.constant 732 : index
    %swap3A_531 = tpu.vector_load %arg6[%swap3A_530] {strides = array<i32>} : memref<1664xi32, #tpu.memory_space<vmem>>, vector<16xi32>,
    %swap3A_532 = vector.shape_cast %swap3A_531 : vector<16xi32> to vector<16xi32>
    %swap3A_533 = vector.shape_cast %get3A_529 : vector<16xi32> to vector<16xi32>
    tpu.vector_store %arg6[%swap3A_530], %swap3A_533 {strides = array<i32>} : memref<1664xi32, #tpu.memory_space<vmem>>, vector<16xi32>,
    %get3A_534 = arith.constant 14 : i32
    %get3A_535 = arith.index_cast %get3A_534 : i32 to index
    %get3A_536 = arith.constant 48 : index
    %get3A_537 = tpu.vector_load %arg5[%get3A_535, %get3A_536] {strides = array<i32>} : memref<32x128xi32, #tpu.memory_space<vmem>>, vector<1x16xi32>,
    %get3A_538 = vector.shape_cast %get3A_537 : vector<1x16xi32> to vector<16xi32>
    %swap3A_539 = arith.constant 748 : index
    %swap3A_540 = tpu.vector_load %arg6[%swap3A_539] {strides = array<i32>} : memref<1664xi32, #tpu.memory_space<vmem>>, vector<16xi32>,
    %swap3A_541 = vector.shape_cast %swap3A_540 : vector<16xi32> to vector<16xi32>
    %swap3A_542 = vector.shape_cast %get3A_538 : vector<16xi32> to vector<16xi32>
    tpu.vector_store %arg6[%swap3A_539], %swap3A_542 {strides = array<i32>} : memref<1664xi32, #tpu.memory_space<vmem>>, vector<16xi32>,
    %get3A_543 = arith.constant 15 : i32
    %get3A_544 = arith.index_cast %get3A_543 : i32 to index
    %get3A_545 = arith.constant 0 : index
    %get3A_546 = tpu.vector_load %arg5[%get3A_544, %get3A_545] {strides = array<i32>} : memref<32x128xi32, #tpu.memory_space<vmem>>, vector<1x16xi32>,
    %get3A_547 = vector.shape_cast %get3A_546 : vector<1x16xi32> to vector<16xi32>
    %swap3A_548 = arith.constant 750 : index
    %swap3A_549 = tpu.vector_load %arg6[%swap3A_548] {strides = array<i32>} : memref<1664xi32, #tpu.memory_space<vmem>>, vector<16xi32>,
    %swap3A_550 = vector.shape_cast %swap3A_549 : vector<16xi32> to vector<16xi32>
    %swap3A_551 = vector.shape_cast %get3A_547 : vector<16xi32> to vector<16xi32>
    tpu.vector_store %arg6[%swap3A_548], %swap3A_551 {strides = array<i32>} : memref<1664xi32, #tpu.memory_space<vmem>>, vector<16xi32>,
    %get3A_552 = arith.constant 15 : i32
    %get3A_553 = arith.index_cast %get3A_552 : i32 to index
    %get3A_554 = arith.constant 16 : index
    %get3A_555 = tpu.vector_load %arg5[%get3A_553, %get3A_554] {strides = array<i32>} : memref<32x128xi32, #tpu.memory_space<vmem>>, vector<1x16xi32>,
    %get3A_556 = vector.shape_cast %get3A_555 : vector<1x16xi32> to vector<16xi32>
    %swap3A_557 = arith.constant 766 : index
    %swap3A_558 = tpu.vector_load %arg6[%swap3A_557] {strides = array<i32>} : memref<1664xi32, #tpu.memory_space<vmem>>, vector<16xi32>,
    %swap3A_559 = vector.shape_cast %swap3A_558 : vector<16xi32> to vector<16xi32>
    %swap3A_560 = vector.shape_cast %get3A_556 : vector<16xi32> to vector<16xi32>
    tpu.vector_store %arg6[%swap3A_557], %swap3A_560 {strides = array<i32>} : memref<1664xi32, #tpu.memory_space<vmem>>, vector<16xi32>,
    %get3A_561 = arith.constant 15 : i32
    %get3A_562 = arith.index_cast %get3A_561 : i32 to index
    %get3A_563 = arith.constant 32 : index
    %get3A_564 = tpu.vector_load %arg5[%get3A_562, %get3A_563] {strides = array<i32>} : memref<32x128xi32, #tpu.memory_space<vmem>>, vector<1x16xi32>,
    %get3A_565 = vector.shape_cast %get3A_564 : vector<1x16xi32> to vector<16xi32>
    %swap3A_566 = arith.constant 782 : index
    %swap3A_567 = tpu.vector_load %arg6[%swap3A_566] {strides = array<i32>} : memref<1664xi32, #tpu.memory_space<vmem>>, vector<16xi32>,
    %swap3A_568 = vector.shape_cast %swap3A_567 : vector<16xi32> to vector<16xi32>
    %swap3A_569 = vector.shape_cast %get3A_565 : vector<16xi32> to vector<16xi32>
    tpu.vector_store %arg6[%swap3A_566], %swap3A_569 {strides = array<i32>} : memref<1664xi32, #tpu.memory_space<vmem>>, vector<16xi32>,
    %get3A_570 = arith.constant 15 : i32
    %get3A_571 = arith.index_cast %get3A_570 : i32 to index
    %get3A_572 = arith.constant 48 : index
    %get3A_573 = tpu.vector_load %arg5[%get3A_571, %get3A_572] {strides = array<i32>} : memref<32x128xi32, #tpu.memory_space<vmem>>, vector<1x16xi32>,
    %get3A_574 = vector.shape_cast %get3A_573 : vector<1x16xi32> to vector<16xi32>
    %swap3A_575 = arith.constant 798 : index
    %swap3A_576 = tpu.vector_load %arg6[%swap3A_575] {strides = array<i32>} : memref<1664xi32, #tpu.memory_space<vmem>>, vector<16xi32>,
    %swap3A_577 = vector.shape_cast %swap3A_576 : vector<16xi32> to vector<16xi32>
    %swap3A_578 = vector.shape_cast %get3A_574 : vector<16xi32> to vector<16xi32>
    tpu.vector_store %arg6[%swap3A_575], %swap3A_578 {strides = array<i32>} : memref<1664xi32, #tpu.memory_space<vmem>>, vector<16xi32>,
    %get3A_579 = arith.constant 16 : i32
    %get3A_580 = arith.index_cast %get3A_579 : i32 to index
    %get3A_581 = arith.constant 0 : index
    %get3A_582 = tpu.vector_load %arg5[%get3A_580, %get3A_581] {strides = array<i32>} : memref<32x128xi32, #tpu.memory_space<vmem>>, vector<1x16xi32>,
    %get3A_583 = vector.shape_cast %get3A_582 : vector<1x16xi32> to vector<16xi32>
    %swap3A_584 = arith.constant 800 : index
    %swap3A_585 = tpu.vector_load %arg6[%swap3A_584] {strides = array<i32>} : memref<1664xi32, #tpu.memory_space<vmem>>, vector<16xi32>,
    %swap3A_586 = vector.shape_cast %swap3A_585 : vector<16xi32> to vector<16xi32>
    %swap3A_587 = vector.shape_cast %get3A_583 : vector<16xi32> to vector<16xi32>
    tpu.vector_store %arg6[%swap3A_584], %swap3A_587 {strides = array<i32>} : memref<1664xi32, #tpu.memory_space<vmem>>, vector<16xi32>,
    %get3A_588 = arith.constant 16 : i32
    %get3A_589 = arith.index_cast %get3A_588 : i32 to index
    %get3A_590 = arith.constant 16 : index
    %get3A_591 = tpu.vector_load %arg5[%get3A_589, %get3A_590] {strides = array<i32>} : memref<32x128xi32, #tpu.memory_space<vmem>>, vector<1x16xi32>,
    %get3A_592 = vector.shape_cast %get3A_591 : vector<1x16xi32> to vector<16xi32>
    %swap3A_593 = arith.constant 816 : index
    %swap3A_594 = tpu.vector_load %arg6[%swap3A_593] {strides = array<i32>} : memref<1664xi32, #tpu.memory_space<vmem>>, vector<16xi32>,
    %swap3A_595 = vector.shape_cast %swap3A_594 : vector<16xi32> to vector<16xi32>
    %swap3A_596 = vector.shape_cast %get3A_592 : vector<16xi32> to vector<16xi32>
    tpu.vector_store %arg6[%swap3A_593], %swap3A_596 {strides = array<i32>} : memref<1664xi32, #tpu.memory_space<vmem>>, vector<16xi32>,
    %get3A_597 = arith.constant 16 : i32
    %get3A_598 = arith.index_cast %get3A_597 : i32 to index
    %get3A_599 = arith.constant 32 : index
    %get3A_600 = tpu.vector_load %arg5[%get3A_598, %get3A_599] {strides = array<i32>} : memref<32x128xi32, #tpu.memory_space<vmem>>, vector<1x16xi32>,
    %get3A_601 = vector.shape_cast %get3A_600 : vector<1x16xi32> to vector<16xi32>
    %swap3A_602 = arith.constant 832 : index
    %swap3A_603 = tpu.vector_load %arg6[%swap3A_602] {strides = array<i32>} : memref<1664xi32, #tpu.memory_space<vmem>>, vector<16xi32>,
    %swap3A_604 = vector.shape_cast %swap3A_603 : vector<16xi32> to vector<16xi32>
    %swap3A_605 = vector.shape_cast %get3A_601 : vector<16xi32> to vector<16xi32>
    tpu.vector_store %arg6[%swap3A_602], %swap3A_605 {strides = array<i32>} : memref<1664xi32, #tpu.memory_space<vmem>>, vector<16xi32>,
    %get3A_606 = arith.constant 16 : i32
    %get3A_607 = arith.index_cast %get3A_606 : i32 to index
    %get3A_608 = arith.constant 48 : index
    %get3A_609 = tpu.vector_load %arg5[%get3A_607, %get3A_608] {strides = array<i32>} : memref<32x128xi32, #tpu.memory_space<vmem>>, vector<1x16xi32>,
    %get3A_610 = vector.shape_cast %get3A_609 : vector<1x16xi32> to vector<16xi32>
    %swap3A_611 = arith.constant 848 : index
    %swap3A_612 = tpu.vector_load %arg6[%swap3A_611] {strides = array<i32>} : memref<1664xi32, #tpu.memory_space<vmem>>, vector<16xi32>,
    %swap3A_613 = vector.shape_cast %swap3A_612 : vector<16xi32> to vector<16xi32>
    %swap3A_614 = vector.shape_cast %get3A_610 : vector<16xi32> to vector<16xi32>
    tpu.vector_store %arg6[%swap3A_611], %swap3A_614 {strides = array<i32>} : memref<1664xi32, #tpu.memory_space<vmem>>, vector<16xi32>,
    %get3A_615 = arith.constant 17 : i32
    %get3A_616 = arith.index_cast %get3A_615 : i32 to index
    %get3A_617 = arith.constant 0 : index
    %get3A_618 = tpu.vector_load %arg5[%get3A_616, %get3A_617] {strides = array<i32>} : memref<32x128xi32, #tpu.memory_space<vmem>>, vector<1x16xi32>,
    %get3A_619 = vector.shape_cast %get3A_618 : vector<1x16xi32> to vector<16xi32>
    %swap3A_620 = arith.constant 850 : index
    %swap3A_621 = tpu.vector_load %arg6[%swap3A_620] {strides = array<i32>} : memref<1664xi32, #tpu.memory_space<vmem>>, vector<16xi32>,
    %swap3A_622 = vector.shape_cast %swap3A_621 : vector<16xi32> to vector<16xi32>
    %swap3A_623 = vector.shape_cast %get3A_619 : vector<16xi32> to vector<16xi32>
    tpu.vector_store %arg6[%swap3A_620], %swap3A_623 {strides = array<i32>} : memref<1664xi32, #tpu.memory_space<vmem>>, vector<16xi32>,
    %get3A_624 = arith.constant 17 : i32
    %get3A_625 = arith.index_cast %get3A_624 : i32 to index
    %get3A_626 = arith.constant 16 : index
    %get3A_627 = tpu.vector_load %arg5[%get3A_625, %get3A_626] {strides = array<i32>} : memref<32x128xi32, #tpu.memory_space<vmem>>, vector<1x16xi32>,
    %get3A_628 = vector.shape_cast %get3A_627 : vector<1x16xi32> to vector<16xi32>
    %swap3A_629 = arith.constant 866 : index
    %swap3A_630 = tpu.vector_load %arg6[%swap3A_629] {strides = array<i32>} : memref<1664xi32, #tpu.memory_space<vmem>>, vector<16xi32>,
    %swap3A_631 = vector.shape_cast %swap3A_630 : vector<16xi32> to vector<16xi32>
    %swap3A_632 = vector.shape_cast %get3A_628 : vector<16xi32> to vector<16xi32>
    tpu.vector_store %arg6[%swap3A_629], %swap3A_632 {strides = array<i32>} : memref<1664xi32, #tpu.memory_space<vmem>>, vector<16xi32>,
    %get3A_633 = arith.constant 17 : i32
    %get3A_634 = arith.index_cast %get3A_633 : i32 to index
    %get3A_635 = arith.constant 32 : index
    %get3A_636 = tpu.vector_load %arg5[%get3A_634, %get3A_635] {strides = array<i32>} : memref<32x128xi32, #tpu.memory_space<vmem>>, vector<1x16xi32>,
    %get3A_637 = vector.shape_cast %get3A_636 : vector<1x16xi32> to vector<16xi32>
    %swap3A_638 = arith.constant 882 : index
    %swap3A_639 = tpu.vector_load %arg6[%swap3A_638] {strides = array<i32>} : memref<1664xi32, #tpu.memory_space<vmem>>, vector<16xi32>,
    %swap3A_640 = vector.shape_cast %swap3A_639 : vector<16xi32> to vector<16xi32>
    %swap3A_641 = vector.shape_cast %get3A_637 : vector<16xi32> to vector<16xi32>
    tpu.vector_store %arg6[%swap3A_638], %swap3A_641 {strides = array<i32>} : memref<1664xi32, #tpu.memory_space<vmem>>, vector<16xi32>,
    %get3A_642 = arith.constant 17 : i32
    %get3A_643 = arith.index_cast %get3A_642 : i32 to index
    %get3A_644 = arith.constant 48 : index
    %get3A_645 = tpu.vector_load %arg5[%get3A_643, %get3A_644] {strides = array<i32>} : memref<32x128xi32, #tpu.memory_space<vmem>>, vector<1x16xi32>,
    %get3A_646 = vector.shape_cast %get3A_645 : vector<1x16xi32> to vector<16xi32>
    %swap3A_647 = arith.constant 898 : index
    %swap3A_648 = tpu.vector_load %arg6[%swap3A_647] {strides = array<i32>} : memref<1664xi32, #tpu.memory_space<vmem>>, vector<16xi32>,
    %swap3A_649 = vector.shape_cast %swap3A_648 : vector<16xi32> to vector<16xi32>
    %swap3A_650 = vector.shape_cast %get3A_646 : vector<16xi32> to vector<16xi32>
    tpu.vector_store %arg6[%swap3A_647], %swap3A_650 {strides = array<i32>} : memref<1664xi32, #tpu.memory_space<vmem>>, vector<16xi32>,
    %get3A_651 = arith.constant 18 : i32
    %get3A_652 = arith.index_cast %get3A_651 : i32 to index
    %get3A_653 = arith.constant 0 : index
    %get3A_654 = tpu.vector_load %arg5[%get3A_652, %get3A_653] {strides = array<i32>} : memref<32x128xi32, #tpu.memory_space<vmem>>, vector<1x16xi32>,
    %get3A_655 = vector.shape_cast %get3A_654 : vector<1x16xi32> to vector<16xi32>
    %swap3A_656 = arith.constant 900 : index
    %swap3A_657 = tpu.vector_load %arg6[%swap3A_656] {strides = array<i32>} : memref<1664xi32, #tpu.memory_space<vmem>>, vector<16xi32>,
    %swap3A_658 = vector.shape_cast %swap3A_657 : vector<16xi32> to vector<16xi32>
    %swap3A_659 = vector.shape_cast %get3A_655 : vector<16xi32> to vector<16xi32>
    tpu.vector_store %arg6[%swap3A_656], %swap3A_659 {strides = array<i32>} : memref<1664xi32, #tpu.memory_space<vmem>>, vector<16xi32>,
    %get3A_660 = arith.constant 18 : i32
    %get3A_661 = arith.index_cast %get3A_660 : i32 to index
    %get3A_662 = arith.constant 16 : index
    %get3A_663 = tpu.vector_load %arg5[%get3A_661, %get3A_662] {strides = array<i32>} : memref<32x128xi32, #tpu.memory_space<vmem>>, vector<1x16xi32>,
    %get3A_664 = vector.shape_cast %get3A_663 : vector<1x16xi32> to vector<16xi32>
    %swap3A_665 = arith.constant 916 : index
    %swap3A_666 = tpu.vector_load %arg6[%swap3A_665] {strides = array<i32>} : memref<1664xi32, #tpu.memory_space<vmem>>, vector<16xi32>,
    %swap3A_667 = vector.shape_cast %swap3A_666 : vector<16xi32> to vector<16xi32>
    %swap3A_668 = vector.shape_cast %get3A_664 : vector<16xi32> to vector<16xi32>
    tpu.vector_store %arg6[%swap3A_665], %swap3A_668 {strides = array<i32>} : memref<1664xi32, #tpu.memory_space<vmem>>, vector<16xi32>,
    %get3A_669 = arith.constant 18 : i32
    %get3A_670 = arith.index_cast %get3A_669 : i32 to index
    %get3A_671 = arith.constant 32 : index
    %get3A_672 = tpu.vector_load %arg5[%get3A_670, %get3A_671] {strides = array<i32>} : memref<32x128xi32, #tpu.memory_space<vmem>>, vector<1x16xi32>,
    %get3A_673 = vector.shape_cast %get3A_672 : vector<1x16xi32> to vector<16xi32>
    %swap3A_674 = arith.constant 932 : index
    %swap3A_675 = tpu.vector_load %arg6[%swap3A_674] {strides = array<i32>} : memref<1664xi32, #tpu.memory_space<vmem>>, vector<16xi32>,
    %swap3A_676 = vector.shape_cast %swap3A_675 : vector<16xi32> to vector<16xi32>
    %swap3A_677 = vector.shape_cast %get3A_673 : vector<16xi32> to vector<16xi32>
    tpu.vector_store %arg6[%swap3A_674], %swap3A_677 {strides = array<i32>} : memref<1664xi32, #tpu.memory_space<vmem>>, vector<16xi32>,
    %get3A_678 = arith.constant 18 : i32
    %get3A_679 = arith.index_cast %get3A_678 : i32 to index
    %get3A_680 = arith.constant 48 : index
    %get3A_681 = tpu.vector_load %arg5[%get3A_679, %get3A_680] {strides = array<i32>} : memref<32x128xi32, #tpu.memory_space<vmem>>, vector<1x16xi32>,
    %get3A_682 = vector.shape_cast %get3A_681 : vector<1x16xi32> to vector<16xi32>
    %swap3A_683 = arith.constant 948 : index
    %swap3A_684 = tpu.vector_load %arg6[%swap3A_683] {strides = array<i32>} : memref<1664xi32, #tpu.memory_space<vmem>>, vector<16xi32>,
    %swap3A_685 = vector.shape_cast %swap3A_684 : vector<16xi32> to vector<16xi32>
    %swap3A_686 = vector.shape_cast %get3A_682 : vector<16xi32> to vector<16xi32>
    tpu.vector_store %arg6[%swap3A_683], %swap3A_686 {strides = array<i32>} : memref<1664xi32, #tpu.memory_space<vmem>>, vector<16xi32>,
    %get3A_687 = arith.constant 19 : i32
    %get3A_688 = arith.index_cast %get3A_687 : i32 to index
    %get3A_689 = arith.constant 0 : index
    %get3A_690 = tpu.vector_load %arg5[%get3A_688, %get3A_689] {strides = array<i32>} : memref<32x128xi32, #tpu.memory_space<vmem>>, vector<1x16xi32>,
    %get3A_691 = vector.shape_cast %get3A_690 : vector<1x16xi32> to vector<16xi32>
    %swap3A_692 = arith.constant 950 : index
    %swap3A_693 = tpu.vector_load %arg6[%swap3A_692] {strides = array<i32>} : memref<1664xi32, #tpu.memory_space<vmem>>, vector<16xi32>,
    %swap3A_694 = vector.shape_cast %swap3A_693 : vector<16xi32> to vector<16xi32>
    %swap3A_695 = vector.shape_cast %get3A_691 : vector<16xi32> to vector<16xi32>
    tpu.vector_store %arg6[%swap3A_692], %swap3A_695 {strides = array<i32>} : memref<1664xi32, #tpu.memory_space<vmem>>, vector<16xi32>,
    %get3A_696 = arith.constant 19 : i32
    %get3A_697 = arith.index_cast %get3A_696 : i32 to index
    %get3A_698 = arith.constant 16 : index
    %get3A_699 = tpu.vector_load %arg5[%get3A_697, %get3A_698] {strides = array<i32>} : memref<32x128xi32, #tpu.memory_space<vmem>>, vector<1x16xi32>,
    %get3A_700 = vector.shape_cast %get3A_699 : vector<1x16xi32> to vector<16xi32>
    %swap3A_701 = arith.constant 966 : index
    %swap3A_702 = tpu.vector_load %arg6[%swap3A_701] {strides = array<i32>} : memref<1664xi32, #tpu.memory_space<vmem>>, vector<16xi32>,
    %swap3A_703 = vector.shape_cast %swap3A_702 : vector<16xi32> to vector<16xi32>
    %swap3A_704 = vector.shape_cast %get3A_700 : vector<16xi32> to vector<16xi32>
    tpu.vector_store %arg6[%swap3A_701], %swap3A_704 {strides = array<i32>} : memref<1664xi32, #tpu.memory_space<vmem>>, vector<16xi32>,
    %get3A_705 = arith.constant 19 : i32
    %get3A_706 = arith.index_cast %get3A_705 : i32 to index
    %get3A_707 = arith.constant 32 : index
    %get3A_708 = tpu.vector_load %arg5[%get3A_706, %get3A_707] {strides = array<i32>} : memref<32x128xi32, #tpu.memory_space<vmem>>, vector<1x16xi32>,
    %get3A_709 = vector.shape_cast %get3A_708 : vector<1x16xi32> to vector<16xi32>
    %swap3A_710 = arith.constant 982 : index
    %swap3A_711 = tpu.vector_load %arg6[%swap3A_710] {strides = array<i32>} : memref<1664xi32, #tpu.memory_space<vmem>>, vector<16xi32>,
    %swap3A_712 = vector.shape_cast %swap3A_711 : vector<16xi32> to vector<16xi32>
    %swap3A_713 = vector.shape_cast %get3A_709 : vector<16xi32> to vector<16xi32>
    tpu.vector_store %arg6[%swap3A_710], %swap3A_713 {strides = array<i32>} : memref<1664xi32, #tpu.memory_space<vmem>>, vector<16xi32>,
    %get3A_714 = arith.constant 19 : i32
    %get3A_715 = arith.index_cast %get3A_714 : i32 to index
    %get3A_716 = arith.constant 48 : index
    %get3A_717 = tpu.vector_load %arg5[%get3A_715, %get3A_716] {strides = array<i32>} : memref<32x128xi32, #tpu.memory_space<vmem>>, vector<1x16xi32>,
    %get3A_718 = vector.shape_cast %get3A_717 : vector<1x16xi32> to vector<16xi32>
    %swap3A_719 = arith.constant 998 : index
    %swap3A_720 = tpu.vector_load %arg6[%swap3A_719] {strides = array<i32>} : memref<1664xi32, #tpu.memory_space<vmem>>, vector<16xi32>,
    %swap3A_721 = vector.shape_cast %swap3A_720 : vector<16xi32> to vector<16xi32>
    %swap3A_722 = vector.shape_cast %get3A_718 : vector<16xi32> to vector<16xi32>
    tpu.vector_store %arg6[%swap3A_719], %swap3A_722 {strides = array<i32>} : memref<1664xi32, #tpu.memory_space<vmem>>, vector<16xi32>,
    %get3A_723 = arith.constant 20 : i32
    %get3A_724 = arith.index_cast %get3A_723 : i32 to index
    %get3A_725 = arith.constant 0 : index
    %get3A_726 = tpu.vector_load %arg5[%get3A_724, %get3A_725] {strides = array<i32>} : memref<32x128xi32, #tpu.memory_space<vmem>>, vector<1x16xi32>,
    %get3A_727 = vector.shape_cast %get3A_726 : vector<1x16xi32> to vector<16xi32>
    %swap3A_728 = arith.constant 1000 : index
    %swap3A_729 = tpu.vector_load %arg6[%swap3A_728] {strides = array<i32>} : memref<1664xi32, #tpu.memory_space<vmem>>, vector<16xi32>,
    %swap3A_730 = vector.shape_cast %swap3A_729 : vector<16xi32> to vector<16xi32>
    %swap3A_731 = vector.shape_cast %get3A_727 : vector<16xi32> to vector<16xi32>
    tpu.vector_store %arg6[%swap3A_728], %swap3A_731 {strides = array<i32>} : memref<1664xi32, #tpu.memory_space<vmem>>, vector<16xi32>,
    %get3A_732 = arith.constant 20 : i32
    %get3A_733 = arith.index_cast %get3A_732 : i32 to index
    %get3A_734 = arith.constant 16 : index
    %get3A_735 = tpu.vector_load %arg5[%get3A_733, %get3A_734] {strides = array<i32>} : memref<32x128xi32, #tpu.memory_space<vmem>>, vector<1x16xi32>,
    %get3A_736 = vector.shape_cast %get3A_735 : vector<1x16xi32> to vector<16xi32>
    %swap3A_737 = arith.constant 1016 : index
    %swap3A_738 = tpu.vector_load %arg6[%swap3A_737] {strides = array<i32>} : memref<1664xi32, #tpu.memory_space<vmem>>, vector<16xi32>,
    %swap3A_739 = vector.shape_cast %swap3A_738 : vector<16xi32> to vector<16xi32>
    %swap3A_740 = vector.shape_cast %get3A_736 : vector<16xi32> to vector<16xi32>
    tpu.vector_store %arg6[%swap3A_737], %swap3A_740 {strides = array<i32>} : memref<1664xi32, #tpu.memory_space<vmem>>, vector<16xi32>,
    %get3A_741 = arith.constant 20 : i32
    %get3A_742 = arith.index_cast %get3A_741 : i32 to index
    %get3A_743 = arith.constant 32 : index
    %get3A_744 = tpu.vector_load %arg5[%get3A_742, %get3A_743] {strides = array<i32>} : memref<32x128xi32, #tpu.memory_space<vmem>>, vector<1x16xi32>,
    %get3A_745 = vector.shape_cast %get3A_744 : vector<1x16xi32> to vector<16xi32>
    %swap3A_746 = arith.constant 1032 : index
    %swap3A_747 = tpu.vector_load %arg6[%swap3A_746] {strides = array<i32>} : memref<1664xi32, #tpu.memory_space<vmem>>, vector<16xi32>,
    %swap3A_748 = vector.shape_cast %swap3A_747 : vector<16xi32> to vector<16xi32>
    %swap3A_749 = vector.shape_cast %get3A_745 : vector<16xi32> to vector<16xi32>
    tpu.vector_store %arg6[%swap3A_746], %swap3A_749 {strides = array<i32>} : memref<1664xi32, #tpu.memory_space<vmem>>, vector<16xi32>,
    %get3A_750 = arith.constant 20 : i32
    %get3A_751 = arith.index_cast %get3A_750 : i32 to index
    %get3A_752 = arith.constant 48 : index
    %get3A_753 = tpu.vector_load %arg5[%get3A_751, %get3A_752] {strides = array<i32>} : memref<32x128xi32, #tpu.memory_space<vmem>>, vector<1x16xi32>,
    %get3A_754 = vector.shape_cast %get3A_753 : vector<1x16xi32> to vector<16xi32>
    %swap3A_755 = arith.constant 1048 : index
    %swap3A_756 = tpu.vector_load %arg6[%swap3A_755] {strides = array<i32>} : memref<1664xi32, #tpu.memory_space<vmem>>, vector<16xi32>,
    %swap3A_757 = vector.shape_cast %swap3A_756 : vector<16xi32> to vector<16xi32>
    %swap3A_758 = vector.shape_cast %get3A_754 : vector<16xi32> to vector<16xi32>
    tpu.vector_store %arg6[%swap3A_755], %swap3A_758 {strides = array<i32>} : memref<1664xi32, #tpu.memory_space<vmem>>, vector<16xi32>,
    %get3A_759 = arith.constant 21 : i32
    %get3A_760 = arith.index_cast %get3A_759 : i32 to index
    %get3A_761 = arith.constant 0 : index
    %get3A_762 = tpu.vector_load %arg5[%get3A_760, %get3A_761] {strides = array<i32>} : memref<32x128xi32, #tpu.memory_space<vmem>>, vector<1x16xi32>,
    %get3A_763 = vector.shape_cast %get3A_762 : vector<1x16xi32> to vector<16xi32>
    %swap3A_764 = arith.constant 1050 : index
    %swap3A_765 = tpu.vector_load %arg6[%swap3A_764] {strides = array<i32>} : memref<1664xi32, #tpu.memory_space<vmem>>, vector<16xi32>,
    %swap3A_766 = vector.shape_cast %swap3A_765 : vector<16xi32> to vector<16xi32>
    %swap3A_767 = vector.shape_cast %get3A_763 : vector<16xi32> to vector<16xi32>
    tpu.vector_store %arg6[%swap3A_764], %swap3A_767 {strides = array<i32>} : memref<1664xi32, #tpu.memory_space<vmem>>, vector<16xi32>,
    %get3A_768 = arith.constant 21 : i32
    %get3A_769 = arith.index_cast %get3A_768 : i32 to index
    %get3A_770 = arith.constant 16 : index
    %get3A_771 = tpu.vector_load %arg5[%get3A_769, %get3A_770] {strides = array<i32>} : memref<32x128xi32, #tpu.memory_space<vmem>>, vector<1x16xi32>,
    %get3A_772 = vector.shape_cast %get3A_771 : vector<1x16xi32> to vector<16xi32>
    %swap3A_773 = arith.constant 1066 : index
    %swap3A_774 = tpu.vector_load %arg6[%swap3A_773] {strides = array<i32>} : memref<1664xi32, #tpu.memory_space<vmem>>, vector<16xi32>,
    %swap3A_775 = vector.shape_cast %swap3A_774 : vector<16xi32> to vector<16xi32>
    %swap3A_776 = vector.shape_cast %get3A_772 : vector<16xi32> to vector<16xi32>
    tpu.vector_store %arg6[%swap3A_773], %swap3A_776 {strides = array<i32>} : memref<1664xi32, #tpu.memory_space<vmem>>, vector<16xi32>,
    %get3A_777 = arith.constant 21 : i32
    %get3A_778 = arith.index_cast %get3A_777 : i32 to index
    %get3A_779 = arith.constant 32 : index
    %get3A_780 = tpu.vector_load %arg5[%get3A_778, %get3A_779] {strides = array<i32>} : memref<32x128xi32, #tpu.memory_space<vmem>>, vector<1x16xi32>,
    %get3A_781 = vector.shape_cast %get3A_780 : vector<1x16xi32> to vector<16xi32>
    %swap3A_782 = arith.constant 1082 : index
    %swap3A_783 = tpu.vector_load %arg6[%swap3A_782] {strides = array<i32>} : memref<1664xi32, #tpu.memory_space<vmem>>, vector<16xi32>,
    %swap3A_784 = vector.shape_cast %swap3A_783 : vector<16xi32> to vector<16xi32>
    %swap3A_785 = vector.shape_cast %get3A_781 : vector<16xi32> to vector<16xi32>
    tpu.vector_store %arg6[%swap3A_782], %swap3A_785 {strides = array<i32>} : memref<1664xi32, #tpu.memory_space<vmem>>, vector<16xi32>,
    %get3A_786 = arith.constant 21 : i32
    %get3A_787 = arith.index_cast %get3A_786 : i32 to index
    %get3A_788 = arith.constant 48 : index
    %get3A_789 = tpu.vector_load %arg5[%get3A_787, %get3A_788] {strides = array<i32>} : memref<32x128xi32, #tpu.memory_space<vmem>>, vector<1x16xi32>,
    %get3A_790 = vector.shape_cast %get3A_789 : vector<1x16xi32> to vector<16xi32>
    %swap3A_791 = arith.constant 1098 : index
    %swap3A_792 = tpu.vector_load %arg6[%swap3A_791] {strides = array<i32>} : memref<1664xi32, #tpu.memory_space<vmem>>, vector<16xi32>,
    %swap3A_793 = vector.shape_cast %swap3A_792 : vector<16xi32> to vector<16xi32>
    %swap3A_794 = vector.shape_cast %get3A_790 : vector<16xi32> to vector<16xi32>
    tpu.vector_store %arg6[%swap3A_791], %swap3A_794 {strides = array<i32>} : memref<1664xi32, #tpu.memory_space<vmem>>, vector<16xi32>,
    %get3A_795 = arith.constant 22 : i32
    %get3A_796 = arith.index_cast %get3A_795 : i32 to index
    %get3A_797 = arith.constant 0 : index
    %get3A_798 = tpu.vector_load %arg5[%get3A_796, %get3A_797] {strides = array<i32>} : memref<32x128xi32, #tpu.memory_space<vmem>>, vector<1x16xi32>,
    %get3A_799 = vector.shape_cast %get3A_798 : vector<1x16xi32> to vector<16xi32>
    %swap3A_800 = arith.constant 1100 : index
    %swap3A_801 = tpu.vector_load %arg6[%swap3A_800] {strides = array<i32>} : memref<1664xi32, #tpu.memory_space<vmem>>, vector<16xi32>,
    %swap3A_802 = vector.shape_cast %swap3A_801 : vector<16xi32> to vector<16xi32>
    %swap3A_803 = vector.shape_cast %get3A_799 : vector<16xi32> to vector<16xi32>
    tpu.vector_store %arg6[%swap3A_800], %swap3A_803 {strides = array<i32>} : memref<1664xi32, #tpu.memory_space<vmem>>, vector<16xi32>,
    %get3A_804 = arith.constant 22 : i32
    %get3A_805 = arith.index_cast %get3A_804 : i32 to index
    %get3A_806 = arith.constant 16 : index
    %get3A_807 = tpu.vector_load %arg5[%get3A_805, %get3A_806] {strides = array<i32>} : memref<32x128xi32, #tpu.memory_space<vmem>>, vector<1x16xi32>,
    %get3A_808 = vector.shape_cast %get3A_807 : vector<1x16xi32> to vector<16xi32>
    %swap3A_809 = arith.constant 1116 : index
    %swap3A_810 = tpu.vector_load %arg6[%swap3A_809] {strides = array<i32>} : memref<1664xi32, #tpu.memory_space<vmem>>, vector<16xi32>,
    %swap3A_811 = vector.shape_cast %swap3A_810 : vector<16xi32> to vector<16xi32>
    %swap3A_812 = vector.shape_cast %get3A_808 : vector<16xi32> to vector<16xi32>
    tpu.vector_store %arg6[%swap3A_809], %swap3A_812 {strides = array<i32>} : memref<1664xi32, #tpu.memory_space<vmem>>, vector<16xi32>,
    %get3A_813 = arith.constant 22 : i32
    %get3A_814 = arith.index_cast %get3A_813 : i32 to index
    %get3A_815 = arith.constant 32 : index
    %get3A_816 = tpu.vector_load %arg5[%get3A_814, %get3A_815] {strides = array<i32>} : memref<32x128xi32, #tpu.memory_space<vmem>>, vector<1x16xi32>,
    %get3A_817 = vector.shape_cast %get3A_816 : vector<1x16xi32> to vector<16xi32>
    %swap3A_818 = arith.constant 1132 : index
    %swap3A_819 = tpu.vector_load %arg6[%swap3A_818] {strides = array<i32>} : memref<1664xi32, #tpu.memory_space<vmem>>, vector<16xi32>,
    %swap3A_820 = vector.shape_cast %swap3A_819 : vector<16xi32> to vector<16xi32>
    %swap3A_821 = vector.shape_cast %get3A_817 : vector<16xi32> to vector<16xi32>
    tpu.vector_store %arg6[%swap3A_818], %swap3A_821 {strides = array<i32>} : memref<1664xi32, #tpu.memory_space<vmem>>, vector<16xi32>,
    %get3A_822 = arith.constant 22 : i32
    %get3A_823 = arith.index_cast %get3A_822 : i32 to index
    %get3A_824 = arith.constant 48 : index
    %get3A_825 = tpu.vector_load %arg5[%get3A_823, %get3A_824] {strides = array<i32>} : memref<32x128xi32, #tpu.memory_space<vmem>>, vector<1x16xi32>,
    %get3A_826 = vector.shape_cast %get3A_825 : vector<1x16xi32> to vector<16xi32>
    %swap3A_827 = arith.constant 1148 : index
    %swap3A_828 = tpu.vector_load %arg6[%swap3A_827] {strides = array<i32>} : memref<1664xi32, #tpu.memory_space<vmem>>, vector<16xi32>,
    %swap3A_829 = vector.shape_cast %swap3A_828 : vector<16xi32> to vector<16xi32>
    %swap3A_830 = vector.shape_cast %get3A_826 : vector<16xi32> to vector<16xi32>
    tpu.vector_store %arg6[%swap3A_827], %swap3A_830 {strides = array<i32>} : memref<1664xi32, #tpu.memory_space<vmem>>, vector<16xi32>,
    %get3A_831 = arith.constant 23 : i32
    %get3A_832 = arith.index_cast %get3A_831 : i32 to index
    %get3A_833 = arith.constant 0 : index
    %get3A_834 = tpu.vector_load %arg5[%get3A_832, %get3A_833] {strides = array<i32>} : memref<32x128xi32, #tpu.memory_space<vmem>>, vector<1x16xi32>,
    %get3A_835 = vector.shape_cast %get3A_834 : vector<1x16xi32> to vector<16xi32>
    %swap3A_836 = arith.constant 1150 : index
    %swap3A_837 = tpu.vector_load %arg6[%swap3A_836] {strides = array<i32>} : memref<1664xi32, #tpu.memory_space<vmem>>, vector<16xi32>,
    %swap3A_838 = vector.shape_cast %swap3A_837 : vector<16xi32> to vector<16xi32>
    %swap3A_839 = vector.shape_cast %get3A_835 : vector<16xi32> to vector<16xi32>
    tpu.vector_store %arg6[%swap3A_836], %swap3A_839 {strides = array<i32>} : memref<1664xi32, #tpu.memory_space<vmem>>, vector<16xi32>,
    %get3A_840 = arith.constant 23 : i32
    %get3A_841 = arith.index_cast %get3A_840 : i32 to index
    %get3A_842 = arith.constant 16 : index
    %get3A_843 = tpu.vector_load %arg5[%get3A_841, %get3A_842] {strides = array<i32>} : memref<32x128xi32, #tpu.memory_space<vmem>>, vector<1x16xi32>,
    %get3A_844 = vector.shape_cast %get3A_843 : vector<1x16xi32> to vector<16xi32>
    %swap3A_845 = arith.constant 1166 : index
    %swap3A_846 = tpu.vector_load %arg6[%swap3A_845] {strides = array<i32>} : memref<1664xi32, #tpu.memory_space<vmem>>, vector<16xi32>,
    %swap3A_847 = vector.shape_cast %swap3A_846 : vector<16xi32> to vector<16xi32>
    %swap3A_848 = vector.shape_cast %get3A_844 : vector<16xi32> to vector<16xi32>
    tpu.vector_store %arg6[%swap3A_845], %swap3A_848 {strides = array<i32>} : memref<1664xi32, #tpu.memory_space<vmem>>, vector<16xi32>,
    %get3A_849 = arith.constant 23 : i32
    %get3A_850 = arith.index_cast %get3A_849 : i32 to index
    %get3A_851 = arith.constant 32 : index
    %get3A_852 = tpu.vector_load %arg5[%get3A_850, %get3A_851] {strides = array<i32>} : memref<32x128xi32, #tpu.memory_space<vmem>>, vector<1x16xi32>,
    %get3A_853 = vector.shape_cast %get3A_852 : vector<1x16xi32> to vector<16xi32>
    %swap3A_854 = arith.constant 1182 : index
    %swap3A_855 = tpu.vector_load %arg6[%swap3A_854] {strides = array<i32>} : memref<1664xi32, #tpu.memory_space<vmem>>, vector<16xi32>,
    %swap3A_856 = vector.shape_cast %swap3A_855 : vector<16xi32> to vector<16xi32>
    %swap3A_857 = vector.shape_cast %get3A_853 : vector<16xi32> to vector<16xi32>
    tpu.vector_store %arg6[%swap3A_854], %swap3A_857 {strides = array<i32>} : memref<1664xi32, #tpu.memory_space<vmem>>, vector<16xi32>,
    %get3A_858 = arith.constant 23 : i32
    %get3A_859 = arith.index_cast %get3A_858 : i32 to index
    %get3A_860 = arith.constant 48 : index
    %get3A_861 = tpu.vector_load %arg5[%get3A_859, %get3A_860] {strides = array<i32>} : memref<32x128xi32, #tpu.memory_space<vmem>>, vector<1x16xi32>,
    %get3A_862 = vector.shape_cast %get3A_861 : vector<1x16xi32> to vector<16xi32>
    %swap3A_863 = arith.constant 1198 : index
    %swap3A_864 = tpu.vector_load %arg6[%swap3A_863] {strides = array<i32>} : memref<1664xi32, #tpu.memory_space<vmem>>, vector<16xi32>,
    %swap3A_865 = vector.shape_cast %swap3A_864 : vector<16xi32> to vector<16xi32>
    %swap3A_866 = vector.shape_cast %get3A_862 : vector<16xi32> to vector<16xi32>
    tpu.vector_store %arg6[%swap3A_863], %swap3A_866 {strides = array<i32>} : memref<1664xi32, #tpu.memory_space<vmem>>, vector<16xi32>,
    %get3A_867 = arith.constant 24 : i32
    %get3A_868 = arith.index_cast %get3A_867 : i32 to index
    %get3A_869 = arith.constant 0 : index
    %get3A_870 = tpu.vector_load %arg5[%get3A_868, %get3A_869] {strides = array<i32>} : memref<32x128xi32, #tpu.memory_space<vmem>>, vector<1x16xi32>,
    %get3A_871 = vector.shape_cast %get3A_870 : vector<1x16xi32> to vector<16xi32>
    %swap3A_872 = arith.constant 1200 : index
    %swap3A_873 = tpu.vector_load %arg6[%swap3A_872] {strides = array<i32>} : memref<1664xi32, #tpu.memory_space<vmem>>, vector<16xi32>,
    %swap3A_874 = vector.shape_cast %swap3A_873 : vector<16xi32> to vector<16xi32>
    %swap3A_875 = vector.shape_cast %get3A_871 : vector<16xi32> to vector<16xi32>
    tpu.vector_store %arg6[%swap3A_872], %swap3A_875 {strides = array<i32>} : memref<1664xi32, #tpu.memory_space<vmem>>, vector<16xi32>,
    %get3A_876 = arith.constant 24 : i32
    %get3A_877 = arith.index_cast %get3A_876 : i32 to index
    %get3A_878 = arith.constant 16 : index
    %get3A_879 = tpu.vector_load %arg5[%get3A_877, %get3A_878] {strides = array<i32>} : memref<32x128xi32, #tpu.memory_space<vmem>>, vector<1x16xi32>,
    %get3A_880 = vector.shape_cast %get3A_879 : vector<1x16xi32> to vector<16xi32>
    %swap3A_881 = arith.constant 1216 : index
    %swap3A_882 = tpu.vector_load %arg6[%swap3A_881] {strides = array<i32>} : memref<1664xi32, #tpu.memory_space<vmem>>, vector<16xi32>,
    %swap3A_883 = vector.shape_cast %swap3A_882 : vector<16xi32> to vector<16xi32>
    %swap3A_884 = vector.shape_cast %get3A_880 : vector<16xi32> to vector<16xi32>
    tpu.vector_store %arg6[%swap3A_881], %swap3A_884 {strides = array<i32>} : memref<1664xi32, #tpu.memory_space<vmem>>, vector<16xi32>,
    %get3A_885 = arith.constant 24 : i32
    %get3A_886 = arith.index_cast %get3A_885 : i32 to index
    %get3A_887 = arith.constant 32 : index
    %get3A_888 = tpu.vector_load %arg5[%get3A_886, %get3A_887] {strides = array<i32>} : memref<32x128xi32, #tpu.memory_space<vmem>>, vector<1x16xi32>,
    %get3A_889 = vector.shape_cast %get3A_888 : vector<1x16xi32> to vector<16xi32>
    %swap3A_890 = arith.constant 1232 : index
    %swap3A_891 = tpu.vector_load %arg6[%swap3A_890] {strides = array<i32>} : memref<1664xi32, #tpu.memory_space<vmem>>, vector<16xi32>,
    %swap3A_892 = vector.shape_cast %swap3A_891 : vector<16xi32> to vector<16xi32>
    %swap3A_893 = vector.shape_cast %get3A_889 : vector<16xi32> to vector<16xi32>
    tpu.vector_store %arg6[%swap3A_890], %swap3A_893 {strides = array<i32>} : memref<1664xi32, #tpu.memory_space<vmem>>, vector<16xi32>,
    %get3A_894 = arith.constant 24 : i32
    %get3A_895 = arith.index_cast %get3A_894 : i32 to index
    %get3A_896 = arith.constant 48 : index
    %get3A_897 = tpu.vector_load %arg5[%get3A_895, %get3A_896] {strides = array<i32>} : memref<32x128xi32, #tpu.memory_space<vmem>>, vector<1x16xi32>,
    %get3A_898 = vector.shape_cast %get3A_897 : vector<1x16xi32> to vector<16xi32>
    %swap3A_899 = arith.constant 1248 : index
    %swap3A_900 = tpu.vector_load %arg6[%swap3A_899] {strides = array<i32>} : memref<1664xi32, #tpu.memory_space<vmem>>, vector<16xi32>,
    %swap3A_901 = vector.shape_cast %swap3A_900 : vector<16xi32> to vector<16xi32>
    %swap3A_902 = vector.shape_cast %get3A_898 : vector<16xi32> to vector<16xi32>
    tpu.vector_store %arg6[%swap3A_899], %swap3A_902 {strides = array<i32>} : memref<1664xi32, #tpu.memory_space<vmem>>, vector<16xi32>,
    %get3A_903 = arith.constant 25 : i32
    %get3A_904 = arith.index_cast %get3A_903 : i32 to index
    %get3A_905 = arith.constant 0 : index
    %get3A_906 = tpu.vector_load %arg5[%get3A_904, %get3A_905] {strides = array<i32>} : memref<32x128xi32, #tpu.memory_space<vmem>>, vector<1x16xi32>,
    %get3A_907 = vector.shape_cast %get3A_906 : vector<1x16xi32> to vector<16xi32>
    %swap3A_908 = arith.constant 1250 : index
    %swap3A_909 = tpu.vector_load %arg6[%swap3A_908] {strides = array<i32>} : memref<1664xi32, #tpu.memory_space<vmem>>, vector<16xi32>,
    %swap3A_910 = vector.shape_cast %swap3A_909 : vector<16xi32> to vector<16xi32>
    %swap3A_911 = vector.shape_cast %get3A_907 : vector<16xi32> to vector<16xi32>
    tpu.vector_store %arg6[%swap3A_908], %swap3A_911 {strides = array<i32>} : memref<1664xi32, #tpu.memory_space<vmem>>, vector<16xi32>,
    %get3A_912 = arith.constant 25 : i32
    %get3A_913 = arith.index_cast %get3A_912 : i32 to index
    %get3A_914 = arith.constant 16 : index
    %get3A_915 = tpu.vector_load %arg5[%get3A_913, %get3A_914] {strides = array<i32>} : memref<32x128xi32, #tpu.memory_space<vmem>>, vector<1x16xi32>,
    %get3A_916 = vector.shape_cast %get3A_915 : vector<1x16xi32> to vector<16xi32>
    %swap3A_917 = arith.constant 1266 : index
    %swap3A_918 = tpu.vector_load %arg6[%swap3A_917] {strides = array<i32>} : memref<1664xi32, #tpu.memory_space<vmem>>, vector<16xi32>,
    %swap3A_919 = vector.shape_cast %swap3A_918 : vector<16xi32> to vector<16xi32>
    %swap3A_920 = vector.shape_cast %get3A_916 : vector<16xi32> to vector<16xi32>
    tpu.vector_store %arg6[%swap3A_917], %swap3A_920 {strides = array<i32>} : memref<1664xi32, #tpu.memory_space<vmem>>, vector<16xi32>,
    %get3A_921 = arith.constant 25 : i32
    %get3A_922 = arith.index_cast %get3A_921 : i32 to index
    %get3A_923 = arith.constant 32 : index
    %get3A_924 = tpu.vector_load %arg5[%get3A_922, %get3A_923] {strides = array<i32>} : memref<32x128xi32, #tpu.memory_space<vmem>>, vector<1x16xi32>,
    %get3A_925 = vector.shape_cast %get3A_924 : vector<1x16xi32> to vector<16xi32>
    %swap3A_926 = arith.constant 1282 : index
    %swap3A_927 = tpu.vector_load %arg6[%swap3A_926] {strides = array<i32>} : memref<1664xi32, #tpu.memory_space<vmem>>, vector<16xi32>,
    %swap3A_928 = vector.shape_cast %swap3A_927 : vector<16xi32> to vector<16xi32>
    %swap3A_929 = vector.shape_cast %get3A_925 : vector<16xi32> to vector<16xi32>
    tpu.vector_store %arg6[%swap3A_926], %swap3A_929 {strides = array<i32>} : memref<1664xi32, #tpu.memory_space<vmem>>, vector<16xi32>,
    %get3A_930 = arith.constant 25 : i32
    %get3A_931 = arith.index_cast %get3A_930 : i32 to index
    %get3A_932 = arith.constant 48 : index
    %get3A_933 = tpu.vector_load %arg5[%get3A_931, %get3A_932] {strides = array<i32>} : memref<32x128xi32, #tpu.memory_space<vmem>>, vector<1x16xi32>,
    %get3A_934 = vector.shape_cast %get3A_933 : vector<1x16xi32> to vector<16xi32>
    %swap3A_935 = arith.constant 1298 : index
    %swap3A_936 = tpu.vector_load %arg6[%swap3A_935] {strides = array<i32>} : memref<1664xi32, #tpu.memory_space<vmem>>, vector<16xi32>,
    %swap3A_937 = vector.shape_cast %swap3A_936 : vector<16xi32> to vector<16xi32>
    %swap3A_938 = vector.shape_cast %get3A_934 : vector<16xi32> to vector<16xi32>
    tpu.vector_store %arg6[%swap3A_935], %swap3A_938 {strides = array<i32>} : memref<1664xi32, #tpu.memory_space<vmem>>, vector<16xi32>,
    %get3A_939 = arith.constant 26 : i32
    %get3A_940 = arith.index_cast %get3A_939 : i32 to index
    %get3A_941 = arith.constant 0 : index
    %get3A_942 = tpu.vector_load %arg5[%get3A_940, %get3A_941] {strides = array<i32>} : memref<32x128xi32, #tpu.memory_space<vmem>>, vector<1x16xi32>,
    %get3A_943 = vector.shape_cast %get3A_942 : vector<1x16xi32> to vector<16xi32>
    %swap3A_944 = arith.constant 1300 : index
    %swap3A_945 = tpu.vector_load %arg6[%swap3A_944] {strides = array<i32>} : memref<1664xi32, #tpu.memory_space<vmem>>, vector<16xi32>,
    %swap3A_946 = vector.shape_cast %swap3A_945 : vector<16xi32> to vector<16xi32>
    %swap3A_947 = vector.shape_cast %get3A_943 : vector<16xi32> to vector<16xi32>
    tpu.vector_store %arg6[%swap3A_944], %swap3A_947 {strides = array<i32>} : memref<1664xi32, #tpu.memory_space<vmem>>, vector<16xi32>,
    %get3A_948 = arith.constant 26 : i32
    %get3A_949 = arith.index_cast %get3A_948 : i32 to index
    %get3A_950 = arith.constant 16 : index
    %get3A_951 = tpu.vector_load %arg5[%get3A_949, %get3A_950] {strides = array<i32>} : memref<32x128xi32, #tpu.memory_space<vmem>>, vector<1x16xi32>,
    %get3A_952 = vector.shape_cast %get3A_951 : vector<1x16xi32> to vector<16xi32>
    %swap3A_953 = arith.constant 1316 : index
    %swap3A_954 = tpu.vector_load %arg6[%swap3A_953] {strides = array<i32>} : memref<1664xi32, #tpu.memory_space<vmem>>, vector<16xi32>,
    %swap3A_955 = vector.shape_cast %swap3A_954 : vector<16xi32> to vector<16xi32>
    %swap3A_956 = vector.shape_cast %get3A_952 : vector<16xi32> to vector<16xi32>
    tpu.vector_store %arg6[%swap3A_953], %swap3A_956 {strides = array<i32>} : memref<1664xi32, #tpu.memory_space<vmem>>, vector<16xi32>,
    %get3A_957 = arith.constant 26 : i32
    %get3A_958 = arith.index_cast %get3A_957 : i32 to index
    %get3A_959 = arith.constant 32 : index
    %get3A_960 = tpu.vector_load %arg5[%get3A_958, %get3A_959] {strides = array<i32>} : memref<32x128xi32, #tpu.memory_space<vmem>>, vector<1x16xi32>,
    %get3A_961 = vector.shape_cast %get3A_960 : vector<1x16xi32> to vector<16xi32>
    %swap3A_962 = arith.constant 1332 : index
    %swap3A_963 = tpu.vector_load %arg6[%swap3A_962] {strides = array<i32>} : memref<1664xi32, #tpu.memory_space<vmem>>, vector<16xi32>,
    %swap3A_964 = vector.shape_cast %swap3A_963 : vector<16xi32> to vector<16xi32>
    %swap3A_965 = vector.shape_cast %get3A_961 : vector<16xi32> to vector<16xi32>
    tpu.vector_store %arg6[%swap3A_962], %swap3A_965 {strides = array<i32>} : memref<1664xi32, #tpu.memory_space<vmem>>, vector<16xi32>,
    %get3A_966 = arith.constant 26 : i32
    %get3A_967 = arith.index_cast %get3A_966 : i32 to index
    %get3A_968 = arith.constant 48 : index
    %get3A_969 = tpu.vector_load %arg5[%get3A_967, %get3A_968] {strides = array<i32>} : memref<32x128xi32, #tpu.memory_space<vmem>>, vector<1x16xi32>,
    %get3A_970 = vector.shape_cast %get3A_969 : vector<1x16xi32> to vector<16xi32>
    %swap3A_971 = arith.constant 1348 : index
    %swap3A_972 = tpu.vector_load %arg6[%swap3A_971] {strides = array<i32>} : memref<1664xi32, #tpu.memory_space<vmem>>, vector<16xi32>,
    %swap3A_973 = vector.shape_cast %swap3A_972 : vector<16xi32> to vector<16xi32>
    %swap3A_974 = vector.shape_cast %get3A_970 : vector<16xi32> to vector<16xi32>
    tpu.vector_store %arg6[%swap3A_971], %swap3A_974 {strides = array<i32>} : memref<1664xi32, #tpu.memory_space<vmem>>, vector<16xi32>,
    %get3A_975 = arith.constant 27 : i32
    %get3A_976 = arith.index_cast %get3A_975 : i32 to index
    %get3A_977 = arith.constant 0 : index
    %get3A_978 = tpu.vector_load %arg5[%get3A_976, %get3A_977] {strides = array<i32>} : memref<32x128xi32, #tpu.memory_space<vmem>>, vector<1x16xi32>,
    %get3A_979 = vector.shape_cast %get3A_978 : vector<1x16xi32> to vector<16xi32>
    %swap3A_980 = arith.constant 1350 : index
    %swap3A_981 = tpu.vector_load %arg6[%swap3A_980] {strides = array<i32>} : memref<1664xi32, #tpu.memory_space<vmem>>, vector<16xi32>,
    %swap3A_982 = vector.shape_cast %swap3A_981 : vector<16xi32> to vector<16xi32>
    %swap3A_983 = vector.shape_cast %get3A_979 : vector<16xi32> to vector<16xi32>
    tpu.vector_store %arg6[%swap3A_980], %swap3A_983 {strides = array<i32>} : memref<1664xi32, #tpu.memory_space<vmem>>, vector<16xi32>,
    %get3A_984 = arith.constant 27 : i32
    %get3A_985 = arith.index_cast %get3A_984 : i32 to index
    %get3A_986 = arith.constant 16 : index
    %get3A_987 = tpu.vector_load %arg5[%get3A_985, %get3A_986] {strides = array<i32>} : memref<32x128xi32, #tpu.memory_space<vmem>>, vector<1x16xi32>,
    %get3A_988 = vector.shape_cast %get3A_987 : vector<1x16xi32> to vector<16xi32>
    %swap3A_989 = arith.constant 1366 : index
    %swap3A_990 = tpu.vector_load %arg6[%swap3A_989] {strides = array<i32>} : memref<1664xi32, #tpu.memory_space<vmem>>, vector<16xi32>,
    %swap3A_991 = vector.shape_cast %swap3A_990 : vector<16xi32> to vector<16xi32>
    %swap3A_992 = vector.shape_cast %get3A_988 : vector<16xi32> to vector<16xi32>
    tpu.vector_store %arg6[%swap3A_989], %swap3A_992 {strides = array<i32>} : memref<1664xi32, #tpu.memory_space<vmem>>, vector<16xi32>,
    %get3A_993 = arith.constant 27 : i32
    %get3A_994 = arith.index_cast %get3A_993 : i32 to index
    %get3A_995 = arith.constant 32 : index
    %get3A_996 = tpu.vector_load %arg5[%get3A_994, %get3A_995] {strides = array<i32>} : memref<32x128xi32, #tpu.memory_space<vmem>>, vector<1x16xi32>,
    %get3A_997 = vector.shape_cast %get3A_996 : vector<1x16xi32> to vector<16xi32>
    %swap3A_998 = arith.constant 1382 : index
    %swap3A_999 = tpu.vector_load %arg6[%swap3A_998] {strides = array<i32>} : memref<1664xi32, #tpu.memory_space<vmem>>, vector<16xi32>,
    %swap3A_1000 = vector.shape_cast %swap3A_999 : vector<16xi32> to vector<16xi32>
    %swap3A_1001 = vector.shape_cast %get3A_997 : vector<16xi32> to vector<16xi32>
    tpu.vector_store %arg6[%swap3A_998], %swap3A_1001 {strides = array<i32>} : memref<1664xi32, #tpu.memory_space<vmem>>, vector<16xi32>,
    %get3A_1002 = arith.constant 27 : i32
    %get3A_1003 = arith.index_cast %get3A_1002 : i32 to index
    %get3A_1004 = arith.constant 48 : index
    %get3A_1005 = tpu.vector_load %arg5[%get3A_1003, %get3A_1004] {strides = array<i32>} : memref<32x128xi32, #tpu.memory_space<vmem>>, vector<1x16xi32>,
    %get3A_1006 = vector.shape_cast %get3A_1005 : vector<1x16xi32> to vector<16xi32>
    %swap3A_1007 = arith.constant 1398 : index
    %swap3A_1008 = tpu.vector_load %arg6[%swap3A_1007] {strides = array<i32>} : memref<1664xi32, #tpu.memory_space<vmem>>, vector<16xi32>,
    %swap3A_1009 = vector.shape_cast %swap3A_1008 : vector<16xi32> to vector<16xi32>
    %swap3A_1010 = vector.shape_cast %get3A_1006 : vector<16xi32> to vector<16xi32>
    tpu.vector_store %arg6[%swap3A_1007], %swap3A_1010 {strides = array<i32>} : memref<1664xi32, #tpu.memory_space<vmem>>, vector<16xi32>,
    %get3A_1011 = arith.constant 28 : i32
    %get3A_1012 = arith.index_cast %get3A_1011 : i32 to index
    %get3A_1013 = arith.constant 0 : index
    %get3A_1014 = tpu.vector_load %arg5[%get3A_1012, %get3A_1013] {strides = array<i32>} : memref<32x128xi32, #tpu.memory_space<vmem>>, vector<1x16xi32>,
    %get3A_1015 = vector.shape_cast %get3A_1014 : vector<1x16xi32> to vector<16xi32>
    %swap3A_1016 = arith.constant 1400 : index
    %swap3A_1017 = tpu.vector_load %arg6[%swap3A_1016] {strides = array<i32>} : memref<1664xi32, #tpu.memory_space<vmem>>, vector<16xi32>,
    %swap3A_1018 = vector.shape_cast %swap3A_1017 : vector<16xi32> to vector<16xi32>
    %swap3A_1019 = vector.shape_cast %get3A_1015 : vector<16xi32> to vector<16xi32>
    tpu.vector_store %arg6[%swap3A_1016], %swap3A_1019 {strides = array<i32>} : memref<1664xi32, #tpu.memory_space<vmem>>, vector<16xi32>,
    %get3A_1020 = arith.constant 28 : i32
    %get3A_1021 = arith.index_cast %get3A_1020 : i32 to index
    %get3A_1022 = arith.constant 16 : index
    %get3A_1023 = tpu.vector_load %arg5[%get3A_1021, %get3A_1022] {strides = array<i32>} : memref<32x128xi32, #tpu.memory_space<vmem>>, vector<1x16xi32>,
    %get3A_1024 = vector.shape_cast %get3A_1023 : vector<1x16xi32> to vector<16xi32>
    %swap3A_1025 = arith.constant 1416 : index
    %swap3A_1026 = tpu.vector_load %arg6[%swap3A_1025] {strides = array<i32>} : memref<1664xi32, #tpu.memory_space<vmem>>, vector<16xi32>,
    %swap3A_1027 = vector.shape_cast %swap3A_1026 : vector<16xi32> to vector<16xi32>
    %swap3A_1028 = vector.shape_cast %get3A_1024 : vector<16xi32> to vector<16xi32>
    tpu.vector_store %arg6[%swap3A_1025], %swap3A_1028 {strides = array<i32>} : memref<1664xi32, #tpu.memory_space<vmem>>, vector<16xi32>,
    %get3A_1029 = arith.constant 28 : i32
    %get3A_1030 = arith.index_cast %get3A_1029 : i32 to index
    %get3A_1031 = arith.constant 32 : index
    %get3A_1032 = tpu.vector_load %arg5[%get3A_1030, %get3A_1031] {strides = array<i32>} : memref<32x128xi32, #tpu.memory_space<vmem>>, vector<1x16xi32>,
    %get3A_1033 = vector.shape_cast %get3A_1032 : vector<1x16xi32> to vector<16xi32>
    %swap3A_1034 = arith.constant 1432 : index
    %swap3A_1035 = tpu.vector_load %arg6[%swap3A_1034] {strides = array<i32>} : memref<1664xi32, #tpu.memory_space<vmem>>, vector<16xi32>,
    %swap3A_1036 = vector.shape_cast %swap3A_1035 : vector<16xi32> to vector<16xi32>
    %swap3A_1037 = vector.shape_cast %get3A_1033 : vector<16xi32> to vector<16xi32>
    tpu.vector_store %arg6[%swap3A_1034], %swap3A_1037 {strides = array<i32>} : memref<1664xi32, #tpu.memory_space<vmem>>, vector<16xi32>,
    %get3A_1038 = arith.constant 28 : i32
    %get3A_1039 = arith.index_cast %get3A_1038 : i32 to index
    %get3A_1040 = arith.constant 48 : index
    %get3A_1041 = tpu.vector_load %arg5[%get3A_1039, %get3A_1040] {strides = array<i32>} : memref<32x128xi32, #tpu.memory_space<vmem>>, vector<1x16xi32>,
    %get3A_1042 = vector.shape_cast %get3A_1041 : vector<1x16xi32> to vector<16xi32>
    %swap3A_1043 = arith.constant 1448 : index
    %swap3A_1044 = tpu.vector_load %arg6[%swap3A_1043] {strides = array<i32>} : memref<1664xi32, #tpu.memory_space<vmem>>, vector<16xi32>,
    %swap3A_1045 = vector.shape_cast %swap3A_1044 : vector<16xi32> to vector<16xi32>
    %swap3A_1046 = vector.shape_cast %get3A_1042 : vector<16xi32> to vector<16xi32>
    tpu.vector_store %arg6[%swap3A_1043], %swap3A_1046 {strides = array<i32>} : memref<1664xi32, #tpu.memory_space<vmem>>, vector<16xi32>,
    %get3A_1047 = arith.constant 29 : i32
    %get3A_1048 = arith.index_cast %get3A_1047 : i32 to index
    %get3A_1049 = arith.constant 0 : index
    %get3A_1050 = tpu.vector_load %arg5[%get3A_1048, %get3A_1049] {strides = array<i32>} : memref<32x128xi32, #tpu.memory_space<vmem>>, vector<1x16xi32>,
    %get3A_1051 = vector.shape_cast %get3A_1050 : vector<1x16xi32> to vector<16xi32>
    %swap3A_1052 = arith.constant 1450 : index
    %swap3A_1053 = tpu.vector_load %arg6[%swap3A_1052] {strides = array<i32>} : memref<1664xi32, #tpu.memory_space<vmem>>, vector<16xi32>,
    %swap3A_1054 = vector.shape_cast %swap3A_1053 : vector<16xi32> to vector<16xi32>
    %swap3A_1055 = vector.shape_cast %get3A_1051 : vector<16xi32> to vector<16xi32>
    tpu.vector_store %arg6[%swap3A_1052], %swap3A_1055 {strides = array<i32>} : memref<1664xi32, #tpu.memory_space<vmem>>, vector<16xi32>,
    %get3A_1056 = arith.constant 29 : i32
    %get3A_1057 = arith.index_cast %get3A_1056 : i32 to index
    %get3A_1058 = arith.constant 16 : index
    %get3A_1059 = tpu.vector_load %arg5[%get3A_1057, %get3A_1058] {strides = array<i32>} : memref<32x128xi32, #tpu.memory_space<vmem>>, vector<1x16xi32>,
    %get3A_1060 = vector.shape_cast %get3A_1059 : vector<1x16xi32> to vector<16xi32>
    %swap3A_1061 = arith.constant 1466 : index
    %swap3A_1062 = tpu.vector_load %arg6[%swap3A_1061] {strides = array<i32>} : memref<1664xi32, #tpu.memory_space<vmem>>, vector<16xi32>,
    %swap3A_1063 = vector.shape_cast %swap3A_1062 : vector<16xi32> to vector<16xi32>
    %swap3A_1064 = vector.shape_cast %get3A_1060 : vector<16xi32> to vector<16xi32>
    tpu.vector_store %arg6[%swap3A_1061], %swap3A_1064 {strides = array<i32>} : memref<1664xi32, #tpu.memory_space<vmem>>, vector<16xi32>,
    %get3A_1065 = arith.constant 29 : i32
    %get3A_1066 = arith.index_cast %get3A_1065 : i32 to index
    %get3A_1067 = arith.constant 32 : index
    %get3A_1068 = tpu.vector_load %arg5[%get3A_1066, %get3A_1067] {strides = array<i32>} : memref<32x128xi32, #tpu.memory_space<vmem>>, vector<1x16xi32>,
    %get3A_1069 = vector.shape_cast %get3A_1068 : vector<1x16xi32> to vector<16xi32>
    %swap3A_1070 = arith.constant 1482 : index
    %swap3A_1071 = tpu.vector_load %arg6[%swap3A_1070] {strides = array<i32>} : memref<1664xi32, #tpu.memory_space<vmem>>, vector<16xi32>,
    %swap3A_1072 = vector.shape_cast %swap3A_1071 : vector<16xi32> to vector<16xi32>
    %swap3A_1073 = vector.shape_cast %get3A_1069 : vector<16xi32> to vector<16xi32>
    tpu.vector_store %arg6[%swap3A_1070], %swap3A_1073 {strides = array<i32>} : memref<1664xi32, #tpu.memory_space<vmem>>, vector<16xi32>,
    %get3A_1074 = arith.constant 29 : i32
    %get3A_1075 = arith.index_cast %get3A_1074 : i32 to index
    %get3A_1076 = arith.constant 48 : index
    %get3A_1077 = tpu.vector_load %arg5[%get3A_1075, %get3A_1076] {strides = array<i32>} : memref<32x128xi32, #tpu.memory_space<vmem>>, vector<1x16xi32>,
    %get3A_1078 = vector.shape_cast %get3A_1077 : vector<1x16xi32> to vector<16xi32>
    %swap3A_1079 = arith.constant 1498 : index
    %swap3A_1080 = tpu.vector_load %arg6[%swap3A_1079] {strides = array<i32>} : memref<1664xi32, #tpu.memory_space<vmem>>, vector<16xi32>,
    %swap3A_1081 = vector.shape_cast %swap3A_1080 : vector<16xi32> to vector<16xi32>
    %swap3A_1082 = vector.shape_cast %get3A_1078 : vector<16xi32> to vector<16xi32>
    tpu.vector_store %arg6[%swap3A_1079], %swap3A_1082 {strides = array<i32>} : memref<1664xi32, #tpu.memory_space<vmem>>, vector<16xi32>,
    %get3A_1083 = arith.constant 30 : i32
    %get3A_1084 = arith.index_cast %get3A_1083 : i32 to index
    %get3A_1085 = arith.constant 0 : index
    %get3A_1086 = tpu.vector_load %arg5[%get3A_1084, %get3A_1085] {strides = array<i32>} : memref<32x128xi32, #tpu.memory_space<vmem>>, vector<1x16xi32>,
    %get3A_1087 = vector.shape_cast %get3A_1086 : vector<1x16xi32> to vector<16xi32>
    %swap3A_1088 = arith.constant 1500 : index
    %swap3A_1089 = tpu.vector_load %arg6[%swap3A_1088] {strides = array<i32>} : memref<1664xi32, #tpu.memory_space<vmem>>, vector<16xi32>,
    %swap3A_1090 = vector.shape_cast %swap3A_1089 : vector<16xi32> to vector<16xi32>
    %swap3A_1091 = vector.shape_cast %get3A_1087 : vector<16xi32> to vector<16xi32>
    tpu.vector_store %arg6[%swap3A_1088], %swap3A_1091 {strides = array<i32>} : memref<1664xi32, #tpu.memory_space<vmem>>, vector<16xi32>,
    %get3A_1092 = arith.constant 30 : i32
    %get3A_1093 = arith.index_cast %get3A_1092 : i32 to index
    %get3A_1094 = arith.constant 16 : index
    %get3A_1095 = tpu.vector_load %arg5[%get3A_1093, %get3A_1094] {strides = array<i32>} : memref<32x128xi32, #tpu.memory_space<vmem>>, vector<1x16xi32>,
    %get3A_1096 = vector.shape_cast %get3A_1095 : vector<1x16xi32> to vector<16xi32>
    %swap3A_1097 = arith.constant 1516 : index
    %swap3A_1098 = tpu.vector_load %arg6[%swap3A_1097] {strides = array<i32>} : memref<1664xi32, #tpu.memory_space<vmem>>, vector<16xi32>,
    %swap3A_1099 = vector.shape_cast %swap3A_1098 : vector<16xi32> to vector<16xi32>
    %swap3A_1100 = vector.shape_cast %get3A_1096 : vector<16xi32> to vector<16xi32>
    tpu.vector_store %arg6[%swap3A_1097], %swap3A_1100 {strides = array<i32>} : memref<1664xi32, #tpu.memory_space<vmem>>, vector<16xi32>,
    %get3A_1101 = arith.constant 30 : i32
    %get3A_1102 = arith.index_cast %get3A_1101 : i32 to index
    %get3A_1103 = arith.constant 32 : index
    %get3A_1104 = tpu.vector_load %arg5[%get3A_1102, %get3A_1103] {strides = array<i32>} : memref<32x128xi32, #tpu.memory_space<vmem>>, vector<1x16xi32>,
    %get3A_1105 = vector.shape_cast %get3A_1104 : vector<1x16xi32> to vector<16xi32>
    %swap3A_1106 = arith.constant 1532 : index
    %swap3A_1107 = tpu.vector_load %arg6[%swap3A_1106] {strides = array<i32>} : memref<1664xi32, #tpu.memory_space<vmem>>, vector<16xi32>,
    %swap3A_1108 = vector.shape_cast %swap3A_1107 : vector<16xi32> to vector<16xi32>
    %swap3A_1109 = vector.shape_cast %get3A_1105 : vector<16xi32> to vector<16xi32>
    tpu.vector_store %arg6[%swap3A_1106], %swap3A_1109 {strides = array<i32>} : memref<1664xi32, #tpu.memory_space<vmem>>, vector<16xi32>,
    %get3A_1110 = arith.constant 30 : i32
    %get3A_1111 = arith.index_cast %get3A_1110 : i32 to index
    %get3A_1112 = arith.constant 48 : index
    %get3A_1113 = tpu.vector_load %arg5[%get3A_1111, %get3A_1112] {strides = array<i32>} : memref<32x128xi32, #tpu.memory_space<vmem>>, vector<1x16xi32>,
    %get3A_1114 = vector.shape_cast %get3A_1113 : vector<1x16xi32> to vector<16xi32>
    %swap3A_1115 = arith.constant 1548 : index
    %swap3A_1116 = tpu.vector_load %arg6[%swap3A_1115] {strides = array<i32>} : memref<1664xi32, #tpu.memory_space<vmem>>, vector<16xi32>,
    %swap3A_1117 = vector.shape_cast %swap3A_1116 : vector<16xi32> to vector<16xi32>
    %swap3A_1118 = vector.shape_cast %get3A_1114 : vector<16xi32> to vector<16xi32>
    tpu.vector_store %arg6[%swap3A_1115], %swap3A_1118 {strides = array<i32>} : memref<1664xi32, #tpu.memory_space<vmem>>, vector<16xi32>,
    %get3A_1119 = arith.constant 31 : i32
    %get3A_1120 = arith.index_cast %get3A_1119 : i32 to index
    %get3A_1121 = arith.constant 0 : index
    %get3A_1122 = tpu.vector_load %arg5[%get3A_1120, %get3A_1121] {strides = array<i32>} : memref<32x128xi32, #tpu.memory_space<vmem>>, vector<1x16xi32>,
    %get3A_1123 = vector.shape_cast %get3A_1122 : vector<1x16xi32> to vector<16xi32>
    %swap3A_1124 = arith.constant 1550 : index
    %swap3A_1125 = tpu.vector_load %arg6[%swap3A_1124] {strides = array<i32>} : memref<1664xi32, #tpu.memory_space<vmem>>, vector<16xi32>,
    %swap3A_1126 = vector.shape_cast %swap3A_1125 : vector<16xi32> to vector<16xi32>
    %swap3A_1127 = vector.shape_cast %get3A_1123 : vector<16xi32> to vector<16xi32>
    tpu.vector_store %arg6[%swap3A_1124], %swap3A_1127 {strides = array<i32>} : memref<1664xi32, #tpu.memory_space<vmem>>, vector<16xi32>,
    %get3A_1128 = arith.constant 31 : i32
    %get3A_1129 = arith.index_cast %get3A_1128 : i32 to index
    %get3A_1130 = arith.constant 16 : index
    %get3A_1131 = tpu.vector_load %arg5[%get3A_1129, %get3A_1130] {strides = array<i32>} : memref<32x128xi32, #tpu.memory_space<vmem>>, vector<1x16xi32>,
    %get3A_1132 = vector.shape_cast %get3A_1131 : vector<1x16xi32> to vector<16xi32>
    %swap3A_1133 = arith.constant 1566 : index
    %swap3A_1134 = tpu.vector_load %arg6[%swap3A_1133] {strides = array<i32>} : memref<1664xi32, #tpu.memory_space<vmem>>, vector<16xi32>,
    %swap3A_1135 = vector.shape_cast %swap3A_1134 : vector<16xi32> to vector<16xi32>
    %swap3A_1136 = vector.shape_cast %get3A_1132 : vector<16xi32> to vector<16xi32>
    tpu.vector_store %arg6[%swap3A_1133], %swap3A_1136 {strides = array<i32>} : memref<1664xi32, #tpu.memory_space<vmem>>, vector<16xi32>,
    %get3A_1137 = arith.constant 31 : i32
    %get3A_1138 = arith.index_cast %get3A_1137 : i32 to index
    %get3A_1139 = arith.constant 32 : index
    %get3A_1140 = tpu.vector_load %arg5[%get3A_1138, %get3A_1139] {strides = array<i32>} : memref<32x128xi32, #tpu.memory_space<vmem>>, vector<1x16xi32>,
    %get3A_1141 = vector.shape_cast %get3A_1140 : vector<1x16xi32> to vector<16xi32>
    %swap3A_1142 = arith.constant 1582 : index
    %swap3A_1143 = tpu.vector_load %arg6[%swap3A_1142] {strides = array<i32>} : memref<1664xi32, #tpu.memory_space<vmem>>, vector<16xi32>,
    %swap3A_1144 = vector.shape_cast %swap3A_1143 : vector<16xi32> to vector<16xi32>
    %swap3A_1145 = vector.shape_cast %get3A_1141 : vector<16xi32> to vector<16xi32>
    tpu.vector_store %arg6[%swap3A_1142], %swap3A_1145 {strides = array<i32>} : memref<1664xi32, #tpu.memory_space<vmem>>, vector<16xi32>,
    %get3A_1146 = arith.constant 31 : i32
    %get3A_1147 = arith.index_cast %get3A_1146 : i32 to index
    %get3A_1148 = arith.constant 48 : index
    %get3A_1149 = tpu.vector_load %arg5[%get3A_1147, %get3A_1148] {strides = array<i32>} : memref<32x128xi32, #tpu.memory_space<vmem>>, vector<1x16xi32>,
    %get3A_1150 = vector.shape_cast %get3A_1149 : vector<1x16xi32> to vector<16xi32>
    %swap3A_1151 = arith.constant 1598 : index
    %swap3A_1152 = tpu.vector_load %arg6[%swap3A_1151] {strides = array<i32>} : memref<1664xi32, #tpu.memory_space<vmem>>, vector<16xi32>,
    %swap3A_1153 = vector.shape_cast %swap3A_1152 : vector<16xi32> to vector<16xi32>
    %swap3A_1154 = vector.shape_cast %get3A_1150 : vector<16xi32> to vector<16xi32>
    tpu.vector_store %arg6[%swap3A_1151], %swap3A_1154 {strides = array<i32>} : memref<1664xi32, #tpu.memory_space<vmem>>, vector<16xi32>,
    %dma_start3A = arith.constant 0 : i32
    %dma_start3A_1155 = arith.constant 0 : i32
    %dma_start3A_1156 = tpu.memref_slice %arg7[%dma_start3A, %dma_start3A_1155] : memref<128x128xf32, #tpu.memory_space<vmem>> -> memref<128x128xf32, #tpu.memory_space<vmem>>
    %dma_start3A_1157 = arith.constant 0 : i32
    %dma_start3A_1158 = tpu.memref_slice %arg6[%dma_start3A_1157] : memref<1664xi32, #tpu.memory_space<vmem>> -> memref<128xi32, #tpu.memory_space<vmem>>
    %dma_start3A_1159 = arith.constant 0 : i32
    %dma_start3A_1160 = arith.constant 0 : i32
    %dma_start3A_1161 = tpu.memref_slice %arg2[%dma_start3A_1159, %dma_start3A_1160] : memref<1024x128xf32, #tpu.memory_space<hbm>> -> memref<1024x128xf32, #tpu.memory_space<hbm>>
    tpu.enqueue_indirect_dma source(%dma_start3A_1161 : memref<1024x128xf32, #tpu.memory_space<hbm>>) target(%dma_start3A_1156 : memref<128x128xf32, #tpu.memory_space<vmem>>) offsets(%dma_start3A_1158 : memref<128xi32, #tpu.memory_space<vmem>>) semaphore(%arg9 : memref<!tpu.dma_semaphore, #tpu.memory_space<semaphore_mem>>)
    %dma_start3A_1162 = arith.constant 0 : i32
    %dma_start3A_1163 = arith.constant 0 : i32
    %dma_start3A_1164 = tpu.memref_slice %arg8[%dma_start3A_1162, %dma_start3A_1163] : memref<128x128xf32, #tpu.memory_space<vmem>> -> memref<128x128xf32, #tpu.memory_space<vmem>>
    %dma_start3A_1165 = arith.constant 128 : i32
    %dma_start3A_1166 = tpu.memref_slice %arg6[%dma_start3A_1165] : memref<1664xi32, #tpu.memory_space<vmem>> -> memref<128xi32, #tpu.memory_space<vmem>>
    %dma_start3A_1167 = arith.constant 0 : i32
    %dma_start3A_1168 = arith.constant 0 : i32
    %dma_start3A_1169 = tpu.memref_slice %arg2[%dma_start3A_1167, %dma_start3A_1168] : memref<1024x128xf32, #tpu.memory_space<hbm>> -> memref<1024x128xf32, #tpu.memory_space<hbm>>
    tpu.enqueue_indirect_dma source(%dma_start3A_1169 : memref<1024x128xf32, #tpu.memory_space<hbm>>) target(%dma_start3A_1164 : memref<128x128xf32, #tpu.memory_space<vmem>>) offsets(%dma_start3A_1166 : memref<128xi32, #tpu.memory_space<vmem>>) semaphore(%arg9 : memref<!tpu.dma_semaphore, #tpu.memory_space<semaphore_mem>>)
    %dma_wait3A = arith.constant 0 : i32
    %dma_wait3A_1170 = arith.constant 0 : i32
    %dma_wait3A_1171 = tpu.memref_slice %arg7[%dma_wait3A, %dma_wait3A_1170] : memref<128x128xf32, #tpu.memory_space<vmem>> -> memref<128x128xf32, #tpu.memory_space<vmem>>
    %dma_wait3A_1172 = arith.constant 0 : i32
    %dma_wait3A_1173 = tpu.memref_slice %arg6[%dma_wait3A_1172] : memref<1664xi32, #tpu.memory_space<vmem>> -> memref<128xi32, #tpu.memory_space<vmem>>
    %dma_wait3A_1174 = arith.constant 0 : i32
    %dma_wait3A_1175 = arith.constant 0 : i32
    %dma_wait3A_1176 = tpu.memref_slice %arg2[%dma_wait3A_1174, %dma_wait3A_1175] : memref<1024x128xf32, #tpu.memory_space<hbm>> -> memref<1024x128xf32, #tpu.memory_space<hbm>>
    tpu.wait_indirect_dma semaphore(%arg9 : memref<!tpu.dma_semaphore, #tpu.memory_space<semaphore_mem>>) src(%dma_wait3A_1176 : memref<1024x128xf32, #tpu.memory_space<hbm>>) dst(%dma_wait3A_1171 : memref<128x128xf32, #tpu.memory_space<vmem>>)
    %add3A_1177 = arith.constant 0 : i32
    %add3A_1178 = arith.addi %mul3A_4, %add3A_1177 : i32
    %dma_start3A_1179 = arith.constant 0 : i32
    %dma_start3A_1180 = arith.constant 0 : i32
    %dma_start3A_1181 = tpu.memref_slice %arg7[%dma_start3A_1179, %dma_start3A_1180] : memref<128x128xf32, #tpu.memory_space<vmem>> -> memref<128x128xf32, #tpu.memory_space<vmem>>
    %dma_start3A_1182 = arith.constant 0 : i32
    %dma_start3A_1183 = tpu.memref_slice %arg4[%add3A_1178, %dma_start3A_1182] : memref<51200x128xf32, #tpu.memory_space<hbm>> -> memref<128x128xf32, #tpu.memory_space<hbm>>
    %dma_start3A_1184 = arith.constant 0 : i32
    %dma_start3A_1185 = tpu.memref_slice %arg4[%add3A_1178, %dma_start3A_1184] : memref<51200x128xf32, #tpu.memory_space<hbm>> -> memref<128x128xf32, #tpu.memory_space<hbm>>
    %dma_start3A_1186 = arith.constant 0 : i32
    %dma_start3A_1187 = arith.constant 0 : i32
    %dma_start3A_1188 = tpu.memref_slice %arg7[%dma_start3A_1186, %dma_start3A_1187] : memref<128x128xf32, #tpu.memory_space<vmem>> -> memref<128x128xf32, #tpu.memory_space<vmem>>
    tpu.enqueue_dma source(%dma_start3A_1188 : memref<128x128xf32, #tpu.memory_space<vmem>>) target(%dma_start3A_1185 : memref<128x128xf32, #tpu.memory_space<hbm>>) target_semaphore(%arg10 : memref<!tpu.dma_semaphore, #tpu.memory_space<semaphore_mem>>)
    %dma_wait3A_1189 = arith.constant 0 : i32
    %dma_wait3A_1190 = arith.constant 0 : i32
    %dma_wait3A_1191 = tpu.memref_slice %arg7[%dma_wait3A_1189, %dma_wait3A_1190] : memref<128x128xf32, #tpu.memory_space<vmem>> -> memref<128x128xf32, #tpu.memory_space<vmem>>
    %dma_wait3A_1192 = arith.constant 0 : i32
    %dma_wait3A_1193 = tpu.memref_slice %arg4[%add3A_1178, %dma_wait3A_1192] : memref<51200x128xf32, #tpu.memory_space<hbm>> -> memref<128x128xf32, #tpu.memory_space<hbm>>
    %dma_wait3A_1194 = arith.constant 0 : i32
    %dma_wait3A_1195 = tpu.memref_slice %arg4[%add3A_1178, %dma_wait3A_1194] : memref<51200x128xf32, #tpu.memory_space<hbm>> -> memref<128x128xf32, #tpu.memory_space<hbm>>
    %dma_wait3A_1196 = arith.constant 0 : i32
    %dma_wait3A_1197 = arith.constant 0 : i32
    %dma_wait3A_1198 = tpu.memref_slice %arg7[%dma_wait3A_1196, %dma_wait3A_1197] : memref<128x128xf32, #tpu.memory_space<vmem>> -> memref<128x128xf32, #tpu.memory_space<vmem>>
    tpu.wait_dma2 semaphore(%arg10 : memref<!tpu.dma_semaphore, #tpu.memory_space<semaphore_mem>>) src(%dma_wait3A_1198 : memref<128x128xf32, #tpu.memory_space<vmem>>) dst(%dma_wait3A_1195 : memref<128x128xf32, #tpu.memory_space<hbm>>)
    %dma_start3A_1199 = arith.constant 0 : i32
    %dma_start3A_1200 = arith.constant 0 : i32
    %dma_start3A_1201 = tpu.memref_slice %arg7[%dma_start3A_1199, %dma_start3A_1200] : memref<128x128xf32, #tpu.memory_space<vmem>> -> memref<128x128xf32, #tpu.memory_space<vmem>>
    %dma_start3A_1202 = arith.constant 256 : i32
    %dma_start3A_1203 = tpu.memref_slice %arg6[%dma_start3A_1202] : memref<1664xi32, #tpu.memory_space<vmem>> -> memref<128xi32, #tpu.memory_space<vmem>>
    %dma_start3A_1204 = arith.constant 0 : i32
    %dma_start3A_1205 = arith.constant 0 : i32
    %dma_start3A_1206 = tpu.memref_slice %arg2[%dma_start3A_1204, %dma_start3A_1205] : memref<1024x128xf32, #tpu.memory_space<hbm>> -> memref<1024x128xf32, #tpu.memory_space<hbm>>
    tpu.enqueue_indirect_dma source(%dma_start3A_1206 : memref<1024x128xf32, #tpu.memory_space<hbm>>) target(%dma_start3A_1201 : memref<128x128xf32, #tpu.memory_space<vmem>>) offsets(%dma_start3A_1203 : memref<128xi32, #tpu.memory_space<vmem>>) semaphore(%arg9 : memref<!tpu.dma_semaphore, #tpu.memory_space<semaphore_mem>>)
    %dma_wait3A_1207 = arith.constant 0 : i32
    %dma_wait3A_1208 = arith.constant 0 : i32
    %dma_wait3A_1209 = tpu.memref_slice %arg8[%dma_wait3A_1207, %dma_wait3A_1208] : memref<128x128xf32, #tpu.memory_space<vmem>> -> memref<128x128xf32, #tpu.memory_space<vmem>>
    %dma_wait3A_1210 = arith.constant 128 : i32
    %dma_wait3A_1211 = tpu.memref_slice %arg6[%dma_wait3A_1210] : memref<1664xi32, #tpu.memory_space<vmem>> -> memref<128xi32, #tpu.memory_space<vmem>>
    %dma_wait3A_1212 = arith.constant 0 : i32
    %dma_wait3A_1213 = arith.constant 0 : i32
    %dma_wait3A_1214 = tpu.memref_slice %arg2[%dma_wait3A_1212, %dma_wait3A_1213] : memref<1024x128xf32, #tpu.memory_space<hbm>> -> memref<1024x128xf32, #tpu.memory_space<hbm>>
    tpu.wait_indirect_dma semaphore(%arg9 : memref<!tpu.dma_semaphore, #tpu.memory_space<semaphore_mem>>) src(%dma_wait3A_1214 : memref<1024x128xf32, #tpu.memory_space<hbm>>) dst(%dma_wait3A_1209 : memref<128x128xf32, #tpu.memory_space<vmem>>)
    %add3A_1215 = arith.constant 128 : i32
    %add3A_1216 = arith.addi %mul3A_4, %add3A_1215 : i32
    %dma_start3A_1217 = arith.constant 0 : i32
    %dma_start3A_1218 = arith.constant 0 : i32
    %dma_start3A_1219 = tpu.memref_slice %arg8[%dma_start3A_1217, %dma_start3A_1218] : memref<128x128xf32, #tpu.memory_space<vmem>> -> memref<128x128xf32, #tpu.memory_space<vmem>>
    %dma_start3A_1220 = arith.constant 0 : i32
    %dma_start3A_1221 = tpu.memref_slice %arg4[%add3A_1216, %dma_start3A_1220] : memref<51200x128xf32, #tpu.memory_space<hbm>> -> memref<128x128xf32, #tpu.memory_space<hbm>>
    %dma_start3A_1222 = arith.constant 0 : i32
    %dma_start3A_1223 = tpu.memref_slice %arg4[%add3A_1216, %dma_start3A_1222] : memref<51200x128xf32, #tpu.memory_space<hbm>> -> memref<128x128xf32, #tpu.memory_space<hbm>>
    %dma_start3A_1224 = arith.constant 0 : i32
    %dma_start3A_1225 = arith.constant 0 : i32
    %dma_start3A_1226 = tpu.memref_slice %arg8[%dma_start3A_1224, %dma_start3A_1225] : memref<128x128xf32, #tpu.memory_space<vmem>> -> memref<128x128xf32, #tpu.memory_space<vmem>>
    tpu.enqueue_dma source(%dma_start3A_1226 : memref<128x128xf32, #tpu.memory_space<vmem>>) target(%dma_start3A_1223 : memref<128x128xf32, #tpu.memory_space<hbm>>) target_semaphore(%arg10 : memref<!tpu.dma_semaphore, #tpu.memory_space<semaphore_mem>>)
    %dma_wait3A_1227 = arith.constant 0 : i32
    %dma_wait3A_1228 = arith.constant 0 : i32
    %dma_wait3A_1229 = tpu.memref_slice %arg8[%dma_wait3A_1227, %dma_wait3A_1228] : memref<128x128xf32, #tpu.memory_space<vmem>> -> memref<128x128xf32, #tpu.memory_space<vmem>>
    %dma_wait3A_1230 = arith.constant 0 : i32
    %dma_wait3A_1231 = tpu.memref_slice %arg4[%add3A_1216, %dma_wait3A_1230] : memref<51200x128xf32, #tpu.memory_space<hbm>> -> memref<128x128xf32, #tpu.memory_space<hbm>>
    %dma_wait3A_1232 = arith.constant 0 : i32
    %dma_wait3A_1233 = tpu.memref_slice %arg4[%add3A_1216, %dma_wait3A_1232] : memref<51200x128xf32, #tpu.memory_space<hbm>> -> memref<128x128xf32, #tpu.memory_space<hbm>>
    %dma_wait3A_1234 = arith.constant 0 : i32
    %dma_wait3A_1235 = arith.constant 0 : i32
    %dma_wait3A_1236 = tpu.memref_slice %arg8[%dma_wait3A_1234, %dma_wait3A_1235] : memref<128x128xf32, #tpu.memory_space<vmem>> -> memref<128x128xf32, #tpu.memory_space<vmem>>
    tpu.wait_dma2 semaphore(%arg10 : memref<!tpu.dma_semaphore, #tpu.memory_space<semaphore_mem>>) src(%dma_wait3A_1236 : memref<128x128xf32, #tpu.memory_space<vmem>>) dst(%dma_wait3A_1233 : memref<128x128xf32, #tpu.memory_space<hbm>>)
    %dma_start3A_1237 = arith.constant 0 : i32
    %dma_start3A_1238 = arith.constant 0 : i32
    %dma_start3A_1239 = tpu.memref_slice %arg8[%dma_start3A_1237, %dma_start3A_1238] : memref<128x128xf32, #tpu.memory_space<vmem>> -> memref<128x128xf32, #tpu.memory_space<vmem>>
    %dma_start3A_1240 = arith.constant 384 : i32
    %dma_start3A_1241 = tpu.memref_slice %arg6[%dma_start3A_1240] : memref<1664xi32, #tpu.memory_space<vmem>> -> memref<128xi32, #tpu.memory_space<vmem>>
    %dma_start3A_1242 = arith.constant 0 : i32
    %dma_start3A_1243 = arith.constant 0 : i32
    %dma_start3A_1244 = tpu.memref_slice %arg2[%dma_start3A_1242, %dma_start3A_1243] : memref<1024x128xf32, #tpu.memory_space<hbm>> -> memref<1024x128xf32, #tpu.memory_space<hbm>>
    tpu.enqueue_indirect_dma source(%dma_start3A_1244 : memref<1024x128xf32, #tpu.memory_space<hbm>>) target(%dma_start3A_1239 : memref<128x128xf32, #tpu.memory_space<vmem>>) offsets(%dma_start3A_1241 : memref<128xi32, #tpu.memory_space<vmem>>) semaphore(%arg9 : memref<!tpu.dma_semaphore, #tpu.memory_space<semaphore_mem>>)
    %dma_wait3A_1245 = arith.constant 0 : i32
    %dma_wait3A_1246 = arith.constant 0 : i32
    %dma_wait3A_1247 = tpu.memref_slice %arg7[%dma_wait3A_1245, %dma_wait3A_1246] : memref<128x128xf32, #tpu.memory_space<vmem>> -> memref<128x128xf32, #tpu.memory_space<vmem>>
    %dma_wait3A_1248 = arith.constant 256 : i32
    %dma_wait3A_1249 = tpu.memref_slice %arg6[%dma_wait3A_1248] : memref<1664xi32, #tpu.memory_space<vmem>> -> memref<128xi32, #tpu.memory_space<vmem>>
    %dma_wait3A_1250 = arith.constant 0 : i32
    %dma_wait3A_1251 = arith.constant 0 : i32
    %dma_wait3A_1252 = tpu.memref_slice %arg2[%dma_wait3A_1250, %dma_wait3A_1251] : memref<1024x128xf32, #tpu.memory_space<hbm>> -> memref<1024x128xf32, #tpu.memory_space<hbm>>
    tpu.wait_indirect_dma semaphore(%arg9 : memref<!tpu.dma_semaphore, #tpu.memory_space<semaphore_mem>>) src(%dma_wait3A_1252 : memref<1024x128xf32, #tpu.memory_space<hbm>>) dst(%dma_wait3A_1247 : memref<128x128xf32, #tpu.memory_space<vmem>>)
    %add3A_1253 = arith.constant 256 : i32
    %add3A_1254 = arith.addi %mul3A_4, %add3A_1253 : i32
    %dma_start3A_1255 = arith.constant 0 : i32
    %dma_start3A_1256 = arith.constant 0 : i32
    %dma_start3A_1257 = tpu.memref_slice %arg7[%dma_start3A_1255, %dma_start3A_1256] : memref<128x128xf32, #tpu.memory_space<vmem>> -> memref<128x128xf32, #tpu.memory_space<vmem>>
    %dma_start3A_1258 = arith.constant 0 : i32
    %dma_start3A_1259 = tpu.memref_slice %arg4[%add3A_1254, %dma_start3A_1258] : memref<51200x128xf32, #tpu.memory_space<hbm>> -> memref<128x128xf32, #tpu.memory_space<hbm>>
    %dma_start3A_1260 = arith.constant 0 : i32
    %dma_start3A_1261 = tpu.memref_slice %arg4[%add3A_1254, %dma_start3A_1260] : memref<51200x128xf32, #tpu.memory_space<hbm>> -> memref<128x128xf32, #tpu.memory_space<hbm>>
    %dma_start3A_1262 = arith.constant 0 : i32
    %dma_start3A_1263 = arith.constant 0 : i32
    %dma_start3A_1264 = tpu.memref_slice %arg7[%dma_start3A_1262, %dma_start3A_1263] : memref<128x128xf32, #tpu.memory_space<vmem>> -> memref<128x128xf32, #tpu.memory_space<vmem>>
    tpu.enqueue_dma source(%dma_start3A_1264 : memref<128x128xf32, #tpu.memory_space<vmem>>) target(%dma_start3A_1261 : memref<128x128xf32, #tpu.memory_space<hbm>>) target_semaphore(%arg10 : memref<!tpu.dma_semaphore, #tpu.memory_space<semaphore_mem>>)
    %dma_wait3A_1265 = arith.constant 0 : i32
    %dma_wait3A_1266 = arith.constant 0 : i32
    %dma_wait3A_1267 = tpu.memref_slice %arg7[%dma_wait3A_1265, %dma_wait3A_1266] : memref<128x128xf32, #tpu.memory_space<vmem>> -> memref<128x128xf32, #tpu.memory_space<vmem>>
    %dma_wait3A_1268 = arith.constant 0 : i32
    %dma_wait3A_1269 = tpu.memref_slice %arg4[%add3A_1254, %dma_wait3A_1268] : memref<51200x128xf32, #tpu.memory_space<hbm>> -> memref<128x128xf32, #tpu.memory_space<hbm>>
    %dma_wait3A_1270 = arith.constant 0 : i32
    %dma_wait3A_1271 = tpu.memref_slice %arg4[%add3A_1254, %dma_wait3A_1270] : memref<51200x128xf32, #tpu.memory_space<hbm>> -> memref<128x128xf32, #tpu.memory_space<hbm>>
    %dma_wait3A_1272 = arith.constant 0 : i32
    %dma_wait3A_1273 = arith.constant 0 : i32
    %dma_wait3A_1274 = tpu.memref_slice %arg7[%dma_wait3A_1272, %dma_wait3A_1273] : memref<128x128xf32, #tpu.memory_space<vmem>> -> memref<128x128xf32, #tpu.memory_space<vmem>>
    tpu.wait_dma2 semaphore(%arg10 : memref<!tpu.dma_semaphore, #tpu.memory_space<semaphore_mem>>) src(%dma_wait3A_1274 : memref<128x128xf32, #tpu.memory_space<vmem>>) dst(%dma_wait3A_1271 : memref<128x128xf32, #tpu.memory_space<hbm>>)
    %dma_start3A_1275 = arith.constant 0 : i32
    %dma_start3A_1276 = arith.constant 0 : i32
    %dma_start3A_1277 = tpu.memref_slice %arg7[%dma_start3A_1275, %dma_start3A_1276] : memref<128x128xf32, #tpu.memory_space<vmem>> -> memref<128x128xf32, #tpu.memory_space<vmem>>
    %dma_start3A_1278 = arith.constant 512 : i32
    %dma_start3A_1279 = tpu.memref_slice %arg6[%dma_start3A_1278] : memref<1664xi32, #tpu.memory_space<vmem>> -> memref<128xi32, #tpu.memory_space<vmem>>
    %dma_start3A_1280 = arith.constant 0 : i32
    %dma_start3A_1281 = arith.constant 0 : i32
    %dma_start3A_1282 = tpu.memref_slice %arg2[%dma_start3A_1280, %dma_start3A_1281] : memref<1024x128xf32, #tpu.memory_space<hbm>> -> memref<1024x128xf32, #tpu.memory_space<hbm>>
    tpu.enqueue_indirect_dma source(%dma_start3A_1282 : memref<1024x128xf32, #tpu.memory_space<hbm>>) target(%dma_start3A_1277 : memref<128x128xf32, #tpu.memory_space<vmem>>) offsets(%dma_start3A_1279 : memref<128xi32, #tpu.memory_space<vmem>>) semaphore(%arg9 : memref<!tpu.dma_semaphore, #tpu.memory_space<semaphore_mem>>)
    %dma_wait3A_1283 = arith.constant 0 : i32
    %dma_wait3A_1284 = arith.constant 0 : i32
    %dma_wait3A_1285 = tpu.memref_slice %arg8[%dma_wait3A_1283, %dma_wait3A_1284] : memref<128x128xf32, #tpu.memory_space<vmem>> -> memref<128x128xf32, #tpu.memory_space<vmem>>
    %dma_wait3A_1286 = arith.constant 384 : i32
    %dma_wait3A_1287 = tpu.memref_slice %arg6[%dma_wait3A_1286] : memref<1664xi32, #tpu.memory_space<vmem>> -> memref<128xi32, #tpu.memory_space<vmem>>
    %dma_wait3A_1288 = arith.constant 0 : i32
    %dma_wait3A_1289 = arith.constant 0 : i32
    %dma_wait3A_1290 = tpu.memref_slice %arg2[%dma_wait3A_1288, %dma_wait3A_1289] : memref<1024x128xf32, #tpu.memory_space<hbm>> -> memref<1024x128xf32, #tpu.memory_space<hbm>>
    tpu.wait_indirect_dma semaphore(%arg9 : memref<!tpu.dma_semaphore, #tpu.memory_space<semaphore_mem>>) src(%dma_wait3A_1290 : memref<1024x128xf32, #tpu.memory_space<hbm>>) dst(%dma_wait3A_1285 : memref<128x128xf32, #tpu.memory_space<vmem>>)
    %add3A_1291 = arith.constant 384 : i32
    %add3A_1292 = arith.addi %mul3A_4, %add3A_1291 : i32
    %dma_start3A_1293 = arith.constant 0 : i32
    %dma_start3A_1294 = arith.constant 0 : i32
    %dma_start3A_1295 = tpu.memref_slice %arg8[%dma_start3A_1293, %dma_start3A_1294] : memref<128x128xf32, #tpu.memory_space<vmem>> -> memref<128x128xf32, #tpu.memory_space<vmem>>
    %dma_start3A_1296 = arith.constant 0 : i32
    %dma_start3A_1297 = tpu.memref_slice %arg4[%add3A_1292, %dma_start3A_1296] : memref<51200x128xf32, #tpu.memory_space<hbm>> -> memref<128x128xf32, #tpu.memory_space<hbm>>
    %dma_start3A_1298 = arith.constant 0 : i32
    %dma_start3A_1299 = tpu.memref_slice %arg4[%add3A_1292, %dma_start3A_1298] : memref<51200x128xf32, #tpu.memory_space<hbm>> -> memref<128x128xf32, #tpu.memory_space<hbm>>
    %dma_start3A_1300 = arith.constant 0 : i32
    %dma_start3A_1301 = arith.constant 0 : i32
    %dma_start3A_1302 = tpu.memref_slice %arg8[%dma_start3A_1300, %dma_start3A_1301] : memref<128x128xf32, #tpu.memory_space<vmem>> -> memref<128x128xf32, #tpu.memory_space<vmem>>
    tpu.enqueue_dma source(%dma_start3A_1302 : memref<128x128xf32, #tpu.memory_space<vmem>>) target(%dma_start3A_1299 : memref<128x128xf32, #tpu.memory_space<hbm>>) target_semaphore(%arg10 : memref<!tpu.dma_semaphore, #tpu.memory_space<semaphore_mem>>)
    %dma_wait3A_1303 = arith.constant 0 : i32
    %dma_wait3A_1304 = arith.constant 0 : i32
    %dma_wait3A_1305 = tpu.memref_slice %arg8[%dma_wait3A_1303, %dma_wait3A_1304] : memref<128x128xf32, #tpu.memory_space<vmem>> -> memref<128x128xf32, #tpu.memory_space<vmem>>
    %dma_wait3A_1306 = arith.constant 0 : i32
    %dma_wait3A_1307 = tpu.memref_slice %arg4[%add3A_1292, %dma_wait3A_1306] : memref<51200x128xf32, #tpu.memory_space<hbm>> -> memref<128x128xf32, #tpu.memory_space<hbm>>
    %dma_wait3A_1308 = arith.constant 0 : i32
    %dma_wait3A_1309 = tpu.memref_slice %arg4[%add3A_1292, %dma_wait3A_1308] : memref<51200x128xf32, #tpu.memory_space<hbm>> -> memref<128x128xf32, #tpu.memory_space<hbm>>
    %dma_wait3A_1310 = arith.constant 0 : i32
    %dma_wait3A_1311 = arith.constant 0 : i32
    %dma_wait3A_1312 = tpu.memref_slice %arg8[%dma_wait3A_1310, %dma_wait3A_1311] : memref<128x128xf32, #tpu.memory_space<vmem>> -> memref<128x128xf32, #tpu.memory_space<vmem>>
    tpu.wait_dma2 semaphore(%arg10 : memref<!tpu.dma_semaphore, #tpu.memory_space<semaphore_mem>>) src(%dma_wait3A_1312 : memref<128x128xf32, #tpu.memory_space<vmem>>) dst(%dma_wait3A_1309 : memref<128x128xf32, #tpu.memory_space<hbm>>)
    %dma_start3A_1313 = arith.constant 0 : i32
    %dma_start3A_1314 = arith.constant 0 : i32
    %dma_start3A_1315 = tpu.memref_slice %arg8[%dma_start3A_1313, %dma_start3A_1314] : memref<128x128xf32, #tpu.memory_space<vmem>> -> memref<128x128xf32, #tpu.memory_space<vmem>>
    %dma_start3A_1316 = arith.constant 640 : i32
    %dma_start3A_1317 = tpu.memref_slice %arg6[%dma_start3A_1316] : memref<1664xi32, #tpu.memory_space<vmem>> -> memref<128xi32, #tpu.memory_space<vmem>>
    %dma_start3A_1318 = arith.constant 0 : i32
    %dma_start3A_1319 = arith.constant 0 : i32
    %dma_start3A_1320 = tpu.memref_slice %arg2[%dma_start3A_1318, %dma_start3A_1319] : memref<1024x128xf32, #tpu.memory_space<hbm>> -> memref<1024x128xf32, #tpu.memory_space<hbm>>
    tpu.enqueue_indirect_dma source(%dma_start3A_1320 : memref<1024x128xf32, #tpu.memory_space<hbm>>) target(%dma_start3A_1315 : memref<128x128xf32, #tpu.memory_space<vmem>>) offsets(%dma_start3A_1317 : memref<128xi32, #tpu.memory_space<vmem>>) semaphore(%arg9 : memref<!tpu.dma_semaphore, #tpu.memory_space<semaphore_mem>>)
    %dma_wait3A_1321 = arith.constant 0 : i32
    %dma_wait3A_1322 = arith.constant 0 : i32
    %dma_wait3A_1323 = tpu.memref_slice %arg7[%dma_wait3A_1321, %dma_wait3A_1322] : memref<128x128xf32, #tpu.memory_space<vmem>> -> memref<128x128xf32, #tpu.memory_space<vmem>>
    %dma_wait3A_1324 = arith.constant 512 : i32
    %dma_wait3A_1325 = tpu.memref_slice %arg6[%dma_wait3A_1324] : memref<1664xi32, #tpu.memory_space<vmem>> -> memref<128xi32, #tpu.memory_space<vmem>>
    %dma_wait3A_1326 = arith.constant 0 : i32
    %dma_wait3A_1327 = arith.constant 0 : i32
    %dma_wait3A_1328 = tpu.memref_slice %arg2[%dma_wait3A_1326, %dma_wait3A_1327] : memref<1024x128xf32, #tpu.memory_space<hbm>> -> memref<1024x128xf32, #tpu.memory_space<hbm>>
    tpu.wait_indirect_dma semaphore(%arg9 : memref<!tpu.dma_semaphore, #tpu.memory_space<semaphore_mem>>) src(%dma_wait3A_1328 : memref<1024x128xf32, #tpu.memory_space<hbm>>) dst(%dma_wait3A_1323 : memref<128x128xf32, #tpu.memory_space<vmem>>)
    %add3A_1329 = arith.constant 512 : i32
    %add3A_1330 = arith.addi %mul3A_4, %add3A_1329 : i32
    %dma_start3A_1331 = arith.constant 0 : i32
    %dma_start3A_1332 = arith.constant 0 : i32
    %dma_start3A_1333 = tpu.memref_slice %arg7[%dma_start3A_1331, %dma_start3A_1332] : memref<128x128xf32, #tpu.memory_space<vmem>> -> memref<128x128xf32, #tpu.memory_space<vmem>>
    %dma_start3A_1334 = arith.constant 0 : i32
    %dma_start3A_1335 = tpu.memref_slice %arg4[%add3A_1330, %dma_start3A_1334] : memref<51200x128xf32, #tpu.memory_space<hbm>> -> memref<128x128xf32, #tpu.memory_space<hbm>>
    %dma_start3A_1336 = arith.constant 0 : i32
    %dma_start3A_1337 = tpu.memref_slice %arg4[%add3A_1330, %dma_start3A_1336] : memref<51200x128xf32, #tpu.memory_space<hbm>> -> memref<128x128xf32, #tpu.memory_space<hbm>>
    %dma_start3A_1338 = arith.constant 0 : i32
    %dma_start3A_1339 = arith.constant 0 : i32
    %dma_start3A_1340 = tpu.memref_slice %arg7[%dma_start3A_1338, %dma_start3A_1339] : memref<128x128xf32, #tpu.memory_space<vmem>> -> memref<128x128xf32, #tpu.memory_space<vmem>>
    tpu.enqueue_dma source(%dma_start3A_1340 : memref<128x128xf32, #tpu.memory_space<vmem>>) target(%dma_start3A_1337 : memref<128x128xf32, #tpu.memory_space<hbm>>) target_semaphore(%arg10 : memref<!tpu.dma_semaphore, #tpu.memory_space<semaphore_mem>>)
    %dma_wait3A_1341 = arith.constant 0 : i32
    %dma_wait3A_1342 = arith.constant 0 : i32
    %dma_wait3A_1343 = tpu.memref_slice %arg7[%dma_wait3A_1341, %dma_wait3A_1342] : memref<128x128xf32, #tpu.memory_space<vmem>> -> memref<128x128xf32, #tpu.memory_space<vmem>>
    %dma_wait3A_1344 = arith.constant 0 : i32
    %dma_wait3A_1345 = tpu.memref_slice %arg4[%add3A_1330, %dma_wait3A_1344] : memref<51200x128xf32, #tpu.memory_space<hbm>> -> memref<128x128xf32, #tpu.memory_space<hbm>>
    %dma_wait3A_1346 = arith.constant 0 : i32
    %dma_wait3A_1347 = tpu.memref_slice %arg4[%add3A_1330, %dma_wait3A_1346] : memref<51200x128xf32, #tpu.memory_space<hbm>> -> memref<128x128xf32, #tpu.memory_space<hbm>>
    %dma_wait3A_1348 = arith.constant 0 : i32
    %dma_wait3A_1349 = arith.constant 0 : i32
    %dma_wait3A_1350 = tpu.memref_slice %arg7[%dma_wait3A_1348, %dma_wait3A_1349] : memref<128x128xf32, #tpu.memory_space<vmem>> -> memref<128x128xf32, #tpu.memory_space<vmem>>
    tpu.wait_dma2 semaphore(%arg10 : memref<!tpu.dma_semaphore, #tpu.memory_space<semaphore_mem>>) src(%dma_wait3A_1350 : memref<128x128xf32, #tpu.memory_space<vmem>>) dst(%dma_wait3A_1347 : memref<128x128xf32, #tpu.memory_space<hbm>>)
    %dma_start3A_1351 = arith.constant 0 : i32
    %dma_start3A_1352 = arith.constant 0 : i32
    %dma_start3A_1353 = tpu.memref_slice %arg7[%dma_start3A_1351, %dma_start3A_1352] : memref<128x128xf32, #tpu.memory_space<vmem>> -> memref<128x128xf32, #tpu.memory_space<vmem>>
    %dma_start3A_1354 = arith.constant 768 : i32
    %dma_start3A_1355 = tpu.memref_slice %arg6[%dma_start3A_1354] : memref<1664xi32, #tpu.memory_space<vmem>> -> memref<128xi32, #tpu.memory_space<vmem>>
    %dma_start3A_1356 = arith.constant 0 : i32
    %dma_start3A_1357 = arith.constant 0 : i32
    %dma_start3A_1358 = tpu.memref_slice %arg2[%dma_start3A_1356, %dma_start3A_1357] : memref<1024x128xf32, #tpu.memory_space<hbm>> -> memref<1024x128xf32, #tpu.memory_space<hbm>>
    tpu.enqueue_indirect_dma source(%dma_start3A_1358 : memref<1024x128xf32, #tpu.memory_space<hbm>>) target(%dma_start3A_1353 : memref<128x128xf32, #tpu.memory_space<vmem>>) offsets(%dma_start3A_1355 : memref<128xi32, #tpu.memory_space<vmem>>) semaphore(%arg9 : memref<!tpu.dma_semaphore, #tpu.memory_space<semaphore_mem>>)
    %dma_wait3A_1359 = arith.constant 0 : i32
    %dma_wait3A_1360 = arith.constant 0 : i32
    %dma_wait3A_1361 = tpu.memref_slice %arg8[%dma_wait3A_1359, %dma_wait3A_1360] : memref<128x128xf32, #tpu.memory_space<vmem>> -> memref<128x128xf32, #tpu.memory_space<vmem>>
    %dma_wait3A_1362 = arith.constant 640 : i32
    %dma_wait3A_1363 = tpu.memref_slice %arg6[%dma_wait3A_1362] : memref<1664xi32, #tpu.memory_space<vmem>> -> memref<128xi32, #tpu.memory_space<vmem>>
    %dma_wait3A_1364 = arith.constant 0 : i32
    %dma_wait3A_1365 = arith.constant 0 : i32
    %dma_wait3A_1366 = tpu.memref_slice %arg2[%dma_wait3A_1364, %dma_wait3A_1365] : memref<1024x128xf32, #tpu.memory_space<hbm>> -> memref<1024x128xf32, #tpu.memory_space<hbm>>
    tpu.wait_indirect_dma semaphore(%arg9 : memref<!tpu.dma_semaphore, #tpu.memory_space<semaphore_mem>>) src(%dma_wait3A_1366 : memref<1024x128xf32, #tpu.memory_space<hbm>>) dst(%dma_wait3A_1361 : memref<128x128xf32, #tpu.memory_space<vmem>>)
    %add3A_1367 = arith.constant 640 : i32
    %add3A_1368 = arith.addi %mul3A_4, %add3A_1367 : i32
    %dma_start3A_1369 = arith.constant 0 : i32
    %dma_start3A_1370 = arith.constant 0 : i32
    %dma_start3A_1371 = tpu.memref_slice %arg8[%dma_start3A_1369, %dma_start3A_1370] : memref<128x128xf32, #tpu.memory_space<vmem>> -> memref<128x128xf32, #tpu.memory_space<vmem>>
    %dma_start3A_1372 = arith.constant 0 : i32
    %dma_start3A_1373 = tpu.memref_slice %arg4[%add3A_1368, %dma_start3A_1372] : memref<51200x128xf32, #tpu.memory_space<hbm>> -> memref<128x128xf32, #tpu.memory_space<hbm>>
    %dma_start3A_1374 = arith.constant 0 : i32
    %dma_start3A_1375 = tpu.memref_slice %arg4[%add3A_1368, %dma_start3A_1374] : memref<51200x128xf32, #tpu.memory_space<hbm>> -> memref<128x128xf32, #tpu.memory_space<hbm>>
    %dma_start3A_1376 = arith.constant 0 : i32
    %dma_start3A_1377 = arith.constant 0 : i32
    %dma_start3A_1378 = tpu.memref_slice %arg8[%dma_start3A_1376, %dma_start3A_1377] : memref<128x128xf32, #tpu.memory_space<vmem>> -> memref<128x128xf32, #tpu.memory_space<vmem>>
    tpu.enqueue_dma source(%dma_start3A_1378 : memref<128x128xf32, #tpu.memory_space<vmem>>) target(%dma_start3A_1375 : memref<128x128xf32, #tpu.memory_space<hbm>>) target_semaphore(%arg10 : memref<!tpu.dma_semaphore, #tpu.memory_space<semaphore_mem>>)
    %dma_wait3A_1379 = arith.constant 0 : i32
    %dma_wait3A_1380 = arith.constant 0 : i32
    %dma_wait3A_1381 = tpu.memref_slice %arg8[%dma_wait3A_1379, %dma_wait3A_1380] : memref<128x128xf32, #tpu.memory_space<vmem>> -> memref<128x128xf32, #tpu.memory_space<vmem>>
    %dma_wait3A_1382 = arith.constant 0 : i32
    %dma_wait3A_1383 = tpu.memref_slice %arg4[%add3A_1368, %dma_wait3A_1382] : memref<51200x128xf32, #tpu.memory_space<hbm>> -> memref<128x128xf32, #tpu.memory_space<hbm>>
    %dma_wait3A_1384 = arith.constant 0 : i32
    %dma_wait3A_1385 = tpu.memref_slice %arg4[%add3A_1368, %dma_wait3A_1384] : memref<51200x128xf32, #tpu.memory_space<hbm>> -> memref<128x128xf32, #tpu.memory_space<hbm>>
    %dma_wait3A_1386 = arith.constant 0 : i32
    %dma_wait3A_1387 = arith.constant 0 : i32
    %dma_wait3A_1388 = tpu.memref_slice %arg8[%dma_wait3A_1386, %dma_wait3A_1387] : memref<128x128xf32, #tpu.memory_space<vmem>> -> memref<128x128xf32, #tpu.memory_space<vmem>>
    tpu.wait_dma2 semaphore(%arg10 : memref<!tpu.dma_semaphore, #tpu.memory_space<semaphore_mem>>) src(%dma_wait3A_1388 : memref<128x128xf32, #tpu.memory_space<vmem>>) dst(%dma_wait3A_1385 : memref<128x128xf32, #tpu.memory_space<hbm>>)
    %dma_start3A_1389 = arith.constant 0 : i32
    %dma_start3A_1390 = arith.constant 0 : i32
    %dma_start3A_1391 = tpu.memref_slice %arg8[%dma_start3A_1389, %dma_start3A_1390] : memref<128x128xf32, #tpu.memory_space<vmem>> -> memref<128x128xf32, #tpu.memory_space<vmem>>
    %dma_start3A_1392 = arith.constant 896 : i32
    %dma_start3A_1393 = tpu.memref_slice %arg6[%dma_start3A_1392] : memref<1664xi32, #tpu.memory_space<vmem>> -> memref<128xi32, #tpu.memory_space<vmem>>
    %dma_start3A_1394 = arith.constant 0 : i32
    %dma_start3A_1395 = arith.constant 0 : i32
    %dma_start3A_1396 = tpu.memref_slice %arg2[%dma_start3A_1394, %dma_start3A_1395] : memref<1024x128xf32, #tpu.memory_space<hbm>> -> memref<1024x128xf32, #tpu.memory_space<hbm>>
    tpu.enqueue_indirect_dma source(%dma_start3A_1396 : memref<1024x128xf32, #tpu.memory_space<hbm>>) target(%dma_start3A_1391 : memref<128x128xf32, #tpu.memory_space<vmem>>) offsets(%dma_start3A_1393 : memref<128xi32, #tpu.memory_space<vmem>>) semaphore(%arg9 : memref<!tpu.dma_semaphore, #tpu.memory_space<semaphore_mem>>)
    %dma_wait3A_1397 = arith.constant 0 : i32
    %dma_wait3A_1398 = arith.constant 0 : i32
    %dma_wait3A_1399 = tpu.memref_slice %arg7[%dma_wait3A_1397, %dma_wait3A_1398] : memref<128x128xf32, #tpu.memory_space<vmem>> -> memref<128x128xf32, #tpu.memory_space<vmem>>
    %dma_wait3A_1400 = arith.constant 768 : i32
    %dma_wait3A_1401 = tpu.memref_slice %arg6[%dma_wait3A_1400] : memref<1664xi32, #tpu.memory_space<vmem>> -> memref<128xi32, #tpu.memory_space<vmem>>
    %dma_wait3A_1402 = arith.constant 0 : i32
    %dma_wait3A_1403 = arith.constant 0 : i32
    %dma_wait3A_1404 = tpu.memref_slice %arg2[%dma_wait3A_1402, %dma_wait3A_1403] : memref<1024x128xf32, #tpu.memory_space<hbm>> -> memref<1024x128xf32, #tpu.memory_space<hbm>>
    tpu.wait_indirect_dma semaphore(%arg9 : memref<!tpu.dma_semaphore, #tpu.memory_space<semaphore_mem>>) src(%dma_wait3A_1404 : memref<1024x128xf32, #tpu.memory_space<hbm>>) dst(%dma_wait3A_1399 : memref<128x128xf32, #tpu.memory_space<vmem>>)
    %add3A_1405 = arith.constant 768 : i32
    %add3A_1406 = arith.addi %mul3A_4, %add3A_1405 : i32
    %dma_start3A_1407 = arith.constant 0 : i32
    %dma_start3A_1408 = arith.constant 0 : i32
    %dma_start3A_1409 = tpu.memref_slice %arg7[%dma_start3A_1407, %dma_start3A_1408] : memref<128x128xf32, #tpu.memory_space<vmem>> -> memref<128x128xf32, #tpu.memory_space<vmem>>
    %dma_start3A_1410 = arith.constant 0 : i32
    %dma_start3A_1411 = tpu.memref_slice %arg4[%add3A_1406, %dma_start3A_1410] : memref<51200x128xf32, #tpu.memory_space<hbm>> -> memref<128x128xf32, #tpu.memory_space<hbm>>
    %dma_start3A_1412 = arith.constant 0 : i32
    %dma_start3A_1413 = tpu.memref_slice %arg4[%add3A_1406, %dma_start3A_1412] : memref<51200x128xf32, #tpu.memory_space<hbm>> -> memref<128x128xf32, #tpu.memory_space<hbm>>
    %dma_start3A_1414 = arith.constant 0 : i32
    %dma_start3A_1415 = arith.constant 0 : i32
    %dma_start3A_1416 = tpu.memref_slice %arg7[%dma_start3A_1414, %dma_start3A_1415] : memref<128x128xf32, #tpu.memory_space<vmem>> -> memref<128x128xf32, #tpu.memory_space<vmem>>
    tpu.enqueue_dma source(%dma_start3A_1416 : memref<128x128xf32, #tpu.memory_space<vmem>>) target(%dma_start3A_1413 : memref<128x128xf32, #tpu.memory_space<hbm>>) target_semaphore(%arg10 : memref<!tpu.dma_semaphore, #tpu.memory_space<semaphore_mem>>)
    %dma_wait3A_1417 = arith.constant 0 : i32
    %dma_wait3A_1418 = arith.constant 0 : i32
    %dma_wait3A_1419 = tpu.memref_slice %arg7[%dma_wait3A_1417, %dma_wait3A_1418] : memref<128x128xf32, #tpu.memory_space<vmem>> -> memref<128x128xf32, #tpu.memory_space<vmem>>
    %dma_wait3A_1420 = arith.constant 0 : i32
    %dma_wait3A_1421 = tpu.memref_slice %arg4[%add3A_1406, %dma_wait3A_1420] : memref<51200x128xf32, #tpu.memory_space<hbm>> -> memref<128x128xf32, #tpu.memory_space<hbm>>
    %dma_wait3A_1422 = arith.constant 0 : i32
    %dma_wait3A_1423 = tpu.memref_slice %arg4[%add3A_1406, %dma_wait3A_1422] : memref<51200x128xf32, #tpu.memory_space<hbm>> -> memref<128x128xf32, #tpu.memory_space<hbm>>
    %dma_wait3A_1424 = arith.constant 0 : i32
    %dma_wait3A_1425 = arith.constant 0 : i32
    %dma_wait3A_1426 = tpu.memref_slice %arg7[%dma_wait3A_1424, %dma_wait3A_1425] : memref<128x128xf32, #tpu.memory_space<vmem>> -> memref<128x128xf32, #tpu.memory_space<vmem>>
    tpu.wait_dma2 semaphore(%arg10 : memref<!tpu.dma_semaphore, #tpu.memory_space<semaphore_mem>>) src(%dma_wait3A_1426 : memref<128x128xf32, #tpu.memory_space<vmem>>) dst(%dma_wait3A_1423 : memref<128x128xf32, #tpu.memory_space<hbm>>)
    %dma_start3A_1427 = arith.constant 0 : i32
    %dma_start3A_1428 = arith.constant 0 : i32
    %dma_start3A_1429 = tpu.memref_slice %arg7[%dma_start3A_1427, %dma_start3A_1428] : memref<128x128xf32, #tpu.memory_space<vmem>> -> memref<128x128xf32, #tpu.memory_space<vmem>>
    %dma_start3A_1430 = arith.constant 1024 : i32
    %dma_start3A_1431 = tpu.memref_slice %arg6[%dma_start3A_1430] : memref<1664xi32, #tpu.memory_space<vmem>> -> memref<128xi32, #tpu.memory_space<vmem>>
    %dma_start3A_1432 = arith.constant 0 : i32
    %dma_start3A_1433 = arith.constant 0 : i32
    %dma_start3A_1434 = tpu.memref_slice %arg2[%dma_start3A_1432, %dma_start3A_1433] : memref<1024x128xf32, #tpu.memory_space<hbm>> -> memref<1024x128xf32, #tpu.memory_space<hbm>>
    tpu.enqueue_indirect_dma source(%dma_start3A_1434 : memref<1024x128xf32, #tpu.memory_space<hbm>>) target(%dma_start3A_1429 : memref<128x128xf32, #tpu.memory_space<vmem>>) offsets(%dma_start3A_1431 : memref<128xi32, #tpu.memory_space<vmem>>) semaphore(%arg9 : memref<!tpu.dma_semaphore, #tpu.memory_space<semaphore_mem>>)
    %dma_wait3A_1435 = arith.constant 0 : i32
    %dma_wait3A_1436 = arith.constant 0 : i32
    %dma_wait3A_1437 = tpu.memref_slice %arg8[%dma_wait3A_1435, %dma_wait3A_1436] : memref<128x128xf32, #tpu.memory_space<vmem>> -> memref<128x128xf32, #tpu.memory_space<vmem>>
    %dma_wait3A_1438 = arith.constant 896 : i32
    %dma_wait3A_1439 = tpu.memref_slice %arg6[%dma_wait3A_1438] : memref<1664xi32, #tpu.memory_space<vmem>> -> memref<128xi32, #tpu.memory_space<vmem>>
    %dma_wait3A_1440 = arith.constant 0 : i32
    %dma_wait3A_1441 = arith.constant 0 : i32
    %dma_wait3A_1442 = tpu.memref_slice %arg2[%dma_wait3A_1440, %dma_wait3A_1441] : memref<1024x128xf32, #tpu.memory_space<hbm>> -> memref<1024x128xf32, #tpu.memory_space<hbm>>
    tpu.wait_indirect_dma semaphore(%arg9 : memref<!tpu.dma_semaphore, #tpu.memory_space<semaphore_mem>>) src(%dma_wait3A_1442 : memref<1024x128xf32, #tpu.memory_space<hbm>>) dst(%dma_wait3A_1437 : memref<128x128xf32, #tpu.memory_space<vmem>>)
    %add3A_1443 = arith.constant 896 : i32
    %add3A_1444 = arith.addi %mul3A_4, %add3A_1443 : i32
    %dma_start3A_1445 = arith.constant 0 : i32
    %dma_start3A_1446 = arith.constant 0 : i32
    %dma_start3A_1447 = tpu.memref_slice %arg8[%dma_start3A_1445, %dma_start3A_1446] : memref<128x128xf32, #tpu.memory_space<vmem>> -> memref<128x128xf32, #tpu.memory_space<vmem>>
    %dma_start3A_1448 = arith.constant 0 : i32
    %dma_start3A_1449 = tpu.memref_slice %arg4[%add3A_1444, %dma_start3A_1448] : memref<51200x128xf32, #tpu.memory_space<hbm>> -> memref<128x128xf32, #tpu.memory_space<hbm>>
    %dma_start3A_1450 = arith.constant 0 : i32
    %dma_start3A_1451 = tpu.memref_slice %arg4[%add3A_1444, %dma_start3A_1450] : memref<51200x128xf32, #tpu.memory_space<hbm>> -> memref<128x128xf32, #tpu.memory_space<hbm>>
    %dma_start3A_1452 = arith.constant 0 : i32
    %dma_start3A_1453 = arith.constant 0 : i32
    %dma_start3A_1454 = tpu.memref_slice %arg8[%dma_start3A_1452, %dma_start3A_1453] : memref<128x128xf32, #tpu.memory_space<vmem>> -> memref<128x128xf32, #tpu.memory_space<vmem>>
    tpu.enqueue_dma source(%dma_start3A_1454 : memref<128x128xf32, #tpu.memory_space<vmem>>) target(%dma_start3A_1451 : memref<128x128xf32, #tpu.memory_space<hbm>>) target_semaphore(%arg10 : memref<!tpu.dma_semaphore, #tpu.memory_space<semaphore_mem>>)
    %dma_wait3A_1455 = arith.constant 0 : i32
    %dma_wait3A_1456 = arith.constant 0 : i32
    %dma_wait3A_1457 = tpu.memref_slice %arg8[%dma_wait3A_1455, %dma_wait3A_1456] : memref<128x128xf32, #tpu.memory_space<vmem>> -> memref<128x128xf32, #tpu.memory_space<vmem>>
    %dma_wait3A_1458 = arith.constant 0 : i32
    %dma_wait3A_1459 = tpu.memref_slice %arg4[%add3A_1444, %dma_wait3A_1458] : memref<51200x128xf32, #tpu.memory_space<hbm>> -> memref<128x128xf32, #tpu.memory_space<hbm>>
    %dma_wait3A_1460 = arith.constant 0 : i32
    %dma_wait3A_1461 = tpu.memref_slice %arg4[%add3A_1444, %dma_wait3A_1460] : memref<51200x128xf32, #tpu.memory_space<hbm>> -> memref<128x128xf32, #tpu.memory_space<hbm>>
    %dma_wait3A_1462 = arith.constant 0 : i32
    %dma_wait3A_1463 = arith.constant 0 : i32
    %dma_wait3A_1464 = tpu.memref_slice %arg8[%dma_wait3A_1462, %dma_wait3A_1463] : memref<128x128xf32, #tpu.memory_space<vmem>> -> memref<128x128xf32, #tpu.memory_space<vmem>>
    tpu.wait_dma2 semaphore(%arg10 : memref<!tpu.dma_semaphore, #tpu.memory_space<semaphore_mem>>) src(%dma_wait3A_1464 : memref<128x128xf32, #tpu.memory_space<vmem>>) dst(%dma_wait3A_1461 : memref<128x128xf32, #tpu.memory_space<hbm>>)
    %dma_start3A_1465 = arith.constant 0 : i32
    %dma_start3A_1466 = arith.constant 0 : i32
    %dma_start3A_1467 = tpu.memref_slice %arg8[%dma_start3A_1465, %dma_start3A_1466] : memref<128x128xf32, #tpu.memory_space<vmem>> -> memref<128x128xf32, #tpu.memory_space<vmem>>
    %dma_start3A_1468 = arith.constant 1152 : i32
    %dma_start3A_1469 = tpu.memref_slice %arg6[%dma_start3A_1468] : memref<1664xi32, #tpu.memory_space<vmem>> -> memref<128xi32, #tpu.memory_space<vmem>>
    %dma_start3A_1470 = arith.constant 0 : i32
    %dma_start3A_1471 = arith.constant 0 : i32
    %dma_start3A_1472 = tpu.memref_slice %arg2[%dma_start3A_1470, %dma_start3A_1471] : memref<1024x128xf32, #tpu.memory_space<hbm>> -> memref<1024x128xf32, #tpu.memory_space<hbm>>
    tpu.enqueue_indirect_dma source(%dma_start3A_1472 : memref<1024x128xf32, #tpu.memory_space<hbm>>) target(%dma_start3A_1467 : memref<128x128xf32, #tpu.memory_space<vmem>>) offsets(%dma_start3A_1469 : memref<128xi32, #tpu.memory_space<vmem>>) semaphore(%arg9 : memref<!tpu.dma_semaphore, #tpu.memory_space<semaphore_mem>>)
    %dma_wait3A_1473 = arith.constant 0 : i32
    %dma_wait3A_1474 = arith.constant 0 : i32
    %dma_wait3A_1475 = tpu.memref_slice %arg7[%dma_wait3A_1473, %dma_wait3A_1474] : memref<128x128xf32, #tpu.memory_space<vmem>> -> memref<128x128xf32, #tpu.memory_space<vmem>>
    %dma_wait3A_1476 = arith.constant 1024 : i32
    %dma_wait3A_1477 = tpu.memref_slice %arg6[%dma_wait3A_1476] : memref<1664xi32, #tpu.memory_space<vmem>> -> memref<128xi32, #tpu.memory_space<vmem>>
    %dma_wait3A_1478 = arith.constant 0 : i32
    %dma_wait3A_1479 = arith.constant 0 : i32
    %dma_wait3A_1480 = tpu.memref_slice %arg2[%dma_wait3A_1478, %dma_wait3A_1479] : memref<1024x128xf32, #tpu.memory_space<hbm>> -> memref<1024x128xf32, #tpu.memory_space<hbm>>
    tpu.wait_indirect_dma semaphore(%arg9 : memref<!tpu.dma_semaphore, #tpu.memory_space<semaphore_mem>>) src(%dma_wait3A_1480 : memref<1024x128xf32, #tpu.memory_space<hbm>>) dst(%dma_wait3A_1475 : memref<128x128xf32, #tpu.memory_space<vmem>>)
    %add3A_1481 = arith.constant 1024 : i32
    %add3A_1482 = arith.addi %mul3A_4, %add3A_1481 : i32
    %dma_start3A_1483 = arith.constant 0 : i32
    %dma_start3A_1484 = arith.constant 0 : i32
    %dma_start3A_1485 = tpu.memref_slice %arg7[%dma_start3A_1483, %dma_start3A_1484] : memref<128x128xf32, #tpu.memory_space<vmem>> -> memref<128x128xf32, #tpu.memory_space<vmem>>
    %dma_start3A_1486 = arith.constant 0 : i32
    %dma_start3A_1487 = tpu.memref_slice %arg4[%add3A_1482, %dma_start3A_1486] : memref<51200x128xf32, #tpu.memory_space<hbm>> -> memref<128x128xf32, #tpu.memory_space<hbm>>
    %dma_start3A_1488 = arith.constant 0 : i32
    %dma_start3A_1489 = tpu.memref_slice %arg4[%add3A_1482, %dma_start3A_1488] : memref<51200x128xf32, #tpu.memory_space<hbm>> -> memref<128x128xf32, #tpu.memory_space<hbm>>
    %dma_start3A_1490 = arith.constant 0 : i32
    %dma_start3A_1491 = arith.constant 0 : i32
    %dma_start3A_1492 = tpu.memref_slice %arg7[%dma_start3A_1490, %dma_start3A_1491] : memref<128x128xf32, #tpu.memory_space<vmem>> -> memref<128x128xf32, #tpu.memory_space<vmem>>
    tpu.enqueue_dma source(%dma_start3A_1492 : memref<128x128xf32, #tpu.memory_space<vmem>>) target(%dma_start3A_1489 : memref<128x128xf32, #tpu.memory_space<hbm>>) target_semaphore(%arg10 : memref<!tpu.dma_semaphore, #tpu.memory_space<semaphore_mem>>)
    %dma_wait3A_1493 = arith.constant 0 : i32
    %dma_wait3A_1494 = arith.constant 0 : i32
    %dma_wait3A_1495 = tpu.memref_slice %arg7[%dma_wait3A_1493, %dma_wait3A_1494] : memref<128x128xf32, #tpu.memory_space<vmem>> -> memref<128x128xf32, #tpu.memory_space<vmem>>
    %dma_wait3A_1496 = arith.constant 0 : i32
    %dma_wait3A_1497 = tpu.memref_slice %arg4[%add3A_1482, %dma_wait3A_1496] : memref<51200x128xf32, #tpu.memory_space<hbm>> -> memref<128x128xf32, #tpu.memory_space<hbm>>
    %dma_wait3A_1498 = arith.constant 0 : i32
    %dma_wait3A_1499 = tpu.memref_slice %arg4[%add3A_1482, %dma_wait3A_1498] : memref<51200x128xf32, #tpu.memory_space<hbm>> -> memref<128x128xf32, #tpu.memory_space<hbm>>
    %dma_wait3A_1500 = arith.constant 0 : i32
    %dma_wait3A_1501 = arith.constant 0 : i32
    %dma_wait3A_1502 = tpu.memref_slice %arg7[%dma_wait3A_1500, %dma_wait3A_1501] : memref<128x128xf32, #tpu.memory_space<vmem>> -> memref<128x128xf32, #tpu.memory_space<vmem>>
    tpu.wait_dma2 semaphore(%arg10 : memref<!tpu.dma_semaphore, #tpu.memory_space<semaphore_mem>>) src(%dma_wait3A_1502 : memref<128x128xf32, #tpu.memory_space<vmem>>) dst(%dma_wait3A_1499 : memref<128x128xf32, #tpu.memory_space<hbm>>)
    %dma_start3A_1503 = arith.constant 0 : i32
    %dma_start3A_1504 = arith.constant 0 : i32
    %dma_start3A_1505 = tpu.memref_slice %arg7[%dma_start3A_1503, %dma_start3A_1504] : memref<128x128xf32, #tpu.memory_space<vmem>> -> memref<128x128xf32, #tpu.memory_space<vmem>>
    %dma_start3A_1506 = arith.constant 1280 : i32
    %dma_start3A_1507 = tpu.memref_slice %arg6[%dma_start3A_1506] : memref<1664xi32, #tpu.memory_space<vmem>> -> memref<128xi32, #tpu.memory_space<vmem>>
    %dma_start3A_1508 = arith.constant 0 : i32
    %dma_start3A_1509 = arith.constant 0 : i32
    %dma_start3A_1510 = tpu.memref_slice %arg2[%dma_start3A_1508, %dma_start3A_1509] : memref<1024x128xf32, #tpu.memory_space<hbm>> -> memref<1024x128xf32, #tpu.memory_space<hbm>>
    tpu.enqueue_indirect_dma source(%dma_start3A_1510 : memref<1024x128xf32, #tpu.memory_space<hbm>>) target(%dma_start3A_1505 : memref<128x128xf32, #tpu.memory_space<vmem>>) offsets(%dma_start3A_1507 : memref<128xi32, #tpu.memory_space<vmem>>) semaphore(%arg9 : memref<!tpu.dma_semaphore, #tpu.memory_space<semaphore_mem>>)
    %dma_wait3A_1511 = arith.constant 0 : i32
    %dma_wait3A_1512 = arith.constant 0 : i32
    %dma_wait3A_1513 = tpu.memref_slice %arg8[%dma_wait3A_1511, %dma_wait3A_1512] : memref<128x128xf32, #tpu.memory_space<vmem>> -> memref<128x128xf32, #tpu.memory_space<vmem>>
    %dma_wait3A_1514 = arith.constant 1152 : i32
    %dma_wait3A_1515 = tpu.memref_slice %arg6[%dma_wait3A_1514] : memref<1664xi32, #tpu.memory_space<vmem>> -> memref<128xi32, #tpu.memory_space<vmem>>
    %dma_wait3A_1516 = arith.constant 0 : i32
    %dma_wait3A_1517 = arith.constant 0 : i32
    %dma_wait3A_1518 = tpu.memref_slice %arg2[%dma_wait3A_1516, %dma_wait3A_1517] : memref<1024x128xf32, #tpu.memory_space<hbm>> -> memref<1024x128xf32, #tpu.memory_space<hbm>>
    tpu.wait_indirect_dma semaphore(%arg9 : memref<!tpu.dma_semaphore, #tpu.memory_space<semaphore_mem>>) src(%dma_wait3A_1518 : memref<1024x128xf32, #tpu.memory_space<hbm>>) dst(%dma_wait3A_1513 : memref<128x128xf32, #tpu.memory_space<vmem>>)
    %add3A_1519 = arith.constant 1152 : i32
    %add3A_1520 = arith.addi %mul3A_4, %add3A_1519 : i32
    %dma_start3A_1521 = arith.constant 0 : i32
    %dma_start3A_1522 = arith.constant 0 : i32
    %dma_start3A_1523 = tpu.memref_slice %arg8[%dma_start3A_1521, %dma_start3A_1522] : memref<128x128xf32, #tpu.memory_space<vmem>> -> memref<128x128xf32, #tpu.memory_space<vmem>>
    %dma_start3A_1524 = arith.constant 0 : i32
    %dma_start3A_1525 = tpu.memref_slice %arg4[%add3A_1520, %dma_start3A_1524] : memref<51200x128xf32, #tpu.memory_space<hbm>> -> memref<128x128xf32, #tpu.memory_space<hbm>>
    %dma_start3A_1526 = arith.constant 0 : i32
    %dma_start3A_1527 = tpu.memref_slice %arg4[%add3A_1520, %dma_start3A_1526] : memref<51200x128xf32, #tpu.memory_space<hbm>> -> memref<128x128xf32, #tpu.memory_space<hbm>>
    %dma_start3A_1528 = arith.constant 0 : i32
    %dma_start3A_1529 = arith.constant 0 : i32
    %dma_start3A_1530 = tpu.memref_slice %arg8[%dma_start3A_1528, %dma_start3A_1529] : memref<128x128xf32, #tpu.memory_space<vmem>> -> memref<128x128xf32, #tpu.memory_space<vmem>>
    tpu.enqueue_dma source(%dma_start3A_1530 : memref<128x128xf32, #tpu.memory_space<vmem>>) target(%dma_start3A_1527 : memref<128x128xf32, #tpu.memory_space<hbm>>) target_semaphore(%arg10 : memref<!tpu.dma_semaphore, #tpu.memory_space<semaphore_mem>>)
    %dma_wait3A_1531 = arith.constant 0 : i32
    %dma_wait3A_1532 = arith.constant 0 : i32
    %dma_wait3A_1533 = tpu.memref_slice %arg8[%dma_wait3A_1531, %dma_wait3A_1532] : memref<128x128xf32, #tpu.memory_space<vmem>> -> memref<128x128xf32, #tpu.memory_space<vmem>>
    %dma_wait3A_1534 = arith.constant 0 : i32
    %dma_wait3A_1535 = tpu.memref_slice %arg4[%add3A_1520, %dma_wait3A_1534] : memref<51200x128xf32, #tpu.memory_space<hbm>> -> memref<128x128xf32, #tpu.memory_space<hbm>>
    %dma_wait3A_1536 = arith.constant 0 : i32
    %dma_wait3A_1537 = tpu.memref_slice %arg4[%add3A_1520, %dma_wait3A_1536] : memref<51200x128xf32, #tpu.memory_space<hbm>> -> memref<128x128xf32, #tpu.memory_space<hbm>>
    %dma_wait3A_1538 = arith.constant 0 : i32
    %dma_wait3A_1539 = arith.constant 0 : i32
    %dma_wait3A_1540 = tpu.memref_slice %arg8[%dma_wait3A_1538, %dma_wait3A_1539] : memref<128x128xf32, #tpu.memory_space<vmem>> -> memref<128x128xf32, #tpu.memory_space<vmem>>
    tpu.wait_dma2 semaphore(%arg10 : memref<!tpu.dma_semaphore, #tpu.memory_space<semaphore_mem>>) src(%dma_wait3A_1540 : memref<128x128xf32, #tpu.memory_space<vmem>>) dst(%dma_wait3A_1537 : memref<128x128xf32, #tpu.memory_space<hbm>>)
    %dma_start3A_1541 = arith.constant 0 : i32
    %dma_start3A_1542 = arith.constant 0 : i32
    %dma_start3A_1543 = tpu.memref_slice %arg8[%dma_start3A_1541, %dma_start3A_1542] : memref<128x128xf32, #tpu.memory_space<vmem>> -> memref<128x128xf32, #tpu.memory_space<vmem>>
    %dma_start3A_1544 = arith.constant 1408 : i32
    %dma_start3A_1545 = tpu.memref_slice %arg6[%dma_start3A_1544] : memref<1664xi32, #tpu.memory_space<vmem>> -> memref<128xi32, #tpu.memory_space<vmem>>
    %dma_start3A_1546 = arith.constant 0 : i32
    %dma_start3A_1547 = arith.constant 0 : i32
    %dma_start3A_1548 = tpu.memref_slice %arg2[%dma_start3A_1546, %dma_start3A_1547] : memref<1024x128xf32, #tpu.memory_space<hbm>> -> memref<1024x128xf32, #tpu.memory_space<hbm>>
    tpu.enqueue_indirect_dma source(%dma_start3A_1548 : memref<1024x128xf32, #tpu.memory_space<hbm>>) target(%dma_start3A_1543 : memref<128x128xf32, #tpu.memory_space<vmem>>) offsets(%dma_start3A_1545 : memref<128xi32, #tpu.memory_space<vmem>>) semaphore(%arg9 : memref<!tpu.dma_semaphore, #tpu.memory_space<semaphore_mem>>)
    %dma_wait3A_1549 = arith.constant 0 : i32
    %dma_wait3A_1550 = arith.constant 0 : i32
    %dma_wait3A_1551 = tpu.memref_slice %arg7[%dma_wait3A_1549, %dma_wait3A_1550] : memref<128x128xf32, #tpu.memory_space<vmem>> -> memref<128x128xf32, #tpu.memory_space<vmem>>
    %dma_wait3A_1552 = arith.constant 1280 : i32
    %dma_wait3A_1553 = tpu.memref_slice %arg6[%dma_wait3A_1552] : memref<1664xi32, #tpu.memory_space<vmem>> -> memref<128xi32, #tpu.memory_space<vmem>>
    %dma_wait3A_1554 = arith.constant 0 : i32
    %dma_wait3A_1555 = arith.constant 0 : i32
    %dma_wait3A_1556 = tpu.memref_slice %arg2[%dma_wait3A_1554, %dma_wait3A_1555] : memref<1024x128xf32, #tpu.memory_space<hbm>> -> memref<1024x128xf32, #tpu.memory_space<hbm>>
    tpu.wait_indirect_dma semaphore(%arg9 : memref<!tpu.dma_semaphore, #tpu.memory_space<semaphore_mem>>) src(%dma_wait3A_1556 : memref<1024x128xf32, #tpu.memory_space<hbm>>) dst(%dma_wait3A_1551 : memref<128x128xf32, #tpu.memory_space<vmem>>)
    %add3A_1557 = arith.constant 1280 : i32
    %add3A_1558 = arith.addi %mul3A_4, %add3A_1557 : i32
    %dma_start3A_1559 = arith.constant 0 : i32
    %dma_start3A_1560 = arith.constant 0 : i32
    %dma_start3A_1561 = tpu.memref_slice %arg7[%dma_start3A_1559, %dma_start3A_1560] : memref<128x128xf32, #tpu.memory_space<vmem>> -> memref<128x128xf32, #tpu.memory_space<vmem>>
    %dma_start3A_1562 = arith.constant 0 : i32
    %dma_start3A_1563 = tpu.memref_slice %arg4[%add3A_1558, %dma_start3A_1562] : memref<51200x128xf32, #tpu.memory_space<hbm>> -> memref<128x128xf32, #tpu.memory_space<hbm>>
    %dma_start3A_1564 = arith.constant 0 : i32
    %dma_start3A_1565 = tpu.memref_slice %arg4[%add3A_1558, %dma_start3A_1564] : memref<51200x128xf32, #tpu.memory_space<hbm>> -> memref<128x128xf32, #tpu.memory_space<hbm>>
    %dma_start3A_1566 = arith.constant 0 : i32
    %dma_start3A_1567 = arith.constant 0 : i32
    %dma_start3A_1568 = tpu.memref_slice %arg7[%dma_start3A_1566, %dma_start3A_1567] : memref<128x128xf32, #tpu.memory_space<vmem>> -> memref<128x128xf32, #tpu.memory_space<vmem>>
    tpu.enqueue_dma source(%dma_start3A_1568 : memref<128x128xf32, #tpu.memory_space<vmem>>) target(%dma_start3A_1565 : memref<128x128xf32, #tpu.memory_space<hbm>>) target_semaphore(%arg10 : memref<!tpu.dma_semaphore, #tpu.memory_space<semaphore_mem>>)
    %dma_wait3A_1569 = arith.constant 0 : i32
    %dma_wait3A_1570 = arith.constant 0 : i32
    %dma_wait3A_1571 = tpu.memref_slice %arg7[%dma_wait3A_1569, %dma_wait3A_1570] : memref<128x128xf32, #tpu.memory_space<vmem>> -> memref<128x128xf32, #tpu.memory_space<vmem>>
    %dma_wait3A_1572 = arith.constant 0 : i32
    %dma_wait3A_1573 = tpu.memref_slice %arg4[%add3A_1558, %dma_wait3A_1572] : memref<51200x128xf32, #tpu.memory_space<hbm>> -> memref<128x128xf32, #tpu.memory_space<hbm>>
    %dma_wait3A_1574 = arith.constant 0 : i32
    %dma_wait3A_1575 = tpu.memref_slice %arg4[%add3A_1558, %dma_wait3A_1574] : memref<51200x128xf32, #tpu.memory_space<hbm>> -> memref<128x128xf32, #tpu.memory_space<hbm>>
    %dma_wait3A_1576 = arith.constant 0 : i32
    %dma_wait3A_1577 = arith.constant 0 : i32
    %dma_wait3A_1578 = tpu.memref_slice %arg7[%dma_wait3A_1576, %dma_wait3A_1577] : memref<128x128xf32, #tpu.memory_space<vmem>> -> memref<128x128xf32, #tpu.memory_space<vmem>>
    tpu.wait_dma2 semaphore(%arg10 : memref<!tpu.dma_semaphore, #tpu.memory_space<semaphore_mem>>) src(%dma_wait3A_1578 : memref<128x128xf32, #tpu.memory_space<vmem>>) dst(%dma_wait3A_1575 : memref<128x128xf32, #tpu.memory_space<hbm>>)
    %dma_start3A_1579 = arith.constant 0 : i32
    %dma_start3A_1580 = arith.constant 0 : i32
    %dma_start3A_1581 = tpu.memref_slice %arg7[%dma_start3A_1579, %dma_start3A_1580] : memref<128x128xf32, #tpu.memory_space<vmem>> -> memref<64x128xf32, #tpu.memory_space<vmem>>
    %dma_start3A_1582 = arith.constant 1536 : i32
    %dma_start3A_1583 = tpu.memref_slice %arg6[%dma_start3A_1582] : memref<1664xi32, #tpu.memory_space<vmem>> -> memref<64xi32, #tpu.memory_space<vmem>>
    %dma_start3A_1584 = arith.constant 0 : i32
    %dma_start3A_1585 = arith.constant 0 : i32
    %dma_start3A_1586 = tpu.memref_slice %arg2[%dma_start3A_1584, %dma_start3A_1585] : memref<1024x128xf32, #tpu.memory_space<hbm>> -> memref<1024x128xf32, #tpu.memory_space<hbm>>
    tpu.enqueue_indirect_dma source(%dma_start3A_1586 : memref<1024x128xf32, #tpu.memory_space<hbm>>) target(%dma_start3A_1581 : memref<64x128xf32, #tpu.memory_space<vmem>>) offsets(%dma_start3A_1583 : memref<64xi32, #tpu.memory_space<vmem>>) semaphore(%arg9 : memref<!tpu.dma_semaphore, #tpu.memory_space<semaphore_mem>>)
    %dma_wait3A_1587 = arith.constant 0 : i32
    %dma_wait3A_1588 = arith.constant 0 : i32
    %dma_wait3A_1589 = tpu.memref_slice %arg8[%dma_wait3A_1587, %dma_wait3A_1588] : memref<128x128xf32, #tpu.memory_space<vmem>> -> memref<128x128xf32, #tpu.memory_space<vmem>>
    %dma_wait3A_1590 = arith.constant 1408 : i32
    %dma_wait3A_1591 = tpu.memref_slice %arg6[%dma_wait3A_1590] : memref<1664xi32, #tpu.memory_space<vmem>> -> memref<128xi32, #tpu.memory_space<vmem>>
    %dma_wait3A_1592 = arith.constant 0 : i32
    %dma_wait3A_1593 = arith.constant 0 : i32
    %dma_wait3A_1594 = tpu.memref_slice %arg2[%dma_wait3A_1592, %dma_wait3A_1593] : memref<1024x128xf32, #tpu.memory_space<hbm>> -> memref<1024x128xf32, #tpu.memory_space<hbm>>
    tpu.wait_indirect_dma semaphore(%arg9 : memref<!tpu.dma_semaphore, #tpu.memory_space<semaphore_mem>>) src(%dma_wait3A_1594 : memref<1024x128xf32, #tpu.memory_space<hbm>>) dst(%dma_wait3A_1589 : memref<128x128xf32, #tpu.memory_space<vmem>>)
    %add3A_1595 = arith.constant 1408 : i32
    %add3A_1596 = arith.addi %mul3A_4, %add3A_1595 : i32
    %dma_start3A_1597 = arith.constant 0 : i32
    %dma_start3A_1598 = arith.constant 0 : i32
    %dma_start3A_1599 = tpu.memref_slice %arg8[%dma_start3A_1597, %dma_start3A_1598] : memref<128x128xf32, #tpu.memory_space<vmem>> -> memref<128x128xf32, #tpu.memory_space<vmem>>
    %dma_start3A_1600 = arith.constant 0 : i32
    %dma_start3A_1601 = tpu.memref_slice %arg4[%add3A_1596, %dma_start3A_1600] : memref<51200x128xf32, #tpu.memory_space<hbm>> -> memref<128x128xf32, #tpu.memory_space<hbm>>
    %dma_start3A_1602 = arith.constant 0 : i32
    %dma_start3A_1603 = tpu.memref_slice %arg4[%add3A_1596, %dma_start3A_1602] : memref<51200x128xf32, #tpu.memory_space<hbm>> -> memref<128x128xf32, #tpu.memory_space<hbm>>
    %dma_start3A_1604 = arith.constant 0 : i32
    %dma_start3A_1605 = arith.constant 0 : i32
    %dma_start3A_1606 = tpu.memref_slice %arg8[%dma_start3A_1604, %dma_start3A_1605] : memref<128x128xf32, #tpu.memory_space<vmem>> -> memref<128x128xf32, #tpu.memory_space<vmem>>
    tpu.enqueue_dma source(%dma_start3A_1606 : memref<128x128xf32, #tpu.memory_space<vmem>>) target(%dma_start3A_1603 : memref<128x128xf32, #tpu.memory_space<hbm>>) target_semaphore(%arg10 : memref<!tpu.dma_semaphore, #tpu.memory_space<semaphore_mem>>)
    %dma_wait3A_1607 = arith.constant 0 : i32
    %dma_wait3A_1608 = arith.constant 0 : i32
    %dma_wait3A_1609 = tpu.memref_slice %arg7[%dma_wait3A_1607, %dma_wait3A_1608] : memref<128x128xf32, #tpu.memory_space<vmem>> -> memref<64x128xf32, #tpu.memory_space<vmem>>
    %dma_wait3A_1610 = arith.constant 1536 : i32
    %dma_wait3A_1611 = tpu.memref_slice %arg6[%dma_wait3A_1610] : memref<1664xi32, #tpu.memory_space<vmem>> -> memref<64xi32, #tpu.memory_space<vmem>>
    %dma_wait3A_1612 = arith.constant 0 : i32
    %dma_wait3A_1613 = arith.constant 0 : i32
    %dma_wait3A_1614 = tpu.memref_slice %arg2[%dma_wait3A_1612, %dma_wait3A_1613] : memref<1024x128xf32, #tpu.memory_space<hbm>> -> memref<1024x128xf32, #tpu.memory_space<hbm>>
    tpu.wait_indirect_dma semaphore(%arg9 : memref<!tpu.dma_semaphore, #tpu.memory_space<semaphore_mem>>) src(%dma_wait3A_1614 : memref<1024x128xf32, #tpu.memory_space<hbm>>) dst(%dma_wait3A_1609 : memref<64x128xf32, #tpu.memory_space<vmem>>)
    %add3A_1615 = arith.constant 1536 : i32
    %add3A_1616 = arith.addi %mul3A_4, %add3A_1615 : i32
    %dma_start3A_1617 = arith.constant 0 : i32
    %dma_start3A_1618 = arith.constant 0 : i32
    %dma_start3A_1619 = tpu.memref_slice %arg7[%dma_start3A_1617, %dma_start3A_1618] : memref<128x128xf32, #tpu.memory_space<vmem>> -> memref<64x128xf32, #tpu.memory_space<vmem>>
    %dma_start3A_1620 = arith.constant 0 : i32
    %dma_start3A_1621 = tpu.memref_slice %arg4[%add3A_1616, %dma_start3A_1620] : memref<51200x128xf32, #tpu.memory_space<hbm>> -> memref<64x128xf32, #tpu.memory_space<hbm>>
    %dma_start3A_1622 = arith.constant 0 : i32
    %dma_start3A_1623 = tpu.memref_slice %arg4[%add3A_1616, %dma_start3A_1622] : memref<51200x128xf32, #tpu.memory_space<hbm>> -> memref<64x128xf32, #tpu.memory_space<hbm>>
    %dma_start3A_1624 = arith.constant 0 : i32
    %dma_start3A_1625 = arith.constant 0 : i32
    %dma_start3A_1626 = tpu.memref_slice %arg7[%dma_start3A_1624, %dma_start3A_1625] : memref<128x128xf32, #tpu.memory_space<vmem>> -> memref<64x128xf32, #tpu.memory_space<vmem>>
    tpu.enqueue_dma source(%dma_start3A_1626 : memref<64x128xf32, #tpu.memory_space<vmem>>) target(%dma_start3A_1623 : memref<64x128xf32, #tpu.memory_space<hbm>>) target_semaphore(%arg10 : memref<!tpu.dma_semaphore, #tpu.memory_space<semaphore_mem>>)
    %dma_wait3A_1627 = arith.constant 0 : i32
    %dma_wait3A_1628 = arith.constant 0 : i32
    %dma_wait3A_1629 = tpu.memref_slice %arg8[%dma_wait3A_1627, %dma_wait3A_1628] : memref<128x128xf32, #tpu.memory_space<vmem>> -> memref<128x128xf32, #tpu.memory_space<vmem>>
    %dma_wait3A_1630 = arith.constant 0 : i32
    %dma_wait3A_1631 = tpu.memref_slice %arg4[%add3A_1596, %dma_wait3A_1630] : memref<51200x128xf32, #tpu.memory_space<hbm>> -> memref<128x128xf32, #tpu.memory_space<hbm>>
    %dma_wait3A_1632 = arith.constant 0 : i32
    %dma_wait3A_1633 = tpu.memref_slice %arg4[%add3A_1596, %dma_wait3A_1632] : memref<51200x128xf32, #tpu.memory_space<hbm>> -> memref<128x128xf32, #tpu.memory_space<hbm>>
    %dma_wait3A_1634 = arith.constant 0 : i32
    %dma_wait3A_1635 = arith.constant 0 : i32
    %dma_wait3A_1636 = tpu.memref_slice %arg8[%dma_wait3A_1634, %dma_wait3A_1635] : memref<128x128xf32, #tpu.memory_space<vmem>> -> memref<128x128xf32, #tpu.memory_space<vmem>>
    tpu.wait_dma2 semaphore(%arg10 : memref<!tpu.dma_semaphore, #tpu.memory_space<semaphore_mem>>) src(%dma_wait3A_1636 : memref<128x128xf32, #tpu.memory_space<vmem>>) dst(%dma_wait3A_1633 : memref<128x128xf32, #tpu.memory_space<hbm>>)
    %dma_wait3A_1637 = arith.constant 0 : i32
    %dma_wait3A_1638 = arith.constant 0 : i32
    %dma_wait3A_1639 = tpu.memref_slice %arg7[%dma_wait3A_1637, %dma_wait3A_1638] : memref<128x128xf32, #tpu.memory_space<vmem>> -> memref<64x128xf32, #tpu.memory_space<vmem>>
    %dma_wait3A_1640 = arith.constant 0 : i32
    %dma_wait3A_1641 = tpu.memref_slice %arg4[%add3A_1616, %dma_wait3A_1640] : memref<51200x128xf32, #tpu.memory_space<hbm>> -> memref<64x128xf32, #tpu.memory_space<hbm>>
    %dma_wait3A_1642 = arith.constant 0 : i32
    %dma_wait3A_1643 = tpu.memref_slice %arg4[%add3A_1616, %dma_wait3A_1642] : memref<51200x128xf32, #tpu.memory_space<hbm>> -> memref<64x128xf32, #tpu.memory_space<hbm>>
    %dma_wait3A_1644 = arith.constant 0 : i32
    %dma_wait3A_1645 = arith.constant 0 : i32
    %dma_wait3A_1646 = tpu.memref_slice %arg7[%dma_wait3A_1644, %dma_wait3A_1645] : memref<128x128xf32, #tpu.memory_space<vmem>> -> memref<64x128xf32, #tpu.memory_space<vmem>>
    tpu.wait_dma2 semaphore(%arg10 : memref<!tpu.dma_semaphore, #tpu.memory_space<semaphore_mem>>) src(%dma_wait3A_1646 : memref<64x128xf32, #tpu.memory_space<vmem>>) dst(%dma_wait3A_1643 : memref<64x128xf32, #tpu.memory_space<hbm>>)
    return
  }
}

module attributes {stable_mosaic.version = 14 : i64} {
  func.func @_table_body(%arg0: memref<8x1024xi32, #tpu.memory_space<vmem>>, %arg1: memref<8x1024xi32, #tpu.memory_space<vmem>>, %arg2: memref<8x1024xi32, #tpu.memory_space<vmem>>, %arg3: memref<8x1024xf32, #tpu.memory_space<vmem>>, %arg4: memref<8x1024xi32, #tpu.memory_space<vmem>>, %arg5: memref<8x1024xi32, #tpu.memory_space<vmem>>, %arg6: memref<32x64xf32, #tpu.memory_space<vmem>>, %arg7: memref<32x32xf32, #tpu.memory_space<vmem>>, %arg8: memref<32x16xf32, #tpu.memory_space<vmem>>, %arg9: memref<96x32xf32, #tpu.memory_space<vmem>>, %arg10: memref<32x3xf32, #tpu.memory_space<vmem>>, %arg11: memref<96x32xf32, #tpu.memory_space<vmem>>, %arg12: memref<32x3xf32, #tpu.memory_space<vmem>>, %arg13: memref<1024x50xi32, #tpu.memory_space<vmem>>, %arg14: memref<1024x128xf32, #tpu.memory_space<vmem>>, %arg15: memref<1024x128xi32, #tpu.memory_space<vmem>>) attributes {dimension_semantics = [], scalar_prefetch = 0 : i64, scratch_operands = 0 : i64, tpu.core_type = #tpu.core_type<tc>} {
    %get3A = arith.constant 0 : index
    %get3A_0 = arith.constant 0 : index
    %get3A_1 = vector.load %arg6[%get3A, %get3A_0] : memref<32x64xf32, #tpu.memory_space<vmem>>, vector<32x64xf32>
    %get3A_2 = arith.constant 0 : index
    %get3A_3 = arith.constant 0 : index
    %get3A_4 = vector.load %arg0[%get3A_2, %get3A_3] : memref<8x1024xi32, #tpu.memory_space<vmem>>, vector<1x1024xi32>
    %iota3A = tpu.iota {dimensions = array<i32: 0>} : vector<64x1024xi32>
    %eq3A = vector.broadcast %get3A_4 : vector<1x1024xi32> to vector<64x1024xi32>
    %eq3A_5 = arith.cmpi eq, %eq3A, %iota3A : vector<64x1024xi32>
    %convert_element_type3A = arith.extui %eq3A_5 : vector<64x1024xi1> to vector<64x1024xi32>
    %convert_element_type3A_6 = arith.sitofp %convert_element_type3A : vector<64x1024xi32> to vector<64x1024xf32>
    %dot_general3A = arith.constant dense<0.000000e+00> : vector<32x1024xf32>
    %dot_general3A_7 = tpu.matmul %get3A_1, %convert_element_type3A_6, %dot_general3A {dimension_numbers = #tpu.dot_dimension_numbers<[1], [0], [0], [1], [0, 0, 1, 1], [], []>, transpose_lhs_hint = false} : vector<32x64xf32>, vector<64x1024xf32>, vector<32x1024xf32> -> vector<32x1024xf32>
    %get3A_8 = arith.constant 0 : index
    %get3A_9 = arith.constant 0 : index
    %get3A_10 = vector.load %arg6[%get3A_8, %get3A_9] : memref<32x64xf32, #tpu.memory_space<vmem>>, vector<32x64xf32>
    %get3A_11 = arith.constant 1 : index
    %get3A_12 = arith.constant 0 : index
    %get3A_13 = vector.load %arg0[%get3A_11, %get3A_12] : memref<8x1024xi32, #tpu.memory_space<vmem>>, vector<1x1024xi32>
    %iota3A_14 = tpu.iota {dimensions = array<i32: 0>} : vector<64x1024xi32>
    %eq3A_15 = vector.broadcast %get3A_13 : vector<1x1024xi32> to vector<64x1024xi32>
    %eq3A_16 = arith.cmpi eq, %eq3A_15, %iota3A_14 : vector<64x1024xi32>
    %convert_element_type3A_17 = arith.extui %eq3A_16 : vector<64x1024xi1> to vector<64x1024xi32>
    %convert_element_type3A_18 = arith.sitofp %convert_element_type3A_17 : vector<64x1024xi32> to vector<64x1024xf32>
    %dot_general3A_19 = arith.constant dense<0.000000e+00> : vector<32x1024xf32>
    %dot_general3A_20 = tpu.matmul %get3A_10, %convert_element_type3A_18, %dot_general3A_19 {dimension_numbers = #tpu.dot_dimension_numbers<[1], [0], [0], [1], [0, 0, 1, 1], [], []>, transpose_lhs_hint = false} : vector<32x64xf32>, vector<64x1024xf32>, vector<32x1024xf32> -> vector<32x1024xf32>
    %get3A_21 = arith.constant 0 : index
    %get3A_22 = arith.constant 0 : index
    %get3A_23 = vector.load %arg6[%get3A_21, %get3A_22] : memref<32x64xf32, #tpu.memory_space<vmem>>, vector<32x64xf32>
    %get3A_24 = arith.constant 2 : index
    %get3A_25 = arith.constant 0 : index
    %get3A_26 = vector.load %arg0[%get3A_24, %get3A_25] : memref<8x1024xi32, #tpu.memory_space<vmem>>, vector<1x1024xi32>
    %iota3A_27 = tpu.iota {dimensions = array<i32: 0>} : vector<64x1024xi32>
    %eq3A_28 = vector.broadcast %get3A_26 : vector<1x1024xi32> to vector<64x1024xi32>
    %eq3A_29 = arith.cmpi eq, %eq3A_28, %iota3A_27 : vector<64x1024xi32>
    %convert_element_type3A_30 = arith.extui %eq3A_29 : vector<64x1024xi1> to vector<64x1024xi32>
    %convert_element_type3A_31 = arith.sitofp %convert_element_type3A_30 : vector<64x1024xi32> to vector<64x1024xf32>
    %dot_general3A_32 = arith.constant dense<0.000000e+00> : vector<32x1024xf32>
    %dot_general3A_33 = tpu.matmul %get3A_23, %convert_element_type3A_31, %dot_general3A_32 {dimension_numbers = #tpu.dot_dimension_numbers<[1], [0], [0], [1], [0, 0, 1, 1], [], []>, transpose_lhs_hint = false} : vector<32x64xf32>, vector<64x1024xf32>, vector<32x1024xf32> -> vector<32x1024xf32>
    %get3A_34 = arith.constant 0 : index
    %get3A_35 = arith.constant 0 : index
    %get3A_36 = vector.load %arg6[%get3A_34, %get3A_35] : memref<32x64xf32, #tpu.memory_space<vmem>>, vector<32x64xf32>
    %get3A_37 = arith.constant 3 : index
    %get3A_38 = arith.constant 0 : index
    %get3A_39 = vector.load %arg0[%get3A_37, %get3A_38] : memref<8x1024xi32, #tpu.memory_space<vmem>>, vector<1x1024xi32>
    %iota3A_40 = tpu.iota {dimensions = array<i32: 0>} : vector<64x1024xi32>
    %eq3A_41 = vector.broadcast %get3A_39 : vector<1x1024xi32> to vector<64x1024xi32>
    %eq3A_42 = arith.cmpi eq, %eq3A_41, %iota3A_40 : vector<64x1024xi32>
    %convert_element_type3A_43 = arith.extui %eq3A_42 : vector<64x1024xi1> to vector<64x1024xi32>
    %convert_element_type3A_44 = arith.sitofp %convert_element_type3A_43 : vector<64x1024xi32> to vector<64x1024xf32>
    %dot_general3A_45 = arith.constant dense<0.000000e+00> : vector<32x1024xf32>
    %dot_general3A_46 = tpu.matmul %get3A_36, %convert_element_type3A_44, %dot_general3A_45 {dimension_numbers = #tpu.dot_dimension_numbers<[1], [0], [0], [1], [0, 0, 1, 1], [], []>, transpose_lhs_hint = false} : vector<32x64xf32>, vector<64x1024xf32>, vector<32x1024xf32> -> vector<32x1024xf32>
    %get3A_47 = arith.constant 0 : index
    %get3A_48 = arith.constant 0 : index
    %get3A_49 = vector.load %arg6[%get3A_47, %get3A_48] : memref<32x64xf32, #tpu.memory_space<vmem>>, vector<32x64xf32>
    %get3A_50 = arith.constant 4 : index
    %get3A_51 = arith.constant 0 : index
    %get3A_52 = vector.load %arg0[%get3A_50, %get3A_51] : memref<8x1024xi32, #tpu.memory_space<vmem>>, vector<1x1024xi32>
    %iota3A_53 = tpu.iota {dimensions = array<i32: 0>} : vector<64x1024xi32>
    %eq3A_54 = vector.broadcast %get3A_52 : vector<1x1024xi32> to vector<64x1024xi32>
    %eq3A_55 = arith.cmpi eq, %eq3A_54, %iota3A_53 : vector<64x1024xi32>
    %convert_element_type3A_56 = arith.extui %eq3A_55 : vector<64x1024xi1> to vector<64x1024xi32>
    %convert_element_type3A_57 = arith.sitofp %convert_element_type3A_56 : vector<64x1024xi32> to vector<64x1024xf32>
    %dot_general3A_58 = arith.constant dense<0.000000e+00> : vector<32x1024xf32>
    %dot_general3A_59 = tpu.matmul %get3A_49, %convert_element_type3A_57, %dot_general3A_58 {dimension_numbers = #tpu.dot_dimension_numbers<[1], [0], [0], [1], [0, 0, 1, 1], [], []>, transpose_lhs_hint = false} : vector<32x64xf32>, vector<64x1024xf32>, vector<32x1024xf32> -> vector<32x1024xf32>
    %get3A_60 = arith.constant 0 : index
    %get3A_61 = arith.constant 0 : index
    %get3A_62 = vector.load %arg6[%get3A_60, %get3A_61] : memref<32x64xf32, #tpu.memory_space<vmem>>, vector<32x64xf32>
    %get3A_63 = arith.constant 5 : index
    %get3A_64 = arith.constant 0 : index
    %get3A_65 = vector.load %arg0[%get3A_63, %get3A_64] : memref<8x1024xi32, #tpu.memory_space<vmem>>, vector<1x1024xi32>
    %iota3A_66 = tpu.iota {dimensions = array<i32: 0>} : vector<64x1024xi32>
    %eq3A_67 = vector.broadcast %get3A_65 : vector<1x1024xi32> to vector<64x1024xi32>
    %eq3A_68 = arith.cmpi eq, %eq3A_67, %iota3A_66 : vector<64x1024xi32>
    %convert_element_type3A_69 = arith.extui %eq3A_68 : vector<64x1024xi1> to vector<64x1024xi32>
    %convert_element_type3A_70 = arith.sitofp %convert_element_type3A_69 : vector<64x1024xi32> to vector<64x1024xf32>
    %dot_general3A_71 = arith.constant dense<0.000000e+00> : vector<32x1024xf32>
    %dot_general3A_72 = tpu.matmul %get3A_62, %convert_element_type3A_70, %dot_general3A_71 {dimension_numbers = #tpu.dot_dimension_numbers<[1], [0], [0], [1], [0, 0, 1, 1], [], []>, transpose_lhs_hint = false} : vector<32x64xf32>, vector<64x1024xf32>, vector<32x1024xf32> -> vector<32x1024xf32>
    %get3A_73 = arith.constant 0 : index
    %get3A_74 = arith.constant 0 : index
    %get3A_75 = vector.load %arg6[%get3A_73, %get3A_74] : memref<32x64xf32, #tpu.memory_space<vmem>>, vector<32x64xf32>
    %get3A_76 = arith.constant 6 : index
    %get3A_77 = arith.constant 0 : index
    %get3A_78 = vector.load %arg0[%get3A_76, %get3A_77] : memref<8x1024xi32, #tpu.memory_space<vmem>>, vector<1x1024xi32>
    %iota3A_79 = tpu.iota {dimensions = array<i32: 0>} : vector<64x1024xi32>
    %eq3A_80 = vector.broadcast %get3A_78 : vector<1x1024xi32> to vector<64x1024xi32>
    %eq3A_81 = arith.cmpi eq, %eq3A_80, %iota3A_79 : vector<64x1024xi32>
    %convert_element_type3A_82 = arith.extui %eq3A_81 : vector<64x1024xi1> to vector<64x1024xi32>
    %convert_element_type3A_83 = arith.sitofp %convert_element_type3A_82 : vector<64x1024xi32> to vector<64x1024xf32>
    %dot_general3A_84 = arith.constant dense<0.000000e+00> : vector<32x1024xf32>
    %dot_general3A_85 = tpu.matmul %get3A_75, %convert_element_type3A_83, %dot_general3A_84 {dimension_numbers = #tpu.dot_dimension_numbers<[1], [0], [0], [1], [0, 0, 1, 1], [], []>, transpose_lhs_hint = false} : vector<32x64xf32>, vector<64x1024xf32>, vector<32x1024xf32> -> vector<32x1024xf32>
    %get3A_86 = arith.constant 0 : index
    %get3A_87 = arith.constant 0 : index
    %get3A_88 = vector.load %arg6[%get3A_86, %get3A_87] : memref<32x64xf32, #tpu.memory_space<vmem>>, vector<32x64xf32>
    %get3A_89 = arith.constant 7 : index
    %get3A_90 = arith.constant 0 : index
    %get3A_91 = vector.load %arg0[%get3A_89, %get3A_90] : memref<8x1024xi32, #tpu.memory_space<vmem>>, vector<1x1024xi32>
    %iota3A_92 = tpu.iota {dimensions = array<i32: 0>} : vector<64x1024xi32>
    %eq3A_93 = vector.broadcast %get3A_91 : vector<1x1024xi32> to vector<64x1024xi32>
    %eq3A_94 = arith.cmpi eq, %eq3A_93, %iota3A_92 : vector<64x1024xi32>
    %convert_element_type3A_95 = arith.extui %eq3A_94 : vector<64x1024xi1> to vector<64x1024xi32>
    %convert_element_type3A_96 = arith.sitofp %convert_element_type3A_95 : vector<64x1024xi32> to vector<64x1024xf32>
    %dot_general3A_97 = arith.constant dense<0.000000e+00> : vector<32x1024xf32>
    %dot_general3A_98 = tpu.matmul %get3A_88, %convert_element_type3A_96, %dot_general3A_97 {dimension_numbers = #tpu.dot_dimension_numbers<[1], [0], [0], [1], [0, 0, 1, 1], [], []>, transpose_lhs_hint = false} : vector<32x64xf32>, vector<64x1024xf32>, vector<32x1024xf32> -> vector<32x1024xf32>
    %get3A_99 = arith.constant 0 : index
    %get3A_100 = arith.constant 0 : index
    %get3A_101 = vector.load %arg7[%get3A_99, %get3A_100] : memref<32x32xf32, #tpu.memory_space<vmem>>, vector<32x32xf32>
    %get3A_102 = arith.constant 0 : index
    %get3A_103 = arith.constant 0 : index
    %get3A_104 = vector.load %arg1[%get3A_102, %get3A_103] : memref<8x1024xi32, #tpu.memory_space<vmem>>, vector<1x1024xi32>
    %iota3A_105 = tpu.iota {dimensions = array<i32: 0>} : vector<32x1024xi32>
    %eq3A_106 = vector.broadcast %get3A_104 : vector<1x1024xi32> to vector<32x1024xi32>
    %eq3A_107 = arith.cmpi eq, %eq3A_106, %iota3A_105 : vector<32x1024xi32>
    %convert_element_type3A_108 = arith.extui %eq3A_107 : vector<32x1024xi1> to vector<32x1024xi32>
    %convert_element_type3A_109 = arith.sitofp %convert_element_type3A_108 : vector<32x1024xi32> to vector<32x1024xf32>
    %dot_general3A_110 = arith.constant dense<0.000000e+00> : vector<32x1024xf32>
    %dot_general3A_111 = tpu.matmul %get3A_101, %convert_element_type3A_109, %dot_general3A_110 {dimension_numbers = #tpu.dot_dimension_numbers<[1], [0], [0], [1], [0, 0, 1, 1], [], []>, transpose_lhs_hint = false} : vector<32x32xf32>, vector<32x1024xf32>, vector<32x1024xf32> -> vector<32x1024xf32>
    %get3A_112 = arith.constant 0 : index
    %get3A_113 = arith.constant 0 : index
    %get3A_114 = vector.load %arg8[%get3A_112, %get3A_113] : memref<32x16xf32, #tpu.memory_space<vmem>>, vector<32x16xf32>
    %get3A_115 = arith.constant 0 : index
    %get3A_116 = arith.constant 0 : index
    %get3A_117 = vector.load %arg2[%get3A_115, %get3A_116] : memref<8x1024xi32, #tpu.memory_space<vmem>>, vector<1x1024xi32>
    %iota3A_118 = tpu.iota {dimensions = array<i32: 0>} : vector<16x1024xi32>
    %eq3A_119 = vector.broadcast %get3A_117 : vector<1x1024xi32> to vector<16x1024xi32>
    %eq3A_120 = arith.cmpi eq, %eq3A_119, %iota3A_118 : vector<16x1024xi32>
    %convert_element_type3A_121 = arith.extui %eq3A_120 : vector<16x1024xi1> to vector<16x1024xi32>
    %convert_element_type3A_122 = arith.sitofp %convert_element_type3A_121 : vector<16x1024xi32> to vector<16x1024xf32>
    %dot_general3A_123 = arith.constant dense<0.000000e+00> : vector<32x1024xf32>
    %dot_general3A_124 = tpu.matmul %get3A_114, %convert_element_type3A_122, %dot_general3A_123 {dimension_numbers = #tpu.dot_dimension_numbers<[1], [0], [0], [1], [0, 0, 1, 1], [], []>, transpose_lhs_hint = false} : vector<32x16xf32>, vector<16x1024xf32>, vector<32x1024xf32> -> vector<32x1024xf32>
    %get3A_125 = arith.constant 0 : index
    %get3A_126 = arith.constant 0 : index
    %get3A_127 = vector.load %arg3[%get3A_125, %get3A_126] : memref<8x1024xf32, #tpu.memory_space<vmem>>, vector<1x1024xf32>
    %mul3A = vector.broadcast %get3A_127 : vector<1x1024xf32> to vector<32x1024xf32>
    %mul3A_128 = arith.mulf %mul3A, %dot_general3A_124 : vector<32x1024xf32>
    %add3A = arith.addf %dot_general3A_111, %mul3A_128 : vector<32x1024xf32>
    %get3A_129 = arith.constant 0 : index
    %get3A_130 = arith.constant 0 : index
    %get3A_131 = vector.load %arg7[%get3A_129, %get3A_130] : memref<32x32xf32, #tpu.memory_space<vmem>>, vector<32x32xf32>
    %get3A_132 = arith.constant 1 : index
    %get3A_133 = arith.constant 0 : index
    %get3A_134 = vector.load %arg1[%get3A_132, %get3A_133] : memref<8x1024xi32, #tpu.memory_space<vmem>>, vector<1x1024xi32>
    %iota3A_135 = tpu.iota {dimensions = array<i32: 0>} : vector<32x1024xi32>
    %eq3A_136 = vector.broadcast %get3A_134 : vector<1x1024xi32> to vector<32x1024xi32>
    %eq3A_137 = arith.cmpi eq, %eq3A_136, %iota3A_135 : vector<32x1024xi32>
    %convert_element_type3A_138 = arith.extui %eq3A_137 : vector<32x1024xi1> to vector<32x1024xi32>
    %convert_element_type3A_139 = arith.sitofp %convert_element_type3A_138 : vector<32x1024xi32> to vector<32x1024xf32>
    %dot_general3A_140 = arith.constant dense<0.000000e+00> : vector<32x1024xf32>
    %dot_general3A_141 = tpu.matmul %get3A_131, %convert_element_type3A_139, %dot_general3A_140 {dimension_numbers = #tpu.dot_dimension_numbers<[1], [0], [0], [1], [0, 0, 1, 1], [], []>, transpose_lhs_hint = false} : vector<32x32xf32>, vector<32x1024xf32>, vector<32x1024xf32> -> vector<32x1024xf32>
    %get3A_142 = arith.constant 0 : index
    %get3A_143 = arith.constant 0 : index
    %get3A_144 = vector.load %arg8[%get3A_142, %get3A_143] : memref<32x16xf32, #tpu.memory_space<vmem>>, vector<32x16xf32>
    %get3A_145 = arith.constant 1 : index
    %get3A_146 = arith.constant 0 : index
    %get3A_147 = vector.load %arg2[%get3A_145, %get3A_146] : memref<8x1024xi32, #tpu.memory_space<vmem>>, vector<1x1024xi32>
    %iota3A_148 = tpu.iota {dimensions = array<i32: 0>} : vector<16x1024xi32>
    %eq3A_149 = vector.broadcast %get3A_147 : vector<1x1024xi32> to vector<16x1024xi32>
    %eq3A_150 = arith.cmpi eq, %eq3A_149, %iota3A_148 : vector<16x1024xi32>
    %convert_element_type3A_151 = arith.extui %eq3A_150 : vector<16x1024xi1> to vector<16x1024xi32>
    %convert_element_type3A_152 = arith.sitofp %convert_element_type3A_151 : vector<16x1024xi32> to vector<16x1024xf32>
    %dot_general3A_153 = arith.constant dense<0.000000e+00> : vector<32x1024xf32>
    %dot_general3A_154 = tpu.matmul %get3A_144, %convert_element_type3A_152, %dot_general3A_153 {dimension_numbers = #tpu.dot_dimension_numbers<[1], [0], [0], [1], [0, 0, 1, 1], [], []>, transpose_lhs_hint = false} : vector<32x16xf32>, vector<16x1024xf32>, vector<32x1024xf32> -> vector<32x1024xf32>
    %get3A_155 = arith.constant 1 : index
    %get3A_156 = arith.constant 0 : index
    %get3A_157 = vector.load %arg3[%get3A_155, %get3A_156] : memref<8x1024xf32, #tpu.memory_space<vmem>>, vector<1x1024xf32>
    %mul3A_158 = vector.broadcast %get3A_157 : vector<1x1024xf32> to vector<32x1024xf32>
    %mul3A_159 = arith.mulf %mul3A_158, %dot_general3A_154 : vector<32x1024xf32>
    %add3A_160 = arith.addf %dot_general3A_141, %mul3A_159 : vector<32x1024xf32>
    %get3A_161 = arith.constant 0 : index
    %get3A_162 = arith.constant 0 : index
    %get3A_163 = vector.load %arg7[%get3A_161, %get3A_162] : memref<32x32xf32, #tpu.memory_space<vmem>>, vector<32x32xf32>
    %get3A_164 = arith.constant 2 : index
    %get3A_165 = arith.constant 0 : index
    %get3A_166 = vector.load %arg1[%get3A_164, %get3A_165] : memref<8x1024xi32, #tpu.memory_space<vmem>>, vector<1x1024xi32>
    %iota3A_167 = tpu.iota {dimensions = array<i32: 0>} : vector<32x1024xi32>
    %eq3A_168 = vector.broadcast %get3A_166 : vector<1x1024xi32> to vector<32x1024xi32>
    %eq3A_169 = arith.cmpi eq, %eq3A_168, %iota3A_167 : vector<32x1024xi32>
    %convert_element_type3A_170 = arith.extui %eq3A_169 : vector<32x1024xi1> to vector<32x1024xi32>
    %convert_element_type3A_171 = arith.sitofp %convert_element_type3A_170 : vector<32x1024xi32> to vector<32x1024xf32>
    %dot_general3A_172 = arith.constant dense<0.000000e+00> : vector<32x1024xf32>
    %dot_general3A_173 = tpu.matmul %get3A_163, %convert_element_type3A_171, %dot_general3A_172 {dimension_numbers = #tpu.dot_dimension_numbers<[1], [0], [0], [1], [0, 0, 1, 1], [], []>, transpose_lhs_hint = false} : vector<32x32xf32>, vector<32x1024xf32>, vector<32x1024xf32> -> vector<32x1024xf32>
    %get3A_174 = arith.constant 0 : index
    %get3A_175 = arith.constant 0 : index
    %get3A_176 = vector.load %arg8[%get3A_174, %get3A_175] : memref<32x16xf32, #tpu.memory_space<vmem>>, vector<32x16xf32>
    %get3A_177 = arith.constant 2 : index
    %get3A_178 = arith.constant 0 : index
    %get3A_179 = vector.load %arg2[%get3A_177, %get3A_178] : memref<8x1024xi32, #tpu.memory_space<vmem>>, vector<1x1024xi32>
    %iota3A_180 = tpu.iota {dimensions = array<i32: 0>} : vector<16x1024xi32>
    %eq3A_181 = vector.broadcast %get3A_179 : vector<1x1024xi32> to vector<16x1024xi32>
    %eq3A_182 = arith.cmpi eq, %eq3A_181, %iota3A_180 : vector<16x1024xi32>
    %convert_element_type3A_183 = arith.extui %eq3A_182 : vector<16x1024xi1> to vector<16x1024xi32>
    %convert_element_type3A_184 = arith.sitofp %convert_element_type3A_183 : vector<16x1024xi32> to vector<16x1024xf32>
    %dot_general3A_185 = arith.constant dense<0.000000e+00> : vector<32x1024xf32>
    %dot_general3A_186 = tpu.matmul %get3A_176, %convert_element_type3A_184, %dot_general3A_185 {dimension_numbers = #tpu.dot_dimension_numbers<[1], [0], [0], [1], [0, 0, 1, 1], [], []>, transpose_lhs_hint = false} : vector<32x16xf32>, vector<16x1024xf32>, vector<32x1024xf32> -> vector<32x1024xf32>
    %get3A_187 = arith.constant 2 : index
    %get3A_188 = arith.constant 0 : index
    %get3A_189 = vector.load %arg3[%get3A_187, %get3A_188] : memref<8x1024xf32, #tpu.memory_space<vmem>>, vector<1x1024xf32>
    %mul3A_190 = vector.broadcast %get3A_189 : vector<1x1024xf32> to vector<32x1024xf32>
    %mul3A_191 = arith.mulf %mul3A_190, %dot_general3A_186 : vector<32x1024xf32>
    %add3A_192 = arith.addf %dot_general3A_173, %mul3A_191 : vector<32x1024xf32>
    %get3A_193 = arith.constant 0 : index
    %get3A_194 = arith.constant 0 : index
    %get3A_195 = vector.load %arg7[%get3A_193, %get3A_194] : memref<32x32xf32, #tpu.memory_space<vmem>>, vector<32x32xf32>
    %get3A_196 = arith.constant 3 : index
    %get3A_197 = arith.constant 0 : index
    %get3A_198 = vector.load %arg1[%get3A_196, %get3A_197] : memref<8x1024xi32, #tpu.memory_space<vmem>>, vector<1x1024xi32>
    %iota3A_199 = tpu.iota {dimensions = array<i32: 0>} : vector<32x1024xi32>
    %eq3A_200 = vector.broadcast %get3A_198 : vector<1x1024xi32> to vector<32x1024xi32>
    %eq3A_201 = arith.cmpi eq, %eq3A_200, %iota3A_199 : vector<32x1024xi32>
    %convert_element_type3A_202 = arith.extui %eq3A_201 : vector<32x1024xi1> to vector<32x1024xi32>
    %convert_element_type3A_203 = arith.sitofp %convert_element_type3A_202 : vector<32x1024xi32> to vector<32x1024xf32>
    %dot_general3A_204 = arith.constant dense<0.000000e+00> : vector<32x1024xf32>
    %dot_general3A_205 = tpu.matmul %get3A_195, %convert_element_type3A_203, %dot_general3A_204 {dimension_numbers = #tpu.dot_dimension_numbers<[1], [0], [0], [1], [0, 0, 1, 1], [], []>, transpose_lhs_hint = false} : vector<32x32xf32>, vector<32x1024xf32>, vector<32x1024xf32> -> vector<32x1024xf32>
    %get3A_206 = arith.constant 0 : index
    %get3A_207 = arith.constant 0 : index
    %get3A_208 = vector.load %arg8[%get3A_206, %get3A_207] : memref<32x16xf32, #tpu.memory_space<vmem>>, vector<32x16xf32>
    %get3A_209 = arith.constant 3 : index
    %get3A_210 = arith.constant 0 : index
    %get3A_211 = vector.load %arg2[%get3A_209, %get3A_210] : memref<8x1024xi32, #tpu.memory_space<vmem>>, vector<1x1024xi32>
    %iota3A_212 = tpu.iota {dimensions = array<i32: 0>} : vector<16x1024xi32>
    %eq3A_213 = vector.broadcast %get3A_211 : vector<1x1024xi32> to vector<16x1024xi32>
    %eq3A_214 = arith.cmpi eq, %eq3A_213, %iota3A_212 : vector<16x1024xi32>
    %convert_element_type3A_215 = arith.extui %eq3A_214 : vector<16x1024xi1> to vector<16x1024xi32>
    %convert_element_type3A_216 = arith.sitofp %convert_element_type3A_215 : vector<16x1024xi32> to vector<16x1024xf32>
    %dot_general3A_217 = arith.constant dense<0.000000e+00> : vector<32x1024xf32>
    %dot_general3A_218 = tpu.matmul %get3A_208, %convert_element_type3A_216, %dot_general3A_217 {dimension_numbers = #tpu.dot_dimension_numbers<[1], [0], [0], [1], [0, 0, 1, 1], [], []>, transpose_lhs_hint = false} : vector<32x16xf32>, vector<16x1024xf32>, vector<32x1024xf32> -> vector<32x1024xf32>
    %get3A_219 = arith.constant 3 : index
    %get3A_220 = arith.constant 0 : index
    %get3A_221 = vector.load %arg3[%get3A_219, %get3A_220] : memref<8x1024xf32, #tpu.memory_space<vmem>>, vector<1x1024xf32>
    %mul3A_222 = vector.broadcast %get3A_221 : vector<1x1024xf32> to vector<32x1024xf32>
    %mul3A_223 = arith.mulf %mul3A_222, %dot_general3A_218 : vector<32x1024xf32>
    %add3A_224 = arith.addf %dot_general3A_205, %mul3A_223 : vector<32x1024xf32>
    %get3A_225 = arith.constant 0 : index
    %get3A_226 = arith.constant 0 : index
    %get3A_227 = vector.load %arg7[%get3A_225, %get3A_226] : memref<32x32xf32, #tpu.memory_space<vmem>>, vector<32x32xf32>
    %get3A_228 = arith.constant 4 : index
    %get3A_229 = arith.constant 0 : index
    %get3A_230 = vector.load %arg1[%get3A_228, %get3A_229] : memref<8x1024xi32, #tpu.memory_space<vmem>>, vector<1x1024xi32>
    %iota3A_231 = tpu.iota {dimensions = array<i32: 0>} : vector<32x1024xi32>
    %eq3A_232 = vector.broadcast %get3A_230 : vector<1x1024xi32> to vector<32x1024xi32>
    %eq3A_233 = arith.cmpi eq, %eq3A_232, %iota3A_231 : vector<32x1024xi32>
    %convert_element_type3A_234 = arith.extui %eq3A_233 : vector<32x1024xi1> to vector<32x1024xi32>
    %convert_element_type3A_235 = arith.sitofp %convert_element_type3A_234 : vector<32x1024xi32> to vector<32x1024xf32>
    %dot_general3A_236 = arith.constant dense<0.000000e+00> : vector<32x1024xf32>
    %dot_general3A_237 = tpu.matmul %get3A_227, %convert_element_type3A_235, %dot_general3A_236 {dimension_numbers = #tpu.dot_dimension_numbers<[1], [0], [0], [1], [0, 0, 1, 1], [], []>, transpose_lhs_hint = false} : vector<32x32xf32>, vector<32x1024xf32>, vector<32x1024xf32> -> vector<32x1024xf32>
    %get3A_238 = arith.constant 0 : index
    %get3A_239 = arith.constant 0 : index
    %get3A_240 = vector.load %arg8[%get3A_238, %get3A_239] : memref<32x16xf32, #tpu.memory_space<vmem>>, vector<32x16xf32>
    %get3A_241 = arith.constant 4 : index
    %get3A_242 = arith.constant 0 : index
    %get3A_243 = vector.load %arg2[%get3A_241, %get3A_242] : memref<8x1024xi32, #tpu.memory_space<vmem>>, vector<1x1024xi32>
    %iota3A_244 = tpu.iota {dimensions = array<i32: 0>} : vector<16x1024xi32>
    %eq3A_245 = vector.broadcast %get3A_243 : vector<1x1024xi32> to vector<16x1024xi32>
    %eq3A_246 = arith.cmpi eq, %eq3A_245, %iota3A_244 : vector<16x1024xi32>
    %convert_element_type3A_247 = arith.extui %eq3A_246 : vector<16x1024xi1> to vector<16x1024xi32>
    %convert_element_type3A_248 = arith.sitofp %convert_element_type3A_247 : vector<16x1024xi32> to vector<16x1024xf32>
    %dot_general3A_249 = arith.constant dense<0.000000e+00> : vector<32x1024xf32>
    %dot_general3A_250 = tpu.matmul %get3A_240, %convert_element_type3A_248, %dot_general3A_249 {dimension_numbers = #tpu.dot_dimension_numbers<[1], [0], [0], [1], [0, 0, 1, 1], [], []>, transpose_lhs_hint = false} : vector<32x16xf32>, vector<16x1024xf32>, vector<32x1024xf32> -> vector<32x1024xf32>
    %get3A_251 = arith.constant 4 : index
    %get3A_252 = arith.constant 0 : index
    %get3A_253 = vector.load %arg3[%get3A_251, %get3A_252] : memref<8x1024xf32, #tpu.memory_space<vmem>>, vector<1x1024xf32>
    %mul3A_254 = vector.broadcast %get3A_253 : vector<1x1024xf32> to vector<32x1024xf32>
    %mul3A_255 = arith.mulf %mul3A_254, %dot_general3A_250 : vector<32x1024xf32>
    %add3A_256 = arith.addf %dot_general3A_237, %mul3A_255 : vector<32x1024xf32>
    %get3A_257 = arith.constant 0 : index
    %get3A_258 = arith.constant 0 : index
    %get3A_259 = vector.load %arg7[%get3A_257, %get3A_258] : memref<32x32xf32, #tpu.memory_space<vmem>>, vector<32x32xf32>
    %get3A_260 = arith.constant 5 : index
    %get3A_261 = arith.constant 0 : index
    %get3A_262 = vector.load %arg1[%get3A_260, %get3A_261] : memref<8x1024xi32, #tpu.memory_space<vmem>>, vector<1x1024xi32>
    %iota3A_263 = tpu.iota {dimensions = array<i32: 0>} : vector<32x1024xi32>
    %eq3A_264 = vector.broadcast %get3A_262 : vector<1x1024xi32> to vector<32x1024xi32>
    %eq3A_265 = arith.cmpi eq, %eq3A_264, %iota3A_263 : vector<32x1024xi32>
    %convert_element_type3A_266 = arith.extui %eq3A_265 : vector<32x1024xi1> to vector<32x1024xi32>
    %convert_element_type3A_267 = arith.sitofp %convert_element_type3A_266 : vector<32x1024xi32> to vector<32x1024xf32>
    %dot_general3A_268 = arith.constant dense<0.000000e+00> : vector<32x1024xf32>
    %dot_general3A_269 = tpu.matmul %get3A_259, %convert_element_type3A_267, %dot_general3A_268 {dimension_numbers = #tpu.dot_dimension_numbers<[1], [0], [0], [1], [0, 0, 1, 1], [], []>, transpose_lhs_hint = false} : vector<32x32xf32>, vector<32x1024xf32>, vector<32x1024xf32> -> vector<32x1024xf32>
    %get3A_270 = arith.constant 0 : index
    %get3A_271 = arith.constant 0 : index
    %get3A_272 = vector.load %arg8[%get3A_270, %get3A_271] : memref<32x16xf32, #tpu.memory_space<vmem>>, vector<32x16xf32>
    %get3A_273 = arith.constant 5 : index
    %get3A_274 = arith.constant 0 : index
    %get3A_275 = vector.load %arg2[%get3A_273, %get3A_274] : memref<8x1024xi32, #tpu.memory_space<vmem>>, vector<1x1024xi32>
    %iota3A_276 = tpu.iota {dimensions = array<i32: 0>} : vector<16x1024xi32>
    %eq3A_277 = vector.broadcast %get3A_275 : vector<1x1024xi32> to vector<16x1024xi32>
    %eq3A_278 = arith.cmpi eq, %eq3A_277, %iota3A_276 : vector<16x1024xi32>
    %convert_element_type3A_279 = arith.extui %eq3A_278 : vector<16x1024xi1> to vector<16x1024xi32>
    %convert_element_type3A_280 = arith.sitofp %convert_element_type3A_279 : vector<16x1024xi32> to vector<16x1024xf32>
    %dot_general3A_281 = arith.constant dense<0.000000e+00> : vector<32x1024xf32>
    %dot_general3A_282 = tpu.matmul %get3A_272, %convert_element_type3A_280, %dot_general3A_281 {dimension_numbers = #tpu.dot_dimension_numbers<[1], [0], [0], [1], [0, 0, 1, 1], [], []>, transpose_lhs_hint = false} : vector<32x16xf32>, vector<16x1024xf32>, vector<32x1024xf32> -> vector<32x1024xf32>
    %get3A_283 = arith.constant 5 : index
    %get3A_284 = arith.constant 0 : index
    %get3A_285 = vector.load %arg3[%get3A_283, %get3A_284] : memref<8x1024xf32, #tpu.memory_space<vmem>>, vector<1x1024xf32>
    %mul3A_286 = vector.broadcast %get3A_285 : vector<1x1024xf32> to vector<32x1024xf32>
    %mul3A_287 = arith.mulf %mul3A_286, %dot_general3A_282 : vector<32x1024xf32>
    %add3A_288 = arith.addf %dot_general3A_269, %mul3A_287 : vector<32x1024xf32>
    %get3A_289 = arith.constant 0 : index
    %get3A_290 = arith.constant 0 : index
    %get3A_291 = vector.load %arg7[%get3A_289, %get3A_290] : memref<32x32xf32, #tpu.memory_space<vmem>>, vector<32x32xf32>
    %get3A_292 = arith.constant 6 : index
    %get3A_293 = arith.constant 0 : index
    %get3A_294 = vector.load %arg1[%get3A_292, %get3A_293] : memref<8x1024xi32, #tpu.memory_space<vmem>>, vector<1x1024xi32>
    %iota3A_295 = tpu.iota {dimensions = array<i32: 0>} : vector<32x1024xi32>
    %eq3A_296 = vector.broadcast %get3A_294 : vector<1x1024xi32> to vector<32x1024xi32>
    %eq3A_297 = arith.cmpi eq, %eq3A_296, %iota3A_295 : vector<32x1024xi32>
    %convert_element_type3A_298 = arith.extui %eq3A_297 : vector<32x1024xi1> to vector<32x1024xi32>
    %convert_element_type3A_299 = arith.sitofp %convert_element_type3A_298 : vector<32x1024xi32> to vector<32x1024xf32>
    %dot_general3A_300 = arith.constant dense<0.000000e+00> : vector<32x1024xf32>
    %dot_general3A_301 = tpu.matmul %get3A_291, %convert_element_type3A_299, %dot_general3A_300 {dimension_numbers = #tpu.dot_dimension_numbers<[1], [0], [0], [1], [0, 0, 1, 1], [], []>, transpose_lhs_hint = false} : vector<32x32xf32>, vector<32x1024xf32>, vector<32x1024xf32> -> vector<32x1024xf32>
    %get3A_302 = arith.constant 0 : index
    %get3A_303 = arith.constant 0 : index
    %get3A_304 = vector.load %arg8[%get3A_302, %get3A_303] : memref<32x16xf32, #tpu.memory_space<vmem>>, vector<32x16xf32>
    %get3A_305 = arith.constant 6 : index
    %get3A_306 = arith.constant 0 : index
    %get3A_307 = vector.load %arg2[%get3A_305, %get3A_306] : memref<8x1024xi32, #tpu.memory_space<vmem>>, vector<1x1024xi32>
    %iota3A_308 = tpu.iota {dimensions = array<i32: 0>} : vector<16x1024xi32>
    %eq3A_309 = vector.broadcast %get3A_307 : vector<1x1024xi32> to vector<16x1024xi32>
    %eq3A_310 = arith.cmpi eq, %eq3A_309, %iota3A_308 : vector<16x1024xi32>
    %convert_element_type3A_311 = arith.extui %eq3A_310 : vector<16x1024xi1> to vector<16x1024xi32>
    %convert_element_type3A_312 = arith.sitofp %convert_element_type3A_311 : vector<16x1024xi32> to vector<16x1024xf32>
    %dot_general3A_313 = arith.constant dense<0.000000e+00> : vector<32x1024xf32>
    %dot_general3A_314 = tpu.matmul %get3A_304, %convert_element_type3A_312, %dot_general3A_313 {dimension_numbers = #tpu.dot_dimension_numbers<[1], [0], [0], [1], [0, 0, 1, 1], [], []>, transpose_lhs_hint = false} : vector<32x16xf32>, vector<16x1024xf32>, vector<32x1024xf32> -> vector<32x1024xf32>
    %get3A_315 = arith.constant 6 : index
    %get3A_316 = arith.constant 0 : index
    %get3A_317 = vector.load %arg3[%get3A_315, %get3A_316] : memref<8x1024xf32, #tpu.memory_space<vmem>>, vector<1x1024xf32>
    %mul3A_318 = vector.broadcast %get3A_317 : vector<1x1024xf32> to vector<32x1024xf32>
    %mul3A_319 = arith.mulf %mul3A_318, %dot_general3A_314 : vector<32x1024xf32>
    %add3A_320 = arith.addf %dot_general3A_301, %mul3A_319 : vector<32x1024xf32>
    %get3A_321 = arith.constant 0 : index
    %get3A_322 = arith.constant 0 : index
    %get3A_323 = vector.load %arg7[%get3A_321, %get3A_322] : memref<32x32xf32, #tpu.memory_space<vmem>>, vector<32x32xf32>
    %get3A_324 = arith.constant 7 : index
    %get3A_325 = arith.constant 0 : index
    %get3A_326 = vector.load %arg1[%get3A_324, %get3A_325] : memref<8x1024xi32, #tpu.memory_space<vmem>>, vector<1x1024xi32>
    %iota3A_327 = tpu.iota {dimensions = array<i32: 0>} : vector<32x1024xi32>
    %eq3A_328 = vector.broadcast %get3A_326 : vector<1x1024xi32> to vector<32x1024xi32>
    %eq3A_329 = arith.cmpi eq, %eq3A_328, %iota3A_327 : vector<32x1024xi32>
    %convert_element_type3A_330 = arith.extui %eq3A_329 : vector<32x1024xi1> to vector<32x1024xi32>
    %convert_element_type3A_331 = arith.sitofp %convert_element_type3A_330 : vector<32x1024xi32> to vector<32x1024xf32>
    %dot_general3A_332 = arith.constant dense<0.000000e+00> : vector<32x1024xf32>
    %dot_general3A_333 = tpu.matmul %get3A_323, %convert_element_type3A_331, %dot_general3A_332 {dimension_numbers = #tpu.dot_dimension_numbers<[1], [0], [0], [1], [0, 0, 1, 1], [], []>, transpose_lhs_hint = false} : vector<32x32xf32>, vector<32x1024xf32>, vector<32x1024xf32> -> vector<32x1024xf32>
    %get3A_334 = arith.constant 0 : index
    %get3A_335 = arith.constant 0 : index
    %get3A_336 = vector.load %arg8[%get3A_334, %get3A_335] : memref<32x16xf32, #tpu.memory_space<vmem>>, vector<32x16xf32>
    %get3A_337 = arith.constant 7 : index
    %get3A_338 = arith.constant 0 : index
    %get3A_339 = vector.load %arg2[%get3A_337, %get3A_338] : memref<8x1024xi32, #tpu.memory_space<vmem>>, vector<1x1024xi32>
    %iota3A_340 = tpu.iota {dimensions = array<i32: 0>} : vector<16x1024xi32>
    %eq3A_341 = vector.broadcast %get3A_339 : vector<1x1024xi32> to vector<16x1024xi32>
    %eq3A_342 = arith.cmpi eq, %eq3A_341, %iota3A_340 : vector<16x1024xi32>
    %convert_element_type3A_343 = arith.extui %eq3A_342 : vector<16x1024xi1> to vector<16x1024xi32>
    %convert_element_type3A_344 = arith.sitofp %convert_element_type3A_343 : vector<16x1024xi32> to vector<16x1024xf32>
    %dot_general3A_345 = arith.constant dense<0.000000e+00> : vector<32x1024xf32>
    %dot_general3A_346 = tpu.matmul %get3A_336, %convert_element_type3A_344, %dot_general3A_345 {dimension_numbers = #tpu.dot_dimension_numbers<[1], [0], [0], [1], [0, 0, 1, 1], [], []>, transpose_lhs_hint = false} : vector<32x16xf32>, vector<16x1024xf32>, vector<32x1024xf32> -> vector<32x1024xf32>
    %get3A_347 = arith.constant 7 : index
    %get3A_348 = arith.constant 0 : index
    %get3A_349 = vector.load %arg3[%get3A_347, %get3A_348] : memref<8x1024xf32, #tpu.memory_space<vmem>>, vector<1x1024xf32>
    %mul3A_350 = vector.broadcast %get3A_349 : vector<1x1024xf32> to vector<32x1024xf32>
    %mul3A_351 = arith.mulf %mul3A_350, %dot_general3A_346 : vector<32x1024xf32>
    %add3A_352 = arith.addf %dot_general3A_333, %mul3A_351 : vector<32x1024xf32>
    %get3A_353 = arith.constant 0 : index
    %get3A_354 = arith.constant 0 : index
    %get3A_355 = vector.load %arg4[%get3A_353, %get3A_354] : memref<8x1024xi32, #tpu.memory_space<vmem>>, vector<1x1024xi32>
    %get3A_356 = arith.constant 0 : index
    %get3A_357 = arith.constant 0 : index
    %get3A_358 = vector.load %arg5[%get3A_356, %get3A_357] : memref<8x1024xi32, #tpu.memory_space<vmem>>, vector<1x1024xi32>
    %eq3A_359 = arith.constant 0 : i32
    %eq3A_360 = vector.broadcast %eq3A_359 : i32 to vector<1x1024xi32>
    %eq3A_361 = arith.cmpi eq, %get3A_355, %eq3A_360 : vector<1x1024xi32>
    %convert_element_type3A_362 = arith.extui %eq3A_361 : vector<1x1024xi1> to vector<1x1024xi32>
    %convert_element_type3A_363 = arith.sitofp %convert_element_type3A_362 : vector<1x1024xi32> to vector<1x1024xf32>
    %eq3A_364 = arith.constant 0 : i32
    %eq3A_365 = vector.broadcast %eq3A_364 : i32 to vector<1x1024xi32>
    %eq3A_366 = arith.cmpi eq, %get3A_358, %eq3A_365 : vector<1x1024xi32>
    %convert_element_type3A_367 = arith.extui %eq3A_366 : vector<1x1024xi1> to vector<1x1024xi32>
    %convert_element_type3A_368 = arith.sitofp %convert_element_type3A_367 : vector<1x1024xi32> to vector<1x1024xf32>
    %add3A_369 = arith.addf %convert_element_type3A_363, %convert_element_type3A_368 : vector<1x1024xf32>
    %eq3A_370 = arith.constant 1 : i32
    %eq3A_371 = vector.broadcast %eq3A_370 : i32 to vector<1x1024xi32>
    %eq3A_372 = arith.cmpi eq, %get3A_355, %eq3A_371 : vector<1x1024xi32>
    %convert_element_type3A_373 = arith.extui %eq3A_372 : vector<1x1024xi1> to vector<1x1024xi32>
    %convert_element_type3A_374 = arith.sitofp %convert_element_type3A_373 : vector<1x1024xi32> to vector<1x1024xf32>
    %eq3A_375 = arith.constant 1 : i32
    %eq3A_376 = vector.broadcast %eq3A_375 : i32 to vector<1x1024xi32>
    %eq3A_377 = arith.cmpi eq, %get3A_358, %eq3A_376 : vector<1x1024xi32>
    %convert_element_type3A_378 = arith.extui %eq3A_377 : vector<1x1024xi1> to vector<1x1024xi32>
    %convert_element_type3A_379 = arith.sitofp %convert_element_type3A_378 : vector<1x1024xi32> to vector<1x1024xf32>
    %add3A_380 = arith.addf %convert_element_type3A_374, %convert_element_type3A_379 : vector<1x1024xf32>
    %eq3A_381 = arith.constant 2 : i32
    %eq3A_382 = vector.broadcast %eq3A_381 : i32 to vector<1x1024xi32>
    %eq3A_383 = arith.cmpi eq, %get3A_355, %eq3A_382 : vector<1x1024xi32>
    %convert_element_type3A_384 = arith.extui %eq3A_383 : vector<1x1024xi1> to vector<1x1024xi32>
    %convert_element_type3A_385 = arith.sitofp %convert_element_type3A_384 : vector<1x1024xi32> to vector<1x1024xf32>
    %eq3A_386 = arith.constant 2 : i32
    %eq3A_387 = vector.broadcast %eq3A_386 : i32 to vector<1x1024xi32>
    %eq3A_388 = arith.cmpi eq, %get3A_358, %eq3A_387 : vector<1x1024xi32>
    %convert_element_type3A_389 = arith.extui %eq3A_388 : vector<1x1024xi1> to vector<1x1024xi32>
    %convert_element_type3A_390 = arith.sitofp %convert_element_type3A_389 : vector<1x1024xi32> to vector<1x1024xf32>
    %add3A_391 = arith.addf %convert_element_type3A_385, %convert_element_type3A_390 : vector<1x1024xf32>
    %eq3A_392 = arith.constant 3 : i32
    %eq3A_393 = vector.broadcast %eq3A_392 : i32 to vector<1x1024xi32>
    %eq3A_394 = arith.cmpi eq, %get3A_355, %eq3A_393 : vector<1x1024xi32>
    %convert_element_type3A_395 = arith.extui %eq3A_394 : vector<1x1024xi1> to vector<1x1024xi32>
    %convert_element_type3A_396 = arith.sitofp %convert_element_type3A_395 : vector<1x1024xi32> to vector<1x1024xf32>
    %eq3A_397 = arith.constant 3 : i32
    %eq3A_398 = vector.broadcast %eq3A_397 : i32 to vector<1x1024xi32>
    %eq3A_399 = arith.cmpi eq, %get3A_358, %eq3A_398 : vector<1x1024xi32>
    %convert_element_type3A_400 = arith.extui %eq3A_399 : vector<1x1024xi1> to vector<1x1024xi32>
    %convert_element_type3A_401 = arith.sitofp %convert_element_type3A_400 : vector<1x1024xi32> to vector<1x1024xf32>
    %add3A_402 = arith.addf %convert_element_type3A_396, %convert_element_type3A_401 : vector<1x1024xf32>
    %eq3A_403 = arith.constant 4 : i32
    %eq3A_404 = vector.broadcast %eq3A_403 : i32 to vector<1x1024xi32>
    %eq3A_405 = arith.cmpi eq, %get3A_355, %eq3A_404 : vector<1x1024xi32>
    %convert_element_type3A_406 = arith.extui %eq3A_405 : vector<1x1024xi1> to vector<1x1024xi32>
    %convert_element_type3A_407 = arith.sitofp %convert_element_type3A_406 : vector<1x1024xi32> to vector<1x1024xf32>
    %eq3A_408 = arith.constant 4 : i32
    %eq3A_409 = vector.broadcast %eq3A_408 : i32 to vector<1x1024xi32>
    %eq3A_410 = arith.cmpi eq, %get3A_358, %eq3A_409 : vector<1x1024xi32>
    %convert_element_type3A_411 = arith.extui %eq3A_410 : vector<1x1024xi1> to vector<1x1024xi32>
    %convert_element_type3A_412 = arith.sitofp %convert_element_type3A_411 : vector<1x1024xi32> to vector<1x1024xf32>
    %add3A_413 = arith.addf %convert_element_type3A_407, %convert_element_type3A_412 : vector<1x1024xf32>
    %eq3A_414 = arith.constant 5 : i32
    %eq3A_415 = vector.broadcast %eq3A_414 : i32 to vector<1x1024xi32>
    %eq3A_416 = arith.cmpi eq, %get3A_355, %eq3A_415 : vector<1x1024xi32>
    %convert_element_type3A_417 = arith.extui %eq3A_416 : vector<1x1024xi1> to vector<1x1024xi32>
    %convert_element_type3A_418 = arith.sitofp %convert_element_type3A_417 : vector<1x1024xi32> to vector<1x1024xf32>
    %eq3A_419 = arith.constant 5 : i32
    %eq3A_420 = vector.broadcast %eq3A_419 : i32 to vector<1x1024xi32>
    %eq3A_421 = arith.cmpi eq, %get3A_358, %eq3A_420 : vector<1x1024xi32>
    %convert_element_type3A_422 = arith.extui %eq3A_421 : vector<1x1024xi1> to vector<1x1024xi32>
    %convert_element_type3A_423 = arith.sitofp %convert_element_type3A_422 : vector<1x1024xi32> to vector<1x1024xf32>
    %add3A_424 = arith.addf %convert_element_type3A_418, %convert_element_type3A_423 : vector<1x1024xf32>
    %eq3A_425 = arith.constant 6 : i32
    %eq3A_426 = vector.broadcast %eq3A_425 : i32 to vector<1x1024xi32>
    %eq3A_427 = arith.cmpi eq, %get3A_355, %eq3A_426 : vector<1x1024xi32>
    %convert_element_type3A_428 = arith.extui %eq3A_427 : vector<1x1024xi1> to vector<1x1024xi32>
    %convert_element_type3A_429 = arith.sitofp %convert_element_type3A_428 : vector<1x1024xi32> to vector<1x1024xf32>
    %eq3A_430 = arith.constant 6 : i32
    %eq3A_431 = vector.broadcast %eq3A_430 : i32 to vector<1x1024xi32>
    %eq3A_432 = arith.cmpi eq, %get3A_358, %eq3A_431 : vector<1x1024xi32>
    %convert_element_type3A_433 = arith.extui %eq3A_432 : vector<1x1024xi1> to vector<1x1024xi32>
    %convert_element_type3A_434 = arith.sitofp %convert_element_type3A_433 : vector<1x1024xi32> to vector<1x1024xf32>
    %add3A_435 = arith.addf %convert_element_type3A_429, %convert_element_type3A_434 : vector<1x1024xf32>
    %eq3A_436 = arith.constant 7 : i32
    %eq3A_437 = vector.broadcast %eq3A_436 : i32 to vector<1x1024xi32>
    %eq3A_438 = arith.cmpi eq, %get3A_355, %eq3A_437 : vector<1x1024xi32>
    %convert_element_type3A_439 = arith.extui %eq3A_438 : vector<1x1024xi1> to vector<1x1024xi32>
    %convert_element_type3A_440 = arith.sitofp %convert_element_type3A_439 : vector<1x1024xi32> to vector<1x1024xf32>
    %eq3A_441 = arith.constant 7 : i32
    %eq3A_442 = vector.broadcast %eq3A_441 : i32 to vector<1x1024xi32>
    %eq3A_443 = arith.cmpi eq, %get3A_358, %eq3A_442 : vector<1x1024xi32>
    %convert_element_type3A_444 = arith.extui %eq3A_443 : vector<1x1024xi1> to vector<1x1024xi32>
    %convert_element_type3A_445 = arith.sitofp %convert_element_type3A_444 : vector<1x1024xi32> to vector<1x1024xf32>
    %add3A_446 = arith.addf %convert_element_type3A_440, %convert_element_type3A_445 : vector<1x1024xf32>
    %get3A_447 = arith.constant 1 : index
    %get3A_448 = arith.constant 0 : index
    %get3A_449 = vector.load %arg4[%get3A_447, %get3A_448] : memref<8x1024xi32, #tpu.memory_space<vmem>>, vector<1x1024xi32>
    %get3A_450 = arith.constant 1 : index
    %get3A_451 = arith.constant 0 : index
    %get3A_452 = vector.load %arg5[%get3A_450, %get3A_451] : memref<8x1024xi32, #tpu.memory_space<vmem>>, vector<1x1024xi32>
    %eq3A_453 = arith.constant 0 : i32
    %eq3A_454 = vector.broadcast %eq3A_453 : i32 to vector<1x1024xi32>
    %eq3A_455 = arith.cmpi eq, %get3A_449, %eq3A_454 : vector<1x1024xi32>
    %convert_element_type3A_456 = arith.extui %eq3A_455 : vector<1x1024xi1> to vector<1x1024xi32>
    %convert_element_type3A_457 = arith.sitofp %convert_element_type3A_456 : vector<1x1024xi32> to vector<1x1024xf32>
    %eq3A_458 = arith.constant 0 : i32
    %eq3A_459 = vector.broadcast %eq3A_458 : i32 to vector<1x1024xi32>
    %eq3A_460 = arith.cmpi eq, %get3A_452, %eq3A_459 : vector<1x1024xi32>
    %convert_element_type3A_461 = arith.extui %eq3A_460 : vector<1x1024xi1> to vector<1x1024xi32>
    %convert_element_type3A_462 = arith.sitofp %convert_element_type3A_461 : vector<1x1024xi32> to vector<1x1024xf32>
    %add3A_463 = arith.addf %convert_element_type3A_457, %convert_element_type3A_462 : vector<1x1024xf32>
    %eq3A_464 = arith.constant 1 : i32
    %eq3A_465 = vector.broadcast %eq3A_464 : i32 to vector<1x1024xi32>
    %eq3A_466 = arith.cmpi eq, %get3A_449, %eq3A_465 : vector<1x1024xi32>
    %convert_element_type3A_467 = arith.extui %eq3A_466 : vector<1x1024xi1> to vector<1x1024xi32>
    %convert_element_type3A_468 = arith.sitofp %convert_element_type3A_467 : vector<1x1024xi32> to vector<1x1024xf32>
    %eq3A_469 = arith.constant 1 : i32
    %eq3A_470 = vector.broadcast %eq3A_469 : i32 to vector<1x1024xi32>
    %eq3A_471 = arith.cmpi eq, %get3A_452, %eq3A_470 : vector<1x1024xi32>
    %convert_element_type3A_472 = arith.extui %eq3A_471 : vector<1x1024xi1> to vector<1x1024xi32>
    %convert_element_type3A_473 = arith.sitofp %convert_element_type3A_472 : vector<1x1024xi32> to vector<1x1024xf32>
    %add3A_474 = arith.addf %convert_element_type3A_468, %convert_element_type3A_473 : vector<1x1024xf32>
    %eq3A_475 = arith.constant 2 : i32
    %eq3A_476 = vector.broadcast %eq3A_475 : i32 to vector<1x1024xi32>
    %eq3A_477 = arith.cmpi eq, %get3A_449, %eq3A_476 : vector<1x1024xi32>
    %convert_element_type3A_478 = arith.extui %eq3A_477 : vector<1x1024xi1> to vector<1x1024xi32>
    %convert_element_type3A_479 = arith.sitofp %convert_element_type3A_478 : vector<1x1024xi32> to vector<1x1024xf32>
    %eq3A_480 = arith.constant 2 : i32
    %eq3A_481 = vector.broadcast %eq3A_480 : i32 to vector<1x1024xi32>
    %eq3A_482 = arith.cmpi eq, %get3A_452, %eq3A_481 : vector<1x1024xi32>
    %convert_element_type3A_483 = arith.extui %eq3A_482 : vector<1x1024xi1> to vector<1x1024xi32>
    %convert_element_type3A_484 = arith.sitofp %convert_element_type3A_483 : vector<1x1024xi32> to vector<1x1024xf32>
    %add3A_485 = arith.addf %convert_element_type3A_479, %convert_element_type3A_484 : vector<1x1024xf32>
    %eq3A_486 = arith.constant 3 : i32
    %eq3A_487 = vector.broadcast %eq3A_486 : i32 to vector<1x1024xi32>
    %eq3A_488 = arith.cmpi eq, %get3A_449, %eq3A_487 : vector<1x1024xi32>
    %convert_element_type3A_489 = arith.extui %eq3A_488 : vector<1x1024xi1> to vector<1x1024xi32>
    %convert_element_type3A_490 = arith.sitofp %convert_element_type3A_489 : vector<1x1024xi32> to vector<1x1024xf32>
    %eq3A_491 = arith.constant 3 : i32
    %eq3A_492 = vector.broadcast %eq3A_491 : i32 to vector<1x1024xi32>
    %eq3A_493 = arith.cmpi eq, %get3A_452, %eq3A_492 : vector<1x1024xi32>
    %convert_element_type3A_494 = arith.extui %eq3A_493 : vector<1x1024xi1> to vector<1x1024xi32>
    %convert_element_type3A_495 = arith.sitofp %convert_element_type3A_494 : vector<1x1024xi32> to vector<1x1024xf32>
    %add3A_496 = arith.addf %convert_element_type3A_490, %convert_element_type3A_495 : vector<1x1024xf32>
    %eq3A_497 = arith.constant 4 : i32
    %eq3A_498 = vector.broadcast %eq3A_497 : i32 to vector<1x1024xi32>
    %eq3A_499 = arith.cmpi eq, %get3A_449, %eq3A_498 : vector<1x1024xi32>
    %convert_element_type3A_500 = arith.extui %eq3A_499 : vector<1x1024xi1> to vector<1x1024xi32>
    %convert_element_type3A_501 = arith.sitofp %convert_element_type3A_500 : vector<1x1024xi32> to vector<1x1024xf32>
    %eq3A_502 = arith.constant 4 : i32
    %eq3A_503 = vector.broadcast %eq3A_502 : i32 to vector<1x1024xi32>
    %eq3A_504 = arith.cmpi eq, %get3A_452, %eq3A_503 : vector<1x1024xi32>
    %convert_element_type3A_505 = arith.extui %eq3A_504 : vector<1x1024xi1> to vector<1x1024xi32>
    %convert_element_type3A_506 = arith.sitofp %convert_element_type3A_505 : vector<1x1024xi32> to vector<1x1024xf32>
    %add3A_507 = arith.addf %convert_element_type3A_501, %convert_element_type3A_506 : vector<1x1024xf32>
    %eq3A_508 = arith.constant 5 : i32
    %eq3A_509 = vector.broadcast %eq3A_508 : i32 to vector<1x1024xi32>
    %eq3A_510 = arith.cmpi eq, %get3A_449, %eq3A_509 : vector<1x1024xi32>
    %convert_element_type3A_511 = arith.extui %eq3A_510 : vector<1x1024xi1> to vector<1x1024xi32>
    %convert_element_type3A_512 = arith.sitofp %convert_element_type3A_511 : vector<1x1024xi32> to vector<1x1024xf32>
    %eq3A_513 = arith.constant 5 : i32
    %eq3A_514 = vector.broadcast %eq3A_513 : i32 to vector<1x1024xi32>
    %eq3A_515 = arith.cmpi eq, %get3A_452, %eq3A_514 : vector<1x1024xi32>
    %convert_element_type3A_516 = arith.extui %eq3A_515 : vector<1x1024xi1> to vector<1x1024xi32>
    %convert_element_type3A_517 = arith.sitofp %convert_element_type3A_516 : vector<1x1024xi32> to vector<1x1024xf32>
    %add3A_518 = arith.addf %convert_element_type3A_512, %convert_element_type3A_517 : vector<1x1024xf32>
    %eq3A_519 = arith.constant 6 : i32
    %eq3A_520 = vector.broadcast %eq3A_519 : i32 to vector<1x1024xi32>
    %eq3A_521 = arith.cmpi eq, %get3A_449, %eq3A_520 : vector<1x1024xi32>
    %convert_element_type3A_522 = arith.extui %eq3A_521 : vector<1x1024xi1> to vector<1x1024xi32>
    %convert_element_type3A_523 = arith.sitofp %convert_element_type3A_522 : vector<1x1024xi32> to vector<1x1024xf32>
    %eq3A_524 = arith.constant 6 : i32
    %eq3A_525 = vector.broadcast %eq3A_524 : i32 to vector<1x1024xi32>
    %eq3A_526 = arith.cmpi eq, %get3A_452, %eq3A_525 : vector<1x1024xi32>
    %convert_element_type3A_527 = arith.extui %eq3A_526 : vector<1x1024xi1> to vector<1x1024xi32>
    %convert_element_type3A_528 = arith.sitofp %convert_element_type3A_527 : vector<1x1024xi32> to vector<1x1024xf32>
    %add3A_529 = arith.addf %convert_element_type3A_523, %convert_element_type3A_528 : vector<1x1024xf32>
    %eq3A_530 = arith.constant 7 : i32
    %eq3A_531 = vector.broadcast %eq3A_530 : i32 to vector<1x1024xi32>
    %eq3A_532 = arith.cmpi eq, %get3A_449, %eq3A_531 : vector<1x1024xi32>
    %convert_element_type3A_533 = arith.extui %eq3A_532 : vector<1x1024xi1> to vector<1x1024xi32>
    %convert_element_type3A_534 = arith.sitofp %convert_element_type3A_533 : vector<1x1024xi32> to vector<1x1024xf32>
    %eq3A_535 = arith.constant 7 : i32
    %eq3A_536 = vector.broadcast %eq3A_535 : i32 to vector<1x1024xi32>
    %eq3A_537 = arith.cmpi eq, %get3A_452, %eq3A_536 : vector<1x1024xi32>
    %convert_element_type3A_538 = arith.extui %eq3A_537 : vector<1x1024xi1> to vector<1x1024xi32>
    %convert_element_type3A_539 = arith.sitofp %convert_element_type3A_538 : vector<1x1024xi32> to vector<1x1024xf32>
    %add3A_540 = arith.addf %convert_element_type3A_534, %convert_element_type3A_539 : vector<1x1024xf32>
    %get3A_541 = arith.constant 2 : index
    %get3A_542 = arith.constant 0 : index
    %get3A_543 = vector.load %arg4[%get3A_541, %get3A_542] : memref<8x1024xi32, #tpu.memory_space<vmem>>, vector<1x1024xi32>
    %get3A_544 = arith.constant 2 : index
    %get3A_545 = arith.constant 0 : index
    %get3A_546 = vector.load %arg5[%get3A_544, %get3A_545] : memref<8x1024xi32, #tpu.memory_space<vmem>>, vector<1x1024xi32>
    %eq3A_547 = arith.constant 0 : i32
    %eq3A_548 = vector.broadcast %eq3A_547 : i32 to vector<1x1024xi32>
    %eq3A_549 = arith.cmpi eq, %get3A_543, %eq3A_548 : vector<1x1024xi32>
    %convert_element_type3A_550 = arith.extui %eq3A_549 : vector<1x1024xi1> to vector<1x1024xi32>
    %convert_element_type3A_551 = arith.sitofp %convert_element_type3A_550 : vector<1x1024xi32> to vector<1x1024xf32>
    %eq3A_552 = arith.constant 0 : i32
    %eq3A_553 = vector.broadcast %eq3A_552 : i32 to vector<1x1024xi32>
    %eq3A_554 = arith.cmpi eq, %get3A_546, %eq3A_553 : vector<1x1024xi32>
    %convert_element_type3A_555 = arith.extui %eq3A_554 : vector<1x1024xi1> to vector<1x1024xi32>
    %convert_element_type3A_556 = arith.sitofp %convert_element_type3A_555 : vector<1x1024xi32> to vector<1x1024xf32>
    %add3A_557 = arith.addf %convert_element_type3A_551, %convert_element_type3A_556 : vector<1x1024xf32>
    %eq3A_558 = arith.constant 1 : i32
    %eq3A_559 = vector.broadcast %eq3A_558 : i32 to vector<1x1024xi32>
    %eq3A_560 = arith.cmpi eq, %get3A_543, %eq3A_559 : vector<1x1024xi32>
    %convert_element_type3A_561 = arith.extui %eq3A_560 : vector<1x1024xi1> to vector<1x1024xi32>
    %convert_element_type3A_562 = arith.sitofp %convert_element_type3A_561 : vector<1x1024xi32> to vector<1x1024xf32>
    %eq3A_563 = arith.constant 1 : i32
    %eq3A_564 = vector.broadcast %eq3A_563 : i32 to vector<1x1024xi32>
    %eq3A_565 = arith.cmpi eq, %get3A_546, %eq3A_564 : vector<1x1024xi32>
    %convert_element_type3A_566 = arith.extui %eq3A_565 : vector<1x1024xi1> to vector<1x1024xi32>
    %convert_element_type3A_567 = arith.sitofp %convert_element_type3A_566 : vector<1x1024xi32> to vector<1x1024xf32>
    %add3A_568 = arith.addf %convert_element_type3A_562, %convert_element_type3A_567 : vector<1x1024xf32>
    %eq3A_569 = arith.constant 2 : i32
    %eq3A_570 = vector.broadcast %eq3A_569 : i32 to vector<1x1024xi32>
    %eq3A_571 = arith.cmpi eq, %get3A_543, %eq3A_570 : vector<1x1024xi32>
    %convert_element_type3A_572 = arith.extui %eq3A_571 : vector<1x1024xi1> to vector<1x1024xi32>
    %convert_element_type3A_573 = arith.sitofp %convert_element_type3A_572 : vector<1x1024xi32> to vector<1x1024xf32>
    %eq3A_574 = arith.constant 2 : i32
    %eq3A_575 = vector.broadcast %eq3A_574 : i32 to vector<1x1024xi32>
    %eq3A_576 = arith.cmpi eq, %get3A_546, %eq3A_575 : vector<1x1024xi32>
    %convert_element_type3A_577 = arith.extui %eq3A_576 : vector<1x1024xi1> to vector<1x1024xi32>
    %convert_element_type3A_578 = arith.sitofp %convert_element_type3A_577 : vector<1x1024xi32> to vector<1x1024xf32>
    %add3A_579 = arith.addf %convert_element_type3A_573, %convert_element_type3A_578 : vector<1x1024xf32>
    %eq3A_580 = arith.constant 3 : i32
    %eq3A_581 = vector.broadcast %eq3A_580 : i32 to vector<1x1024xi32>
    %eq3A_582 = arith.cmpi eq, %get3A_543, %eq3A_581 : vector<1x1024xi32>
    %convert_element_type3A_583 = arith.extui %eq3A_582 : vector<1x1024xi1> to vector<1x1024xi32>
    %convert_element_type3A_584 = arith.sitofp %convert_element_type3A_583 : vector<1x1024xi32> to vector<1x1024xf32>
    %eq3A_585 = arith.constant 3 : i32
    %eq3A_586 = vector.broadcast %eq3A_585 : i32 to vector<1x1024xi32>
    %eq3A_587 = arith.cmpi eq, %get3A_546, %eq3A_586 : vector<1x1024xi32>
    %convert_element_type3A_588 = arith.extui %eq3A_587 : vector<1x1024xi1> to vector<1x1024xi32>
    %convert_element_type3A_589 = arith.sitofp %convert_element_type3A_588 : vector<1x1024xi32> to vector<1x1024xf32>
    %add3A_590 = arith.addf %convert_element_type3A_584, %convert_element_type3A_589 : vector<1x1024xf32>
    %eq3A_591 = arith.constant 4 : i32
    %eq3A_592 = vector.broadcast %eq3A_591 : i32 to vector<1x1024xi32>
    %eq3A_593 = arith.cmpi eq, %get3A_543, %eq3A_592 : vector<1x1024xi32>
    %convert_element_type3A_594 = arith.extui %eq3A_593 : vector<1x1024xi1> to vector<1x1024xi32>
    %convert_element_type3A_595 = arith.sitofp %convert_element_type3A_594 : vector<1x1024xi32> to vector<1x1024xf32>
    %eq3A_596 = arith.constant 4 : i32
    %eq3A_597 = vector.broadcast %eq3A_596 : i32 to vector<1x1024xi32>
    %eq3A_598 = arith.cmpi eq, %get3A_546, %eq3A_597 : vector<1x1024xi32>
    %convert_element_type3A_599 = arith.extui %eq3A_598 : vector<1x1024xi1> to vector<1x1024xi32>
    %convert_element_type3A_600 = arith.sitofp %convert_element_type3A_599 : vector<1x1024xi32> to vector<1x1024xf32>
    %add3A_601 = arith.addf %convert_element_type3A_595, %convert_element_type3A_600 : vector<1x1024xf32>
    %eq3A_602 = arith.constant 5 : i32
    %eq3A_603 = vector.broadcast %eq3A_602 : i32 to vector<1x1024xi32>
    %eq3A_604 = arith.cmpi eq, %get3A_543, %eq3A_603 : vector<1x1024xi32>
    %convert_element_type3A_605 = arith.extui %eq3A_604 : vector<1x1024xi1> to vector<1x1024xi32>
    %convert_element_type3A_606 = arith.sitofp %convert_element_type3A_605 : vector<1x1024xi32> to vector<1x1024xf32>
    %eq3A_607 = arith.constant 5 : i32
    %eq3A_608 = vector.broadcast %eq3A_607 : i32 to vector<1x1024xi32>
    %eq3A_609 = arith.cmpi eq, %get3A_546, %eq3A_608 : vector<1x1024xi32>
    %convert_element_type3A_610 = arith.extui %eq3A_609 : vector<1x1024xi1> to vector<1x1024xi32>
    %convert_element_type3A_611 = arith.sitofp %convert_element_type3A_610 : vector<1x1024xi32> to vector<1x1024xf32>
    %add3A_612 = arith.addf %convert_element_type3A_606, %convert_element_type3A_611 : vector<1x1024xf32>
    %eq3A_613 = arith.constant 6 : i32
    %eq3A_614 = vector.broadcast %eq3A_613 : i32 to vector<1x1024xi32>
    %eq3A_615 = arith.cmpi eq, %get3A_543, %eq3A_614 : vector<1x1024xi32>
    %convert_element_type3A_616 = arith.extui %eq3A_615 : vector<1x1024xi1> to vector<1x1024xi32>
    %convert_element_type3A_617 = arith.sitofp %convert_element_type3A_616 : vector<1x1024xi32> to vector<1x1024xf32>
    %eq3A_618 = arith.constant 6 : i32
    %eq3A_619 = vector.broadcast %eq3A_618 : i32 to vector<1x1024xi32>
    %eq3A_620 = arith.cmpi eq, %get3A_546, %eq3A_619 : vector<1x1024xi32>
    %convert_element_type3A_621 = arith.extui %eq3A_620 : vector<1x1024xi1> to vector<1x1024xi32>
    %convert_element_type3A_622 = arith.sitofp %convert_element_type3A_621 : vector<1x1024xi32> to vector<1x1024xf32>
    %add3A_623 = arith.addf %convert_element_type3A_617, %convert_element_type3A_622 : vector<1x1024xf32>
    %eq3A_624 = arith.constant 7 : i32
    %eq3A_625 = vector.broadcast %eq3A_624 : i32 to vector<1x1024xi32>
    %eq3A_626 = arith.cmpi eq, %get3A_543, %eq3A_625 : vector<1x1024xi32>
    %convert_element_type3A_627 = arith.extui %eq3A_626 : vector<1x1024xi1> to vector<1x1024xi32>
    %convert_element_type3A_628 = arith.sitofp %convert_element_type3A_627 : vector<1x1024xi32> to vector<1x1024xf32>
    %eq3A_629 = arith.constant 7 : i32
    %eq3A_630 = vector.broadcast %eq3A_629 : i32 to vector<1x1024xi32>
    %eq3A_631 = arith.cmpi eq, %get3A_546, %eq3A_630 : vector<1x1024xi32>
    %convert_element_type3A_632 = arith.extui %eq3A_631 : vector<1x1024xi1> to vector<1x1024xi32>
    %convert_element_type3A_633 = arith.sitofp %convert_element_type3A_632 : vector<1x1024xi32> to vector<1x1024xf32>
    %add3A_634 = arith.addf %convert_element_type3A_628, %convert_element_type3A_633 : vector<1x1024xf32>
    %get3A_635 = arith.constant 3 : index
    %get3A_636 = arith.constant 0 : index
    %get3A_637 = vector.load %arg4[%get3A_635, %get3A_636] : memref<8x1024xi32, #tpu.memory_space<vmem>>, vector<1x1024xi32>
    %get3A_638 = arith.constant 3 : index
    %get3A_639 = arith.constant 0 : index
    %get3A_640 = vector.load %arg5[%get3A_638, %get3A_639] : memref<8x1024xi32, #tpu.memory_space<vmem>>, vector<1x1024xi32>
    %eq3A_641 = arith.constant 0 : i32
    %eq3A_642 = vector.broadcast %eq3A_641 : i32 to vector<1x1024xi32>
    %eq3A_643 = arith.cmpi eq, %get3A_637, %eq3A_642 : vector<1x1024xi32>
    %convert_element_type3A_644 = arith.extui %eq3A_643 : vector<1x1024xi1> to vector<1x1024xi32>
    %convert_element_type3A_645 = arith.sitofp %convert_element_type3A_644 : vector<1x1024xi32> to vector<1x1024xf32>
    %eq3A_646 = arith.constant 0 : i32
    %eq3A_647 = vector.broadcast %eq3A_646 : i32 to vector<1x1024xi32>
    %eq3A_648 = arith.cmpi eq, %get3A_640, %eq3A_647 : vector<1x1024xi32>
    %convert_element_type3A_649 = arith.extui %eq3A_648 : vector<1x1024xi1> to vector<1x1024xi32>
    %convert_element_type3A_650 = arith.sitofp %convert_element_type3A_649 : vector<1x1024xi32> to vector<1x1024xf32>
    %add3A_651 = arith.addf %convert_element_type3A_645, %convert_element_type3A_650 : vector<1x1024xf32>
    %eq3A_652 = arith.constant 1 : i32
    %eq3A_653 = vector.broadcast %eq3A_652 : i32 to vector<1x1024xi32>
    %eq3A_654 = arith.cmpi eq, %get3A_637, %eq3A_653 : vector<1x1024xi32>
    %convert_element_type3A_655 = arith.extui %eq3A_654 : vector<1x1024xi1> to vector<1x1024xi32>
    %convert_element_type3A_656 = arith.sitofp %convert_element_type3A_655 : vector<1x1024xi32> to vector<1x1024xf32>
    %eq3A_657 = arith.constant 1 : i32
    %eq3A_658 = vector.broadcast %eq3A_657 : i32 to vector<1x1024xi32>
    %eq3A_659 = arith.cmpi eq, %get3A_640, %eq3A_658 : vector<1x1024xi32>
    %convert_element_type3A_660 = arith.extui %eq3A_659 : vector<1x1024xi1> to vector<1x1024xi32>
    %convert_element_type3A_661 = arith.sitofp %convert_element_type3A_660 : vector<1x1024xi32> to vector<1x1024xf32>
    %add3A_662 = arith.addf %convert_element_type3A_656, %convert_element_type3A_661 : vector<1x1024xf32>
    %eq3A_663 = arith.constant 2 : i32
    %eq3A_664 = vector.broadcast %eq3A_663 : i32 to vector<1x1024xi32>
    %eq3A_665 = arith.cmpi eq, %get3A_637, %eq3A_664 : vector<1x1024xi32>
    %convert_element_type3A_666 = arith.extui %eq3A_665 : vector<1x1024xi1> to vector<1x1024xi32>
    %convert_element_type3A_667 = arith.sitofp %convert_element_type3A_666 : vector<1x1024xi32> to vector<1x1024xf32>
    %eq3A_668 = arith.constant 2 : i32
    %eq3A_669 = vector.broadcast %eq3A_668 : i32 to vector<1x1024xi32>
    %eq3A_670 = arith.cmpi eq, %get3A_640, %eq3A_669 : vector<1x1024xi32>
    %convert_element_type3A_671 = arith.extui %eq3A_670 : vector<1x1024xi1> to vector<1x1024xi32>
    %convert_element_type3A_672 = arith.sitofp %convert_element_type3A_671 : vector<1x1024xi32> to vector<1x1024xf32>
    %add3A_673 = arith.addf %convert_element_type3A_667, %convert_element_type3A_672 : vector<1x1024xf32>
    %eq3A_674 = arith.constant 3 : i32
    %eq3A_675 = vector.broadcast %eq3A_674 : i32 to vector<1x1024xi32>
    %eq3A_676 = arith.cmpi eq, %get3A_637, %eq3A_675 : vector<1x1024xi32>
    %convert_element_type3A_677 = arith.extui %eq3A_676 : vector<1x1024xi1> to vector<1x1024xi32>
    %convert_element_type3A_678 = arith.sitofp %convert_element_type3A_677 : vector<1x1024xi32> to vector<1x1024xf32>
    %eq3A_679 = arith.constant 3 : i32
    %eq3A_680 = vector.broadcast %eq3A_679 : i32 to vector<1x1024xi32>
    %eq3A_681 = arith.cmpi eq, %get3A_640, %eq3A_680 : vector<1x1024xi32>
    %convert_element_type3A_682 = arith.extui %eq3A_681 : vector<1x1024xi1> to vector<1x1024xi32>
    %convert_element_type3A_683 = arith.sitofp %convert_element_type3A_682 : vector<1x1024xi32> to vector<1x1024xf32>
    %add3A_684 = arith.addf %convert_element_type3A_678, %convert_element_type3A_683 : vector<1x1024xf32>
    %eq3A_685 = arith.constant 4 : i32
    %eq3A_686 = vector.broadcast %eq3A_685 : i32 to vector<1x1024xi32>
    %eq3A_687 = arith.cmpi eq, %get3A_637, %eq3A_686 : vector<1x1024xi32>
    %convert_element_type3A_688 = arith.extui %eq3A_687 : vector<1x1024xi1> to vector<1x1024xi32>
    %convert_element_type3A_689 = arith.sitofp %convert_element_type3A_688 : vector<1x1024xi32> to vector<1x1024xf32>
    %eq3A_690 = arith.constant 4 : i32
    %eq3A_691 = vector.broadcast %eq3A_690 : i32 to vector<1x1024xi32>
    %eq3A_692 = arith.cmpi eq, %get3A_640, %eq3A_691 : vector<1x1024xi32>
    %convert_element_type3A_693 = arith.extui %eq3A_692 : vector<1x1024xi1> to vector<1x1024xi32>
    %convert_element_type3A_694 = arith.sitofp %convert_element_type3A_693 : vector<1x1024xi32> to vector<1x1024xf32>
    %add3A_695 = arith.addf %convert_element_type3A_689, %convert_element_type3A_694 : vector<1x1024xf32>
    %eq3A_696 = arith.constant 5 : i32
    %eq3A_697 = vector.broadcast %eq3A_696 : i32 to vector<1x1024xi32>
    %eq3A_698 = arith.cmpi eq, %get3A_637, %eq3A_697 : vector<1x1024xi32>
    %convert_element_type3A_699 = arith.extui %eq3A_698 : vector<1x1024xi1> to vector<1x1024xi32>
    %convert_element_type3A_700 = arith.sitofp %convert_element_type3A_699 : vector<1x1024xi32> to vector<1x1024xf32>
    %eq3A_701 = arith.constant 5 : i32
    %eq3A_702 = vector.broadcast %eq3A_701 : i32 to vector<1x1024xi32>
    %eq3A_703 = arith.cmpi eq, %get3A_640, %eq3A_702 : vector<1x1024xi32>
    %convert_element_type3A_704 = arith.extui %eq3A_703 : vector<1x1024xi1> to vector<1x1024xi32>
    %convert_element_type3A_705 = arith.sitofp %convert_element_type3A_704 : vector<1x1024xi32> to vector<1x1024xf32>
    %add3A_706 = arith.addf %convert_element_type3A_700, %convert_element_type3A_705 : vector<1x1024xf32>
    %eq3A_707 = arith.constant 6 : i32
    %eq3A_708 = vector.broadcast %eq3A_707 : i32 to vector<1x1024xi32>
    %eq3A_709 = arith.cmpi eq, %get3A_637, %eq3A_708 : vector<1x1024xi32>
    %convert_element_type3A_710 = arith.extui %eq3A_709 : vector<1x1024xi1> to vector<1x1024xi32>
    %convert_element_type3A_711 = arith.sitofp %convert_element_type3A_710 : vector<1x1024xi32> to vector<1x1024xf32>
    %eq3A_712 = arith.constant 6 : i32
    %eq3A_713 = vector.broadcast %eq3A_712 : i32 to vector<1x1024xi32>
    %eq3A_714 = arith.cmpi eq, %get3A_640, %eq3A_713 : vector<1x1024xi32>
    %convert_element_type3A_715 = arith.extui %eq3A_714 : vector<1x1024xi1> to vector<1x1024xi32>
    %convert_element_type3A_716 = arith.sitofp %convert_element_type3A_715 : vector<1x1024xi32> to vector<1x1024xf32>
    %add3A_717 = arith.addf %convert_element_type3A_711, %convert_element_type3A_716 : vector<1x1024xf32>
    %eq3A_718 = arith.constant 7 : i32
    %eq3A_719 = vector.broadcast %eq3A_718 : i32 to vector<1x1024xi32>
    %eq3A_720 = arith.cmpi eq, %get3A_637, %eq3A_719 : vector<1x1024xi32>
    %convert_element_type3A_721 = arith.extui %eq3A_720 : vector<1x1024xi1> to vector<1x1024xi32>
    %convert_element_type3A_722 = arith.sitofp %convert_element_type3A_721 : vector<1x1024xi32> to vector<1x1024xf32>
    %eq3A_723 = arith.constant 7 : i32
    %eq3A_724 = vector.broadcast %eq3A_723 : i32 to vector<1x1024xi32>
    %eq3A_725 = arith.cmpi eq, %get3A_640, %eq3A_724 : vector<1x1024xi32>
    %convert_element_type3A_726 = arith.extui %eq3A_725 : vector<1x1024xi1> to vector<1x1024xi32>
    %convert_element_type3A_727 = arith.sitofp %convert_element_type3A_726 : vector<1x1024xi32> to vector<1x1024xf32>
    %add3A_728 = arith.addf %convert_element_type3A_722, %convert_element_type3A_727 : vector<1x1024xf32>
    %get3A_729 = arith.constant 4 : index
    %get3A_730 = arith.constant 0 : index
    %get3A_731 = vector.load %arg4[%get3A_729, %get3A_730] : memref<8x1024xi32, #tpu.memory_space<vmem>>, vector<1x1024xi32>
    %get3A_732 = arith.constant 4 : index
    %get3A_733 = arith.constant 0 : index
    %get3A_734 = vector.load %arg5[%get3A_732, %get3A_733] : memref<8x1024xi32, #tpu.memory_space<vmem>>, vector<1x1024xi32>
    %eq3A_735 = arith.constant 0 : i32
    %eq3A_736 = vector.broadcast %eq3A_735 : i32 to vector<1x1024xi32>
    %eq3A_737 = arith.cmpi eq, %get3A_731, %eq3A_736 : vector<1x1024xi32>
    %convert_element_type3A_738 = arith.extui %eq3A_737 : vector<1x1024xi1> to vector<1x1024xi32>
    %convert_element_type3A_739 = arith.sitofp %convert_element_type3A_738 : vector<1x1024xi32> to vector<1x1024xf32>
    %eq3A_740 = arith.constant 0 : i32
    %eq3A_741 = vector.broadcast %eq3A_740 : i32 to vector<1x1024xi32>
    %eq3A_742 = arith.cmpi eq, %get3A_734, %eq3A_741 : vector<1x1024xi32>
    %convert_element_type3A_743 = arith.extui %eq3A_742 : vector<1x1024xi1> to vector<1x1024xi32>
    %convert_element_type3A_744 = arith.sitofp %convert_element_type3A_743 : vector<1x1024xi32> to vector<1x1024xf32>
    %add3A_745 = arith.addf %convert_element_type3A_739, %convert_element_type3A_744 : vector<1x1024xf32>
    %eq3A_746 = arith.constant 1 : i32
    %eq3A_747 = vector.broadcast %eq3A_746 : i32 to vector<1x1024xi32>
    %eq3A_748 = arith.cmpi eq, %get3A_731, %eq3A_747 : vector<1x1024xi32>
    %convert_element_type3A_749 = arith.extui %eq3A_748 : vector<1x1024xi1> to vector<1x1024xi32>
    %convert_element_type3A_750 = arith.sitofp %convert_element_type3A_749 : vector<1x1024xi32> to vector<1x1024xf32>
    %eq3A_751 = arith.constant 1 : i32
    %eq3A_752 = vector.broadcast %eq3A_751 : i32 to vector<1x1024xi32>
    %eq3A_753 = arith.cmpi eq, %get3A_734, %eq3A_752 : vector<1x1024xi32>
    %convert_element_type3A_754 = arith.extui %eq3A_753 : vector<1x1024xi1> to vector<1x1024xi32>
    %convert_element_type3A_755 = arith.sitofp %convert_element_type3A_754 : vector<1x1024xi32> to vector<1x1024xf32>
    %add3A_756 = arith.addf %convert_element_type3A_750, %convert_element_type3A_755 : vector<1x1024xf32>
    %eq3A_757 = arith.constant 2 : i32
    %eq3A_758 = vector.broadcast %eq3A_757 : i32 to vector<1x1024xi32>
    %eq3A_759 = arith.cmpi eq, %get3A_731, %eq3A_758 : vector<1x1024xi32>
    %convert_element_type3A_760 = arith.extui %eq3A_759 : vector<1x1024xi1> to vector<1x1024xi32>
    %convert_element_type3A_761 = arith.sitofp %convert_element_type3A_760 : vector<1x1024xi32> to vector<1x1024xf32>
    %eq3A_762 = arith.constant 2 : i32
    %eq3A_763 = vector.broadcast %eq3A_762 : i32 to vector<1x1024xi32>
    %eq3A_764 = arith.cmpi eq, %get3A_734, %eq3A_763 : vector<1x1024xi32>
    %convert_element_type3A_765 = arith.extui %eq3A_764 : vector<1x1024xi1> to vector<1x1024xi32>
    %convert_element_type3A_766 = arith.sitofp %convert_element_type3A_765 : vector<1x1024xi32> to vector<1x1024xf32>
    %add3A_767 = arith.addf %convert_element_type3A_761, %convert_element_type3A_766 : vector<1x1024xf32>
    %eq3A_768 = arith.constant 3 : i32
    %eq3A_769 = vector.broadcast %eq3A_768 : i32 to vector<1x1024xi32>
    %eq3A_770 = arith.cmpi eq, %get3A_731, %eq3A_769 : vector<1x1024xi32>
    %convert_element_type3A_771 = arith.extui %eq3A_770 : vector<1x1024xi1> to vector<1x1024xi32>
    %convert_element_type3A_772 = arith.sitofp %convert_element_type3A_771 : vector<1x1024xi32> to vector<1x1024xf32>
    %eq3A_773 = arith.constant 3 : i32
    %eq3A_774 = vector.broadcast %eq3A_773 : i32 to vector<1x1024xi32>
    %eq3A_775 = arith.cmpi eq, %get3A_734, %eq3A_774 : vector<1x1024xi32>
    %convert_element_type3A_776 = arith.extui %eq3A_775 : vector<1x1024xi1> to vector<1x1024xi32>
    %convert_element_type3A_777 = arith.sitofp %convert_element_type3A_776 : vector<1x1024xi32> to vector<1x1024xf32>
    %add3A_778 = arith.addf %convert_element_type3A_772, %convert_element_type3A_777 : vector<1x1024xf32>
    %eq3A_779 = arith.constant 4 : i32
    %eq3A_780 = vector.broadcast %eq3A_779 : i32 to vector<1x1024xi32>
    %eq3A_781 = arith.cmpi eq, %get3A_731, %eq3A_780 : vector<1x1024xi32>
    %convert_element_type3A_782 = arith.extui %eq3A_781 : vector<1x1024xi1> to vector<1x1024xi32>
    %convert_element_type3A_783 = arith.sitofp %convert_element_type3A_782 : vector<1x1024xi32> to vector<1x1024xf32>
    %eq3A_784 = arith.constant 4 : i32
    %eq3A_785 = vector.broadcast %eq3A_784 : i32 to vector<1x1024xi32>
    %eq3A_786 = arith.cmpi eq, %get3A_734, %eq3A_785 : vector<1x1024xi32>
    %convert_element_type3A_787 = arith.extui %eq3A_786 : vector<1x1024xi1> to vector<1x1024xi32>
    %convert_element_type3A_788 = arith.sitofp %convert_element_type3A_787 : vector<1x1024xi32> to vector<1x1024xf32>
    %add3A_789 = arith.addf %convert_element_type3A_783, %convert_element_type3A_788 : vector<1x1024xf32>
    %eq3A_790 = arith.constant 5 : i32
    %eq3A_791 = vector.broadcast %eq3A_790 : i32 to vector<1x1024xi32>
    %eq3A_792 = arith.cmpi eq, %get3A_731, %eq3A_791 : vector<1x1024xi32>
    %convert_element_type3A_793 = arith.extui %eq3A_792 : vector<1x1024xi1> to vector<1x1024xi32>
    %convert_element_type3A_794 = arith.sitofp %convert_element_type3A_793 : vector<1x1024xi32> to vector<1x1024xf32>
    %eq3A_795 = arith.constant 5 : i32
    %eq3A_796 = vector.broadcast %eq3A_795 : i32 to vector<1x1024xi32>
    %eq3A_797 = arith.cmpi eq, %get3A_734, %eq3A_796 : vector<1x1024xi32>
    %convert_element_type3A_798 = arith.extui %eq3A_797 : vector<1x1024xi1> to vector<1x1024xi32>
    %convert_element_type3A_799 = arith.sitofp %convert_element_type3A_798 : vector<1x1024xi32> to vector<1x1024xf32>
    %add3A_800 = arith.addf %convert_element_type3A_794, %convert_element_type3A_799 : vector<1x1024xf32>
    %eq3A_801 = arith.constant 6 : i32
    %eq3A_802 = vector.broadcast %eq3A_801 : i32 to vector<1x1024xi32>
    %eq3A_803 = arith.cmpi eq, %get3A_731, %eq3A_802 : vector<1x1024xi32>
    %convert_element_type3A_804 = arith.extui %eq3A_803 : vector<1x1024xi1> to vector<1x1024xi32>
    %convert_element_type3A_805 = arith.sitofp %convert_element_type3A_804 : vector<1x1024xi32> to vector<1x1024xf32>
    %eq3A_806 = arith.constant 6 : i32
    %eq3A_807 = vector.broadcast %eq3A_806 : i32 to vector<1x1024xi32>
    %eq3A_808 = arith.cmpi eq, %get3A_734, %eq3A_807 : vector<1x1024xi32>
    %convert_element_type3A_809 = arith.extui %eq3A_808 : vector<1x1024xi1> to vector<1x1024xi32>
    %convert_element_type3A_810 = arith.sitofp %convert_element_type3A_809 : vector<1x1024xi32> to vector<1x1024xf32>
    %add3A_811 = arith.addf %convert_element_type3A_805, %convert_element_type3A_810 : vector<1x1024xf32>
    %eq3A_812 = arith.constant 7 : i32
    %eq3A_813 = vector.broadcast %eq3A_812 : i32 to vector<1x1024xi32>
    %eq3A_814 = arith.cmpi eq, %get3A_731, %eq3A_813 : vector<1x1024xi32>
    %convert_element_type3A_815 = arith.extui %eq3A_814 : vector<1x1024xi1> to vector<1x1024xi32>
    %convert_element_type3A_816 = arith.sitofp %convert_element_type3A_815 : vector<1x1024xi32> to vector<1x1024xf32>
    %eq3A_817 = arith.constant 7 : i32
    %eq3A_818 = vector.broadcast %eq3A_817 : i32 to vector<1x1024xi32>
    %eq3A_819 = arith.cmpi eq, %get3A_734, %eq3A_818 : vector<1x1024xi32>
    %convert_element_type3A_820 = arith.extui %eq3A_819 : vector<1x1024xi1> to vector<1x1024xi32>
    %convert_element_type3A_821 = arith.sitofp %convert_element_type3A_820 : vector<1x1024xi32> to vector<1x1024xf32>
    %add3A_822 = arith.addf %convert_element_type3A_816, %convert_element_type3A_821 : vector<1x1024xf32>
    %get3A_823 = arith.constant 5 : index
    %get3A_824 = arith.constant 0 : index
    %get3A_825 = vector.load %arg4[%get3A_823, %get3A_824] : memref<8x1024xi32, #tpu.memory_space<vmem>>, vector<1x1024xi32>
    %get3A_826 = arith.constant 5 : index
    %get3A_827 = arith.constant 0 : index
    %get3A_828 = vector.load %arg5[%get3A_826, %get3A_827] : memref<8x1024xi32, #tpu.memory_space<vmem>>, vector<1x1024xi32>
    %eq3A_829 = arith.constant 0 : i32
    %eq3A_830 = vector.broadcast %eq3A_829 : i32 to vector<1x1024xi32>
    %eq3A_831 = arith.cmpi eq, %get3A_825, %eq3A_830 : vector<1x1024xi32>
    %convert_element_type3A_832 = arith.extui %eq3A_831 : vector<1x1024xi1> to vector<1x1024xi32>
    %convert_element_type3A_833 = arith.sitofp %convert_element_type3A_832 : vector<1x1024xi32> to vector<1x1024xf32>
    %eq3A_834 = arith.constant 0 : i32
    %eq3A_835 = vector.broadcast %eq3A_834 : i32 to vector<1x1024xi32>
    %eq3A_836 = arith.cmpi eq, %get3A_828, %eq3A_835 : vector<1x1024xi32>
    %convert_element_type3A_837 = arith.extui %eq3A_836 : vector<1x1024xi1> to vector<1x1024xi32>
    %convert_element_type3A_838 = arith.sitofp %convert_element_type3A_837 : vector<1x1024xi32> to vector<1x1024xf32>
    %add3A_839 = arith.addf %convert_element_type3A_833, %convert_element_type3A_838 : vector<1x1024xf32>
    %eq3A_840 = arith.constant 1 : i32
    %eq3A_841 = vector.broadcast %eq3A_840 : i32 to vector<1x1024xi32>
    %eq3A_842 = arith.cmpi eq, %get3A_825, %eq3A_841 : vector<1x1024xi32>
    %convert_element_type3A_843 = arith.extui %eq3A_842 : vector<1x1024xi1> to vector<1x1024xi32>
    %convert_element_type3A_844 = arith.sitofp %convert_element_type3A_843 : vector<1x1024xi32> to vector<1x1024xf32>
    %eq3A_845 = arith.constant 1 : i32
    %eq3A_846 = vector.broadcast %eq3A_845 : i32 to vector<1x1024xi32>
    %eq3A_847 = arith.cmpi eq, %get3A_828, %eq3A_846 : vector<1x1024xi32>
    %convert_element_type3A_848 = arith.extui %eq3A_847 : vector<1x1024xi1> to vector<1x1024xi32>
    %convert_element_type3A_849 = arith.sitofp %convert_element_type3A_848 : vector<1x1024xi32> to vector<1x1024xf32>
    %add3A_850 = arith.addf %convert_element_type3A_844, %convert_element_type3A_849 : vector<1x1024xf32>
    %eq3A_851 = arith.constant 2 : i32
    %eq3A_852 = vector.broadcast %eq3A_851 : i32 to vector<1x1024xi32>
    %eq3A_853 = arith.cmpi eq, %get3A_825, %eq3A_852 : vector<1x1024xi32>
    %convert_element_type3A_854 = arith.extui %eq3A_853 : vector<1x1024xi1> to vector<1x1024xi32>
    %convert_element_type3A_855 = arith.sitofp %convert_element_type3A_854 : vector<1x1024xi32> to vector<1x1024xf32>
    %eq3A_856 = arith.constant 2 : i32
    %eq3A_857 = vector.broadcast %eq3A_856 : i32 to vector<1x1024xi32>
    %eq3A_858 = arith.cmpi eq, %get3A_828, %eq3A_857 : vector<1x1024xi32>
    %convert_element_type3A_859 = arith.extui %eq3A_858 : vector<1x1024xi1> to vector<1x1024xi32>
    %convert_element_type3A_860 = arith.sitofp %convert_element_type3A_859 : vector<1x1024xi32> to vector<1x1024xf32>
    %add3A_861 = arith.addf %convert_element_type3A_855, %convert_element_type3A_860 : vector<1x1024xf32>
    %eq3A_862 = arith.constant 3 : i32
    %eq3A_863 = vector.broadcast %eq3A_862 : i32 to vector<1x1024xi32>
    %eq3A_864 = arith.cmpi eq, %get3A_825, %eq3A_863 : vector<1x1024xi32>
    %convert_element_type3A_865 = arith.extui %eq3A_864 : vector<1x1024xi1> to vector<1x1024xi32>
    %convert_element_type3A_866 = arith.sitofp %convert_element_type3A_865 : vector<1x1024xi32> to vector<1x1024xf32>
    %eq3A_867 = arith.constant 3 : i32
    %eq3A_868 = vector.broadcast %eq3A_867 : i32 to vector<1x1024xi32>
    %eq3A_869 = arith.cmpi eq, %get3A_828, %eq3A_868 : vector<1x1024xi32>
    %convert_element_type3A_870 = arith.extui %eq3A_869 : vector<1x1024xi1> to vector<1x1024xi32>
    %convert_element_type3A_871 = arith.sitofp %convert_element_type3A_870 : vector<1x1024xi32> to vector<1x1024xf32>
    %add3A_872 = arith.addf %convert_element_type3A_866, %convert_element_type3A_871 : vector<1x1024xf32>
    %eq3A_873 = arith.constant 4 : i32
    %eq3A_874 = vector.broadcast %eq3A_873 : i32 to vector<1x1024xi32>
    %eq3A_875 = arith.cmpi eq, %get3A_825, %eq3A_874 : vector<1x1024xi32>
    %convert_element_type3A_876 = arith.extui %eq3A_875 : vector<1x1024xi1> to vector<1x1024xi32>
    %convert_element_type3A_877 = arith.sitofp %convert_element_type3A_876 : vector<1x1024xi32> to vector<1x1024xf32>
    %eq3A_878 = arith.constant 4 : i32
    %eq3A_879 = vector.broadcast %eq3A_878 : i32 to vector<1x1024xi32>
    %eq3A_880 = arith.cmpi eq, %get3A_828, %eq3A_879 : vector<1x1024xi32>
    %convert_element_type3A_881 = arith.extui %eq3A_880 : vector<1x1024xi1> to vector<1x1024xi32>
    %convert_element_type3A_882 = arith.sitofp %convert_element_type3A_881 : vector<1x1024xi32> to vector<1x1024xf32>
    %add3A_883 = arith.addf %convert_element_type3A_877, %convert_element_type3A_882 : vector<1x1024xf32>
    %eq3A_884 = arith.constant 5 : i32
    %eq3A_885 = vector.broadcast %eq3A_884 : i32 to vector<1x1024xi32>
    %eq3A_886 = arith.cmpi eq, %get3A_825, %eq3A_885 : vector<1x1024xi32>
    %convert_element_type3A_887 = arith.extui %eq3A_886 : vector<1x1024xi1> to vector<1x1024xi32>
    %convert_element_type3A_888 = arith.sitofp %convert_element_type3A_887 : vector<1x1024xi32> to vector<1x1024xf32>
    %eq3A_889 = arith.constant 5 : i32
    %eq3A_890 = vector.broadcast %eq3A_889 : i32 to vector<1x1024xi32>
    %eq3A_891 = arith.cmpi eq, %get3A_828, %eq3A_890 : vector<1x1024xi32>
    %convert_element_type3A_892 = arith.extui %eq3A_891 : vector<1x1024xi1> to vector<1x1024xi32>
    %convert_element_type3A_893 = arith.sitofp %convert_element_type3A_892 : vector<1x1024xi32> to vector<1x1024xf32>
    %add3A_894 = arith.addf %convert_element_type3A_888, %convert_element_type3A_893 : vector<1x1024xf32>
    %eq3A_895 = arith.constant 6 : i32
    %eq3A_896 = vector.broadcast %eq3A_895 : i32 to vector<1x1024xi32>
    %eq3A_897 = arith.cmpi eq, %get3A_825, %eq3A_896 : vector<1x1024xi32>
    %convert_element_type3A_898 = arith.extui %eq3A_897 : vector<1x1024xi1> to vector<1x1024xi32>
    %convert_element_type3A_899 = arith.sitofp %convert_element_type3A_898 : vector<1x1024xi32> to vector<1x1024xf32>
    %eq3A_900 = arith.constant 6 : i32
    %eq3A_901 = vector.broadcast %eq3A_900 : i32 to vector<1x1024xi32>
    %eq3A_902 = arith.cmpi eq, %get3A_828, %eq3A_901 : vector<1x1024xi32>
    %convert_element_type3A_903 = arith.extui %eq3A_902 : vector<1x1024xi1> to vector<1x1024xi32>
    %convert_element_type3A_904 = arith.sitofp %convert_element_type3A_903 : vector<1x1024xi32> to vector<1x1024xf32>
    %add3A_905 = arith.addf %convert_element_type3A_899, %convert_element_type3A_904 : vector<1x1024xf32>
    %eq3A_906 = arith.constant 7 : i32
    %eq3A_907 = vector.broadcast %eq3A_906 : i32 to vector<1x1024xi32>
    %eq3A_908 = arith.cmpi eq, %get3A_825, %eq3A_907 : vector<1x1024xi32>
    %convert_element_type3A_909 = arith.extui %eq3A_908 : vector<1x1024xi1> to vector<1x1024xi32>
    %convert_element_type3A_910 = arith.sitofp %convert_element_type3A_909 : vector<1x1024xi32> to vector<1x1024xf32>
    %eq3A_911 = arith.constant 7 : i32
    %eq3A_912 = vector.broadcast %eq3A_911 : i32 to vector<1x1024xi32>
    %eq3A_913 = arith.cmpi eq, %get3A_828, %eq3A_912 : vector<1x1024xi32>
    %convert_element_type3A_914 = arith.extui %eq3A_913 : vector<1x1024xi1> to vector<1x1024xi32>
    %convert_element_type3A_915 = arith.sitofp %convert_element_type3A_914 : vector<1x1024xi32> to vector<1x1024xf32>
    %add3A_916 = arith.addf %convert_element_type3A_910, %convert_element_type3A_915 : vector<1x1024xf32>
    %get3A_917 = arith.constant 6 : index
    %get3A_918 = arith.constant 0 : index
    %get3A_919 = vector.load %arg4[%get3A_917, %get3A_918] : memref<8x1024xi32, #tpu.memory_space<vmem>>, vector<1x1024xi32>
    %get3A_920 = arith.constant 6 : index
    %get3A_921 = arith.constant 0 : index
    %get3A_922 = vector.load %arg5[%get3A_920, %get3A_921] : memref<8x1024xi32, #tpu.memory_space<vmem>>, vector<1x1024xi32>
    %eq3A_923 = arith.constant 0 : i32
    %eq3A_924 = vector.broadcast %eq3A_923 : i32 to vector<1x1024xi32>
    %eq3A_925 = arith.cmpi eq, %get3A_919, %eq3A_924 : vector<1x1024xi32>
    %convert_element_type3A_926 = arith.extui %eq3A_925 : vector<1x1024xi1> to vector<1x1024xi32>
    %convert_element_type3A_927 = arith.sitofp %convert_element_type3A_926 : vector<1x1024xi32> to vector<1x1024xf32>
    %eq3A_928 = arith.constant 0 : i32
    %eq3A_929 = vector.broadcast %eq3A_928 : i32 to vector<1x1024xi32>
    %eq3A_930 = arith.cmpi eq, %get3A_922, %eq3A_929 : vector<1x1024xi32>
    %convert_element_type3A_931 = arith.extui %eq3A_930 : vector<1x1024xi1> to vector<1x1024xi32>
    %convert_element_type3A_932 = arith.sitofp %convert_element_type3A_931 : vector<1x1024xi32> to vector<1x1024xf32>
    %add3A_933 = arith.addf %convert_element_type3A_927, %convert_element_type3A_932 : vector<1x1024xf32>
    %eq3A_934 = arith.constant 1 : i32
    %eq3A_935 = vector.broadcast %eq3A_934 : i32 to vector<1x1024xi32>
    %eq3A_936 = arith.cmpi eq, %get3A_919, %eq3A_935 : vector<1x1024xi32>
    %convert_element_type3A_937 = arith.extui %eq3A_936 : vector<1x1024xi1> to vector<1x1024xi32>
    %convert_element_type3A_938 = arith.sitofp %convert_element_type3A_937 : vector<1x1024xi32> to vector<1x1024xf32>
    %eq3A_939 = arith.constant 1 : i32
    %eq3A_940 = vector.broadcast %eq3A_939 : i32 to vector<1x1024xi32>
    %eq3A_941 = arith.cmpi eq, %get3A_922, %eq3A_940 : vector<1x1024xi32>
    %convert_element_type3A_942 = arith.extui %eq3A_941 : vector<1x1024xi1> to vector<1x1024xi32>
    %convert_element_type3A_943 = arith.sitofp %convert_element_type3A_942 : vector<1x1024xi32> to vector<1x1024xf32>
    %add3A_944 = arith.addf %convert_element_type3A_938, %convert_element_type3A_943 : vector<1x1024xf32>
    %eq3A_945 = arith.constant 2 : i32
    %eq3A_946 = vector.broadcast %eq3A_945 : i32 to vector<1x1024xi32>
    %eq3A_947 = arith.cmpi eq, %get3A_919, %eq3A_946 : vector<1x1024xi32>
    %convert_element_type3A_948 = arith.extui %eq3A_947 : vector<1x1024xi1> to vector<1x1024xi32>
    %convert_element_type3A_949 = arith.sitofp %convert_element_type3A_948 : vector<1x1024xi32> to vector<1x1024xf32>
    %eq3A_950 = arith.constant 2 : i32
    %eq3A_951 = vector.broadcast %eq3A_950 : i32 to vector<1x1024xi32>
    %eq3A_952 = arith.cmpi eq, %get3A_922, %eq3A_951 : vector<1x1024xi32>
    %convert_element_type3A_953 = arith.extui %eq3A_952 : vector<1x1024xi1> to vector<1x1024xi32>
    %convert_element_type3A_954 = arith.sitofp %convert_element_type3A_953 : vector<1x1024xi32> to vector<1x1024xf32>
    %add3A_955 = arith.addf %convert_element_type3A_949, %convert_element_type3A_954 : vector<1x1024xf32>
    %eq3A_956 = arith.constant 3 : i32
    %eq3A_957 = vector.broadcast %eq3A_956 : i32 to vector<1x1024xi32>
    %eq3A_958 = arith.cmpi eq, %get3A_919, %eq3A_957 : vector<1x1024xi32>
    %convert_element_type3A_959 = arith.extui %eq3A_958 : vector<1x1024xi1> to vector<1x1024xi32>
    %convert_element_type3A_960 = arith.sitofp %convert_element_type3A_959 : vector<1x1024xi32> to vector<1x1024xf32>
    %eq3A_961 = arith.constant 3 : i32
    %eq3A_962 = vector.broadcast %eq3A_961 : i32 to vector<1x1024xi32>
    %eq3A_963 = arith.cmpi eq, %get3A_922, %eq3A_962 : vector<1x1024xi32>
    %convert_element_type3A_964 = arith.extui %eq3A_963 : vector<1x1024xi1> to vector<1x1024xi32>
    %convert_element_type3A_965 = arith.sitofp %convert_element_type3A_964 : vector<1x1024xi32> to vector<1x1024xf32>
    %add3A_966 = arith.addf %convert_element_type3A_960, %convert_element_type3A_965 : vector<1x1024xf32>
    %eq3A_967 = arith.constant 4 : i32
    %eq3A_968 = vector.broadcast %eq3A_967 : i32 to vector<1x1024xi32>
    %eq3A_969 = arith.cmpi eq, %get3A_919, %eq3A_968 : vector<1x1024xi32>
    %convert_element_type3A_970 = arith.extui %eq3A_969 : vector<1x1024xi1> to vector<1x1024xi32>
    %convert_element_type3A_971 = arith.sitofp %convert_element_type3A_970 : vector<1x1024xi32> to vector<1x1024xf32>
    %eq3A_972 = arith.constant 4 : i32
    %eq3A_973 = vector.broadcast %eq3A_972 : i32 to vector<1x1024xi32>
    %eq3A_974 = arith.cmpi eq, %get3A_922, %eq3A_973 : vector<1x1024xi32>
    %convert_element_type3A_975 = arith.extui %eq3A_974 : vector<1x1024xi1> to vector<1x1024xi32>
    %convert_element_type3A_976 = arith.sitofp %convert_element_type3A_975 : vector<1x1024xi32> to vector<1x1024xf32>
    %add3A_977 = arith.addf %convert_element_type3A_971, %convert_element_type3A_976 : vector<1x1024xf32>
    %eq3A_978 = arith.constant 5 : i32
    %eq3A_979 = vector.broadcast %eq3A_978 : i32 to vector<1x1024xi32>
    %eq3A_980 = arith.cmpi eq, %get3A_919, %eq3A_979 : vector<1x1024xi32>
    %convert_element_type3A_981 = arith.extui %eq3A_980 : vector<1x1024xi1> to vector<1x1024xi32>
    %convert_element_type3A_982 = arith.sitofp %convert_element_type3A_981 : vector<1x1024xi32> to vector<1x1024xf32>
    %eq3A_983 = arith.constant 5 : i32
    %eq3A_984 = vector.broadcast %eq3A_983 : i32 to vector<1x1024xi32>
    %eq3A_985 = arith.cmpi eq, %get3A_922, %eq3A_984 : vector<1x1024xi32>
    %convert_element_type3A_986 = arith.extui %eq3A_985 : vector<1x1024xi1> to vector<1x1024xi32>
    %convert_element_type3A_987 = arith.sitofp %convert_element_type3A_986 : vector<1x1024xi32> to vector<1x1024xf32>
    %add3A_988 = arith.addf %convert_element_type3A_982, %convert_element_type3A_987 : vector<1x1024xf32>
    %eq3A_989 = arith.constant 6 : i32
    %eq3A_990 = vector.broadcast %eq3A_989 : i32 to vector<1x1024xi32>
    %eq3A_991 = arith.cmpi eq, %get3A_919, %eq3A_990 : vector<1x1024xi32>
    %convert_element_type3A_992 = arith.extui %eq3A_991 : vector<1x1024xi1> to vector<1x1024xi32>
    %convert_element_type3A_993 = arith.sitofp %convert_element_type3A_992 : vector<1x1024xi32> to vector<1x1024xf32>
    %eq3A_994 = arith.constant 6 : i32
    %eq3A_995 = vector.broadcast %eq3A_994 : i32 to vector<1x1024xi32>
    %eq3A_996 = arith.cmpi eq, %get3A_922, %eq3A_995 : vector<1x1024xi32>
    %convert_element_type3A_997 = arith.extui %eq3A_996 : vector<1x1024xi1> to vector<1x1024xi32>
    %convert_element_type3A_998 = arith.sitofp %convert_element_type3A_997 : vector<1x1024xi32> to vector<1x1024xf32>
    %add3A_999 = arith.addf %convert_element_type3A_993, %convert_element_type3A_998 : vector<1x1024xf32>
    %eq3A_1000 = arith.constant 7 : i32
    %eq3A_1001 = vector.broadcast %eq3A_1000 : i32 to vector<1x1024xi32>
    %eq3A_1002 = arith.cmpi eq, %get3A_919, %eq3A_1001 : vector<1x1024xi32>
    %convert_element_type3A_1003 = arith.extui %eq3A_1002 : vector<1x1024xi1> to vector<1x1024xi32>
    %convert_element_type3A_1004 = arith.sitofp %convert_element_type3A_1003 : vector<1x1024xi32> to vector<1x1024xf32>
    %eq3A_1005 = arith.constant 7 : i32
    %eq3A_1006 = vector.broadcast %eq3A_1005 : i32 to vector<1x1024xi32>
    %eq3A_1007 = arith.cmpi eq, %get3A_922, %eq3A_1006 : vector<1x1024xi32>
    %convert_element_type3A_1008 = arith.extui %eq3A_1007 : vector<1x1024xi1> to vector<1x1024xi32>
    %convert_element_type3A_1009 = arith.sitofp %convert_element_type3A_1008 : vector<1x1024xi32> to vector<1x1024xf32>
    %add3A_1010 = arith.addf %convert_element_type3A_1004, %convert_element_type3A_1009 : vector<1x1024xf32>
    %get3A_1011 = arith.constant 7 : index
    %get3A_1012 = arith.constant 0 : index
    %get3A_1013 = vector.load %arg4[%get3A_1011, %get3A_1012] : memref<8x1024xi32, #tpu.memory_space<vmem>>, vector<1x1024xi32>
    %get3A_1014 = arith.constant 7 : index
    %get3A_1015 = arith.constant 0 : index
    %get3A_1016 = vector.load %arg5[%get3A_1014, %get3A_1015] : memref<8x1024xi32, #tpu.memory_space<vmem>>, vector<1x1024xi32>
    %eq3A_1017 = arith.constant 0 : i32
    %eq3A_1018 = vector.broadcast %eq3A_1017 : i32 to vector<1x1024xi32>
    %eq3A_1019 = arith.cmpi eq, %get3A_1013, %eq3A_1018 : vector<1x1024xi32>
    %convert_element_type3A_1020 = arith.extui %eq3A_1019 : vector<1x1024xi1> to vector<1x1024xi32>
    %convert_element_type3A_1021 = arith.sitofp %convert_element_type3A_1020 : vector<1x1024xi32> to vector<1x1024xf32>
    %eq3A_1022 = arith.constant 0 : i32
    %eq3A_1023 = vector.broadcast %eq3A_1022 : i32 to vector<1x1024xi32>
    %eq3A_1024 = arith.cmpi eq, %get3A_1016, %eq3A_1023 : vector<1x1024xi32>
    %convert_element_type3A_1025 = arith.extui %eq3A_1024 : vector<1x1024xi1> to vector<1x1024xi32>
    %convert_element_type3A_1026 = arith.sitofp %convert_element_type3A_1025 : vector<1x1024xi32> to vector<1x1024xf32>
    %add3A_1027 = arith.addf %convert_element_type3A_1021, %convert_element_type3A_1026 : vector<1x1024xf32>
    %eq3A_1028 = arith.constant 1 : i32
    %eq3A_1029 = vector.broadcast %eq3A_1028 : i32 to vector<1x1024xi32>
    %eq3A_1030 = arith.cmpi eq, %get3A_1013, %eq3A_1029 : vector<1x1024xi32>
    %convert_element_type3A_1031 = arith.extui %eq3A_1030 : vector<1x1024xi1> to vector<1x1024xi32>
    %convert_element_type3A_1032 = arith.sitofp %convert_element_type3A_1031 : vector<1x1024xi32> to vector<1x1024xf32>
    %eq3A_1033 = arith.constant 1 : i32
    %eq3A_1034 = vector.broadcast %eq3A_1033 : i32 to vector<1x1024xi32>
    %eq3A_1035 = arith.cmpi eq, %get3A_1016, %eq3A_1034 : vector<1x1024xi32>
    %convert_element_type3A_1036 = arith.extui %eq3A_1035 : vector<1x1024xi1> to vector<1x1024xi32>
    %convert_element_type3A_1037 = arith.sitofp %convert_element_type3A_1036 : vector<1x1024xi32> to vector<1x1024xf32>
    %add3A_1038 = arith.addf %convert_element_type3A_1032, %convert_element_type3A_1037 : vector<1x1024xf32>
    %eq3A_1039 = arith.constant 2 : i32
    %eq3A_1040 = vector.broadcast %eq3A_1039 : i32 to vector<1x1024xi32>
    %eq3A_1041 = arith.cmpi eq, %get3A_1013, %eq3A_1040 : vector<1x1024xi32>
    %convert_element_type3A_1042 = arith.extui %eq3A_1041 : vector<1x1024xi1> to vector<1x1024xi32>
    %convert_element_type3A_1043 = arith.sitofp %convert_element_type3A_1042 : vector<1x1024xi32> to vector<1x1024xf32>
    %eq3A_1044 = arith.constant 2 : i32
    %eq3A_1045 = vector.broadcast %eq3A_1044 : i32 to vector<1x1024xi32>
    %eq3A_1046 = arith.cmpi eq, %get3A_1016, %eq3A_1045 : vector<1x1024xi32>
    %convert_element_type3A_1047 = arith.extui %eq3A_1046 : vector<1x1024xi1> to vector<1x1024xi32>
    %convert_element_type3A_1048 = arith.sitofp %convert_element_type3A_1047 : vector<1x1024xi32> to vector<1x1024xf32>
    %add3A_1049 = arith.addf %convert_element_type3A_1043, %convert_element_type3A_1048 : vector<1x1024xf32>
    %eq3A_1050 = arith.constant 3 : i32
    %eq3A_1051 = vector.broadcast %eq3A_1050 : i32 to vector<1x1024xi32>
    %eq3A_1052 = arith.cmpi eq, %get3A_1013, %eq3A_1051 : vector<1x1024xi32>
    %convert_element_type3A_1053 = arith.extui %eq3A_1052 : vector<1x1024xi1> to vector<1x1024xi32>
    %convert_element_type3A_1054 = arith.sitofp %convert_element_type3A_1053 : vector<1x1024xi32> to vector<1x1024xf32>
    %eq3A_1055 = arith.constant 3 : i32
    %eq3A_1056 = vector.broadcast %eq3A_1055 : i32 to vector<1x1024xi32>
    %eq3A_1057 = arith.cmpi eq, %get3A_1016, %eq3A_1056 : vector<1x1024xi32>
    %convert_element_type3A_1058 = arith.extui %eq3A_1057 : vector<1x1024xi1> to vector<1x1024xi32>
    %convert_element_type3A_1059 = arith.sitofp %convert_element_type3A_1058 : vector<1x1024xi32> to vector<1x1024xf32>
    %add3A_1060 = arith.addf %convert_element_type3A_1054, %convert_element_type3A_1059 : vector<1x1024xf32>
    %eq3A_1061 = arith.constant 4 : i32
    %eq3A_1062 = vector.broadcast %eq3A_1061 : i32 to vector<1x1024xi32>
    %eq3A_1063 = arith.cmpi eq, %get3A_1013, %eq3A_1062 : vector<1x1024xi32>
    %convert_element_type3A_1064 = arith.extui %eq3A_1063 : vector<1x1024xi1> to vector<1x1024xi32>
    %convert_element_type3A_1065 = arith.sitofp %convert_element_type3A_1064 : vector<1x1024xi32> to vector<1x1024xf32>
    %eq3A_1066 = arith.constant 4 : i32
    %eq3A_1067 = vector.broadcast %eq3A_1066 : i32 to vector<1x1024xi32>
    %eq3A_1068 = arith.cmpi eq, %get3A_1016, %eq3A_1067 : vector<1x1024xi32>
    %convert_element_type3A_1069 = arith.extui %eq3A_1068 : vector<1x1024xi1> to vector<1x1024xi32>
    %convert_element_type3A_1070 = arith.sitofp %convert_element_type3A_1069 : vector<1x1024xi32> to vector<1x1024xf32>
    %add3A_1071 = arith.addf %convert_element_type3A_1065, %convert_element_type3A_1070 : vector<1x1024xf32>
    %eq3A_1072 = arith.constant 5 : i32
    %eq3A_1073 = vector.broadcast %eq3A_1072 : i32 to vector<1x1024xi32>
    %eq3A_1074 = arith.cmpi eq, %get3A_1013, %eq3A_1073 : vector<1x1024xi32>
    %convert_element_type3A_1075 = arith.extui %eq3A_1074 : vector<1x1024xi1> to vector<1x1024xi32>
    %convert_element_type3A_1076 = arith.sitofp %convert_element_type3A_1075 : vector<1x1024xi32> to vector<1x1024xf32>
    %eq3A_1077 = arith.constant 5 : i32
    %eq3A_1078 = vector.broadcast %eq3A_1077 : i32 to vector<1x1024xi32>
    %eq3A_1079 = arith.cmpi eq, %get3A_1016, %eq3A_1078 : vector<1x1024xi32>
    %convert_element_type3A_1080 = arith.extui %eq3A_1079 : vector<1x1024xi1> to vector<1x1024xi32>
    %convert_element_type3A_1081 = arith.sitofp %convert_element_type3A_1080 : vector<1x1024xi32> to vector<1x1024xf32>
    %add3A_1082 = arith.addf %convert_element_type3A_1076, %convert_element_type3A_1081 : vector<1x1024xf32>
    %eq3A_1083 = arith.constant 6 : i32
    %eq3A_1084 = vector.broadcast %eq3A_1083 : i32 to vector<1x1024xi32>
    %eq3A_1085 = arith.cmpi eq, %get3A_1013, %eq3A_1084 : vector<1x1024xi32>
    %convert_element_type3A_1086 = arith.extui %eq3A_1085 : vector<1x1024xi1> to vector<1x1024xi32>
    %convert_element_type3A_1087 = arith.sitofp %convert_element_type3A_1086 : vector<1x1024xi32> to vector<1x1024xf32>
    %eq3A_1088 = arith.constant 6 : i32
    %eq3A_1089 = vector.broadcast %eq3A_1088 : i32 to vector<1x1024xi32>
    %eq3A_1090 = arith.cmpi eq, %get3A_1016, %eq3A_1089 : vector<1x1024xi32>
    %convert_element_type3A_1091 = arith.extui %eq3A_1090 : vector<1x1024xi1> to vector<1x1024xi32>
    %convert_element_type3A_1092 = arith.sitofp %convert_element_type3A_1091 : vector<1x1024xi32> to vector<1x1024xf32>
    %add3A_1093 = arith.addf %convert_element_type3A_1087, %convert_element_type3A_1092 : vector<1x1024xf32>
    %eq3A_1094 = arith.constant 7 : i32
    %eq3A_1095 = vector.broadcast %eq3A_1094 : i32 to vector<1x1024xi32>
    %eq3A_1096 = arith.cmpi eq, %get3A_1013, %eq3A_1095 : vector<1x1024xi32>
    %convert_element_type3A_1097 = arith.extui %eq3A_1096 : vector<1x1024xi1> to vector<1x1024xi32>
    %convert_element_type3A_1098 = arith.sitofp %convert_element_type3A_1097 : vector<1x1024xi32> to vector<1x1024xf32>
    %eq3A_1099 = arith.constant 7 : i32
    %eq3A_1100 = vector.broadcast %eq3A_1099 : i32 to vector<1x1024xi32>
    %eq3A_1101 = arith.cmpi eq, %get3A_1016, %eq3A_1100 : vector<1x1024xi32>
    %convert_element_type3A_1102 = arith.extui %eq3A_1101 : vector<1x1024xi1> to vector<1x1024xi32>
    %convert_element_type3A_1103 = arith.sitofp %convert_element_type3A_1102 : vector<1x1024xi32> to vector<1x1024xf32>
    %add3A_1104 = arith.addf %convert_element_type3A_1098, %convert_element_type3A_1103 : vector<1x1024xf32>
    %broadcast_in_dim3A = arith.constant 0.000000e+00 : f32
    %broadcast_in_dim3A_1105 = vector.broadcast %broadcast_in_dim3A : f32 to vector<32x1024xf32>
    %get3A_1106 = arith.constant 0 : index
    %get3A_1107 = arith.constant 0 : index
    %get3A_1108 = vector.load %arg9[%get3A_1106, %get3A_1107] : memref<96x32xf32, #tpu.memory_space<vmem>>, vector<32x32xf32>
    %get3A_1109 = arith.constant 0 : index
    %get3A_1110 = arith.constant 0 : index
    %get3A_1111 = vector.load %arg11[%get3A_1109, %get3A_1110] : memref<96x32xf32, #tpu.memory_space<vmem>>, vector<32x32xf32>
    %get3A_1112 = arith.constant 0 : index
    %get3A_1113 = arith.constant 0 : index
    %get3A_1114 = vector.load %arg10[%get3A_1112, %get3A_1113] : memref<32x3xf32, #tpu.memory_space<vmem>>, vector<32x1xf32>
    %get3A_1115 = arith.constant 0 : index
    %get3A_1116 = arith.constant 0 : index
    %get3A_1117 = vector.load %arg12[%get3A_1115, %get3A_1116] : memref<32x3xf32, #tpu.memory_space<vmem>>, vector<32x1xf32>
    %mul3A_1118 = vector.broadcast %add3A_369 : vector<1x1024xf32> to vector<32x1024xf32>
    %mul3A_1119 = arith.mulf %mul3A_1118, %add3A : vector<32x1024xf32>
    %add3A_1120 = arith.addf %dot_general3A_7, %mul3A_1119 : vector<32x1024xf32>
    %mul3A_1121 = vector.broadcast %add3A_380 : vector<1x1024xf32> to vector<32x1024xf32>
    %mul3A_1122 = arith.mulf %mul3A_1121, %add3A_160 : vector<32x1024xf32>
    %add3A_1123 = arith.addf %add3A_1120, %mul3A_1122 : vector<32x1024xf32>
    %mul3A_1124 = vector.broadcast %add3A_391 : vector<1x1024xf32> to vector<32x1024xf32>
    %mul3A_1125 = arith.mulf %mul3A_1124, %add3A_192 : vector<32x1024xf32>
    %add3A_1126 = arith.addf %add3A_1123, %mul3A_1125 : vector<32x1024xf32>
    %mul3A_1127 = vector.broadcast %add3A_402 : vector<1x1024xf32> to vector<32x1024xf32>
    %mul3A_1128 = arith.mulf %mul3A_1127, %add3A_224 : vector<32x1024xf32>
    %add3A_1129 = arith.addf %add3A_1126, %mul3A_1128 : vector<32x1024xf32>
    %mul3A_1130 = vector.broadcast %add3A_413 : vector<1x1024xf32> to vector<32x1024xf32>
    %mul3A_1131 = arith.mulf %mul3A_1130, %add3A_256 : vector<32x1024xf32>
    %add3A_1132 = arith.addf %add3A_1129, %mul3A_1131 : vector<32x1024xf32>
    %mul3A_1133 = vector.broadcast %add3A_424 : vector<1x1024xf32> to vector<32x1024xf32>
    %mul3A_1134 = arith.mulf %mul3A_1133, %add3A_288 : vector<32x1024xf32>
    %add3A_1135 = arith.addf %add3A_1132, %mul3A_1134 : vector<32x1024xf32>
    %mul3A_1136 = vector.broadcast %add3A_435 : vector<1x1024xf32> to vector<32x1024xf32>
    %mul3A_1137 = arith.mulf %mul3A_1136, %add3A_320 : vector<32x1024xf32>
    %add3A_1138 = arith.addf %add3A_1135, %mul3A_1137 : vector<32x1024xf32>
    %mul3A_1139 = vector.broadcast %add3A_446 : vector<1x1024xf32> to vector<32x1024xf32>
    %mul3A_1140 = arith.mulf %mul3A_1139, %add3A_352 : vector<32x1024xf32>
    %add3A_1141 = arith.addf %add3A_1138, %mul3A_1140 : vector<32x1024xf32>
    %mul3A_1142 = vector.broadcast %add3A_463 : vector<1x1024xf32> to vector<32x1024xf32>
    %mul3A_1143 = arith.mulf %mul3A_1142, %add3A : vector<32x1024xf32>
    %add3A_1144 = arith.addf %dot_general3A_20, %mul3A_1143 : vector<32x1024xf32>
    %mul3A_1145 = vector.broadcast %add3A_474 : vector<1x1024xf32> to vector<32x1024xf32>
    %mul3A_1146 = arith.mulf %mul3A_1145, %add3A_160 : vector<32x1024xf32>
    %add3A_1147 = arith.addf %add3A_1144, %mul3A_1146 : vector<32x1024xf32>
    %mul3A_1148 = vector.broadcast %add3A_485 : vector<1x1024xf32> to vector<32x1024xf32>
    %mul3A_1149 = arith.mulf %mul3A_1148, %add3A_192 : vector<32x1024xf32>
    %add3A_1150 = arith.addf %add3A_1147, %mul3A_1149 : vector<32x1024xf32>
    %mul3A_1151 = vector.broadcast %add3A_496 : vector<1x1024xf32> to vector<32x1024xf32>
    %mul3A_1152 = arith.mulf %mul3A_1151, %add3A_224 : vector<32x1024xf32>
    %add3A_1153 = arith.addf %add3A_1150, %mul3A_1152 : vector<32x1024xf32>
    %mul3A_1154 = vector.broadcast %add3A_507 : vector<1x1024xf32> to vector<32x1024xf32>
    %mul3A_1155 = arith.mulf %mul3A_1154, %add3A_256 : vector<32x1024xf32>
    %add3A_1156 = arith.addf %add3A_1153, %mul3A_1155 : vector<32x1024xf32>
    %mul3A_1157 = vector.broadcast %add3A_518 : vector<1x1024xf32> to vector<32x1024xf32>
    %mul3A_1158 = arith.mulf %mul3A_1157, %add3A_288 : vector<32x1024xf32>
    %add3A_1159 = arith.addf %add3A_1156, %mul3A_1158 : vector<32x1024xf32>
    %mul3A_1160 = vector.broadcast %add3A_529 : vector<1x1024xf32> to vector<32x1024xf32>
    %mul3A_1161 = arith.mulf %mul3A_1160, %add3A_320 : vector<32x1024xf32>
    %add3A_1162 = arith.addf %add3A_1159, %mul3A_1161 : vector<32x1024xf32>
    %mul3A_1163 = vector.broadcast %add3A_540 : vector<1x1024xf32> to vector<32x1024xf32>
    %mul3A_1164 = arith.mulf %mul3A_1163, %add3A_352 : vector<32x1024xf32>
    %add3A_1165 = arith.addf %add3A_1162, %mul3A_1164 : vector<32x1024xf32>
    %mul3A_1166 = vector.broadcast %add3A_557 : vector<1x1024xf32> to vector<32x1024xf32>
    %mul3A_1167 = arith.mulf %mul3A_1166, %add3A : vector<32x1024xf32>
    %add3A_1168 = arith.addf %dot_general3A_33, %mul3A_1167 : vector<32x1024xf32>
    %mul3A_1169 = vector.broadcast %add3A_568 : vector<1x1024xf32> to vector<32x1024xf32>
    %mul3A_1170 = arith.mulf %mul3A_1169, %add3A_160 : vector<32x1024xf32>
    %add3A_1171 = arith.addf %add3A_1168, %mul3A_1170 : vector<32x1024xf32>
    %mul3A_1172 = vector.broadcast %add3A_579 : vector<1x1024xf32> to vector<32x1024xf32>
    %mul3A_1173 = arith.mulf %mul3A_1172, %add3A_192 : vector<32x1024xf32>
    %add3A_1174 = arith.addf %add3A_1171, %mul3A_1173 : vector<32x1024xf32>
    %mul3A_1175 = vector.broadcast %add3A_590 : vector<1x1024xf32> to vector<32x1024xf32>
    %mul3A_1176 = arith.mulf %mul3A_1175, %add3A_224 : vector<32x1024xf32>
    %add3A_1177 = arith.addf %add3A_1174, %mul3A_1176 : vector<32x1024xf32>
    %mul3A_1178 = vector.broadcast %add3A_601 : vector<1x1024xf32> to vector<32x1024xf32>
    %mul3A_1179 = arith.mulf %mul3A_1178, %add3A_256 : vector<32x1024xf32>
    %add3A_1180 = arith.addf %add3A_1177, %mul3A_1179 : vector<32x1024xf32>
    %mul3A_1181 = vector.broadcast %add3A_612 : vector<1x1024xf32> to vector<32x1024xf32>
    %mul3A_1182 = arith.mulf %mul3A_1181, %add3A_288 : vector<32x1024xf32>
    %add3A_1183 = arith.addf %add3A_1180, %mul3A_1182 : vector<32x1024xf32>
    %mul3A_1184 = vector.broadcast %add3A_623 : vector<1x1024xf32> to vector<32x1024xf32>
    %mul3A_1185 = arith.mulf %mul3A_1184, %add3A_320 : vector<32x1024xf32>
    %add3A_1186 = arith.addf %add3A_1183, %mul3A_1185 : vector<32x1024xf32>
    %mul3A_1187 = vector.broadcast %add3A_634 : vector<1x1024xf32> to vector<32x1024xf32>
    %mul3A_1188 = arith.mulf %mul3A_1187, %add3A_352 : vector<32x1024xf32>
    %add3A_1189 = arith.addf %add3A_1186, %mul3A_1188 : vector<32x1024xf32>
    %mul3A_1190 = vector.broadcast %add3A_651 : vector<1x1024xf32> to vector<32x1024xf32>
    %mul3A_1191 = arith.mulf %mul3A_1190, %add3A : vector<32x1024xf32>
    %add3A_1192 = arith.addf %dot_general3A_46, %mul3A_1191 : vector<32x1024xf32>
    %mul3A_1193 = vector.broadcast %add3A_662 : vector<1x1024xf32> to vector<32x1024xf32>
    %mul3A_1194 = arith.mulf %mul3A_1193, %add3A_160 : vector<32x1024xf32>
    %add3A_1195 = arith.addf %add3A_1192, %mul3A_1194 : vector<32x1024xf32>
    %mul3A_1196 = vector.broadcast %add3A_673 : vector<1x1024xf32> to vector<32x1024xf32>
    %mul3A_1197 = arith.mulf %mul3A_1196, %add3A_192 : vector<32x1024xf32>
    %add3A_1198 = arith.addf %add3A_1195, %mul3A_1197 : vector<32x1024xf32>
    %mul3A_1199 = vector.broadcast %add3A_684 : vector<1x1024xf32> to vector<32x1024xf32>
    %mul3A_1200 = arith.mulf %mul3A_1199, %add3A_224 : vector<32x1024xf32>
    %add3A_1201 = arith.addf %add3A_1198, %mul3A_1200 : vector<32x1024xf32>
    %mul3A_1202 = vector.broadcast %add3A_695 : vector<1x1024xf32> to vector<32x1024xf32>
    %mul3A_1203 = arith.mulf %mul3A_1202, %add3A_256 : vector<32x1024xf32>
    %add3A_1204 = arith.addf %add3A_1201, %mul3A_1203 : vector<32x1024xf32>
    %mul3A_1205 = vector.broadcast %add3A_706 : vector<1x1024xf32> to vector<32x1024xf32>
    %mul3A_1206 = arith.mulf %mul3A_1205, %add3A_288 : vector<32x1024xf32>
    %add3A_1207 = arith.addf %add3A_1204, %mul3A_1206 : vector<32x1024xf32>
    %mul3A_1208 = vector.broadcast %add3A_717 : vector<1x1024xf32> to vector<32x1024xf32>
    %mul3A_1209 = arith.mulf %mul3A_1208, %add3A_320 : vector<32x1024xf32>
    %add3A_1210 = arith.addf %add3A_1207, %mul3A_1209 : vector<32x1024xf32>
    %mul3A_1211 = vector.broadcast %add3A_728 : vector<1x1024xf32> to vector<32x1024xf32>
    %mul3A_1212 = arith.mulf %mul3A_1211, %add3A_352 : vector<32x1024xf32>
    %add3A_1213 = arith.addf %add3A_1210, %mul3A_1212 : vector<32x1024xf32>
    %mul3A_1214 = vector.broadcast %add3A_745 : vector<1x1024xf32> to vector<32x1024xf32>
    %mul3A_1215 = arith.mulf %mul3A_1214, %add3A : vector<32x1024xf32>
    %add3A_1216 = arith.addf %dot_general3A_59, %mul3A_1215 : vector<32x1024xf32>
    %mul3A_1217 = vector.broadcast %add3A_756 : vector<1x1024xf32> to vector<32x1024xf32>
    %mul3A_1218 = arith.mulf %mul3A_1217, %add3A_160 : vector<32x1024xf32>
    %add3A_1219 = arith.addf %add3A_1216, %mul3A_1218 : vector<32x1024xf32>
    %mul3A_1220 = vector.broadcast %add3A_767 : vector<1x1024xf32> to vector<32x1024xf32>
    %mul3A_1221 = arith.mulf %mul3A_1220, %add3A_192 : vector<32x1024xf32>
    %add3A_1222 = arith.addf %add3A_1219, %mul3A_1221 : vector<32x1024xf32>
    %mul3A_1223 = vector.broadcast %add3A_778 : vector<1x1024xf32> to vector<32x1024xf32>
    %mul3A_1224 = arith.mulf %mul3A_1223, %add3A_224 : vector<32x1024xf32>
    %add3A_1225 = arith.addf %add3A_1222, %mul3A_1224 : vector<32x1024xf32>
    %mul3A_1226 = vector.broadcast %add3A_789 : vector<1x1024xf32> to vector<32x1024xf32>
    %mul3A_1227 = arith.mulf %mul3A_1226, %add3A_256 : vector<32x1024xf32>
    %add3A_1228 = arith.addf %add3A_1225, %mul3A_1227 : vector<32x1024xf32>
    %mul3A_1229 = vector.broadcast %add3A_800 : vector<1x1024xf32> to vector<32x1024xf32>
    %mul3A_1230 = arith.mulf %mul3A_1229, %add3A_288 : vector<32x1024xf32>
    %add3A_1231 = arith.addf %add3A_1228, %mul3A_1230 : vector<32x1024xf32>
    %mul3A_1232 = vector.broadcast %add3A_811 : vector<1x1024xf32> to vector<32x1024xf32>
    %mul3A_1233 = arith.mulf %mul3A_1232, %add3A_320 : vector<32x1024xf32>
    %add3A_1234 = arith.addf %add3A_1231, %mul3A_1233 : vector<32x1024xf32>
    %mul3A_1235 = vector.broadcast %add3A_822 : vector<1x1024xf32> to vector<32x1024xf32>
    %mul3A_1236 = arith.mulf %mul3A_1235, %add3A_352 : vector<32x1024xf32>
    %add3A_1237 = arith.addf %add3A_1234, %mul3A_1236 : vector<32x1024xf32>
    %mul3A_1238 = vector.broadcast %add3A_839 : vector<1x1024xf32> to vector<32x1024xf32>
    %mul3A_1239 = arith.mulf %mul3A_1238, %add3A : vector<32x1024xf32>
    %add3A_1240 = arith.addf %dot_general3A_72, %mul3A_1239 : vector<32x1024xf32>
    %mul3A_1241 = vector.broadcast %add3A_850 : vector<1x1024xf32> to vector<32x1024xf32>
    %mul3A_1242 = arith.mulf %mul3A_1241, %add3A_160 : vector<32x1024xf32>
    %add3A_1243 = arith.addf %add3A_1240, %mul3A_1242 : vector<32x1024xf32>
    %mul3A_1244 = vector.broadcast %add3A_861 : vector<1x1024xf32> to vector<32x1024xf32>
    %mul3A_1245 = arith.mulf %mul3A_1244, %add3A_192 : vector<32x1024xf32>
    %add3A_1246 = arith.addf %add3A_1243, %mul3A_1245 : vector<32x1024xf32>
    %mul3A_1247 = vector.broadcast %add3A_872 : vector<1x1024xf32> to vector<32x1024xf32>
    %mul3A_1248 = arith.mulf %mul3A_1247, %add3A_224 : vector<32x1024xf32>
    %add3A_1249 = arith.addf %add3A_1246, %mul3A_1248 : vector<32x1024xf32>
    %mul3A_1250 = vector.broadcast %add3A_883 : vector<1x1024xf32> to vector<32x1024xf32>
    %mul3A_1251 = arith.mulf %mul3A_1250, %add3A_256 : vector<32x1024xf32>
    %add3A_1252 = arith.addf %add3A_1249, %mul3A_1251 : vector<32x1024xf32>
    %mul3A_1253 = vector.broadcast %add3A_894 : vector<1x1024xf32> to vector<32x1024xf32>
    %mul3A_1254 = arith.mulf %mul3A_1253, %add3A_288 : vector<32x1024xf32>
    %add3A_1255 = arith.addf %add3A_1252, %mul3A_1254 : vector<32x1024xf32>
    %mul3A_1256 = vector.broadcast %add3A_905 : vector<1x1024xf32> to vector<32x1024xf32>
    %mul3A_1257 = arith.mulf %mul3A_1256, %add3A_320 : vector<32x1024xf32>
    %add3A_1258 = arith.addf %add3A_1255, %mul3A_1257 : vector<32x1024xf32>
    %mul3A_1259 = vector.broadcast %add3A_916 : vector<1x1024xf32> to vector<32x1024xf32>
    %mul3A_1260 = arith.mulf %mul3A_1259, %add3A_352 : vector<32x1024xf32>
    %add3A_1261 = arith.addf %add3A_1258, %mul3A_1260 : vector<32x1024xf32>
    %mul3A_1262 = vector.broadcast %add3A_933 : vector<1x1024xf32> to vector<32x1024xf32>
    %mul3A_1263 = arith.mulf %mul3A_1262, %add3A : vector<32x1024xf32>
    %add3A_1264 = arith.addf %dot_general3A_85, %mul3A_1263 : vector<32x1024xf32>
    %mul3A_1265 = vector.broadcast %add3A_944 : vector<1x1024xf32> to vector<32x1024xf32>
    %mul3A_1266 = arith.mulf %mul3A_1265, %add3A_160 : vector<32x1024xf32>
    %add3A_1267 = arith.addf %add3A_1264, %mul3A_1266 : vector<32x1024xf32>
    %mul3A_1268 = vector.broadcast %add3A_955 : vector<1x1024xf32> to vector<32x1024xf32>
    %mul3A_1269 = arith.mulf %mul3A_1268, %add3A_192 : vector<32x1024xf32>
    %add3A_1270 = arith.addf %add3A_1267, %mul3A_1269 : vector<32x1024xf32>
    %mul3A_1271 = vector.broadcast %add3A_966 : vector<1x1024xf32> to vector<32x1024xf32>
    %mul3A_1272 = arith.mulf %mul3A_1271, %add3A_224 : vector<32x1024xf32>
    %add3A_1273 = arith.addf %add3A_1270, %mul3A_1272 : vector<32x1024xf32>
    %mul3A_1274 = vector.broadcast %add3A_977 : vector<1x1024xf32> to vector<32x1024xf32>
    %mul3A_1275 = arith.mulf %mul3A_1274, %add3A_256 : vector<32x1024xf32>
    %add3A_1276 = arith.addf %add3A_1273, %mul3A_1275 : vector<32x1024xf32>
    %mul3A_1277 = vector.broadcast %add3A_988 : vector<1x1024xf32> to vector<32x1024xf32>
    %mul3A_1278 = arith.mulf %mul3A_1277, %add3A_288 : vector<32x1024xf32>
    %add3A_1279 = arith.addf %add3A_1276, %mul3A_1278 : vector<32x1024xf32>
    %mul3A_1280 = vector.broadcast %add3A_999 : vector<1x1024xf32> to vector<32x1024xf32>
    %mul3A_1281 = arith.mulf %mul3A_1280, %add3A_320 : vector<32x1024xf32>
    %add3A_1282 = arith.addf %add3A_1279, %mul3A_1281 : vector<32x1024xf32>
    %mul3A_1283 = vector.broadcast %add3A_1010 : vector<1x1024xf32> to vector<32x1024xf32>
    %mul3A_1284 = arith.mulf %mul3A_1283, %add3A_352 : vector<32x1024xf32>
    %add3A_1285 = arith.addf %add3A_1282, %mul3A_1284 : vector<32x1024xf32>
    %mul3A_1286 = vector.broadcast %add3A_1027 : vector<1x1024xf32> to vector<32x1024xf32>
    %mul3A_1287 = arith.mulf %mul3A_1286, %add3A : vector<32x1024xf32>
    %add3A_1288 = arith.addf %dot_general3A_98, %mul3A_1287 : vector<32x1024xf32>
    %mul3A_1289 = vector.broadcast %add3A_1038 : vector<1x1024xf32> to vector<32x1024xf32>
    %mul3A_1290 = arith.mulf %mul3A_1289, %add3A_160 : vector<32x1024xf32>
    %add3A_1291 = arith.addf %add3A_1288, %mul3A_1290 : vector<32x1024xf32>
    %mul3A_1292 = vector.broadcast %add3A_1049 : vector<1x1024xf32> to vector<32x1024xf32>
    %mul3A_1293 = arith.mulf %mul3A_1292, %add3A_192 : vector<32x1024xf32>
    %add3A_1294 = arith.addf %add3A_1291, %mul3A_1293 : vector<32x1024xf32>
    %mul3A_1295 = vector.broadcast %add3A_1060 : vector<1x1024xf32> to vector<32x1024xf32>
    %mul3A_1296 = arith.mulf %mul3A_1295, %add3A_224 : vector<32x1024xf32>
    %add3A_1297 = arith.addf %add3A_1294, %mul3A_1296 : vector<32x1024xf32>
    %mul3A_1298 = vector.broadcast %add3A_1071 : vector<1x1024xf32> to vector<32x1024xf32>
    %mul3A_1299 = arith.mulf %mul3A_1298, %add3A_256 : vector<32x1024xf32>
    %add3A_1300 = arith.addf %add3A_1297, %mul3A_1299 : vector<32x1024xf32>
    %mul3A_1301 = vector.broadcast %add3A_1082 : vector<1x1024xf32> to vector<32x1024xf32>
    %mul3A_1302 = arith.mulf %mul3A_1301, %add3A_288 : vector<32x1024xf32>
    %add3A_1303 = arith.addf %add3A_1300, %mul3A_1302 : vector<32x1024xf32>
    %mul3A_1304 = vector.broadcast %add3A_1093 : vector<1x1024xf32> to vector<32x1024xf32>
    %mul3A_1305 = arith.mulf %mul3A_1304, %add3A_320 : vector<32x1024xf32>
    %add3A_1306 = arith.addf %add3A_1303, %mul3A_1305 : vector<32x1024xf32>
    %mul3A_1307 = vector.broadcast %add3A_1104 : vector<1x1024xf32> to vector<32x1024xf32>
    %mul3A_1308 = arith.mulf %mul3A_1307, %add3A_352 : vector<32x1024xf32>
    %add3A_1309 = arith.addf %add3A_1306, %mul3A_1308 : vector<32x1024xf32>
    %mul3A_1310 = vector.broadcast %add3A_369 : vector<1x1024xf32> to vector<32x1024xf32>
    %mul3A_1311 = arith.mulf %mul3A_1310, %dot_general3A_7 : vector<32x1024xf32>
    %add3A_1312 = arith.addf %add3A, %mul3A_1311 : vector<32x1024xf32>
    %mul3A_1313 = vector.broadcast %add3A_463 : vector<1x1024xf32> to vector<32x1024xf32>
    %mul3A_1314 = arith.mulf %mul3A_1313, %dot_general3A_20 : vector<32x1024xf32>
    %add3A_1315 = arith.addf %add3A_1312, %mul3A_1314 : vector<32x1024xf32>
    %mul3A_1316 = vector.broadcast %add3A_557 : vector<1x1024xf32> to vector<32x1024xf32>
    %mul3A_1317 = arith.mulf %mul3A_1316, %dot_general3A_33 : vector<32x1024xf32>
    %add3A_1318 = arith.addf %add3A_1315, %mul3A_1317 : vector<32x1024xf32>
    %mul3A_1319 = vector.broadcast %add3A_651 : vector<1x1024xf32> to vector<32x1024xf32>
    %mul3A_1320 = arith.mulf %mul3A_1319, %dot_general3A_46 : vector<32x1024xf32>
    %add3A_1321 = arith.addf %add3A_1318, %mul3A_1320 : vector<32x1024xf32>
    %mul3A_1322 = vector.broadcast %add3A_745 : vector<1x1024xf32> to vector<32x1024xf32>
    %mul3A_1323 = arith.mulf %mul3A_1322, %dot_general3A_59 : vector<32x1024xf32>
    %add3A_1324 = arith.addf %add3A_1321, %mul3A_1323 : vector<32x1024xf32>
    %mul3A_1325 = vector.broadcast %add3A_839 : vector<1x1024xf32> to vector<32x1024xf32>
    %mul3A_1326 = arith.mulf %mul3A_1325, %dot_general3A_72 : vector<32x1024xf32>
    %add3A_1327 = arith.addf %add3A_1324, %mul3A_1326 : vector<32x1024xf32>
    %mul3A_1328 = vector.broadcast %add3A_933 : vector<1x1024xf32> to vector<32x1024xf32>
    %mul3A_1329 = arith.mulf %mul3A_1328, %dot_general3A_85 : vector<32x1024xf32>
    %add3A_1330 = arith.addf %add3A_1327, %mul3A_1329 : vector<32x1024xf32>
    %mul3A_1331 = vector.broadcast %add3A_1027 : vector<1x1024xf32> to vector<32x1024xf32>
    %mul3A_1332 = arith.mulf %mul3A_1331, %dot_general3A_98 : vector<32x1024xf32>
    %add3A_1333 = arith.addf %add3A_1330, %mul3A_1332 : vector<32x1024xf32>
    %mul3A_1334 = vector.broadcast %add3A_380 : vector<1x1024xf32> to vector<32x1024xf32>
    %mul3A_1335 = arith.mulf %mul3A_1334, %dot_general3A_7 : vector<32x1024xf32>
    %add3A_1336 = arith.addf %add3A_160, %mul3A_1335 : vector<32x1024xf32>
    %mul3A_1337 = vector.broadcast %add3A_474 : vector<1x1024xf32> to vector<32x1024xf32>
    %mul3A_1338 = arith.mulf %mul3A_1337, %dot_general3A_20 : vector<32x1024xf32>
    %add3A_1339 = arith.addf %add3A_1336, %mul3A_1338 : vector<32x1024xf32>
    %mul3A_1340 = vector.broadcast %add3A_568 : vector<1x1024xf32> to vector<32x1024xf32>
    %mul3A_1341 = arith.mulf %mul3A_1340, %dot_general3A_33 : vector<32x1024xf32>
    %add3A_1342 = arith.addf %add3A_1339, %mul3A_1341 : vector<32x1024xf32>
    %mul3A_1343 = vector.broadcast %add3A_662 : vector<1x1024xf32> to vector<32x1024xf32>
    %mul3A_1344 = arith.mulf %mul3A_1343, %dot_general3A_46 : vector<32x1024xf32>
    %add3A_1345 = arith.addf %add3A_1342, %mul3A_1344 : vector<32x1024xf32>
    %mul3A_1346 = vector.broadcast %add3A_756 : vector<1x1024xf32> to vector<32x1024xf32>
    %mul3A_1347 = arith.mulf %mul3A_1346, %dot_general3A_59 : vector<32x1024xf32>
    %add3A_1348 = arith.addf %add3A_1345, %mul3A_1347 : vector<32x1024xf32>
    %mul3A_1349 = vector.broadcast %add3A_850 : vector<1x1024xf32> to vector<32x1024xf32>
    %mul3A_1350 = arith.mulf %mul3A_1349, %dot_general3A_72 : vector<32x1024xf32>
    %add3A_1351 = arith.addf %add3A_1348, %mul3A_1350 : vector<32x1024xf32>
    %mul3A_1352 = vector.broadcast %add3A_944 : vector<1x1024xf32> to vector<32x1024xf32>
    %mul3A_1353 = arith.mulf %mul3A_1352, %dot_general3A_85 : vector<32x1024xf32>
    %add3A_1354 = arith.addf %add3A_1351, %mul3A_1353 : vector<32x1024xf32>
    %mul3A_1355 = vector.broadcast %add3A_1038 : vector<1x1024xf32> to vector<32x1024xf32>
    %mul3A_1356 = arith.mulf %mul3A_1355, %dot_general3A_98 : vector<32x1024xf32>
    %add3A_1357 = arith.addf %add3A_1354, %mul3A_1356 : vector<32x1024xf32>
    %mul3A_1358 = vector.broadcast %add3A_391 : vector<1x1024xf32> to vector<32x1024xf32>
    %mul3A_1359 = arith.mulf %mul3A_1358, %dot_general3A_7 : vector<32x1024xf32>
    %add3A_1360 = arith.addf %add3A_192, %mul3A_1359 : vector<32x1024xf32>
    %mul3A_1361 = vector.broadcast %add3A_485 : vector<1x1024xf32> to vector<32x1024xf32>
    %mul3A_1362 = arith.mulf %mul3A_1361, %dot_general3A_20 : vector<32x1024xf32>
    %add3A_1363 = arith.addf %add3A_1360, %mul3A_1362 : vector<32x1024xf32>
    %mul3A_1364 = vector.broadcast %add3A_579 : vector<1x1024xf32> to vector<32x1024xf32>
    %mul3A_1365 = arith.mulf %mul3A_1364, %dot_general3A_33 : vector<32x1024xf32>
    %add3A_1366 = arith.addf %add3A_1363, %mul3A_1365 : vector<32x1024xf32>
    %mul3A_1367 = vector.broadcast %add3A_673 : vector<1x1024xf32> to vector<32x1024xf32>
    %mul3A_1368 = arith.mulf %mul3A_1367, %dot_general3A_46 : vector<32x1024xf32>
    %add3A_1369 = arith.addf %add3A_1366, %mul3A_1368 : vector<32x1024xf32>
    %mul3A_1370 = vector.broadcast %add3A_767 : vector<1x1024xf32> to vector<32x1024xf32>
    %mul3A_1371 = arith.mulf %mul3A_1370, %dot_general3A_59 : vector<32x1024xf32>
    %add3A_1372 = arith.addf %add3A_1369, %mul3A_1371 : vector<32x1024xf32>
    %mul3A_1373 = vector.broadcast %add3A_861 : vector<1x1024xf32> to vector<32x1024xf32>
    %mul3A_1374 = arith.mulf %mul3A_1373, %dot_general3A_72 : vector<32x1024xf32>
    %add3A_1375 = arith.addf %add3A_1372, %mul3A_1374 : vector<32x1024xf32>
    %mul3A_1376 = vector.broadcast %add3A_955 : vector<1x1024xf32> to vector<32x1024xf32>
    %mul3A_1377 = arith.mulf %mul3A_1376, %dot_general3A_85 : vector<32x1024xf32>
    %add3A_1378 = arith.addf %add3A_1375, %mul3A_1377 : vector<32x1024xf32>
    %mul3A_1379 = vector.broadcast %add3A_1049 : vector<1x1024xf32> to vector<32x1024xf32>
    %mul3A_1380 = arith.mulf %mul3A_1379, %dot_general3A_98 : vector<32x1024xf32>
    %add3A_1381 = arith.addf %add3A_1378, %mul3A_1380 : vector<32x1024xf32>
    %mul3A_1382 = vector.broadcast %add3A_402 : vector<1x1024xf32> to vector<32x1024xf32>
    %mul3A_1383 = arith.mulf %mul3A_1382, %dot_general3A_7 : vector<32x1024xf32>
    %add3A_1384 = arith.addf %add3A_224, %mul3A_1383 : vector<32x1024xf32>
    %mul3A_1385 = vector.broadcast %add3A_496 : vector<1x1024xf32> to vector<32x1024xf32>
    %mul3A_1386 = arith.mulf %mul3A_1385, %dot_general3A_20 : vector<32x1024xf32>
    %add3A_1387 = arith.addf %add3A_1384, %mul3A_1386 : vector<32x1024xf32>
    %mul3A_1388 = vector.broadcast %add3A_590 : vector<1x1024xf32> to vector<32x1024xf32>
    %mul3A_1389 = arith.mulf %mul3A_1388, %dot_general3A_33 : vector<32x1024xf32>
    %add3A_1390 = arith.addf %add3A_1387, %mul3A_1389 : vector<32x1024xf32>
    %mul3A_1391 = vector.broadcast %add3A_684 : vector<1x1024xf32> to vector<32x1024xf32>
    %mul3A_1392 = arith.mulf %mul3A_1391, %dot_general3A_46 : vector<32x1024xf32>
    %add3A_1393 = arith.addf %add3A_1390, %mul3A_1392 : vector<32x1024xf32>
    %mul3A_1394 = vector.broadcast %add3A_778 : vector<1x1024xf32> to vector<32x1024xf32>
    %mul3A_1395 = arith.mulf %mul3A_1394, %dot_general3A_59 : vector<32x1024xf32>
    %add3A_1396 = arith.addf %add3A_1393, %mul3A_1395 : vector<32x1024xf32>
    %mul3A_1397 = vector.broadcast %add3A_872 : vector<1x1024xf32> to vector<32x1024xf32>
    %mul3A_1398 = arith.mulf %mul3A_1397, %dot_general3A_72 : vector<32x1024xf32>
    %add3A_1399 = arith.addf %add3A_1396, %mul3A_1398 : vector<32x1024xf32>
    %mul3A_1400 = vector.broadcast %add3A_966 : vector<1x1024xf32> to vector<32x1024xf32>
    %mul3A_1401 = arith.mulf %mul3A_1400, %dot_general3A_85 : vector<32x1024xf32>
    %add3A_1402 = arith.addf %add3A_1399, %mul3A_1401 : vector<32x1024xf32>
    %mul3A_1403 = vector.broadcast %add3A_1060 : vector<1x1024xf32> to vector<32x1024xf32>
    %mul3A_1404 = arith.mulf %mul3A_1403, %dot_general3A_98 : vector<32x1024xf32>
    %add3A_1405 = arith.addf %add3A_1402, %mul3A_1404 : vector<32x1024xf32>
    %mul3A_1406 = vector.broadcast %add3A_413 : vector<1x1024xf32> to vector<32x1024xf32>
    %mul3A_1407 = arith.mulf %mul3A_1406, %dot_general3A_7 : vector<32x1024xf32>
    %add3A_1408 = arith.addf %add3A_256, %mul3A_1407 : vector<32x1024xf32>
    %mul3A_1409 = vector.broadcast %add3A_507 : vector<1x1024xf32> to vector<32x1024xf32>
    %mul3A_1410 = arith.mulf %mul3A_1409, %dot_general3A_20 : vector<32x1024xf32>
    %add3A_1411 = arith.addf %add3A_1408, %mul3A_1410 : vector<32x1024xf32>
    %mul3A_1412 = vector.broadcast %add3A_601 : vector<1x1024xf32> to vector<32x1024xf32>
    %mul3A_1413 = arith.mulf %mul3A_1412, %dot_general3A_33 : vector<32x1024xf32>
    %add3A_1414 = arith.addf %add3A_1411, %mul3A_1413 : vector<32x1024xf32>
    %mul3A_1415 = vector.broadcast %add3A_695 : vector<1x1024xf32> to vector<32x1024xf32>
    %mul3A_1416 = arith.mulf %mul3A_1415, %dot_general3A_46 : vector<32x1024xf32>
    %add3A_1417 = arith.addf %add3A_1414, %mul3A_1416 : vector<32x1024xf32>
    %mul3A_1418 = vector.broadcast %add3A_789 : vector<1x1024xf32> to vector<32x1024xf32>
    %mul3A_1419 = arith.mulf %mul3A_1418, %dot_general3A_59 : vector<32x1024xf32>
    %add3A_1420 = arith.addf %add3A_1417, %mul3A_1419 : vector<32x1024xf32>
    %mul3A_1421 = vector.broadcast %add3A_883 : vector<1x1024xf32> to vector<32x1024xf32>
    %mul3A_1422 = arith.mulf %mul3A_1421, %dot_general3A_72 : vector<32x1024xf32>
    %add3A_1423 = arith.addf %add3A_1420, %mul3A_1422 : vector<32x1024xf32>
    %mul3A_1424 = vector.broadcast %add3A_977 : vector<1x1024xf32> to vector<32x1024xf32>
    %mul3A_1425 = arith.mulf %mul3A_1424, %dot_general3A_85 : vector<32x1024xf32>
    %add3A_1426 = arith.addf %add3A_1423, %mul3A_1425 : vector<32x1024xf32>
    %mul3A_1427 = vector.broadcast %add3A_1071 : vector<1x1024xf32> to vector<32x1024xf32>
    %mul3A_1428 = arith.mulf %mul3A_1427, %dot_general3A_98 : vector<32x1024xf32>
    %add3A_1429 = arith.addf %add3A_1426, %mul3A_1428 : vector<32x1024xf32>
    %mul3A_1430 = vector.broadcast %add3A_424 : vector<1x1024xf32> to vector<32x1024xf32>
    %mul3A_1431 = arith.mulf %mul3A_1430, %dot_general3A_7 : vector<32x1024xf32>
    %add3A_1432 = arith.addf %add3A_288, %mul3A_1431 : vector<32x1024xf32>
    %mul3A_1433 = vector.broadcast %add3A_518 : vector<1x1024xf32> to vector<32x1024xf32>
    %mul3A_1434 = arith.mulf %mul3A_1433, %dot_general3A_20 : vector<32x1024xf32>
    %add3A_1435 = arith.addf %add3A_1432, %mul3A_1434 : vector<32x1024xf32>
    %mul3A_1436 = vector.broadcast %add3A_612 : vector<1x1024xf32> to vector<32x1024xf32>
    %mul3A_1437 = arith.mulf %mul3A_1436, %dot_general3A_33 : vector<32x1024xf32>
    %add3A_1438 = arith.addf %add3A_1435, %mul3A_1437 : vector<32x1024xf32>
    %mul3A_1439 = vector.broadcast %add3A_706 : vector<1x1024xf32> to vector<32x1024xf32>
    %mul3A_1440 = arith.mulf %mul3A_1439, %dot_general3A_46 : vector<32x1024xf32>
    %add3A_1441 = arith.addf %add3A_1438, %mul3A_1440 : vector<32x1024xf32>
    %mul3A_1442 = vector.broadcast %add3A_800 : vector<1x1024xf32> to vector<32x1024xf32>
    %mul3A_1443 = arith.mulf %mul3A_1442, %dot_general3A_59 : vector<32x1024xf32>
    %add3A_1444 = arith.addf %add3A_1441, %mul3A_1443 : vector<32x1024xf32>
    %mul3A_1445 = vector.broadcast %add3A_894 : vector<1x1024xf32> to vector<32x1024xf32>
    %mul3A_1446 = arith.mulf %mul3A_1445, %dot_general3A_72 : vector<32x1024xf32>
    %add3A_1447 = arith.addf %add3A_1444, %mul3A_1446 : vector<32x1024xf32>
    %mul3A_1448 = vector.broadcast %add3A_988 : vector<1x1024xf32> to vector<32x1024xf32>
    %mul3A_1449 = arith.mulf %mul3A_1448, %dot_general3A_85 : vector<32x1024xf32>
    %add3A_1450 = arith.addf %add3A_1447, %mul3A_1449 : vector<32x1024xf32>
    %mul3A_1451 = vector.broadcast %add3A_1082 : vector<1x1024xf32> to vector<32x1024xf32>
    %mul3A_1452 = arith.mulf %mul3A_1451, %dot_general3A_98 : vector<32x1024xf32>
    %add3A_1453 = arith.addf %add3A_1450, %mul3A_1452 : vector<32x1024xf32>
    %mul3A_1454 = vector.broadcast %add3A_435 : vector<1x1024xf32> to vector<32x1024xf32>
    %mul3A_1455 = arith.mulf %mul3A_1454, %dot_general3A_7 : vector<32x1024xf32>
    %add3A_1456 = arith.addf %add3A_320, %mul3A_1455 : vector<32x1024xf32>
    %mul3A_1457 = vector.broadcast %add3A_529 : vector<1x1024xf32> to vector<32x1024xf32>
    %mul3A_1458 = arith.mulf %mul3A_1457, %dot_general3A_20 : vector<32x1024xf32>
    %add3A_1459 = arith.addf %add3A_1456, %mul3A_1458 : vector<32x1024xf32>
    %mul3A_1460 = vector.broadcast %add3A_623 : vector<1x1024xf32> to vector<32x1024xf32>
    %mul3A_1461 = arith.mulf %mul3A_1460, %dot_general3A_33 : vector<32x1024xf32>
    %add3A_1462 = arith.addf %add3A_1459, %mul3A_1461 : vector<32x1024xf32>
    %mul3A_1463 = vector.broadcast %add3A_717 : vector<1x1024xf32> to vector<32x1024xf32>
    %mul3A_1464 = arith.mulf %mul3A_1463, %dot_general3A_46 : vector<32x1024xf32>
    %add3A_1465 = arith.addf %add3A_1462, %mul3A_1464 : vector<32x1024xf32>
    %mul3A_1466 = vector.broadcast %add3A_811 : vector<1x1024xf32> to vector<32x1024xf32>
    %mul3A_1467 = arith.mulf %mul3A_1466, %dot_general3A_59 : vector<32x1024xf32>
    %add3A_1468 = arith.addf %add3A_1465, %mul3A_1467 : vector<32x1024xf32>
    %mul3A_1469 = vector.broadcast %add3A_905 : vector<1x1024xf32> to vector<32x1024xf32>
    %mul3A_1470 = arith.mulf %mul3A_1469, %dot_general3A_72 : vector<32x1024xf32>
    %add3A_1471 = arith.addf %add3A_1468, %mul3A_1470 : vector<32x1024xf32>
    %mul3A_1472 = vector.broadcast %add3A_999 : vector<1x1024xf32> to vector<32x1024xf32>
    %mul3A_1473 = arith.mulf %mul3A_1472, %dot_general3A_85 : vector<32x1024xf32>
    %add3A_1474 = arith.addf %add3A_1471, %mul3A_1473 : vector<32x1024xf32>
    %mul3A_1475 = vector.broadcast %add3A_1093 : vector<1x1024xf32> to vector<32x1024xf32>
    %mul3A_1476 = arith.mulf %mul3A_1475, %dot_general3A_98 : vector<32x1024xf32>
    %add3A_1477 = arith.addf %add3A_1474, %mul3A_1476 : vector<32x1024xf32>
    %mul3A_1478 = vector.broadcast %add3A_446 : vector<1x1024xf32> to vector<32x1024xf32>
    %mul3A_1479 = arith.mulf %mul3A_1478, %dot_general3A_7 : vector<32x1024xf32>
    %add3A_1480 = arith.addf %add3A_352, %mul3A_1479 : vector<32x1024xf32>
    %mul3A_1481 = vector.broadcast %add3A_540 : vector<1x1024xf32> to vector<32x1024xf32>
    %mul3A_1482 = arith.mulf %mul3A_1481, %dot_general3A_20 : vector<32x1024xf32>
    %add3A_1483 = arith.addf %add3A_1480, %mul3A_1482 : vector<32x1024xf32>
    %mul3A_1484 = vector.broadcast %add3A_634 : vector<1x1024xf32> to vector<32x1024xf32>
    %mul3A_1485 = arith.mulf %mul3A_1484, %dot_general3A_33 : vector<32x1024xf32>
    %add3A_1486 = arith.addf %add3A_1483, %mul3A_1485 : vector<32x1024xf32>
    %mul3A_1487 = vector.broadcast %add3A_728 : vector<1x1024xf32> to vector<32x1024xf32>
    %mul3A_1488 = arith.mulf %mul3A_1487, %dot_general3A_46 : vector<32x1024xf32>
    %add3A_1489 = arith.addf %add3A_1486, %mul3A_1488 : vector<32x1024xf32>
    %mul3A_1490 = vector.broadcast %add3A_822 : vector<1x1024xf32> to vector<32x1024xf32>
    %mul3A_1491 = arith.mulf %mul3A_1490, %dot_general3A_59 : vector<32x1024xf32>
    %add3A_1492 = arith.addf %add3A_1489, %mul3A_1491 : vector<32x1024xf32>
    %mul3A_1493 = vector.broadcast %add3A_916 : vector<1x1024xf32> to vector<32x1024xf32>
    %mul3A_1494 = arith.mulf %mul3A_1493, %dot_general3A_72 : vector<32x1024xf32>
    %add3A_1495 = arith.addf %add3A_1492, %mul3A_1494 : vector<32x1024xf32>
    %mul3A_1496 = vector.broadcast %add3A_1010 : vector<1x1024xf32> to vector<32x1024xf32>
    %mul3A_1497 = arith.mulf %mul3A_1496, %dot_general3A_85 : vector<32x1024xf32>
    %add3A_1498 = arith.addf %add3A_1495, %mul3A_1497 : vector<32x1024xf32>
    %mul3A_1499 = vector.broadcast %add3A_1104 : vector<1x1024xf32> to vector<32x1024xf32>
    %mul3A_1500 = arith.mulf %mul3A_1499, %dot_general3A_98 : vector<32x1024xf32>
    %add3A_1501 = arith.addf %add3A_1498, %mul3A_1500 : vector<32x1024xf32>
    %dot_general3A_1502 = arith.constant dense<0.000000e+00> : vector<32x1024xf32>
    %dot_general3A_1503 = tpu.matmul %get3A_1111, %add3A_1141, %dot_general3A_1502 {dimension_numbers = #tpu.dot_dimension_numbers<[1], [0], [0], [1], [0, 0, 1, 1], [], []>, transpose_lhs_hint = false} : vector<32x32xf32>, vector<32x1024xf32>, vector<32x1024xf32> -> vector<32x1024xf32>
    %add3A_1504 = vector.broadcast %get3A_1117 : vector<32x1xf32> to vector<32x1024xf32>
    %add3A_1505 = arith.addf %dot_general3A_1503, %add3A_1504 : vector<32x1024xf32>
    %max3A = arith.constant 0.000000e+00 : f32
    %max3A_1506 = vector.broadcast %max3A : f32 to vector<32x1024xf32>
    %max3A_1507 = arith.maximumf %add3A_1505, %max3A_1506 : vector<32x1024xf32>
    %add3A_1508 = arith.addf %broadcast_in_dim3A_1105, %max3A_1507 : vector<32x1024xf32>
    %dot_general3A_1509 = arith.constant dense<0.000000e+00> : vector<32x1024xf32>
    %dot_general3A_1510 = tpu.matmul %get3A_1111, %add3A_1165, %dot_general3A_1509 {dimension_numbers = #tpu.dot_dimension_numbers<[1], [0], [0], [1], [0, 0, 1, 1], [], []>, transpose_lhs_hint = false} : vector<32x32xf32>, vector<32x1024xf32>, vector<32x1024xf32> -> vector<32x1024xf32>
    %add3A_1511 = vector.broadcast %get3A_1117 : vector<32x1xf32> to vector<32x1024xf32>
    %add3A_1512 = arith.addf %dot_general3A_1510, %add3A_1511 : vector<32x1024xf32>
    %max3A_1513 = arith.constant 0.000000e+00 : f32
    %max3A_1514 = vector.broadcast %max3A_1513 : f32 to vector<32x1024xf32>
    %max3A_1515 = arith.maximumf %add3A_1512, %max3A_1514 : vector<32x1024xf32>
    %add3A_1516 = arith.addf %add3A_1508, %max3A_1515 : vector<32x1024xf32>
    %dot_general3A_1517 = arith.constant dense<0.000000e+00> : vector<32x1024xf32>
    %dot_general3A_1518 = tpu.matmul %get3A_1111, %add3A_1189, %dot_general3A_1517 {dimension_numbers = #tpu.dot_dimension_numbers<[1], [0], [0], [1], [0, 0, 1, 1], [], []>, transpose_lhs_hint = false} : vector<32x32xf32>, vector<32x1024xf32>, vector<32x1024xf32> -> vector<32x1024xf32>
    %add3A_1519 = vector.broadcast %get3A_1117 : vector<32x1xf32> to vector<32x1024xf32>
    %add3A_1520 = arith.addf %dot_general3A_1518, %add3A_1519 : vector<32x1024xf32>
    %max3A_1521 = arith.constant 0.000000e+00 : f32
    %max3A_1522 = vector.broadcast %max3A_1521 : f32 to vector<32x1024xf32>
    %max3A_1523 = arith.maximumf %add3A_1520, %max3A_1522 : vector<32x1024xf32>
    %add3A_1524 = arith.addf %add3A_1516, %max3A_1523 : vector<32x1024xf32>
    %dot_general3A_1525 = arith.constant dense<0.000000e+00> : vector<32x1024xf32>
    %dot_general3A_1526 = tpu.matmul %get3A_1111, %add3A_1213, %dot_general3A_1525 {dimension_numbers = #tpu.dot_dimension_numbers<[1], [0], [0], [1], [0, 0, 1, 1], [], []>, transpose_lhs_hint = false} : vector<32x32xf32>, vector<32x1024xf32>, vector<32x1024xf32> -> vector<32x1024xf32>
    %add3A_1527 = vector.broadcast %get3A_1117 : vector<32x1xf32> to vector<32x1024xf32>
    %add3A_1528 = arith.addf %dot_general3A_1526, %add3A_1527 : vector<32x1024xf32>
    %max3A_1529 = arith.constant 0.000000e+00 : f32
    %max3A_1530 = vector.broadcast %max3A_1529 : f32 to vector<32x1024xf32>
    %max3A_1531 = arith.maximumf %add3A_1528, %max3A_1530 : vector<32x1024xf32>
    %add3A_1532 = arith.addf %add3A_1524, %max3A_1531 : vector<32x1024xf32>
    %dot_general3A_1533 = arith.constant dense<0.000000e+00> : vector<32x1024xf32>
    %dot_general3A_1534 = tpu.matmul %get3A_1111, %add3A_1237, %dot_general3A_1533 {dimension_numbers = #tpu.dot_dimension_numbers<[1], [0], [0], [1], [0, 0, 1, 1], [], []>, transpose_lhs_hint = false} : vector<32x32xf32>, vector<32x1024xf32>, vector<32x1024xf32> -> vector<32x1024xf32>
    %add3A_1535 = vector.broadcast %get3A_1117 : vector<32x1xf32> to vector<32x1024xf32>
    %add3A_1536 = arith.addf %dot_general3A_1534, %add3A_1535 : vector<32x1024xf32>
    %max3A_1537 = arith.constant 0.000000e+00 : f32
    %max3A_1538 = vector.broadcast %max3A_1537 : f32 to vector<32x1024xf32>
    %max3A_1539 = arith.maximumf %add3A_1536, %max3A_1538 : vector<32x1024xf32>
    %add3A_1540 = arith.addf %add3A_1532, %max3A_1539 : vector<32x1024xf32>
    %dot_general3A_1541 = arith.constant dense<0.000000e+00> : vector<32x1024xf32>
    %dot_general3A_1542 = tpu.matmul %get3A_1111, %add3A_1261, %dot_general3A_1541 {dimension_numbers = #tpu.dot_dimension_numbers<[1], [0], [0], [1], [0, 0, 1, 1], [], []>, transpose_lhs_hint = false} : vector<32x32xf32>, vector<32x1024xf32>, vector<32x1024xf32> -> vector<32x1024xf32>
    %add3A_1543 = vector.broadcast %get3A_1117 : vector<32x1xf32> to vector<32x1024xf32>
    %add3A_1544 = arith.addf %dot_general3A_1542, %add3A_1543 : vector<32x1024xf32>
    %max3A_1545 = arith.constant 0.000000e+00 : f32
    %max3A_1546 = vector.broadcast %max3A_1545 : f32 to vector<32x1024xf32>
    %max3A_1547 = arith.maximumf %add3A_1544, %max3A_1546 : vector<32x1024xf32>
    %add3A_1548 = arith.addf %add3A_1540, %max3A_1547 : vector<32x1024xf32>
    %dot_general3A_1549 = arith.constant dense<0.000000e+00> : vector<32x1024xf32>
    %dot_general3A_1550 = tpu.matmul %get3A_1111, %add3A_1285, %dot_general3A_1549 {dimension_numbers = #tpu.dot_dimension_numbers<[1], [0], [0], [1], [0, 0, 1, 1], [], []>, transpose_lhs_hint = false} : vector<32x32xf32>, vector<32x1024xf32>, vector<32x1024xf32> -> vector<32x1024xf32>
    %add3A_1551 = vector.broadcast %get3A_1117 : vector<32x1xf32> to vector<32x1024xf32>
    %add3A_1552 = arith.addf %dot_general3A_1550, %add3A_1551 : vector<32x1024xf32>
    %max3A_1553 = arith.constant 0.000000e+00 : f32
    %max3A_1554 = vector.broadcast %max3A_1553 : f32 to vector<32x1024xf32>
    %max3A_1555 = arith.maximumf %add3A_1552, %max3A_1554 : vector<32x1024xf32>
    %add3A_1556 = arith.addf %add3A_1548, %max3A_1555 : vector<32x1024xf32>
    %dot_general3A_1557 = arith.constant dense<0.000000e+00> : vector<32x1024xf32>
    %dot_general3A_1558 = tpu.matmul %get3A_1111, %add3A_1309, %dot_general3A_1557 {dimension_numbers = #tpu.dot_dimension_numbers<[1], [0], [0], [1], [0, 0, 1, 1], [], []>, transpose_lhs_hint = false} : vector<32x32xf32>, vector<32x1024xf32>, vector<32x1024xf32> -> vector<32x1024xf32>
    %add3A_1559 = vector.broadcast %get3A_1117 : vector<32x1xf32> to vector<32x1024xf32>
    %add3A_1560 = arith.addf %dot_general3A_1558, %add3A_1559 : vector<32x1024xf32>
    %max3A_1561 = arith.constant 0.000000e+00 : f32
    %max3A_1562 = vector.broadcast %max3A_1561 : f32 to vector<32x1024xf32>
    %max3A_1563 = arith.maximumf %add3A_1560, %max3A_1562 : vector<32x1024xf32>
    %add3A_1564 = arith.addf %add3A_1556, %max3A_1563 : vector<32x1024xf32>
    %dot_general3A_1565 = arith.constant dense<0.000000e+00> : vector<32x1024xf32>
    %dot_general3A_1566 = tpu.matmul %get3A_1111, %add3A_1333, %dot_general3A_1565 {dimension_numbers = #tpu.dot_dimension_numbers<[1], [0], [0], [1], [0, 0, 1, 1], [], []>, transpose_lhs_hint = false} : vector<32x32xf32>, vector<32x1024xf32>, vector<32x1024xf32> -> vector<32x1024xf32>
    %add3A_1567 = vector.broadcast %get3A_1117 : vector<32x1xf32> to vector<32x1024xf32>
    %add3A_1568 = arith.addf %dot_general3A_1566, %add3A_1567 : vector<32x1024xf32>
    %max3A_1569 = arith.constant 0.000000e+00 : f32
    %max3A_1570 = vector.broadcast %max3A_1569 : f32 to vector<32x1024xf32>
    %max3A_1571 = arith.maximumf %add3A_1568, %max3A_1570 : vector<32x1024xf32>
    %add3A_1572 = arith.addf %add3A_1564, %max3A_1571 : vector<32x1024xf32>
    %dot_general3A_1573 = arith.constant dense<0.000000e+00> : vector<32x1024xf32>
    %dot_general3A_1574 = tpu.matmul %get3A_1111, %add3A_1357, %dot_general3A_1573 {dimension_numbers = #tpu.dot_dimension_numbers<[1], [0], [0], [1], [0, 0, 1, 1], [], []>, transpose_lhs_hint = false} : vector<32x32xf32>, vector<32x1024xf32>, vector<32x1024xf32> -> vector<32x1024xf32>
    %add3A_1575 = vector.broadcast %get3A_1117 : vector<32x1xf32> to vector<32x1024xf32>
    %add3A_1576 = arith.addf %dot_general3A_1574, %add3A_1575 : vector<32x1024xf32>
    %max3A_1577 = arith.constant 0.000000e+00 : f32
    %max3A_1578 = vector.broadcast %max3A_1577 : f32 to vector<32x1024xf32>
    %max3A_1579 = arith.maximumf %add3A_1576, %max3A_1578 : vector<32x1024xf32>
    %add3A_1580 = arith.addf %add3A_1572, %max3A_1579 : vector<32x1024xf32>
    %dot_general3A_1581 = arith.constant dense<0.000000e+00> : vector<32x1024xf32>
    %dot_general3A_1582 = tpu.matmul %get3A_1111, %add3A_1381, %dot_general3A_1581 {dimension_numbers = #tpu.dot_dimension_numbers<[1], [0], [0], [1], [0, 0, 1, 1], [], []>, transpose_lhs_hint = false} : vector<32x32xf32>, vector<32x1024xf32>, vector<32x1024xf32> -> vector<32x1024xf32>
    %add3A_1583 = vector.broadcast %get3A_1117 : vector<32x1xf32> to vector<32x1024xf32>
    %add3A_1584 = arith.addf %dot_general3A_1582, %add3A_1583 : vector<32x1024xf32>
    %max3A_1585 = arith.constant 0.000000e+00 : f32
    %max3A_1586 = vector.broadcast %max3A_1585 : f32 to vector<32x1024xf32>
    %max3A_1587 = arith.maximumf %add3A_1584, %max3A_1586 : vector<32x1024xf32>
    %add3A_1588 = arith.addf %add3A_1580, %max3A_1587 : vector<32x1024xf32>
    %dot_general3A_1589 = arith.constant dense<0.000000e+00> : vector<32x1024xf32>
    %dot_general3A_1590 = tpu.matmul %get3A_1111, %add3A_1405, %dot_general3A_1589 {dimension_numbers = #tpu.dot_dimension_numbers<[1], [0], [0], [1], [0, 0, 1, 1], [], []>, transpose_lhs_hint = false} : vector<32x32xf32>, vector<32x1024xf32>, vector<32x1024xf32> -> vector<32x1024xf32>
    %add3A_1591 = vector.broadcast %get3A_1117 : vector<32x1xf32> to vector<32x1024xf32>
    %add3A_1592 = arith.addf %dot_general3A_1590, %add3A_1591 : vector<32x1024xf32>
    %max3A_1593 = arith.constant 0.000000e+00 : f32
    %max3A_1594 = vector.broadcast %max3A_1593 : f32 to vector<32x1024xf32>
    %max3A_1595 = arith.maximumf %add3A_1592, %max3A_1594 : vector<32x1024xf32>
    %add3A_1596 = arith.addf %add3A_1588, %max3A_1595 : vector<32x1024xf32>
    %dot_general3A_1597 = arith.constant dense<0.000000e+00> : vector<32x1024xf32>
    %dot_general3A_1598 = tpu.matmul %get3A_1111, %add3A_1429, %dot_general3A_1597 {dimension_numbers = #tpu.dot_dimension_numbers<[1], [0], [0], [1], [0, 0, 1, 1], [], []>, transpose_lhs_hint = false} : vector<32x32xf32>, vector<32x1024xf32>, vector<32x1024xf32> -> vector<32x1024xf32>
    %add3A_1599 = vector.broadcast %get3A_1117 : vector<32x1xf32> to vector<32x1024xf32>
    %add3A_1600 = arith.addf %dot_general3A_1598, %add3A_1599 : vector<32x1024xf32>
    %max3A_1601 = arith.constant 0.000000e+00 : f32
    %max3A_1602 = vector.broadcast %max3A_1601 : f32 to vector<32x1024xf32>
    %max3A_1603 = arith.maximumf %add3A_1600, %max3A_1602 : vector<32x1024xf32>
    %add3A_1604 = arith.addf %add3A_1596, %max3A_1603 : vector<32x1024xf32>
    %dot_general3A_1605 = arith.constant dense<0.000000e+00> : vector<32x1024xf32>
    %dot_general3A_1606 = tpu.matmul %get3A_1111, %add3A_1453, %dot_general3A_1605 {dimension_numbers = #tpu.dot_dimension_numbers<[1], [0], [0], [1], [0, 0, 1, 1], [], []>, transpose_lhs_hint = false} : vector<32x32xf32>, vector<32x1024xf32>, vector<32x1024xf32> -> vector<32x1024xf32>
    %add3A_1607 = vector.broadcast %get3A_1117 : vector<32x1xf32> to vector<32x1024xf32>
    %add3A_1608 = arith.addf %dot_general3A_1606, %add3A_1607 : vector<32x1024xf32>
    %max3A_1609 = arith.constant 0.000000e+00 : f32
    %max3A_1610 = vector.broadcast %max3A_1609 : f32 to vector<32x1024xf32>
    %max3A_1611 = arith.maximumf %add3A_1608, %max3A_1610 : vector<32x1024xf32>
    %add3A_1612 = arith.addf %add3A_1604, %max3A_1611 : vector<32x1024xf32>
    %dot_general3A_1613 = arith.constant dense<0.000000e+00> : vector<32x1024xf32>
    %dot_general3A_1614 = tpu.matmul %get3A_1111, %add3A_1477, %dot_general3A_1613 {dimension_numbers = #tpu.dot_dimension_numbers<[1], [0], [0], [1], [0, 0, 1, 1], [], []>, transpose_lhs_hint = false} : vector<32x32xf32>, vector<32x1024xf32>, vector<32x1024xf32> -> vector<32x1024xf32>
    %add3A_1615 = vector.broadcast %get3A_1117 : vector<32x1xf32> to vector<32x1024xf32>
    %add3A_1616 = arith.addf %dot_general3A_1614, %add3A_1615 : vector<32x1024xf32>
    %max3A_1617 = arith.constant 0.000000e+00 : f32
    %max3A_1618 = vector.broadcast %max3A_1617 : f32 to vector<32x1024xf32>
    %max3A_1619 = arith.maximumf %add3A_1616, %max3A_1618 : vector<32x1024xf32>
    %add3A_1620 = arith.addf %add3A_1612, %max3A_1619 : vector<32x1024xf32>
    %dot_general3A_1621 = arith.constant dense<0.000000e+00> : vector<32x1024xf32>
    %dot_general3A_1622 = tpu.matmul %get3A_1111, %add3A_1501, %dot_general3A_1621 {dimension_numbers = #tpu.dot_dimension_numbers<[1], [0], [0], [1], [0, 0, 1, 1], [], []>, transpose_lhs_hint = false} : vector<32x32xf32>, vector<32x1024xf32>, vector<32x1024xf32> -> vector<32x1024xf32>
    %add3A_1623 = vector.broadcast %get3A_1117 : vector<32x1xf32> to vector<32x1024xf32>
    %add3A_1624 = arith.addf %dot_general3A_1622, %add3A_1623 : vector<32x1024xf32>
    %max3A_1625 = arith.constant 0.000000e+00 : f32
    %max3A_1626 = vector.broadcast %max3A_1625 : f32 to vector<32x1024xf32>
    %max3A_1627 = arith.maximumf %add3A_1624, %max3A_1626 : vector<32x1024xf32>
    %add3A_1628 = arith.addf %add3A_1620, %max3A_1627 : vector<32x1024xf32>
    %dot_general3A_1629 = arith.constant dense<0.000000e+00> : vector<32x1024xf32>
    %dot_general3A_1630 = tpu.matmul %get3A_1108, %add3A_1141, %dot_general3A_1629 {dimension_numbers = #tpu.dot_dimension_numbers<[1], [0], [0], [1], [0, 0, 1, 1], [], []>, transpose_lhs_hint = false} : vector<32x32xf32>, vector<32x1024xf32>, vector<32x1024xf32> -> vector<32x1024xf32>
    %add3A_1631 = vector.broadcast %get3A_1114 : vector<32x1xf32> to vector<32x1024xf32>
    %add3A_1632 = arith.addf %dot_general3A_1630, %add3A_1631 : vector<32x1024xf32>
    %max3A_1633 = arith.constant 0.000000e+00 : f32
    %max3A_1634 = vector.broadcast %max3A_1633 : f32 to vector<32x1024xf32>
    %max3A_1635 = arith.maximumf %add3A_1632, %max3A_1634 : vector<32x1024xf32>
    %dot_general3A_1636 = arith.constant dense<0.000000e+00> : vector<32x1024xf32>
    %dot_general3A_1637 = tpu.matmul %get3A_1108, %add3A_1165, %dot_general3A_1636 {dimension_numbers = #tpu.dot_dimension_numbers<[1], [0], [0], [1], [0, 0, 1, 1], [], []>, transpose_lhs_hint = false} : vector<32x32xf32>, vector<32x1024xf32>, vector<32x1024xf32> -> vector<32x1024xf32>
    %add3A_1638 = vector.broadcast %get3A_1114 : vector<32x1xf32> to vector<32x1024xf32>
    %add3A_1639 = arith.addf %dot_general3A_1637, %add3A_1638 : vector<32x1024xf32>
    %max3A_1640 = arith.constant 0.000000e+00 : f32
    %max3A_1641 = vector.broadcast %max3A_1640 : f32 to vector<32x1024xf32>
    %max3A_1642 = arith.maximumf %add3A_1639, %max3A_1641 : vector<32x1024xf32>
    %dot_general3A_1643 = arith.constant dense<0.000000e+00> : vector<32x1024xf32>
    %dot_general3A_1644 = tpu.matmul %get3A_1108, %add3A_1189, %dot_general3A_1643 {dimension_numbers = #tpu.dot_dimension_numbers<[1], [0], [0], [1], [0, 0, 1, 1], [], []>, transpose_lhs_hint = false} : vector<32x32xf32>, vector<32x1024xf32>, vector<32x1024xf32> -> vector<32x1024xf32>
    %add3A_1645 = vector.broadcast %get3A_1114 : vector<32x1xf32> to vector<32x1024xf32>
    %add3A_1646 = arith.addf %dot_general3A_1644, %add3A_1645 : vector<32x1024xf32>
    %max3A_1647 = arith.constant 0.000000e+00 : f32
    %max3A_1648 = vector.broadcast %max3A_1647 : f32 to vector<32x1024xf32>
    %max3A_1649 = arith.maximumf %add3A_1646, %max3A_1648 : vector<32x1024xf32>
    %dot_general3A_1650 = arith.constant dense<0.000000e+00> : vector<32x1024xf32>
    %dot_general3A_1651 = tpu.matmul %get3A_1108, %add3A_1213, %dot_general3A_1650 {dimension_numbers = #tpu.dot_dimension_numbers<[1], [0], [0], [1], [0, 0, 1, 1], [], []>, transpose_lhs_hint = false} : vector<32x32xf32>, vector<32x1024xf32>, vector<32x1024xf32> -> vector<32x1024xf32>
    %add3A_1652 = vector.broadcast %get3A_1114 : vector<32x1xf32> to vector<32x1024xf32>
    %add3A_1653 = arith.addf %dot_general3A_1651, %add3A_1652 : vector<32x1024xf32>
    %max3A_1654 = arith.constant 0.000000e+00 : f32
    %max3A_1655 = vector.broadcast %max3A_1654 : f32 to vector<32x1024xf32>
    %max3A_1656 = arith.maximumf %add3A_1653, %max3A_1655 : vector<32x1024xf32>
    %dot_general3A_1657 = arith.constant dense<0.000000e+00> : vector<32x1024xf32>
    %dot_general3A_1658 = tpu.matmul %get3A_1108, %add3A_1237, %dot_general3A_1657 {dimension_numbers = #tpu.dot_dimension_numbers<[1], [0], [0], [1], [0, 0, 1, 1], [], []>, transpose_lhs_hint = false} : vector<32x32xf32>, vector<32x1024xf32>, vector<32x1024xf32> -> vector<32x1024xf32>
    %add3A_1659 = vector.broadcast %get3A_1114 : vector<32x1xf32> to vector<32x1024xf32>
    %add3A_1660 = arith.addf %dot_general3A_1658, %add3A_1659 : vector<32x1024xf32>
    %max3A_1661 = arith.constant 0.000000e+00 : f32
    %max3A_1662 = vector.broadcast %max3A_1661 : f32 to vector<32x1024xf32>
    %max3A_1663 = arith.maximumf %add3A_1660, %max3A_1662 : vector<32x1024xf32>
    %dot_general3A_1664 = arith.constant dense<0.000000e+00> : vector<32x1024xf32>
    %dot_general3A_1665 = tpu.matmul %get3A_1108, %add3A_1261, %dot_general3A_1664 {dimension_numbers = #tpu.dot_dimension_numbers<[1], [0], [0], [1], [0, 0, 1, 1], [], []>, transpose_lhs_hint = false} : vector<32x32xf32>, vector<32x1024xf32>, vector<32x1024xf32> -> vector<32x1024xf32>
    %add3A_1666 = vector.broadcast %get3A_1114 : vector<32x1xf32> to vector<32x1024xf32>
    %add3A_1667 = arith.addf %dot_general3A_1665, %add3A_1666 : vector<32x1024xf32>
    %max3A_1668 = arith.constant 0.000000e+00 : f32
    %max3A_1669 = vector.broadcast %max3A_1668 : f32 to vector<32x1024xf32>
    %max3A_1670 = arith.maximumf %add3A_1667, %max3A_1669 : vector<32x1024xf32>
    %dot_general3A_1671 = arith.constant dense<0.000000e+00> : vector<32x1024xf32>
    %dot_general3A_1672 = tpu.matmul %get3A_1108, %add3A_1285, %dot_general3A_1671 {dimension_numbers = #tpu.dot_dimension_numbers<[1], [0], [0], [1], [0, 0, 1, 1], [], []>, transpose_lhs_hint = false} : vector<32x32xf32>, vector<32x1024xf32>, vector<32x1024xf32> -> vector<32x1024xf32>
    %add3A_1673 = vector.broadcast %get3A_1114 : vector<32x1xf32> to vector<32x1024xf32>
    %add3A_1674 = arith.addf %dot_general3A_1672, %add3A_1673 : vector<32x1024xf32>
    %max3A_1675 = arith.constant 0.000000e+00 : f32
    %max3A_1676 = vector.broadcast %max3A_1675 : f32 to vector<32x1024xf32>
    %max3A_1677 = arith.maximumf %add3A_1674, %max3A_1676 : vector<32x1024xf32>
    %dot_general3A_1678 = arith.constant dense<0.000000e+00> : vector<32x1024xf32>
    %dot_general3A_1679 = tpu.matmul %get3A_1108, %add3A_1309, %dot_general3A_1678 {dimension_numbers = #tpu.dot_dimension_numbers<[1], [0], [0], [1], [0, 0, 1, 1], [], []>, transpose_lhs_hint = false} : vector<32x32xf32>, vector<32x1024xf32>, vector<32x1024xf32> -> vector<32x1024xf32>
    %add3A_1680 = vector.broadcast %get3A_1114 : vector<32x1xf32> to vector<32x1024xf32>
    %add3A_1681 = arith.addf %dot_general3A_1679, %add3A_1680 : vector<32x1024xf32>
    %max3A_1682 = arith.constant 0.000000e+00 : f32
    %max3A_1683 = vector.broadcast %max3A_1682 : f32 to vector<32x1024xf32>
    %max3A_1684 = arith.maximumf %add3A_1681, %max3A_1683 : vector<32x1024xf32>
    %dot_general3A_1685 = arith.constant dense<0.000000e+00> : vector<32x1024xf32>
    %dot_general3A_1686 = tpu.matmul %get3A_1108, %add3A_1333, %dot_general3A_1685 {dimension_numbers = #tpu.dot_dimension_numbers<[1], [0], [0], [1], [0, 0, 1, 1], [], []>, transpose_lhs_hint = false} : vector<32x32xf32>, vector<32x1024xf32>, vector<32x1024xf32> -> vector<32x1024xf32>
    %add3A_1687 = vector.broadcast %get3A_1114 : vector<32x1xf32> to vector<32x1024xf32>
    %add3A_1688 = arith.addf %dot_general3A_1686, %add3A_1687 : vector<32x1024xf32>
    %max3A_1689 = arith.constant 0.000000e+00 : f32
    %max3A_1690 = vector.broadcast %max3A_1689 : f32 to vector<32x1024xf32>
    %max3A_1691 = arith.maximumf %add3A_1688, %max3A_1690 : vector<32x1024xf32>
    %dot_general3A_1692 = arith.constant dense<0.000000e+00> : vector<32x1024xf32>
    %dot_general3A_1693 = tpu.matmul %get3A_1108, %add3A_1357, %dot_general3A_1692 {dimension_numbers = #tpu.dot_dimension_numbers<[1], [0], [0], [1], [0, 0, 1, 1], [], []>, transpose_lhs_hint = false} : vector<32x32xf32>, vector<32x1024xf32>, vector<32x1024xf32> -> vector<32x1024xf32>
    %add3A_1694 = vector.broadcast %get3A_1114 : vector<32x1xf32> to vector<32x1024xf32>
    %add3A_1695 = arith.addf %dot_general3A_1693, %add3A_1694 : vector<32x1024xf32>
    %max3A_1696 = arith.constant 0.000000e+00 : f32
    %max3A_1697 = vector.broadcast %max3A_1696 : f32 to vector<32x1024xf32>
    %max3A_1698 = arith.maximumf %add3A_1695, %max3A_1697 : vector<32x1024xf32>
    %dot_general3A_1699 = arith.constant dense<0.000000e+00> : vector<32x1024xf32>
    %dot_general3A_1700 = tpu.matmul %get3A_1108, %add3A_1381, %dot_general3A_1699 {dimension_numbers = #tpu.dot_dimension_numbers<[1], [0], [0], [1], [0, 0, 1, 1], [], []>, transpose_lhs_hint = false} : vector<32x32xf32>, vector<32x1024xf32>, vector<32x1024xf32> -> vector<32x1024xf32>
    %add3A_1701 = vector.broadcast %get3A_1114 : vector<32x1xf32> to vector<32x1024xf32>
    %add3A_1702 = arith.addf %dot_general3A_1700, %add3A_1701 : vector<32x1024xf32>
    %max3A_1703 = arith.constant 0.000000e+00 : f32
    %max3A_1704 = vector.broadcast %max3A_1703 : f32 to vector<32x1024xf32>
    %max3A_1705 = arith.maximumf %add3A_1702, %max3A_1704 : vector<32x1024xf32>
    %dot_general3A_1706 = arith.constant dense<0.000000e+00> : vector<32x1024xf32>
    %dot_general3A_1707 = tpu.matmul %get3A_1108, %add3A_1405, %dot_general3A_1706 {dimension_numbers = #tpu.dot_dimension_numbers<[1], [0], [0], [1], [0, 0, 1, 1], [], []>, transpose_lhs_hint = false} : vector<32x32xf32>, vector<32x1024xf32>, vector<32x1024xf32> -> vector<32x1024xf32>
    %add3A_1708 = vector.broadcast %get3A_1114 : vector<32x1xf32> to vector<32x1024xf32>
    %add3A_1709 = arith.addf %dot_general3A_1707, %add3A_1708 : vector<32x1024xf32>
    %max3A_1710 = arith.constant 0.000000e+00 : f32
    %max3A_1711 = vector.broadcast %max3A_1710 : f32 to vector<32x1024xf32>
    %max3A_1712 = arith.maximumf %add3A_1709, %max3A_1711 : vector<32x1024xf32>
    %dot_general3A_1713 = arith.constant dense<0.000000e+00> : vector<32x1024xf32>
    %dot_general3A_1714 = tpu.matmul %get3A_1108, %add3A_1429, %dot_general3A_1713 {dimension_numbers = #tpu.dot_dimension_numbers<[1], [0], [0], [1], [0, 0, 1, 1], [], []>, transpose_lhs_hint = false} : vector<32x32xf32>, vector<32x1024xf32>, vector<32x1024xf32> -> vector<32x1024xf32>
    %add3A_1715 = vector.broadcast %get3A_1114 : vector<32x1xf32> to vector<32x1024xf32>
    %add3A_1716 = arith.addf %dot_general3A_1714, %add3A_1715 : vector<32x1024xf32>
    %max3A_1717 = arith.constant 0.000000e+00 : f32
    %max3A_1718 = vector.broadcast %max3A_1717 : f32 to vector<32x1024xf32>
    %max3A_1719 = arith.maximumf %add3A_1716, %max3A_1718 : vector<32x1024xf32>
    %dot_general3A_1720 = arith.constant dense<0.000000e+00> : vector<32x1024xf32>
    %dot_general3A_1721 = tpu.matmul %get3A_1108, %add3A_1453, %dot_general3A_1720 {dimension_numbers = #tpu.dot_dimension_numbers<[1], [0], [0], [1], [0, 0, 1, 1], [], []>, transpose_lhs_hint = false} : vector<32x32xf32>, vector<32x1024xf32>, vector<32x1024xf32> -> vector<32x1024xf32>
    %add3A_1722 = vector.broadcast %get3A_1114 : vector<32x1xf32> to vector<32x1024xf32>
    %add3A_1723 = arith.addf %dot_general3A_1721, %add3A_1722 : vector<32x1024xf32>
    %max3A_1724 = arith.constant 0.000000e+00 : f32
    %max3A_1725 = vector.broadcast %max3A_1724 : f32 to vector<32x1024xf32>
    %max3A_1726 = arith.maximumf %add3A_1723, %max3A_1725 : vector<32x1024xf32>
    %dot_general3A_1727 = arith.constant dense<0.000000e+00> : vector<32x1024xf32>
    %dot_general3A_1728 = tpu.matmul %get3A_1108, %add3A_1477, %dot_general3A_1727 {dimension_numbers = #tpu.dot_dimension_numbers<[1], [0], [0], [1], [0, 0, 1, 1], [], []>, transpose_lhs_hint = false} : vector<32x32xf32>, vector<32x1024xf32>, vector<32x1024xf32> -> vector<32x1024xf32>
    %add3A_1729 = vector.broadcast %get3A_1114 : vector<32x1xf32> to vector<32x1024xf32>
    %add3A_1730 = arith.addf %dot_general3A_1728, %add3A_1729 : vector<32x1024xf32>
    %max3A_1731 = arith.constant 0.000000e+00 : f32
    %max3A_1732 = vector.broadcast %max3A_1731 : f32 to vector<32x1024xf32>
    %max3A_1733 = arith.maximumf %add3A_1730, %max3A_1732 : vector<32x1024xf32>
    %dot_general3A_1734 = arith.constant dense<0.000000e+00> : vector<32x1024xf32>
    %dot_general3A_1735 = tpu.matmul %get3A_1108, %add3A_1501, %dot_general3A_1734 {dimension_numbers = #tpu.dot_dimension_numbers<[1], [0], [0], [1], [0, 0, 1, 1], [], []>, transpose_lhs_hint = false} : vector<32x32xf32>, vector<32x1024xf32>, vector<32x1024xf32> -> vector<32x1024xf32>
    %add3A_1736 = vector.broadcast %get3A_1114 : vector<32x1xf32> to vector<32x1024xf32>
    %add3A_1737 = arith.addf %dot_general3A_1735, %add3A_1736 : vector<32x1024xf32>
    %max3A_1738 = arith.constant 0.000000e+00 : f32
    %max3A_1739 = vector.broadcast %max3A_1738 : f32 to vector<32x1024xf32>
    %max3A_1740 = arith.maximumf %add3A_1737, %max3A_1739 : vector<32x1024xf32>
    %get3A_1741 = arith.constant 32 : index
    %get3A_1742 = arith.constant 0 : index
    %get3A_1743 = vector.load %arg9[%get3A_1741, %get3A_1742] : memref<96x32xf32, #tpu.memory_space<vmem>>, vector<32x32xf32>
    %get3A_1744 = arith.constant 32 : index
    %get3A_1745 = arith.constant 0 : index
    %get3A_1746 = vector.load %arg11[%get3A_1744, %get3A_1745] : memref<96x32xf32, #tpu.memory_space<vmem>>, vector<32x32xf32>
    %get3A_1747 = arith.constant 0 : index
    %get3A_1748 = arith.constant 1 : index
    %get3A_1749 = vector.load %arg10[%get3A_1747, %get3A_1748] : memref<32x3xf32, #tpu.memory_space<vmem>>, vector<32x1xf32>
    %get3A_1750 = arith.constant 0 : index
    %get3A_1751 = arith.constant 1 : index
    %get3A_1752 = vector.load %arg12[%get3A_1750, %get3A_1751] : memref<32x3xf32, #tpu.memory_space<vmem>>, vector<32x1xf32>
    %mul3A_1753 = vector.broadcast %add3A_369 : vector<1x1024xf32> to vector<32x1024xf32>
    %mul3A_1754 = arith.mulf %mul3A_1753, %max3A_1691 : vector<32x1024xf32>
    %add3A_1755 = arith.addf %max3A_1635, %mul3A_1754 : vector<32x1024xf32>
    %mul3A_1756 = vector.broadcast %add3A_380 : vector<1x1024xf32> to vector<32x1024xf32>
    %mul3A_1757 = arith.mulf %mul3A_1756, %max3A_1698 : vector<32x1024xf32>
    %add3A_1758 = arith.addf %add3A_1755, %mul3A_1757 : vector<32x1024xf32>
    %mul3A_1759 = vector.broadcast %add3A_391 : vector<1x1024xf32> to vector<32x1024xf32>
    %mul3A_1760 = arith.mulf %mul3A_1759, %max3A_1705 : vector<32x1024xf32>
    %add3A_1761 = arith.addf %add3A_1758, %mul3A_1760 : vector<32x1024xf32>
    %mul3A_1762 = vector.broadcast %add3A_402 : vector<1x1024xf32> to vector<32x1024xf32>
    %mul3A_1763 = arith.mulf %mul3A_1762, %max3A_1712 : vector<32x1024xf32>
    %add3A_1764 = arith.addf %add3A_1761, %mul3A_1763 : vector<32x1024xf32>
    %mul3A_1765 = vector.broadcast %add3A_413 : vector<1x1024xf32> to vector<32x1024xf32>
    %mul3A_1766 = arith.mulf %mul3A_1765, %max3A_1719 : vector<32x1024xf32>
    %add3A_1767 = arith.addf %add3A_1764, %mul3A_1766 : vector<32x1024xf32>
    %mul3A_1768 = vector.broadcast %add3A_424 : vector<1x1024xf32> to vector<32x1024xf32>
    %mul3A_1769 = arith.mulf %mul3A_1768, %max3A_1726 : vector<32x1024xf32>
    %add3A_1770 = arith.addf %add3A_1767, %mul3A_1769 : vector<32x1024xf32>
    %mul3A_1771 = vector.broadcast %add3A_435 : vector<1x1024xf32> to vector<32x1024xf32>
    %mul3A_1772 = arith.mulf %mul3A_1771, %max3A_1733 : vector<32x1024xf32>
    %add3A_1773 = arith.addf %add3A_1770, %mul3A_1772 : vector<32x1024xf32>
    %mul3A_1774 = vector.broadcast %add3A_446 : vector<1x1024xf32> to vector<32x1024xf32>
    %mul3A_1775 = arith.mulf %mul3A_1774, %max3A_1740 : vector<32x1024xf32>
    %add3A_1776 = arith.addf %add3A_1773, %mul3A_1775 : vector<32x1024xf32>
    %mul3A_1777 = vector.broadcast %add3A_463 : vector<1x1024xf32> to vector<32x1024xf32>
    %mul3A_1778 = arith.mulf %mul3A_1777, %max3A_1691 : vector<32x1024xf32>
    %add3A_1779 = arith.addf %max3A_1642, %mul3A_1778 : vector<32x1024xf32>
    %mul3A_1780 = vector.broadcast %add3A_474 : vector<1x1024xf32> to vector<32x1024xf32>
    %mul3A_1781 = arith.mulf %mul3A_1780, %max3A_1698 : vector<32x1024xf32>
    %add3A_1782 = arith.addf %add3A_1779, %mul3A_1781 : vector<32x1024xf32>
    %mul3A_1783 = vector.broadcast %add3A_485 : vector<1x1024xf32> to vector<32x1024xf32>
    %mul3A_1784 = arith.mulf %mul3A_1783, %max3A_1705 : vector<32x1024xf32>
    %add3A_1785 = arith.addf %add3A_1782, %mul3A_1784 : vector<32x1024xf32>
    %mul3A_1786 = vector.broadcast %add3A_496 : vector<1x1024xf32> to vector<32x1024xf32>
    %mul3A_1787 = arith.mulf %mul3A_1786, %max3A_1712 : vector<32x1024xf32>
    %add3A_1788 = arith.addf %add3A_1785, %mul3A_1787 : vector<32x1024xf32>
    %mul3A_1789 = vector.broadcast %add3A_507 : vector<1x1024xf32> to vector<32x1024xf32>
    %mul3A_1790 = arith.mulf %mul3A_1789, %max3A_1719 : vector<32x1024xf32>
    %add3A_1791 = arith.addf %add3A_1788, %mul3A_1790 : vector<32x1024xf32>
    %mul3A_1792 = vector.broadcast %add3A_518 : vector<1x1024xf32> to vector<32x1024xf32>
    %mul3A_1793 = arith.mulf %mul3A_1792, %max3A_1726 : vector<32x1024xf32>
    %add3A_1794 = arith.addf %add3A_1791, %mul3A_1793 : vector<32x1024xf32>
    %mul3A_1795 = vector.broadcast %add3A_529 : vector<1x1024xf32> to vector<32x1024xf32>
    %mul3A_1796 = arith.mulf %mul3A_1795, %max3A_1733 : vector<32x1024xf32>
    %add3A_1797 = arith.addf %add3A_1794, %mul3A_1796 : vector<32x1024xf32>
    %mul3A_1798 = vector.broadcast %add3A_540 : vector<1x1024xf32> to vector<32x1024xf32>
    %mul3A_1799 = arith.mulf %mul3A_1798, %max3A_1740 : vector<32x1024xf32>
    %add3A_1800 = arith.addf %add3A_1797, %mul3A_1799 : vector<32x1024xf32>
    %mul3A_1801 = vector.broadcast %add3A_557 : vector<1x1024xf32> to vector<32x1024xf32>
    %mul3A_1802 = arith.mulf %mul3A_1801, %max3A_1691 : vector<32x1024xf32>
    %add3A_1803 = arith.addf %max3A_1649, %mul3A_1802 : vector<32x1024xf32>
    %mul3A_1804 = vector.broadcast %add3A_568 : vector<1x1024xf32> to vector<32x1024xf32>
    %mul3A_1805 = arith.mulf %mul3A_1804, %max3A_1698 : vector<32x1024xf32>
    %add3A_1806 = arith.addf %add3A_1803, %mul3A_1805 : vector<32x1024xf32>
    %mul3A_1807 = vector.broadcast %add3A_579 : vector<1x1024xf32> to vector<32x1024xf32>
    %mul3A_1808 = arith.mulf %mul3A_1807, %max3A_1705 : vector<32x1024xf32>
    %add3A_1809 = arith.addf %add3A_1806, %mul3A_1808 : vector<32x1024xf32>
    %mul3A_1810 = vector.broadcast %add3A_590 : vector<1x1024xf32> to vector<32x1024xf32>
    %mul3A_1811 = arith.mulf %mul3A_1810, %max3A_1712 : vector<32x1024xf32>
    %add3A_1812 = arith.addf %add3A_1809, %mul3A_1811 : vector<32x1024xf32>
    %mul3A_1813 = vector.broadcast %add3A_601 : vector<1x1024xf32> to vector<32x1024xf32>
    %mul3A_1814 = arith.mulf %mul3A_1813, %max3A_1719 : vector<32x1024xf32>
    %add3A_1815 = arith.addf %add3A_1812, %mul3A_1814 : vector<32x1024xf32>
    %mul3A_1816 = vector.broadcast %add3A_612 : vector<1x1024xf32> to vector<32x1024xf32>
    %mul3A_1817 = arith.mulf %mul3A_1816, %max3A_1726 : vector<32x1024xf32>
    %add3A_1818 = arith.addf %add3A_1815, %mul3A_1817 : vector<32x1024xf32>
    %mul3A_1819 = vector.broadcast %add3A_623 : vector<1x1024xf32> to vector<32x1024xf32>
    %mul3A_1820 = arith.mulf %mul3A_1819, %max3A_1733 : vector<32x1024xf32>
    %add3A_1821 = arith.addf %add3A_1818, %mul3A_1820 : vector<32x1024xf32>
    %mul3A_1822 = vector.broadcast %add3A_634 : vector<1x1024xf32> to vector<32x1024xf32>
    %mul3A_1823 = arith.mulf %mul3A_1822, %max3A_1740 : vector<32x1024xf32>
    %add3A_1824 = arith.addf %add3A_1821, %mul3A_1823 : vector<32x1024xf32>
    %mul3A_1825 = vector.broadcast %add3A_651 : vector<1x1024xf32> to vector<32x1024xf32>
    %mul3A_1826 = arith.mulf %mul3A_1825, %max3A_1691 : vector<32x1024xf32>
    %add3A_1827 = arith.addf %max3A_1656, %mul3A_1826 : vector<32x1024xf32>
    %mul3A_1828 = vector.broadcast %add3A_662 : vector<1x1024xf32> to vector<32x1024xf32>
    %mul3A_1829 = arith.mulf %mul3A_1828, %max3A_1698 : vector<32x1024xf32>
    %add3A_1830 = arith.addf %add3A_1827, %mul3A_1829 : vector<32x1024xf32>
    %mul3A_1831 = vector.broadcast %add3A_673 : vector<1x1024xf32> to vector<32x1024xf32>
    %mul3A_1832 = arith.mulf %mul3A_1831, %max3A_1705 : vector<32x1024xf32>
    %add3A_1833 = arith.addf %add3A_1830, %mul3A_1832 : vector<32x1024xf32>
    %mul3A_1834 = vector.broadcast %add3A_684 : vector<1x1024xf32> to vector<32x1024xf32>
    %mul3A_1835 = arith.mulf %mul3A_1834, %max3A_1712 : vector<32x1024xf32>
    %add3A_1836 = arith.addf %add3A_1833, %mul3A_1835 : vector<32x1024xf32>
    %mul3A_1837 = vector.broadcast %add3A_695 : vector<1x1024xf32> to vector<32x1024xf32>
    %mul3A_1838 = arith.mulf %mul3A_1837, %max3A_1719 : vector<32x1024xf32>
    %add3A_1839 = arith.addf %add3A_1836, %mul3A_1838 : vector<32x1024xf32>
    %mul3A_1840 = vector.broadcast %add3A_706 : vector<1x1024xf32> to vector<32x1024xf32>
    %mul3A_1841 = arith.mulf %mul3A_1840, %max3A_1726 : vector<32x1024xf32>
    %add3A_1842 = arith.addf %add3A_1839, %mul3A_1841 : vector<32x1024xf32>
    %mul3A_1843 = vector.broadcast %add3A_717 : vector<1x1024xf32> to vector<32x1024xf32>
    %mul3A_1844 = arith.mulf %mul3A_1843, %max3A_1733 : vector<32x1024xf32>
    %add3A_1845 = arith.addf %add3A_1842, %mul3A_1844 : vector<32x1024xf32>
    %mul3A_1846 = vector.broadcast %add3A_728 : vector<1x1024xf32> to vector<32x1024xf32>
    %mul3A_1847 = arith.mulf %mul3A_1846, %max3A_1740 : vector<32x1024xf32>
    %add3A_1848 = arith.addf %add3A_1845, %mul3A_1847 : vector<32x1024xf32>
    %mul3A_1849 = vector.broadcast %add3A_745 : vector<1x1024xf32> to vector<32x1024xf32>
    %mul3A_1850 = arith.mulf %mul3A_1849, %max3A_1691 : vector<32x1024xf32>
    %add3A_1851 = arith.addf %max3A_1663, %mul3A_1850 : vector<32x1024xf32>
    %mul3A_1852 = vector.broadcast %add3A_756 : vector<1x1024xf32> to vector<32x1024xf32>
    %mul3A_1853 = arith.mulf %mul3A_1852, %max3A_1698 : vector<32x1024xf32>
    %add3A_1854 = arith.addf %add3A_1851, %mul3A_1853 : vector<32x1024xf32>
    %mul3A_1855 = vector.broadcast %add3A_767 : vector<1x1024xf32> to vector<32x1024xf32>
    %mul3A_1856 = arith.mulf %mul3A_1855, %max3A_1705 : vector<32x1024xf32>
    %add3A_1857 = arith.addf %add3A_1854, %mul3A_1856 : vector<32x1024xf32>
    %mul3A_1858 = vector.broadcast %add3A_778 : vector<1x1024xf32> to vector<32x1024xf32>
    %mul3A_1859 = arith.mulf %mul3A_1858, %max3A_1712 : vector<32x1024xf32>
    %add3A_1860 = arith.addf %add3A_1857, %mul3A_1859 : vector<32x1024xf32>
    %mul3A_1861 = vector.broadcast %add3A_789 : vector<1x1024xf32> to vector<32x1024xf32>
    %mul3A_1862 = arith.mulf %mul3A_1861, %max3A_1719 : vector<32x1024xf32>
    %add3A_1863 = arith.addf %add3A_1860, %mul3A_1862 : vector<32x1024xf32>
    %mul3A_1864 = vector.broadcast %add3A_800 : vector<1x1024xf32> to vector<32x1024xf32>
    %mul3A_1865 = arith.mulf %mul3A_1864, %max3A_1726 : vector<32x1024xf32>
    %add3A_1866 = arith.addf %add3A_1863, %mul3A_1865 : vector<32x1024xf32>
    %mul3A_1867 = vector.broadcast %add3A_811 : vector<1x1024xf32> to vector<32x1024xf32>
    %mul3A_1868 = arith.mulf %mul3A_1867, %max3A_1733 : vector<32x1024xf32>
    %add3A_1869 = arith.addf %add3A_1866, %mul3A_1868 : vector<32x1024xf32>
    %mul3A_1870 = vector.broadcast %add3A_822 : vector<1x1024xf32> to vector<32x1024xf32>
    %mul3A_1871 = arith.mulf %mul3A_1870, %max3A_1740 : vector<32x1024xf32>
    %add3A_1872 = arith.addf %add3A_1869, %mul3A_1871 : vector<32x1024xf32>
    %mul3A_1873 = vector.broadcast %add3A_839 : vector<1x1024xf32> to vector<32x1024xf32>
    %mul3A_1874 = arith.mulf %mul3A_1873, %max3A_1691 : vector<32x1024xf32>
    %add3A_1875 = arith.addf %max3A_1670, %mul3A_1874 : vector<32x1024xf32>
    %mul3A_1876 = vector.broadcast %add3A_850 : vector<1x1024xf32> to vector<32x1024xf32>
    %mul3A_1877 = arith.mulf %mul3A_1876, %max3A_1698 : vector<32x1024xf32>
    %add3A_1878 = arith.addf %add3A_1875, %mul3A_1877 : vector<32x1024xf32>
    %mul3A_1879 = vector.broadcast %add3A_861 : vector<1x1024xf32> to vector<32x1024xf32>
    %mul3A_1880 = arith.mulf %mul3A_1879, %max3A_1705 : vector<32x1024xf32>
    %add3A_1881 = arith.addf %add3A_1878, %mul3A_1880 : vector<32x1024xf32>
    %mul3A_1882 = vector.broadcast %add3A_872 : vector<1x1024xf32> to vector<32x1024xf32>
    %mul3A_1883 = arith.mulf %mul3A_1882, %max3A_1712 : vector<32x1024xf32>
    %add3A_1884 = arith.addf %add3A_1881, %mul3A_1883 : vector<32x1024xf32>
    %mul3A_1885 = vector.broadcast %add3A_883 : vector<1x1024xf32> to vector<32x1024xf32>
    %mul3A_1886 = arith.mulf %mul3A_1885, %max3A_1719 : vector<32x1024xf32>
    %add3A_1887 = arith.addf %add3A_1884, %mul3A_1886 : vector<32x1024xf32>
    %mul3A_1888 = vector.broadcast %add3A_894 : vector<1x1024xf32> to vector<32x1024xf32>
    %mul3A_1889 = arith.mulf %mul3A_1888, %max3A_1726 : vector<32x1024xf32>
    %add3A_1890 = arith.addf %add3A_1887, %mul3A_1889 : vector<32x1024xf32>
    %mul3A_1891 = vector.broadcast %add3A_905 : vector<1x1024xf32> to vector<32x1024xf32>
    %mul3A_1892 = arith.mulf %mul3A_1891, %max3A_1733 : vector<32x1024xf32>
    %add3A_1893 = arith.addf %add3A_1890, %mul3A_1892 : vector<32x1024xf32>
    %mul3A_1894 = vector.broadcast %add3A_916 : vector<1x1024xf32> to vector<32x1024xf32>
    %mul3A_1895 = arith.mulf %mul3A_1894, %max3A_1740 : vector<32x1024xf32>
    %add3A_1896 = arith.addf %add3A_1893, %mul3A_1895 : vector<32x1024xf32>
    %mul3A_1897 = vector.broadcast %add3A_933 : vector<1x1024xf32> to vector<32x1024xf32>
    %mul3A_1898 = arith.mulf %mul3A_1897, %max3A_1691 : vector<32x1024xf32>
    %add3A_1899 = arith.addf %max3A_1677, %mul3A_1898 : vector<32x1024xf32>
    %mul3A_1900 = vector.broadcast %add3A_944 : vector<1x1024xf32> to vector<32x1024xf32>
    %mul3A_1901 = arith.mulf %mul3A_1900, %max3A_1698 : vector<32x1024xf32>
    %add3A_1902 = arith.addf %add3A_1899, %mul3A_1901 : vector<32x1024xf32>
    %mul3A_1903 = vector.broadcast %add3A_955 : vector<1x1024xf32> to vector<32x1024xf32>
    %mul3A_1904 = arith.mulf %mul3A_1903, %max3A_1705 : vector<32x1024xf32>
    %add3A_1905 = arith.addf %add3A_1902, %mul3A_1904 : vector<32x1024xf32>
    %mul3A_1906 = vector.broadcast %add3A_966 : vector<1x1024xf32> to vector<32x1024xf32>
    %mul3A_1907 = arith.mulf %mul3A_1906, %max3A_1712 : vector<32x1024xf32>
    %add3A_1908 = arith.addf %add3A_1905, %mul3A_1907 : vector<32x1024xf32>
    %mul3A_1909 = vector.broadcast %add3A_977 : vector<1x1024xf32> to vector<32x1024xf32>
    %mul3A_1910 = arith.mulf %mul3A_1909, %max3A_1719 : vector<32x1024xf32>
    %add3A_1911 = arith.addf %add3A_1908, %mul3A_1910 : vector<32x1024xf32>
    %mul3A_1912 = vector.broadcast %add3A_988 : vector<1x1024xf32> to vector<32x1024xf32>
    %mul3A_1913 = arith.mulf %mul3A_1912, %max3A_1726 : vector<32x1024xf32>
    %add3A_1914 = arith.addf %add3A_1911, %mul3A_1913 : vector<32x1024xf32>
    %mul3A_1915 = vector.broadcast %add3A_999 : vector<1x1024xf32> to vector<32x1024xf32>
    %mul3A_1916 = arith.mulf %mul3A_1915, %max3A_1733 : vector<32x1024xf32>
    %add3A_1917 = arith.addf %add3A_1914, %mul3A_1916 : vector<32x1024xf32>
    %mul3A_1918 = vector.broadcast %add3A_1010 : vector<1x1024xf32> to vector<32x1024xf32>
    %mul3A_1919 = arith.mulf %mul3A_1918, %max3A_1740 : vector<32x1024xf32>
    %add3A_1920 = arith.addf %add3A_1917, %mul3A_1919 : vector<32x1024xf32>
    %mul3A_1921 = vector.broadcast %add3A_1027 : vector<1x1024xf32> to vector<32x1024xf32>
    %mul3A_1922 = arith.mulf %mul3A_1921, %max3A_1691 : vector<32x1024xf32>
    %add3A_1923 = arith.addf %max3A_1684, %mul3A_1922 : vector<32x1024xf32>
    %mul3A_1924 = vector.broadcast %add3A_1038 : vector<1x1024xf32> to vector<32x1024xf32>
    %mul3A_1925 = arith.mulf %mul3A_1924, %max3A_1698 : vector<32x1024xf32>
    %add3A_1926 = arith.addf %add3A_1923, %mul3A_1925 : vector<32x1024xf32>
    %mul3A_1927 = vector.broadcast %add3A_1049 : vector<1x1024xf32> to vector<32x1024xf32>
    %mul3A_1928 = arith.mulf %mul3A_1927, %max3A_1705 : vector<32x1024xf32>
    %add3A_1929 = arith.addf %add3A_1926, %mul3A_1928 : vector<32x1024xf32>
    %mul3A_1930 = vector.broadcast %add3A_1060 : vector<1x1024xf32> to vector<32x1024xf32>
    %mul3A_1931 = arith.mulf %mul3A_1930, %max3A_1712 : vector<32x1024xf32>
    %add3A_1932 = arith.addf %add3A_1929, %mul3A_1931 : vector<32x1024xf32>
    %mul3A_1933 = vector.broadcast %add3A_1071 : vector<1x1024xf32> to vector<32x1024xf32>
    %mul3A_1934 = arith.mulf %mul3A_1933, %max3A_1719 : vector<32x1024xf32>
    %add3A_1935 = arith.addf %add3A_1932, %mul3A_1934 : vector<32x1024xf32>
    %mul3A_1936 = vector.broadcast %add3A_1082 : vector<1x1024xf32> to vector<32x1024xf32>
    %mul3A_1937 = arith.mulf %mul3A_1936, %max3A_1726 : vector<32x1024xf32>
    %add3A_1938 = arith.addf %add3A_1935, %mul3A_1937 : vector<32x1024xf32>
    %mul3A_1939 = vector.broadcast %add3A_1093 : vector<1x1024xf32> to vector<32x1024xf32>
    %mul3A_1940 = arith.mulf %mul3A_1939, %max3A_1733 : vector<32x1024xf32>
    %add3A_1941 = arith.addf %add3A_1938, %mul3A_1940 : vector<32x1024xf32>
    %mul3A_1942 = vector.broadcast %add3A_1104 : vector<1x1024xf32> to vector<32x1024xf32>
    %mul3A_1943 = arith.mulf %mul3A_1942, %max3A_1740 : vector<32x1024xf32>
    %add3A_1944 = arith.addf %add3A_1941, %mul3A_1943 : vector<32x1024xf32>
    %mul3A_1945 = vector.broadcast %add3A_369 : vector<1x1024xf32> to vector<32x1024xf32>
    %mul3A_1946 = arith.mulf %mul3A_1945, %max3A_1635 : vector<32x1024xf32>
    %add3A_1947 = arith.addf %max3A_1691, %mul3A_1946 : vector<32x1024xf32>
    %mul3A_1948 = vector.broadcast %add3A_463 : vector<1x1024xf32> to vector<32x1024xf32>
    %mul3A_1949 = arith.mulf %mul3A_1948, %max3A_1642 : vector<32x1024xf32>
    %add3A_1950 = arith.addf %add3A_1947, %mul3A_1949 : vector<32x1024xf32>
    %mul3A_1951 = vector.broadcast %add3A_557 : vector<1x1024xf32> to vector<32x1024xf32>
    %mul3A_1952 = arith.mulf %mul3A_1951, %max3A_1649 : vector<32x1024xf32>
    %add3A_1953 = arith.addf %add3A_1950, %mul3A_1952 : vector<32x1024xf32>
    %mul3A_1954 = vector.broadcast %add3A_651 : vector<1x1024xf32> to vector<32x1024xf32>
    %mul3A_1955 = arith.mulf %mul3A_1954, %max3A_1656 : vector<32x1024xf32>
    %add3A_1956 = arith.addf %add3A_1953, %mul3A_1955 : vector<32x1024xf32>
    %mul3A_1957 = vector.broadcast %add3A_745 : vector<1x1024xf32> to vector<32x1024xf32>
    %mul3A_1958 = arith.mulf %mul3A_1957, %max3A_1663 : vector<32x1024xf32>
    %add3A_1959 = arith.addf %add3A_1956, %mul3A_1958 : vector<32x1024xf32>
    %mul3A_1960 = vector.broadcast %add3A_839 : vector<1x1024xf32> to vector<32x1024xf32>
    %mul3A_1961 = arith.mulf %mul3A_1960, %max3A_1670 : vector<32x1024xf32>
    %add3A_1962 = arith.addf %add3A_1959, %mul3A_1961 : vector<32x1024xf32>
    %mul3A_1963 = vector.broadcast %add3A_933 : vector<1x1024xf32> to vector<32x1024xf32>
    %mul3A_1964 = arith.mulf %mul3A_1963, %max3A_1677 : vector<32x1024xf32>
    %add3A_1965 = arith.addf %add3A_1962, %mul3A_1964 : vector<32x1024xf32>
    %mul3A_1966 = vector.broadcast %add3A_1027 : vector<1x1024xf32> to vector<32x1024xf32>
    %mul3A_1967 = arith.mulf %mul3A_1966, %max3A_1684 : vector<32x1024xf32>
    %add3A_1968 = arith.addf %add3A_1965, %mul3A_1967 : vector<32x1024xf32>
    %mul3A_1969 = vector.broadcast %add3A_380 : vector<1x1024xf32> to vector<32x1024xf32>
    %mul3A_1970 = arith.mulf %mul3A_1969, %max3A_1635 : vector<32x1024xf32>
    %add3A_1971 = arith.addf %max3A_1698, %mul3A_1970 : vector<32x1024xf32>
    %mul3A_1972 = vector.broadcast %add3A_474 : vector<1x1024xf32> to vector<32x1024xf32>
    %mul3A_1973 = arith.mulf %mul3A_1972, %max3A_1642 : vector<32x1024xf32>
    %add3A_1974 = arith.addf %add3A_1971, %mul3A_1973 : vector<32x1024xf32>
    %mul3A_1975 = vector.broadcast %add3A_568 : vector<1x1024xf32> to vector<32x1024xf32>
    %mul3A_1976 = arith.mulf %mul3A_1975, %max3A_1649 : vector<32x1024xf32>
    %add3A_1977 = arith.addf %add3A_1974, %mul3A_1976 : vector<32x1024xf32>
    %mul3A_1978 = vector.broadcast %add3A_662 : vector<1x1024xf32> to vector<32x1024xf32>
    %mul3A_1979 = arith.mulf %mul3A_1978, %max3A_1656 : vector<32x1024xf32>
    %add3A_1980 = arith.addf %add3A_1977, %mul3A_1979 : vector<32x1024xf32>
    %mul3A_1981 = vector.broadcast %add3A_756 : vector<1x1024xf32> to vector<32x1024xf32>
    %mul3A_1982 = arith.mulf %mul3A_1981, %max3A_1663 : vector<32x1024xf32>
    %add3A_1983 = arith.addf %add3A_1980, %mul3A_1982 : vector<32x1024xf32>
    %mul3A_1984 = vector.broadcast %add3A_850 : vector<1x1024xf32> to vector<32x1024xf32>
    %mul3A_1985 = arith.mulf %mul3A_1984, %max3A_1670 : vector<32x1024xf32>
    %add3A_1986 = arith.addf %add3A_1983, %mul3A_1985 : vector<32x1024xf32>
    %mul3A_1987 = vector.broadcast %add3A_944 : vector<1x1024xf32> to vector<32x1024xf32>
    %mul3A_1988 = arith.mulf %mul3A_1987, %max3A_1677 : vector<32x1024xf32>
    %add3A_1989 = arith.addf %add3A_1986, %mul3A_1988 : vector<32x1024xf32>
    %mul3A_1990 = vector.broadcast %add3A_1038 : vector<1x1024xf32> to vector<32x1024xf32>
    %mul3A_1991 = arith.mulf %mul3A_1990, %max3A_1684 : vector<32x1024xf32>
    %add3A_1992 = arith.addf %add3A_1989, %mul3A_1991 : vector<32x1024xf32>
    %mul3A_1993 = vector.broadcast %add3A_391 : vector<1x1024xf32> to vector<32x1024xf32>
    %mul3A_1994 = arith.mulf %mul3A_1993, %max3A_1635 : vector<32x1024xf32>
    %add3A_1995 = arith.addf %max3A_1705, %mul3A_1994 : vector<32x1024xf32>
    %mul3A_1996 = vector.broadcast %add3A_485 : vector<1x1024xf32> to vector<32x1024xf32>
    %mul3A_1997 = arith.mulf %mul3A_1996, %max3A_1642 : vector<32x1024xf32>
    %add3A_1998 = arith.addf %add3A_1995, %mul3A_1997 : vector<32x1024xf32>
    %mul3A_1999 = vector.broadcast %add3A_579 : vector<1x1024xf32> to vector<32x1024xf32>
    %mul3A_2000 = arith.mulf %mul3A_1999, %max3A_1649 : vector<32x1024xf32>
    %add3A_2001 = arith.addf %add3A_1998, %mul3A_2000 : vector<32x1024xf32>
    %mul3A_2002 = vector.broadcast %add3A_673 : vector<1x1024xf32> to vector<32x1024xf32>
    %mul3A_2003 = arith.mulf %mul3A_2002, %max3A_1656 : vector<32x1024xf32>
    %add3A_2004 = arith.addf %add3A_2001, %mul3A_2003 : vector<32x1024xf32>
    %mul3A_2005 = vector.broadcast %add3A_767 : vector<1x1024xf32> to vector<32x1024xf32>
    %mul3A_2006 = arith.mulf %mul3A_2005, %max3A_1663 : vector<32x1024xf32>
    %add3A_2007 = arith.addf %add3A_2004, %mul3A_2006 : vector<32x1024xf32>
    %mul3A_2008 = vector.broadcast %add3A_861 : vector<1x1024xf32> to vector<32x1024xf32>
    %mul3A_2009 = arith.mulf %mul3A_2008, %max3A_1670 : vector<32x1024xf32>
    %add3A_2010 = arith.addf %add3A_2007, %mul3A_2009 : vector<32x1024xf32>
    %mul3A_2011 = vector.broadcast %add3A_955 : vector<1x1024xf32> to vector<32x1024xf32>
    %mul3A_2012 = arith.mulf %mul3A_2011, %max3A_1677 : vector<32x1024xf32>
    %add3A_2013 = arith.addf %add3A_2010, %mul3A_2012 : vector<32x1024xf32>
    %mul3A_2014 = vector.broadcast %add3A_1049 : vector<1x1024xf32> to vector<32x1024xf32>
    %mul3A_2015 = arith.mulf %mul3A_2014, %max3A_1684 : vector<32x1024xf32>
    %add3A_2016 = arith.addf %add3A_2013, %mul3A_2015 : vector<32x1024xf32>
    %mul3A_2017 = vector.broadcast %add3A_402 : vector<1x1024xf32> to vector<32x1024xf32>
    %mul3A_2018 = arith.mulf %mul3A_2017, %max3A_1635 : vector<32x1024xf32>
    %add3A_2019 = arith.addf %max3A_1712, %mul3A_2018 : vector<32x1024xf32>
    %mul3A_2020 = vector.broadcast %add3A_496 : vector<1x1024xf32> to vector<32x1024xf32>
    %mul3A_2021 = arith.mulf %mul3A_2020, %max3A_1642 : vector<32x1024xf32>
    %add3A_2022 = arith.addf %add3A_2019, %mul3A_2021 : vector<32x1024xf32>
    %mul3A_2023 = vector.broadcast %add3A_590 : vector<1x1024xf32> to vector<32x1024xf32>
    %mul3A_2024 = arith.mulf %mul3A_2023, %max3A_1649 : vector<32x1024xf32>
    %add3A_2025 = arith.addf %add3A_2022, %mul3A_2024 : vector<32x1024xf32>
    %mul3A_2026 = vector.broadcast %add3A_684 : vector<1x1024xf32> to vector<32x1024xf32>
    %mul3A_2027 = arith.mulf %mul3A_2026, %max3A_1656 : vector<32x1024xf32>
    %add3A_2028 = arith.addf %add3A_2025, %mul3A_2027 : vector<32x1024xf32>
    %mul3A_2029 = vector.broadcast %add3A_778 : vector<1x1024xf32> to vector<32x1024xf32>
    %mul3A_2030 = arith.mulf %mul3A_2029, %max3A_1663 : vector<32x1024xf32>
    %add3A_2031 = arith.addf %add3A_2028, %mul3A_2030 : vector<32x1024xf32>
    %mul3A_2032 = vector.broadcast %add3A_872 : vector<1x1024xf32> to vector<32x1024xf32>
    %mul3A_2033 = arith.mulf %mul3A_2032, %max3A_1670 : vector<32x1024xf32>
    %add3A_2034 = arith.addf %add3A_2031, %mul3A_2033 : vector<32x1024xf32>
    %mul3A_2035 = vector.broadcast %add3A_966 : vector<1x1024xf32> to vector<32x1024xf32>
    %mul3A_2036 = arith.mulf %mul3A_2035, %max3A_1677 : vector<32x1024xf32>
    %add3A_2037 = arith.addf %add3A_2034, %mul3A_2036 : vector<32x1024xf32>
    %mul3A_2038 = vector.broadcast %add3A_1060 : vector<1x1024xf32> to vector<32x1024xf32>
    %mul3A_2039 = arith.mulf %mul3A_2038, %max3A_1684 : vector<32x1024xf32>
    %add3A_2040 = arith.addf %add3A_2037, %mul3A_2039 : vector<32x1024xf32>
    %mul3A_2041 = vector.broadcast %add3A_413 : vector<1x1024xf32> to vector<32x1024xf32>
    %mul3A_2042 = arith.mulf %mul3A_2041, %max3A_1635 : vector<32x1024xf32>
    %add3A_2043 = arith.addf %max3A_1719, %mul3A_2042 : vector<32x1024xf32>
    %mul3A_2044 = vector.broadcast %add3A_507 : vector<1x1024xf32> to vector<32x1024xf32>
    %mul3A_2045 = arith.mulf %mul3A_2044, %max3A_1642 : vector<32x1024xf32>
    %add3A_2046 = arith.addf %add3A_2043, %mul3A_2045 : vector<32x1024xf32>
    %mul3A_2047 = vector.broadcast %add3A_601 : vector<1x1024xf32> to vector<32x1024xf32>
    %mul3A_2048 = arith.mulf %mul3A_2047, %max3A_1649 : vector<32x1024xf32>
    %add3A_2049 = arith.addf %add3A_2046, %mul3A_2048 : vector<32x1024xf32>
    %mul3A_2050 = vector.broadcast %add3A_695 : vector<1x1024xf32> to vector<32x1024xf32>
    %mul3A_2051 = arith.mulf %mul3A_2050, %max3A_1656 : vector<32x1024xf32>
    %add3A_2052 = arith.addf %add3A_2049, %mul3A_2051 : vector<32x1024xf32>
    %mul3A_2053 = vector.broadcast %add3A_789 : vector<1x1024xf32> to vector<32x1024xf32>
    %mul3A_2054 = arith.mulf %mul3A_2053, %max3A_1663 : vector<32x1024xf32>
    %add3A_2055 = arith.addf %add3A_2052, %mul3A_2054 : vector<32x1024xf32>
    %mul3A_2056 = vector.broadcast %add3A_883 : vector<1x1024xf32> to vector<32x1024xf32>
    %mul3A_2057 = arith.mulf %mul3A_2056, %max3A_1670 : vector<32x1024xf32>
    %add3A_2058 = arith.addf %add3A_2055, %mul3A_2057 : vector<32x1024xf32>
    %mul3A_2059 = vector.broadcast %add3A_977 : vector<1x1024xf32> to vector<32x1024xf32>
    %mul3A_2060 = arith.mulf %mul3A_2059, %max3A_1677 : vector<32x1024xf32>
    %add3A_2061 = arith.addf %add3A_2058, %mul3A_2060 : vector<32x1024xf32>
    %mul3A_2062 = vector.broadcast %add3A_1071 : vector<1x1024xf32> to vector<32x1024xf32>
    %mul3A_2063 = arith.mulf %mul3A_2062, %max3A_1684 : vector<32x1024xf32>
    %add3A_2064 = arith.addf %add3A_2061, %mul3A_2063 : vector<32x1024xf32>
    %mul3A_2065 = vector.broadcast %add3A_424 : vector<1x1024xf32> to vector<32x1024xf32>
    %mul3A_2066 = arith.mulf %mul3A_2065, %max3A_1635 : vector<32x1024xf32>
    %add3A_2067 = arith.addf %max3A_1726, %mul3A_2066 : vector<32x1024xf32>
    %mul3A_2068 = vector.broadcast %add3A_518 : vector<1x1024xf32> to vector<32x1024xf32>
    %mul3A_2069 = arith.mulf %mul3A_2068, %max3A_1642 : vector<32x1024xf32>
    %add3A_2070 = arith.addf %add3A_2067, %mul3A_2069 : vector<32x1024xf32>
    %mul3A_2071 = vector.broadcast %add3A_612 : vector<1x1024xf32> to vector<32x1024xf32>
    %mul3A_2072 = arith.mulf %mul3A_2071, %max3A_1649 : vector<32x1024xf32>
    %add3A_2073 = arith.addf %add3A_2070, %mul3A_2072 : vector<32x1024xf32>
    %mul3A_2074 = vector.broadcast %add3A_706 : vector<1x1024xf32> to vector<32x1024xf32>
    %mul3A_2075 = arith.mulf %mul3A_2074, %max3A_1656 : vector<32x1024xf32>
    %add3A_2076 = arith.addf %add3A_2073, %mul3A_2075 : vector<32x1024xf32>
    %mul3A_2077 = vector.broadcast %add3A_800 : vector<1x1024xf32> to vector<32x1024xf32>
    %mul3A_2078 = arith.mulf %mul3A_2077, %max3A_1663 : vector<32x1024xf32>
    %add3A_2079 = arith.addf %add3A_2076, %mul3A_2078 : vector<32x1024xf32>
    %mul3A_2080 = vector.broadcast %add3A_894 : vector<1x1024xf32> to vector<32x1024xf32>
    %mul3A_2081 = arith.mulf %mul3A_2080, %max3A_1670 : vector<32x1024xf32>
    %add3A_2082 = arith.addf %add3A_2079, %mul3A_2081 : vector<32x1024xf32>
    %mul3A_2083 = vector.broadcast %add3A_988 : vector<1x1024xf32> to vector<32x1024xf32>
    %mul3A_2084 = arith.mulf %mul3A_2083, %max3A_1677 : vector<32x1024xf32>
    %add3A_2085 = arith.addf %add3A_2082, %mul3A_2084 : vector<32x1024xf32>
    %mul3A_2086 = vector.broadcast %add3A_1082 : vector<1x1024xf32> to vector<32x1024xf32>
    %mul3A_2087 = arith.mulf %mul3A_2086, %max3A_1684 : vector<32x1024xf32>
    %add3A_2088 = arith.addf %add3A_2085, %mul3A_2087 : vector<32x1024xf32>
    %mul3A_2089 = vector.broadcast %add3A_435 : vector<1x1024xf32> to vector<32x1024xf32>
    %mul3A_2090 = arith.mulf %mul3A_2089, %max3A_1635 : vector<32x1024xf32>
    %add3A_2091 = arith.addf %max3A_1733, %mul3A_2090 : vector<32x1024xf32>
    %mul3A_2092 = vector.broadcast %add3A_529 : vector<1x1024xf32> to vector<32x1024xf32>
    %mul3A_2093 = arith.mulf %mul3A_2092, %max3A_1642 : vector<32x1024xf32>
    %add3A_2094 = arith.addf %add3A_2091, %mul3A_2093 : vector<32x1024xf32>
    %mul3A_2095 = vector.broadcast %add3A_623 : vector<1x1024xf32> to vector<32x1024xf32>
    %mul3A_2096 = arith.mulf %mul3A_2095, %max3A_1649 : vector<32x1024xf32>
    %add3A_2097 = arith.addf %add3A_2094, %mul3A_2096 : vector<32x1024xf32>
    %mul3A_2098 = vector.broadcast %add3A_717 : vector<1x1024xf32> to vector<32x1024xf32>
    %mul3A_2099 = arith.mulf %mul3A_2098, %max3A_1656 : vector<32x1024xf32>
    %add3A_2100 = arith.addf %add3A_2097, %mul3A_2099 : vector<32x1024xf32>
    %mul3A_2101 = vector.broadcast %add3A_811 : vector<1x1024xf32> to vector<32x1024xf32>
    %mul3A_2102 = arith.mulf %mul3A_2101, %max3A_1663 : vector<32x1024xf32>
    %add3A_2103 = arith.addf %add3A_2100, %mul3A_2102 : vector<32x1024xf32>
    %mul3A_2104 = vector.broadcast %add3A_905 : vector<1x1024xf32> to vector<32x1024xf32>
    %mul3A_2105 = arith.mulf %mul3A_2104, %max3A_1670 : vector<32x1024xf32>
    %add3A_2106 = arith.addf %add3A_2103, %mul3A_2105 : vector<32x1024xf32>
    %mul3A_2107 = vector.broadcast %add3A_999 : vector<1x1024xf32> to vector<32x1024xf32>
    %mul3A_2108 = arith.mulf %mul3A_2107, %max3A_1677 : vector<32x1024xf32>
    %add3A_2109 = arith.addf %add3A_2106, %mul3A_2108 : vector<32x1024xf32>
    %mul3A_2110 = vector.broadcast %add3A_1093 : vector<1x1024xf32> to vector<32x1024xf32>
    %mul3A_2111 = arith.mulf %mul3A_2110, %max3A_1684 : vector<32x1024xf32>
    %add3A_2112 = arith.addf %add3A_2109, %mul3A_2111 : vector<32x1024xf32>
    %mul3A_2113 = vector.broadcast %add3A_446 : vector<1x1024xf32> to vector<32x1024xf32>
    %mul3A_2114 = arith.mulf %mul3A_2113, %max3A_1635 : vector<32x1024xf32>
    %add3A_2115 = arith.addf %max3A_1740, %mul3A_2114 : vector<32x1024xf32>
    %mul3A_2116 = vector.broadcast %add3A_540 : vector<1x1024xf32> to vector<32x1024xf32>
    %mul3A_2117 = arith.mulf %mul3A_2116, %max3A_1642 : vector<32x1024xf32>
    %add3A_2118 = arith.addf %add3A_2115, %mul3A_2117 : vector<32x1024xf32>
    %mul3A_2119 = vector.broadcast %add3A_634 : vector<1x1024xf32> to vector<32x1024xf32>
    %mul3A_2120 = arith.mulf %mul3A_2119, %max3A_1649 : vector<32x1024xf32>
    %add3A_2121 = arith.addf %add3A_2118, %mul3A_2120 : vector<32x1024xf32>
    %mul3A_2122 = vector.broadcast %add3A_728 : vector<1x1024xf32> to vector<32x1024xf32>
    %mul3A_2123 = arith.mulf %mul3A_2122, %max3A_1656 : vector<32x1024xf32>
    %add3A_2124 = arith.addf %add3A_2121, %mul3A_2123 : vector<32x1024xf32>
    %mul3A_2125 = vector.broadcast %add3A_822 : vector<1x1024xf32> to vector<32x1024xf32>
    %mul3A_2126 = arith.mulf %mul3A_2125, %max3A_1663 : vector<32x1024xf32>
    %add3A_2127 = arith.addf %add3A_2124, %mul3A_2126 : vector<32x1024xf32>
    %mul3A_2128 = vector.broadcast %add3A_916 : vector<1x1024xf32> to vector<32x1024xf32>
    %mul3A_2129 = arith.mulf %mul3A_2128, %max3A_1670 : vector<32x1024xf32>
    %add3A_2130 = arith.addf %add3A_2127, %mul3A_2129 : vector<32x1024xf32>
    %mul3A_2131 = vector.broadcast %add3A_1010 : vector<1x1024xf32> to vector<32x1024xf32>
    %mul3A_2132 = arith.mulf %mul3A_2131, %max3A_1677 : vector<32x1024xf32>
    %add3A_2133 = arith.addf %add3A_2130, %mul3A_2132 : vector<32x1024xf32>
    %mul3A_2134 = vector.broadcast %add3A_1104 : vector<1x1024xf32> to vector<32x1024xf32>
    %mul3A_2135 = arith.mulf %mul3A_2134, %max3A_1684 : vector<32x1024xf32>
    %add3A_2136 = arith.addf %add3A_2133, %mul3A_2135 : vector<32x1024xf32>
    %dot_general3A_2137 = arith.constant dense<0.000000e+00> : vector<32x1024xf32>
    %dot_general3A_2138 = tpu.matmul %get3A_1746, %add3A_1776, %dot_general3A_2137 {dimension_numbers = #tpu.dot_dimension_numbers<[1], [0], [0], [1], [0, 0, 1, 1], [], []>, transpose_lhs_hint = false} : vector<32x32xf32>, vector<32x1024xf32>, vector<32x1024xf32> -> vector<32x1024xf32>
    %add3A_2139 = vector.broadcast %get3A_1752 : vector<32x1xf32> to vector<32x1024xf32>
    %add3A_2140 = arith.addf %dot_general3A_2138, %add3A_2139 : vector<32x1024xf32>
    %max3A_2141 = arith.constant 0.000000e+00 : f32
    %max3A_2142 = vector.broadcast %max3A_2141 : f32 to vector<32x1024xf32>
    %max3A_2143 = arith.maximumf %add3A_2140, %max3A_2142 : vector<32x1024xf32>
    %add3A_2144 = arith.addf %add3A_1628, %max3A_2143 : vector<32x1024xf32>
    %dot_general3A_2145 = arith.constant dense<0.000000e+00> : vector<32x1024xf32>
    %dot_general3A_2146 = tpu.matmul %get3A_1746, %add3A_1800, %dot_general3A_2145 {dimension_numbers = #tpu.dot_dimension_numbers<[1], [0], [0], [1], [0, 0, 1, 1], [], []>, transpose_lhs_hint = false} : vector<32x32xf32>, vector<32x1024xf32>, vector<32x1024xf32> -> vector<32x1024xf32>
    %add3A_2147 = vector.broadcast %get3A_1752 : vector<32x1xf32> to vector<32x1024xf32>
    %add3A_2148 = arith.addf %dot_general3A_2146, %add3A_2147 : vector<32x1024xf32>
    %max3A_2149 = arith.constant 0.000000e+00 : f32
    %max3A_2150 = vector.broadcast %max3A_2149 : f32 to vector<32x1024xf32>
    %max3A_2151 = arith.maximumf %add3A_2148, %max3A_2150 : vector<32x1024xf32>
    %add3A_2152 = arith.addf %add3A_2144, %max3A_2151 : vector<32x1024xf32>
    %dot_general3A_2153 = arith.constant dense<0.000000e+00> : vector<32x1024xf32>
    %dot_general3A_2154 = tpu.matmul %get3A_1746, %add3A_1824, %dot_general3A_2153 {dimension_numbers = #tpu.dot_dimension_numbers<[1], [0], [0], [1], [0, 0, 1, 1], [], []>, transpose_lhs_hint = false} : vector<32x32xf32>, vector<32x1024xf32>, vector<32x1024xf32> -> vector<32x1024xf32>
    %add3A_2155 = vector.broadcast %get3A_1752 : vector<32x1xf32> to vector<32x1024xf32>
    %add3A_2156 = arith.addf %dot_general3A_2154, %add3A_2155 : vector<32x1024xf32>
    %max3A_2157 = arith.constant 0.000000e+00 : f32
    %max3A_2158 = vector.broadcast %max3A_2157 : f32 to vector<32x1024xf32>
    %max3A_2159 = arith.maximumf %add3A_2156, %max3A_2158 : vector<32x1024xf32>
    %add3A_2160 = arith.addf %add3A_2152, %max3A_2159 : vector<32x1024xf32>
    %dot_general3A_2161 = arith.constant dense<0.000000e+00> : vector<32x1024xf32>
    %dot_general3A_2162 = tpu.matmul %get3A_1746, %add3A_1848, %dot_general3A_2161 {dimension_numbers = #tpu.dot_dimension_numbers<[1], [0], [0], [1], [0, 0, 1, 1], [], []>, transpose_lhs_hint = false} : vector<32x32xf32>, vector<32x1024xf32>, vector<32x1024xf32> -> vector<32x1024xf32>
    %add3A_2163 = vector.broadcast %get3A_1752 : vector<32x1xf32> to vector<32x1024xf32>
    %add3A_2164 = arith.addf %dot_general3A_2162, %add3A_2163 : vector<32x1024xf32>
    %max3A_2165 = arith.constant 0.000000e+00 : f32
    %max3A_2166 = vector.broadcast %max3A_2165 : f32 to vector<32x1024xf32>
    %max3A_2167 = arith.maximumf %add3A_2164, %max3A_2166 : vector<32x1024xf32>
    %add3A_2168 = arith.addf %add3A_2160, %max3A_2167 : vector<32x1024xf32>
    %dot_general3A_2169 = arith.constant dense<0.000000e+00> : vector<32x1024xf32>
    %dot_general3A_2170 = tpu.matmul %get3A_1746, %add3A_1872, %dot_general3A_2169 {dimension_numbers = #tpu.dot_dimension_numbers<[1], [0], [0], [1], [0, 0, 1, 1], [], []>, transpose_lhs_hint = false} : vector<32x32xf32>, vector<32x1024xf32>, vector<32x1024xf32> -> vector<32x1024xf32>
    %add3A_2171 = vector.broadcast %get3A_1752 : vector<32x1xf32> to vector<32x1024xf32>
    %add3A_2172 = arith.addf %dot_general3A_2170, %add3A_2171 : vector<32x1024xf32>
    %max3A_2173 = arith.constant 0.000000e+00 : f32
    %max3A_2174 = vector.broadcast %max3A_2173 : f32 to vector<32x1024xf32>
    %max3A_2175 = arith.maximumf %add3A_2172, %max3A_2174 : vector<32x1024xf32>
    %add3A_2176 = arith.addf %add3A_2168, %max3A_2175 : vector<32x1024xf32>
    %dot_general3A_2177 = arith.constant dense<0.000000e+00> : vector<32x1024xf32>
    %dot_general3A_2178 = tpu.matmul %get3A_1746, %add3A_1896, %dot_general3A_2177 {dimension_numbers = #tpu.dot_dimension_numbers<[1], [0], [0], [1], [0, 0, 1, 1], [], []>, transpose_lhs_hint = false} : vector<32x32xf32>, vector<32x1024xf32>, vector<32x1024xf32> -> vector<32x1024xf32>
    %add3A_2179 = vector.broadcast %get3A_1752 : vector<32x1xf32> to vector<32x1024xf32>
    %add3A_2180 = arith.addf %dot_general3A_2178, %add3A_2179 : vector<32x1024xf32>
    %max3A_2181 = arith.constant 0.000000e+00 : f32
    %max3A_2182 = vector.broadcast %max3A_2181 : f32 to vector<32x1024xf32>
    %max3A_2183 = arith.maximumf %add3A_2180, %max3A_2182 : vector<32x1024xf32>
    %add3A_2184 = arith.addf %add3A_2176, %max3A_2183 : vector<32x1024xf32>
    %dot_general3A_2185 = arith.constant dense<0.000000e+00> : vector<32x1024xf32>
    %dot_general3A_2186 = tpu.matmul %get3A_1746, %add3A_1920, %dot_general3A_2185 {dimension_numbers = #tpu.dot_dimension_numbers<[1], [0], [0], [1], [0, 0, 1, 1], [], []>, transpose_lhs_hint = false} : vector<32x32xf32>, vector<32x1024xf32>, vector<32x1024xf32> -> vector<32x1024xf32>
    %add3A_2187 = vector.broadcast %get3A_1752 : vector<32x1xf32> to vector<32x1024xf32>
    %add3A_2188 = arith.addf %dot_general3A_2186, %add3A_2187 : vector<32x1024xf32>
    %max3A_2189 = arith.constant 0.000000e+00 : f32
    %max3A_2190 = vector.broadcast %max3A_2189 : f32 to vector<32x1024xf32>
    %max3A_2191 = arith.maximumf %add3A_2188, %max3A_2190 : vector<32x1024xf32>
    %add3A_2192 = arith.addf %add3A_2184, %max3A_2191 : vector<32x1024xf32>
    %dot_general3A_2193 = arith.constant dense<0.000000e+00> : vector<32x1024xf32>
    %dot_general3A_2194 = tpu.matmul %get3A_1746, %add3A_1944, %dot_general3A_2193 {dimension_numbers = #tpu.dot_dimension_numbers<[1], [0], [0], [1], [0, 0, 1, 1], [], []>, transpose_lhs_hint = false} : vector<32x32xf32>, vector<32x1024xf32>, vector<32x1024xf32> -> vector<32x1024xf32>
    %add3A_2195 = vector.broadcast %get3A_1752 : vector<32x1xf32> to vector<32x1024xf32>
    %add3A_2196 = arith.addf %dot_general3A_2194, %add3A_2195 : vector<32x1024xf32>
    %max3A_2197 = arith.constant 0.000000e+00 : f32
    %max3A_2198 = vector.broadcast %max3A_2197 : f32 to vector<32x1024xf32>
    %max3A_2199 = arith.maximumf %add3A_2196, %max3A_2198 : vector<32x1024xf32>
    %add3A_2200 = arith.addf %add3A_2192, %max3A_2199 : vector<32x1024xf32>
    %dot_general3A_2201 = arith.constant dense<0.000000e+00> : vector<32x1024xf32>
    %dot_general3A_2202 = tpu.matmul %get3A_1746, %add3A_1968, %dot_general3A_2201 {dimension_numbers = #tpu.dot_dimension_numbers<[1], [0], [0], [1], [0, 0, 1, 1], [], []>, transpose_lhs_hint = false} : vector<32x32xf32>, vector<32x1024xf32>, vector<32x1024xf32> -> vector<32x1024xf32>
    %add3A_2203 = vector.broadcast %get3A_1752 : vector<32x1xf32> to vector<32x1024xf32>
    %add3A_2204 = arith.addf %dot_general3A_2202, %add3A_2203 : vector<32x1024xf32>
    %max3A_2205 = arith.constant 0.000000e+00 : f32
    %max3A_2206 = vector.broadcast %max3A_2205 : f32 to vector<32x1024xf32>
    %max3A_2207 = arith.maximumf %add3A_2204, %max3A_2206 : vector<32x1024xf32>
    %add3A_2208 = arith.addf %add3A_2200, %max3A_2207 : vector<32x1024xf32>
    %dot_general3A_2209 = arith.constant dense<0.000000e+00> : vector<32x1024xf32>
    %dot_general3A_2210 = tpu.matmul %get3A_1746, %add3A_1992, %dot_general3A_2209 {dimension_numbers = #tpu.dot_dimension_numbers<[1], [0], [0], [1], [0, 0, 1, 1], [], []>, transpose_lhs_hint = false} : vector<32x32xf32>, vector<32x1024xf32>, vector<32x1024xf32> -> vector<32x1024xf32>
    %add3A_2211 = vector.broadcast %get3A_1752 : vector<32x1xf32> to vector<32x1024xf32>
    %add3A_2212 = arith.addf %dot_general3A_2210, %add3A_2211 : vector<32x1024xf32>
    %max3A_2213 = arith.constant 0.000000e+00 : f32
    %max3A_2214 = vector.broadcast %max3A_2213 : f32 to vector<32x1024xf32>
    %max3A_2215 = arith.maximumf %add3A_2212, %max3A_2214 : vector<32x1024xf32>
    %add3A_2216 = arith.addf %add3A_2208, %max3A_2215 : vector<32x1024xf32>
    %dot_general3A_2217 = arith.constant dense<0.000000e+00> : vector<32x1024xf32>
    %dot_general3A_2218 = tpu.matmul %get3A_1746, %add3A_2016, %dot_general3A_2217 {dimension_numbers = #tpu.dot_dimension_numbers<[1], [0], [0], [1], [0, 0, 1, 1], [], []>, transpose_lhs_hint = false} : vector<32x32xf32>, vector<32x1024xf32>, vector<32x1024xf32> -> vector<32x1024xf32>
    %add3A_2219 = vector.broadcast %get3A_1752 : vector<32x1xf32> to vector<32x1024xf32>
    %add3A_2220 = arith.addf %dot_general3A_2218, %add3A_2219 : vector<32x1024xf32>
    %max3A_2221 = arith.constant 0.000000e+00 : f32
    %max3A_2222 = vector.broadcast %max3A_2221 : f32 to vector<32x1024xf32>
    %max3A_2223 = arith.maximumf %add3A_2220, %max3A_2222 : vector<32x1024xf32>
    %add3A_2224 = arith.addf %add3A_2216, %max3A_2223 : vector<32x1024xf32>
    %dot_general3A_2225 = arith.constant dense<0.000000e+00> : vector<32x1024xf32>
    %dot_general3A_2226 = tpu.matmul %get3A_1746, %add3A_2040, %dot_general3A_2225 {dimension_numbers = #tpu.dot_dimension_numbers<[1], [0], [0], [1], [0, 0, 1, 1], [], []>, transpose_lhs_hint = false} : vector<32x32xf32>, vector<32x1024xf32>, vector<32x1024xf32> -> vector<32x1024xf32>
    %add3A_2227 = vector.broadcast %get3A_1752 : vector<32x1xf32> to vector<32x1024xf32>
    %add3A_2228 = arith.addf %dot_general3A_2226, %add3A_2227 : vector<32x1024xf32>
    %max3A_2229 = arith.constant 0.000000e+00 : f32
    %max3A_2230 = vector.broadcast %max3A_2229 : f32 to vector<32x1024xf32>
    %max3A_2231 = arith.maximumf %add3A_2228, %max3A_2230 : vector<32x1024xf32>
    %add3A_2232 = arith.addf %add3A_2224, %max3A_2231 : vector<32x1024xf32>
    %dot_general3A_2233 = arith.constant dense<0.000000e+00> : vector<32x1024xf32>
    %dot_general3A_2234 = tpu.matmul %get3A_1746, %add3A_2064, %dot_general3A_2233 {dimension_numbers = #tpu.dot_dimension_numbers<[1], [0], [0], [1], [0, 0, 1, 1], [], []>, transpose_lhs_hint = false} : vector<32x32xf32>, vector<32x1024xf32>, vector<32x1024xf32> -> vector<32x1024xf32>
    %add3A_2235 = vector.broadcast %get3A_1752 : vector<32x1xf32> to vector<32x1024xf32>
    %add3A_2236 = arith.addf %dot_general3A_2234, %add3A_2235 : vector<32x1024xf32>
    %max3A_2237 = arith.constant 0.000000e+00 : f32
    %max3A_2238 = vector.broadcast %max3A_2237 : f32 to vector<32x1024xf32>
    %max3A_2239 = arith.maximumf %add3A_2236, %max3A_2238 : vector<32x1024xf32>
    %add3A_2240 = arith.addf %add3A_2232, %max3A_2239 : vector<32x1024xf32>
    %dot_general3A_2241 = arith.constant dense<0.000000e+00> : vector<32x1024xf32>
    %dot_general3A_2242 = tpu.matmul %get3A_1746, %add3A_2088, %dot_general3A_2241 {dimension_numbers = #tpu.dot_dimension_numbers<[1], [0], [0], [1], [0, 0, 1, 1], [], []>, transpose_lhs_hint = false} : vector<32x32xf32>, vector<32x1024xf32>, vector<32x1024xf32> -> vector<32x1024xf32>
    %add3A_2243 = vector.broadcast %get3A_1752 : vector<32x1xf32> to vector<32x1024xf32>
    %add3A_2244 = arith.addf %dot_general3A_2242, %add3A_2243 : vector<32x1024xf32>
    %max3A_2245 = arith.constant 0.000000e+00 : f32
    %max3A_2246 = vector.broadcast %max3A_2245 : f32 to vector<32x1024xf32>
    %max3A_2247 = arith.maximumf %add3A_2244, %max3A_2246 : vector<32x1024xf32>
    %add3A_2248 = arith.addf %add3A_2240, %max3A_2247 : vector<32x1024xf32>
    %dot_general3A_2249 = arith.constant dense<0.000000e+00> : vector<32x1024xf32>
    %dot_general3A_2250 = tpu.matmul %get3A_1746, %add3A_2112, %dot_general3A_2249 {dimension_numbers = #tpu.dot_dimension_numbers<[1], [0], [0], [1], [0, 0, 1, 1], [], []>, transpose_lhs_hint = false} : vector<32x32xf32>, vector<32x1024xf32>, vector<32x1024xf32> -> vector<32x1024xf32>
    %add3A_2251 = vector.broadcast %get3A_1752 : vector<32x1xf32> to vector<32x1024xf32>
    %add3A_2252 = arith.addf %dot_general3A_2250, %add3A_2251 : vector<32x1024xf32>
    %max3A_2253 = arith.constant 0.000000e+00 : f32
    %max3A_2254 = vector.broadcast %max3A_2253 : f32 to vector<32x1024xf32>
    %max3A_2255 = arith.maximumf %add3A_2252, %max3A_2254 : vector<32x1024xf32>
    %add3A_2256 = arith.addf %add3A_2248, %max3A_2255 : vector<32x1024xf32>
    %dot_general3A_2257 = arith.constant dense<0.000000e+00> : vector<32x1024xf32>
    %dot_general3A_2258 = tpu.matmul %get3A_1746, %add3A_2136, %dot_general3A_2257 {dimension_numbers = #tpu.dot_dimension_numbers<[1], [0], [0], [1], [0, 0, 1, 1], [], []>, transpose_lhs_hint = false} : vector<32x32xf32>, vector<32x1024xf32>, vector<32x1024xf32> -> vector<32x1024xf32>
    %add3A_2259 = vector.broadcast %get3A_1752 : vector<32x1xf32> to vector<32x1024xf32>
    %add3A_2260 = arith.addf %dot_general3A_2258, %add3A_2259 : vector<32x1024xf32>
    %max3A_2261 = arith.constant 0.000000e+00 : f32
    %max3A_2262 = vector.broadcast %max3A_2261 : f32 to vector<32x1024xf32>
    %max3A_2263 = arith.maximumf %add3A_2260, %max3A_2262 : vector<32x1024xf32>
    %add3A_2264 = arith.addf %add3A_2256, %max3A_2263 : vector<32x1024xf32>
    %dot_general3A_2265 = arith.constant dense<0.000000e+00> : vector<32x1024xf32>
    %dot_general3A_2266 = tpu.matmul %get3A_1743, %add3A_1776, %dot_general3A_2265 {dimension_numbers = #tpu.dot_dimension_numbers<[1], [0], [0], [1], [0, 0, 1, 1], [], []>, transpose_lhs_hint = false} : vector<32x32xf32>, vector<32x1024xf32>, vector<32x1024xf32> -> vector<32x1024xf32>
    %add3A_2267 = vector.broadcast %get3A_1749 : vector<32x1xf32> to vector<32x1024xf32>
    %add3A_2268 = arith.addf %dot_general3A_2266, %add3A_2267 : vector<32x1024xf32>
    %max3A_2269 = arith.constant 0.000000e+00 : f32
    %max3A_2270 = vector.broadcast %max3A_2269 : f32 to vector<32x1024xf32>
    %max3A_2271 = arith.maximumf %add3A_2268, %max3A_2270 : vector<32x1024xf32>
    %dot_general3A_2272 = arith.constant dense<0.000000e+00> : vector<32x1024xf32>
    %dot_general3A_2273 = tpu.matmul %get3A_1743, %add3A_1800, %dot_general3A_2272 {dimension_numbers = #tpu.dot_dimension_numbers<[1], [0], [0], [1], [0, 0, 1, 1], [], []>, transpose_lhs_hint = false} : vector<32x32xf32>, vector<32x1024xf32>, vector<32x1024xf32> -> vector<32x1024xf32>
    %add3A_2274 = vector.broadcast %get3A_1749 : vector<32x1xf32> to vector<32x1024xf32>
    %add3A_2275 = arith.addf %dot_general3A_2273, %add3A_2274 : vector<32x1024xf32>
    %max3A_2276 = arith.constant 0.000000e+00 : f32
    %max3A_2277 = vector.broadcast %max3A_2276 : f32 to vector<32x1024xf32>
    %max3A_2278 = arith.maximumf %add3A_2275, %max3A_2277 : vector<32x1024xf32>
    %dot_general3A_2279 = arith.constant dense<0.000000e+00> : vector<32x1024xf32>
    %dot_general3A_2280 = tpu.matmul %get3A_1743, %add3A_1824, %dot_general3A_2279 {dimension_numbers = #tpu.dot_dimension_numbers<[1], [0], [0], [1], [0, 0, 1, 1], [], []>, transpose_lhs_hint = false} : vector<32x32xf32>, vector<32x1024xf32>, vector<32x1024xf32> -> vector<32x1024xf32>
    %add3A_2281 = vector.broadcast %get3A_1749 : vector<32x1xf32> to vector<32x1024xf32>
    %add3A_2282 = arith.addf %dot_general3A_2280, %add3A_2281 : vector<32x1024xf32>
    %max3A_2283 = arith.constant 0.000000e+00 : f32
    %max3A_2284 = vector.broadcast %max3A_2283 : f32 to vector<32x1024xf32>
    %max3A_2285 = arith.maximumf %add3A_2282, %max3A_2284 : vector<32x1024xf32>
    %dot_general3A_2286 = arith.constant dense<0.000000e+00> : vector<32x1024xf32>
    %dot_general3A_2287 = tpu.matmul %get3A_1743, %add3A_1848, %dot_general3A_2286 {dimension_numbers = #tpu.dot_dimension_numbers<[1], [0], [0], [1], [0, 0, 1, 1], [], []>, transpose_lhs_hint = false} : vector<32x32xf32>, vector<32x1024xf32>, vector<32x1024xf32> -> vector<32x1024xf32>
    %add3A_2288 = vector.broadcast %get3A_1749 : vector<32x1xf32> to vector<32x1024xf32>
    %add3A_2289 = arith.addf %dot_general3A_2287, %add3A_2288 : vector<32x1024xf32>
    %max3A_2290 = arith.constant 0.000000e+00 : f32
    %max3A_2291 = vector.broadcast %max3A_2290 : f32 to vector<32x1024xf32>
    %max3A_2292 = arith.maximumf %add3A_2289, %max3A_2291 : vector<32x1024xf32>
    %dot_general3A_2293 = arith.constant dense<0.000000e+00> : vector<32x1024xf32>
    %dot_general3A_2294 = tpu.matmul %get3A_1743, %add3A_1872, %dot_general3A_2293 {dimension_numbers = #tpu.dot_dimension_numbers<[1], [0], [0], [1], [0, 0, 1, 1], [], []>, transpose_lhs_hint = false} : vector<32x32xf32>, vector<32x1024xf32>, vector<32x1024xf32> -> vector<32x1024xf32>
    %add3A_2295 = vector.broadcast %get3A_1749 : vector<32x1xf32> to vector<32x1024xf32>
    %add3A_2296 = arith.addf %dot_general3A_2294, %add3A_2295 : vector<32x1024xf32>
    %max3A_2297 = arith.constant 0.000000e+00 : f32
    %max3A_2298 = vector.broadcast %max3A_2297 : f32 to vector<32x1024xf32>
    %max3A_2299 = arith.maximumf %add3A_2296, %max3A_2298 : vector<32x1024xf32>
    %dot_general3A_2300 = arith.constant dense<0.000000e+00> : vector<32x1024xf32>
    %dot_general3A_2301 = tpu.matmul %get3A_1743, %add3A_1896, %dot_general3A_2300 {dimension_numbers = #tpu.dot_dimension_numbers<[1], [0], [0], [1], [0, 0, 1, 1], [], []>, transpose_lhs_hint = false} : vector<32x32xf32>, vector<32x1024xf32>, vector<32x1024xf32> -> vector<32x1024xf32>
    %add3A_2302 = vector.broadcast %get3A_1749 : vector<32x1xf32> to vector<32x1024xf32>
    %add3A_2303 = arith.addf %dot_general3A_2301, %add3A_2302 : vector<32x1024xf32>
    %max3A_2304 = arith.constant 0.000000e+00 : f32
    %max3A_2305 = vector.broadcast %max3A_2304 : f32 to vector<32x1024xf32>
    %max3A_2306 = arith.maximumf %add3A_2303, %max3A_2305 : vector<32x1024xf32>
    %dot_general3A_2307 = arith.constant dense<0.000000e+00> : vector<32x1024xf32>
    %dot_general3A_2308 = tpu.matmul %get3A_1743, %add3A_1920, %dot_general3A_2307 {dimension_numbers = #tpu.dot_dimension_numbers<[1], [0], [0], [1], [0, 0, 1, 1], [], []>, transpose_lhs_hint = false} : vector<32x32xf32>, vector<32x1024xf32>, vector<32x1024xf32> -> vector<32x1024xf32>
    %add3A_2309 = vector.broadcast %get3A_1749 : vector<32x1xf32> to vector<32x1024xf32>
    %add3A_2310 = arith.addf %dot_general3A_2308, %add3A_2309 : vector<32x1024xf32>
    %max3A_2311 = arith.constant 0.000000e+00 : f32
    %max3A_2312 = vector.broadcast %max3A_2311 : f32 to vector<32x1024xf32>
    %max3A_2313 = arith.maximumf %add3A_2310, %max3A_2312 : vector<32x1024xf32>
    %dot_general3A_2314 = arith.constant dense<0.000000e+00> : vector<32x1024xf32>
    %dot_general3A_2315 = tpu.matmul %get3A_1743, %add3A_1944, %dot_general3A_2314 {dimension_numbers = #tpu.dot_dimension_numbers<[1], [0], [0], [1], [0, 0, 1, 1], [], []>, transpose_lhs_hint = false} : vector<32x32xf32>, vector<32x1024xf32>, vector<32x1024xf32> -> vector<32x1024xf32>
    %add3A_2316 = vector.broadcast %get3A_1749 : vector<32x1xf32> to vector<32x1024xf32>
    %add3A_2317 = arith.addf %dot_general3A_2315, %add3A_2316 : vector<32x1024xf32>
    %max3A_2318 = arith.constant 0.000000e+00 : f32
    %max3A_2319 = vector.broadcast %max3A_2318 : f32 to vector<32x1024xf32>
    %max3A_2320 = arith.maximumf %add3A_2317, %max3A_2319 : vector<32x1024xf32>
    %dot_general3A_2321 = arith.constant dense<0.000000e+00> : vector<32x1024xf32>
    %dot_general3A_2322 = tpu.matmul %get3A_1743, %add3A_1968, %dot_general3A_2321 {dimension_numbers = #tpu.dot_dimension_numbers<[1], [0], [0], [1], [0, 0, 1, 1], [], []>, transpose_lhs_hint = false} : vector<32x32xf32>, vector<32x1024xf32>, vector<32x1024xf32> -> vector<32x1024xf32>
    %add3A_2323 = vector.broadcast %get3A_1749 : vector<32x1xf32> to vector<32x1024xf32>
    %add3A_2324 = arith.addf %dot_general3A_2322, %add3A_2323 : vector<32x1024xf32>
    %max3A_2325 = arith.constant 0.000000e+00 : f32
    %max3A_2326 = vector.broadcast %max3A_2325 : f32 to vector<32x1024xf32>
    %max3A_2327 = arith.maximumf %add3A_2324, %max3A_2326 : vector<32x1024xf32>
    %dot_general3A_2328 = arith.constant dense<0.000000e+00> : vector<32x1024xf32>
    %dot_general3A_2329 = tpu.matmul %get3A_1743, %add3A_1992, %dot_general3A_2328 {dimension_numbers = #tpu.dot_dimension_numbers<[1], [0], [0], [1], [0, 0, 1, 1], [], []>, transpose_lhs_hint = false} : vector<32x32xf32>, vector<32x1024xf32>, vector<32x1024xf32> -> vector<32x1024xf32>
    %add3A_2330 = vector.broadcast %get3A_1749 : vector<32x1xf32> to vector<32x1024xf32>
    %add3A_2331 = arith.addf %dot_general3A_2329, %add3A_2330 : vector<32x1024xf32>
    %max3A_2332 = arith.constant 0.000000e+00 : f32
    %max3A_2333 = vector.broadcast %max3A_2332 : f32 to vector<32x1024xf32>
    %max3A_2334 = arith.maximumf %add3A_2331, %max3A_2333 : vector<32x1024xf32>
    %dot_general3A_2335 = arith.constant dense<0.000000e+00> : vector<32x1024xf32>
    %dot_general3A_2336 = tpu.matmul %get3A_1743, %add3A_2016, %dot_general3A_2335 {dimension_numbers = #tpu.dot_dimension_numbers<[1], [0], [0], [1], [0, 0, 1, 1], [], []>, transpose_lhs_hint = false} : vector<32x32xf32>, vector<32x1024xf32>, vector<32x1024xf32> -> vector<32x1024xf32>
    %add3A_2337 = vector.broadcast %get3A_1749 : vector<32x1xf32> to vector<32x1024xf32>
    %add3A_2338 = arith.addf %dot_general3A_2336, %add3A_2337 : vector<32x1024xf32>
    %max3A_2339 = arith.constant 0.000000e+00 : f32
    %max3A_2340 = vector.broadcast %max3A_2339 : f32 to vector<32x1024xf32>
    %max3A_2341 = arith.maximumf %add3A_2338, %max3A_2340 : vector<32x1024xf32>
    %dot_general3A_2342 = arith.constant dense<0.000000e+00> : vector<32x1024xf32>
    %dot_general3A_2343 = tpu.matmul %get3A_1743, %add3A_2040, %dot_general3A_2342 {dimension_numbers = #tpu.dot_dimension_numbers<[1], [0], [0], [1], [0, 0, 1, 1], [], []>, transpose_lhs_hint = false} : vector<32x32xf32>, vector<32x1024xf32>, vector<32x1024xf32> -> vector<32x1024xf32>
    %add3A_2344 = vector.broadcast %get3A_1749 : vector<32x1xf32> to vector<32x1024xf32>
    %add3A_2345 = arith.addf %dot_general3A_2343, %add3A_2344 : vector<32x1024xf32>
    %max3A_2346 = arith.constant 0.000000e+00 : f32
    %max3A_2347 = vector.broadcast %max3A_2346 : f32 to vector<32x1024xf32>
    %max3A_2348 = arith.maximumf %add3A_2345, %max3A_2347 : vector<32x1024xf32>
    %dot_general3A_2349 = arith.constant dense<0.000000e+00> : vector<32x1024xf32>
    %dot_general3A_2350 = tpu.matmul %get3A_1743, %add3A_2064, %dot_general3A_2349 {dimension_numbers = #tpu.dot_dimension_numbers<[1], [0], [0], [1], [0, 0, 1, 1], [], []>, transpose_lhs_hint = false} : vector<32x32xf32>, vector<32x1024xf32>, vector<32x1024xf32> -> vector<32x1024xf32>
    %add3A_2351 = vector.broadcast %get3A_1749 : vector<32x1xf32> to vector<32x1024xf32>
    %add3A_2352 = arith.addf %dot_general3A_2350, %add3A_2351 : vector<32x1024xf32>
    %max3A_2353 = arith.constant 0.000000e+00 : f32
    %max3A_2354 = vector.broadcast %max3A_2353 : f32 to vector<32x1024xf32>
    %max3A_2355 = arith.maximumf %add3A_2352, %max3A_2354 : vector<32x1024xf32>
    %dot_general3A_2356 = arith.constant dense<0.000000e+00> : vector<32x1024xf32>
    %dot_general3A_2357 = tpu.matmul %get3A_1743, %add3A_2088, %dot_general3A_2356 {dimension_numbers = #tpu.dot_dimension_numbers<[1], [0], [0], [1], [0, 0, 1, 1], [], []>, transpose_lhs_hint = false} : vector<32x32xf32>, vector<32x1024xf32>, vector<32x1024xf32> -> vector<32x1024xf32>
    %add3A_2358 = vector.broadcast %get3A_1749 : vector<32x1xf32> to vector<32x1024xf32>
    %add3A_2359 = arith.addf %dot_general3A_2357, %add3A_2358 : vector<32x1024xf32>
    %max3A_2360 = arith.constant 0.000000e+00 : f32
    %max3A_2361 = vector.broadcast %max3A_2360 : f32 to vector<32x1024xf32>
    %max3A_2362 = arith.maximumf %add3A_2359, %max3A_2361 : vector<32x1024xf32>
    %dot_general3A_2363 = arith.constant dense<0.000000e+00> : vector<32x1024xf32>
    %dot_general3A_2364 = tpu.matmul %get3A_1743, %add3A_2112, %dot_general3A_2363 {dimension_numbers = #tpu.dot_dimension_numbers<[1], [0], [0], [1], [0, 0, 1, 1], [], []>, transpose_lhs_hint = false} : vector<32x32xf32>, vector<32x1024xf32>, vector<32x1024xf32> -> vector<32x1024xf32>
    %add3A_2365 = vector.broadcast %get3A_1749 : vector<32x1xf32> to vector<32x1024xf32>
    %add3A_2366 = arith.addf %dot_general3A_2364, %add3A_2365 : vector<32x1024xf32>
    %max3A_2367 = arith.constant 0.000000e+00 : f32
    %max3A_2368 = vector.broadcast %max3A_2367 : f32 to vector<32x1024xf32>
    %max3A_2369 = arith.maximumf %add3A_2366, %max3A_2368 : vector<32x1024xf32>
    %dot_general3A_2370 = arith.constant dense<0.000000e+00> : vector<32x1024xf32>
    %dot_general3A_2371 = tpu.matmul %get3A_1743, %add3A_2136, %dot_general3A_2370 {dimension_numbers = #tpu.dot_dimension_numbers<[1], [0], [0], [1], [0, 0, 1, 1], [], []>, transpose_lhs_hint = false} : vector<32x32xf32>, vector<32x1024xf32>, vector<32x1024xf32> -> vector<32x1024xf32>
    %add3A_2372 = vector.broadcast %get3A_1749 : vector<32x1xf32> to vector<32x1024xf32>
    %add3A_2373 = arith.addf %dot_general3A_2371, %add3A_2372 : vector<32x1024xf32>
    %max3A_2374 = arith.constant 0.000000e+00 : f32
    %max3A_2375 = vector.broadcast %max3A_2374 : f32 to vector<32x1024xf32>
    %max3A_2376 = arith.maximumf %add3A_2373, %max3A_2375 : vector<32x1024xf32>
    %get3A_2377 = arith.constant 64 : index
    %get3A_2378 = arith.constant 0 : index
    %get3A_2379 = vector.load %arg11[%get3A_2377, %get3A_2378] : memref<96x32xf32, #tpu.memory_space<vmem>>, vector<32x32xf32>
    %get3A_2380 = arith.constant 0 : index
    %get3A_2381 = arith.constant 2 : index
    %get3A_2382 = vector.load %arg12[%get3A_2380, %get3A_2381] : memref<32x3xf32, #tpu.memory_space<vmem>>, vector<32x1xf32>
    %mul3A_2383 = vector.broadcast %add3A_369 : vector<1x1024xf32> to vector<32x1024xf32>
    %mul3A_2384 = arith.mulf %mul3A_2383, %max3A_2327 : vector<32x1024xf32>
    %add3A_2385 = arith.addf %max3A_2271, %mul3A_2384 : vector<32x1024xf32>
    %mul3A_2386 = vector.broadcast %add3A_380 : vector<1x1024xf32> to vector<32x1024xf32>
    %mul3A_2387 = arith.mulf %mul3A_2386, %max3A_2334 : vector<32x1024xf32>
    %add3A_2388 = arith.addf %add3A_2385, %mul3A_2387 : vector<32x1024xf32>
    %mul3A_2389 = vector.broadcast %add3A_391 : vector<1x1024xf32> to vector<32x1024xf32>
    %mul3A_2390 = arith.mulf %mul3A_2389, %max3A_2341 : vector<32x1024xf32>
    %add3A_2391 = arith.addf %add3A_2388, %mul3A_2390 : vector<32x1024xf32>
    %mul3A_2392 = vector.broadcast %add3A_402 : vector<1x1024xf32> to vector<32x1024xf32>
    %mul3A_2393 = arith.mulf %mul3A_2392, %max3A_2348 : vector<32x1024xf32>
    %add3A_2394 = arith.addf %add3A_2391, %mul3A_2393 : vector<32x1024xf32>
    %mul3A_2395 = vector.broadcast %add3A_413 : vector<1x1024xf32> to vector<32x1024xf32>
    %mul3A_2396 = arith.mulf %mul3A_2395, %max3A_2355 : vector<32x1024xf32>
    %add3A_2397 = arith.addf %add3A_2394, %mul3A_2396 : vector<32x1024xf32>
    %mul3A_2398 = vector.broadcast %add3A_424 : vector<1x1024xf32> to vector<32x1024xf32>
    %mul3A_2399 = arith.mulf %mul3A_2398, %max3A_2362 : vector<32x1024xf32>
    %add3A_2400 = arith.addf %add3A_2397, %mul3A_2399 : vector<32x1024xf32>
    %mul3A_2401 = vector.broadcast %add3A_435 : vector<1x1024xf32> to vector<32x1024xf32>
    %mul3A_2402 = arith.mulf %mul3A_2401, %max3A_2369 : vector<32x1024xf32>
    %add3A_2403 = arith.addf %add3A_2400, %mul3A_2402 : vector<32x1024xf32>
    %mul3A_2404 = vector.broadcast %add3A_446 : vector<1x1024xf32> to vector<32x1024xf32>
    %mul3A_2405 = arith.mulf %mul3A_2404, %max3A_2376 : vector<32x1024xf32>
    %add3A_2406 = arith.addf %add3A_2403, %mul3A_2405 : vector<32x1024xf32>
    %mul3A_2407 = vector.broadcast %add3A_463 : vector<1x1024xf32> to vector<32x1024xf32>
    %mul3A_2408 = arith.mulf %mul3A_2407, %max3A_2327 : vector<32x1024xf32>
    %add3A_2409 = arith.addf %max3A_2278, %mul3A_2408 : vector<32x1024xf32>
    %mul3A_2410 = vector.broadcast %add3A_474 : vector<1x1024xf32> to vector<32x1024xf32>
    %mul3A_2411 = arith.mulf %mul3A_2410, %max3A_2334 : vector<32x1024xf32>
    %add3A_2412 = arith.addf %add3A_2409, %mul3A_2411 : vector<32x1024xf32>
    %mul3A_2413 = vector.broadcast %add3A_485 : vector<1x1024xf32> to vector<32x1024xf32>
    %mul3A_2414 = arith.mulf %mul3A_2413, %max3A_2341 : vector<32x1024xf32>
    %add3A_2415 = arith.addf %add3A_2412, %mul3A_2414 : vector<32x1024xf32>
    %mul3A_2416 = vector.broadcast %add3A_496 : vector<1x1024xf32> to vector<32x1024xf32>
    %mul3A_2417 = arith.mulf %mul3A_2416, %max3A_2348 : vector<32x1024xf32>
    %add3A_2418 = arith.addf %add3A_2415, %mul3A_2417 : vector<32x1024xf32>
    %mul3A_2419 = vector.broadcast %add3A_507 : vector<1x1024xf32> to vector<32x1024xf32>
    %mul3A_2420 = arith.mulf %mul3A_2419, %max3A_2355 : vector<32x1024xf32>
    %add3A_2421 = arith.addf %add3A_2418, %mul3A_2420 : vector<32x1024xf32>
    %mul3A_2422 = vector.broadcast %add3A_518 : vector<1x1024xf32> to vector<32x1024xf32>
    %mul3A_2423 = arith.mulf %mul3A_2422, %max3A_2362 : vector<32x1024xf32>
    %add3A_2424 = arith.addf %add3A_2421, %mul3A_2423 : vector<32x1024xf32>
    %mul3A_2425 = vector.broadcast %add3A_529 : vector<1x1024xf32> to vector<32x1024xf32>
    %mul3A_2426 = arith.mulf %mul3A_2425, %max3A_2369 : vector<32x1024xf32>
    %add3A_2427 = arith.addf %add3A_2424, %mul3A_2426 : vector<32x1024xf32>
    %mul3A_2428 = vector.broadcast %add3A_540 : vector<1x1024xf32> to vector<32x1024xf32>
    %mul3A_2429 = arith.mulf %mul3A_2428, %max3A_2376 : vector<32x1024xf32>
    %add3A_2430 = arith.addf %add3A_2427, %mul3A_2429 : vector<32x1024xf32>
    %mul3A_2431 = vector.broadcast %add3A_557 : vector<1x1024xf32> to vector<32x1024xf32>
    %mul3A_2432 = arith.mulf %mul3A_2431, %max3A_2327 : vector<32x1024xf32>
    %add3A_2433 = arith.addf %max3A_2285, %mul3A_2432 : vector<32x1024xf32>
    %mul3A_2434 = vector.broadcast %add3A_568 : vector<1x1024xf32> to vector<32x1024xf32>
    %mul3A_2435 = arith.mulf %mul3A_2434, %max3A_2334 : vector<32x1024xf32>
    %add3A_2436 = arith.addf %add3A_2433, %mul3A_2435 : vector<32x1024xf32>
    %mul3A_2437 = vector.broadcast %add3A_579 : vector<1x1024xf32> to vector<32x1024xf32>
    %mul3A_2438 = arith.mulf %mul3A_2437, %max3A_2341 : vector<32x1024xf32>
    %add3A_2439 = arith.addf %add3A_2436, %mul3A_2438 : vector<32x1024xf32>
    %mul3A_2440 = vector.broadcast %add3A_590 : vector<1x1024xf32> to vector<32x1024xf32>
    %mul3A_2441 = arith.mulf %mul3A_2440, %max3A_2348 : vector<32x1024xf32>
    %add3A_2442 = arith.addf %add3A_2439, %mul3A_2441 : vector<32x1024xf32>
    %mul3A_2443 = vector.broadcast %add3A_601 : vector<1x1024xf32> to vector<32x1024xf32>
    %mul3A_2444 = arith.mulf %mul3A_2443, %max3A_2355 : vector<32x1024xf32>
    %add3A_2445 = arith.addf %add3A_2442, %mul3A_2444 : vector<32x1024xf32>
    %mul3A_2446 = vector.broadcast %add3A_612 : vector<1x1024xf32> to vector<32x1024xf32>
    %mul3A_2447 = arith.mulf %mul3A_2446, %max3A_2362 : vector<32x1024xf32>
    %add3A_2448 = arith.addf %add3A_2445, %mul3A_2447 : vector<32x1024xf32>
    %mul3A_2449 = vector.broadcast %add3A_623 : vector<1x1024xf32> to vector<32x1024xf32>
    %mul3A_2450 = arith.mulf %mul3A_2449, %max3A_2369 : vector<32x1024xf32>
    %add3A_2451 = arith.addf %add3A_2448, %mul3A_2450 : vector<32x1024xf32>
    %mul3A_2452 = vector.broadcast %add3A_634 : vector<1x1024xf32> to vector<32x1024xf32>
    %mul3A_2453 = arith.mulf %mul3A_2452, %max3A_2376 : vector<32x1024xf32>
    %add3A_2454 = arith.addf %add3A_2451, %mul3A_2453 : vector<32x1024xf32>
    %mul3A_2455 = vector.broadcast %add3A_651 : vector<1x1024xf32> to vector<32x1024xf32>
    %mul3A_2456 = arith.mulf %mul3A_2455, %max3A_2327 : vector<32x1024xf32>
    %add3A_2457 = arith.addf %max3A_2292, %mul3A_2456 : vector<32x1024xf32>
    %mul3A_2458 = vector.broadcast %add3A_662 : vector<1x1024xf32> to vector<32x1024xf32>
    %mul3A_2459 = arith.mulf %mul3A_2458, %max3A_2334 : vector<32x1024xf32>
    %add3A_2460 = arith.addf %add3A_2457, %mul3A_2459 : vector<32x1024xf32>
    %mul3A_2461 = vector.broadcast %add3A_673 : vector<1x1024xf32> to vector<32x1024xf32>
    %mul3A_2462 = arith.mulf %mul3A_2461, %max3A_2341 : vector<32x1024xf32>
    %add3A_2463 = arith.addf %add3A_2460, %mul3A_2462 : vector<32x1024xf32>
    %mul3A_2464 = vector.broadcast %add3A_684 : vector<1x1024xf32> to vector<32x1024xf32>
    %mul3A_2465 = arith.mulf %mul3A_2464, %max3A_2348 : vector<32x1024xf32>
    %add3A_2466 = arith.addf %add3A_2463, %mul3A_2465 : vector<32x1024xf32>
    %mul3A_2467 = vector.broadcast %add3A_695 : vector<1x1024xf32> to vector<32x1024xf32>
    %mul3A_2468 = arith.mulf %mul3A_2467, %max3A_2355 : vector<32x1024xf32>
    %add3A_2469 = arith.addf %add3A_2466, %mul3A_2468 : vector<32x1024xf32>
    %mul3A_2470 = vector.broadcast %add3A_706 : vector<1x1024xf32> to vector<32x1024xf32>
    %mul3A_2471 = arith.mulf %mul3A_2470, %max3A_2362 : vector<32x1024xf32>
    %add3A_2472 = arith.addf %add3A_2469, %mul3A_2471 : vector<32x1024xf32>
    %mul3A_2473 = vector.broadcast %add3A_717 : vector<1x1024xf32> to vector<32x1024xf32>
    %mul3A_2474 = arith.mulf %mul3A_2473, %max3A_2369 : vector<32x1024xf32>
    %add3A_2475 = arith.addf %add3A_2472, %mul3A_2474 : vector<32x1024xf32>
    %mul3A_2476 = vector.broadcast %add3A_728 : vector<1x1024xf32> to vector<32x1024xf32>
    %mul3A_2477 = arith.mulf %mul3A_2476, %max3A_2376 : vector<32x1024xf32>
    %add3A_2478 = arith.addf %add3A_2475, %mul3A_2477 : vector<32x1024xf32>
    %mul3A_2479 = vector.broadcast %add3A_745 : vector<1x1024xf32> to vector<32x1024xf32>
    %mul3A_2480 = arith.mulf %mul3A_2479, %max3A_2327 : vector<32x1024xf32>
    %add3A_2481 = arith.addf %max3A_2299, %mul3A_2480 : vector<32x1024xf32>
    %mul3A_2482 = vector.broadcast %add3A_756 : vector<1x1024xf32> to vector<32x1024xf32>
    %mul3A_2483 = arith.mulf %mul3A_2482, %max3A_2334 : vector<32x1024xf32>
    %add3A_2484 = arith.addf %add3A_2481, %mul3A_2483 : vector<32x1024xf32>
    %mul3A_2485 = vector.broadcast %add3A_767 : vector<1x1024xf32> to vector<32x1024xf32>
    %mul3A_2486 = arith.mulf %mul3A_2485, %max3A_2341 : vector<32x1024xf32>
    %add3A_2487 = arith.addf %add3A_2484, %mul3A_2486 : vector<32x1024xf32>
    %mul3A_2488 = vector.broadcast %add3A_778 : vector<1x1024xf32> to vector<32x1024xf32>
    %mul3A_2489 = arith.mulf %mul3A_2488, %max3A_2348 : vector<32x1024xf32>
    %add3A_2490 = arith.addf %add3A_2487, %mul3A_2489 : vector<32x1024xf32>
    %mul3A_2491 = vector.broadcast %add3A_789 : vector<1x1024xf32> to vector<32x1024xf32>
    %mul3A_2492 = arith.mulf %mul3A_2491, %max3A_2355 : vector<32x1024xf32>
    %add3A_2493 = arith.addf %add3A_2490, %mul3A_2492 : vector<32x1024xf32>
    %mul3A_2494 = vector.broadcast %add3A_800 : vector<1x1024xf32> to vector<32x1024xf32>
    %mul3A_2495 = arith.mulf %mul3A_2494, %max3A_2362 : vector<32x1024xf32>
    %add3A_2496 = arith.addf %add3A_2493, %mul3A_2495 : vector<32x1024xf32>
    %mul3A_2497 = vector.broadcast %add3A_811 : vector<1x1024xf32> to vector<32x1024xf32>
    %mul3A_2498 = arith.mulf %mul3A_2497, %max3A_2369 : vector<32x1024xf32>
    %add3A_2499 = arith.addf %add3A_2496, %mul3A_2498 : vector<32x1024xf32>
    %mul3A_2500 = vector.broadcast %add3A_822 : vector<1x1024xf32> to vector<32x1024xf32>
    %mul3A_2501 = arith.mulf %mul3A_2500, %max3A_2376 : vector<32x1024xf32>
    %add3A_2502 = arith.addf %add3A_2499, %mul3A_2501 : vector<32x1024xf32>
    %mul3A_2503 = vector.broadcast %add3A_839 : vector<1x1024xf32> to vector<32x1024xf32>
    %mul3A_2504 = arith.mulf %mul3A_2503, %max3A_2327 : vector<32x1024xf32>
    %add3A_2505 = arith.addf %max3A_2306, %mul3A_2504 : vector<32x1024xf32>
    %mul3A_2506 = vector.broadcast %add3A_850 : vector<1x1024xf32> to vector<32x1024xf32>
    %mul3A_2507 = arith.mulf %mul3A_2506, %max3A_2334 : vector<32x1024xf32>
    %add3A_2508 = arith.addf %add3A_2505, %mul3A_2507 : vector<32x1024xf32>
    %mul3A_2509 = vector.broadcast %add3A_861 : vector<1x1024xf32> to vector<32x1024xf32>
    %mul3A_2510 = arith.mulf %mul3A_2509, %max3A_2341 : vector<32x1024xf32>
    %add3A_2511 = arith.addf %add3A_2508, %mul3A_2510 : vector<32x1024xf32>
    %mul3A_2512 = vector.broadcast %add3A_872 : vector<1x1024xf32> to vector<32x1024xf32>
    %mul3A_2513 = arith.mulf %mul3A_2512, %max3A_2348 : vector<32x1024xf32>
    %add3A_2514 = arith.addf %add3A_2511, %mul3A_2513 : vector<32x1024xf32>
    %mul3A_2515 = vector.broadcast %add3A_883 : vector<1x1024xf32> to vector<32x1024xf32>
    %mul3A_2516 = arith.mulf %mul3A_2515, %max3A_2355 : vector<32x1024xf32>
    %add3A_2517 = arith.addf %add3A_2514, %mul3A_2516 : vector<32x1024xf32>
    %mul3A_2518 = vector.broadcast %add3A_894 : vector<1x1024xf32> to vector<32x1024xf32>
    %mul3A_2519 = arith.mulf %mul3A_2518, %max3A_2362 : vector<32x1024xf32>
    %add3A_2520 = arith.addf %add3A_2517, %mul3A_2519 : vector<32x1024xf32>
    %mul3A_2521 = vector.broadcast %add3A_905 : vector<1x1024xf32> to vector<32x1024xf32>
    %mul3A_2522 = arith.mulf %mul3A_2521, %max3A_2369 : vector<32x1024xf32>
    %add3A_2523 = arith.addf %add3A_2520, %mul3A_2522 : vector<32x1024xf32>
    %mul3A_2524 = vector.broadcast %add3A_916 : vector<1x1024xf32> to vector<32x1024xf32>
    %mul3A_2525 = arith.mulf %mul3A_2524, %max3A_2376 : vector<32x1024xf32>
    %add3A_2526 = arith.addf %add3A_2523, %mul3A_2525 : vector<32x1024xf32>
    %mul3A_2527 = vector.broadcast %add3A_933 : vector<1x1024xf32> to vector<32x1024xf32>
    %mul3A_2528 = arith.mulf %mul3A_2527, %max3A_2327 : vector<32x1024xf32>
    %add3A_2529 = arith.addf %max3A_2313, %mul3A_2528 : vector<32x1024xf32>
    %mul3A_2530 = vector.broadcast %add3A_944 : vector<1x1024xf32> to vector<32x1024xf32>
    %mul3A_2531 = arith.mulf %mul3A_2530, %max3A_2334 : vector<32x1024xf32>
    %add3A_2532 = arith.addf %add3A_2529, %mul3A_2531 : vector<32x1024xf32>
    %mul3A_2533 = vector.broadcast %add3A_955 : vector<1x1024xf32> to vector<32x1024xf32>
    %mul3A_2534 = arith.mulf %mul3A_2533, %max3A_2341 : vector<32x1024xf32>
    %add3A_2535 = arith.addf %add3A_2532, %mul3A_2534 : vector<32x1024xf32>
    %mul3A_2536 = vector.broadcast %add3A_966 : vector<1x1024xf32> to vector<32x1024xf32>
    %mul3A_2537 = arith.mulf %mul3A_2536, %max3A_2348 : vector<32x1024xf32>
    %add3A_2538 = arith.addf %add3A_2535, %mul3A_2537 : vector<32x1024xf32>
    %mul3A_2539 = vector.broadcast %add3A_977 : vector<1x1024xf32> to vector<32x1024xf32>
    %mul3A_2540 = arith.mulf %mul3A_2539, %max3A_2355 : vector<32x1024xf32>
    %add3A_2541 = arith.addf %add3A_2538, %mul3A_2540 : vector<32x1024xf32>
    %mul3A_2542 = vector.broadcast %add3A_988 : vector<1x1024xf32> to vector<32x1024xf32>
    %mul3A_2543 = arith.mulf %mul3A_2542, %max3A_2362 : vector<32x1024xf32>
    %add3A_2544 = arith.addf %add3A_2541, %mul3A_2543 : vector<32x1024xf32>
    %mul3A_2545 = vector.broadcast %add3A_999 : vector<1x1024xf32> to vector<32x1024xf32>
    %mul3A_2546 = arith.mulf %mul3A_2545, %max3A_2369 : vector<32x1024xf32>
    %add3A_2547 = arith.addf %add3A_2544, %mul3A_2546 : vector<32x1024xf32>
    %mul3A_2548 = vector.broadcast %add3A_1010 : vector<1x1024xf32> to vector<32x1024xf32>
    %mul3A_2549 = arith.mulf %mul3A_2548, %max3A_2376 : vector<32x1024xf32>
    %add3A_2550 = arith.addf %add3A_2547, %mul3A_2549 : vector<32x1024xf32>
    %mul3A_2551 = vector.broadcast %add3A_1027 : vector<1x1024xf32> to vector<32x1024xf32>
    %mul3A_2552 = arith.mulf %mul3A_2551, %max3A_2327 : vector<32x1024xf32>
    %add3A_2553 = arith.addf %max3A_2320, %mul3A_2552 : vector<32x1024xf32>
    %mul3A_2554 = vector.broadcast %add3A_1038 : vector<1x1024xf32> to vector<32x1024xf32>
    %mul3A_2555 = arith.mulf %mul3A_2554, %max3A_2334 : vector<32x1024xf32>
    %add3A_2556 = arith.addf %add3A_2553, %mul3A_2555 : vector<32x1024xf32>
    %mul3A_2557 = vector.broadcast %add3A_1049 : vector<1x1024xf32> to vector<32x1024xf32>
    %mul3A_2558 = arith.mulf %mul3A_2557, %max3A_2341 : vector<32x1024xf32>
    %add3A_2559 = arith.addf %add3A_2556, %mul3A_2558 : vector<32x1024xf32>
    %mul3A_2560 = vector.broadcast %add3A_1060 : vector<1x1024xf32> to vector<32x1024xf32>
    %mul3A_2561 = arith.mulf %mul3A_2560, %max3A_2348 : vector<32x1024xf32>
    %add3A_2562 = arith.addf %add3A_2559, %mul3A_2561 : vector<32x1024xf32>
    %mul3A_2563 = vector.broadcast %add3A_1071 : vector<1x1024xf32> to vector<32x1024xf32>
    %mul3A_2564 = arith.mulf %mul3A_2563, %max3A_2355 : vector<32x1024xf32>
    %add3A_2565 = arith.addf %add3A_2562, %mul3A_2564 : vector<32x1024xf32>
    %mul3A_2566 = vector.broadcast %add3A_1082 : vector<1x1024xf32> to vector<32x1024xf32>
    %mul3A_2567 = arith.mulf %mul3A_2566, %max3A_2362 : vector<32x1024xf32>
    %add3A_2568 = arith.addf %add3A_2565, %mul3A_2567 : vector<32x1024xf32>
    %mul3A_2569 = vector.broadcast %add3A_1093 : vector<1x1024xf32> to vector<32x1024xf32>
    %mul3A_2570 = arith.mulf %mul3A_2569, %max3A_2369 : vector<32x1024xf32>
    %add3A_2571 = arith.addf %add3A_2568, %mul3A_2570 : vector<32x1024xf32>
    %mul3A_2572 = vector.broadcast %add3A_1104 : vector<1x1024xf32> to vector<32x1024xf32>
    %mul3A_2573 = arith.mulf %mul3A_2572, %max3A_2376 : vector<32x1024xf32>
    %add3A_2574 = arith.addf %add3A_2571, %mul3A_2573 : vector<32x1024xf32>
    %mul3A_2575 = vector.broadcast %add3A_369 : vector<1x1024xf32> to vector<32x1024xf32>
    %mul3A_2576 = arith.mulf %mul3A_2575, %max3A_2271 : vector<32x1024xf32>
    %add3A_2577 = arith.addf %max3A_2327, %mul3A_2576 : vector<32x1024xf32>
    %mul3A_2578 = vector.broadcast %add3A_463 : vector<1x1024xf32> to vector<32x1024xf32>
    %mul3A_2579 = arith.mulf %mul3A_2578, %max3A_2278 : vector<32x1024xf32>
    %add3A_2580 = arith.addf %add3A_2577, %mul3A_2579 : vector<32x1024xf32>
    %mul3A_2581 = vector.broadcast %add3A_557 : vector<1x1024xf32> to vector<32x1024xf32>
    %mul3A_2582 = arith.mulf %mul3A_2581, %max3A_2285 : vector<32x1024xf32>
    %add3A_2583 = arith.addf %add3A_2580, %mul3A_2582 : vector<32x1024xf32>
    %mul3A_2584 = vector.broadcast %add3A_651 : vector<1x1024xf32> to vector<32x1024xf32>
    %mul3A_2585 = arith.mulf %mul3A_2584, %max3A_2292 : vector<32x1024xf32>
    %add3A_2586 = arith.addf %add3A_2583, %mul3A_2585 : vector<32x1024xf32>
    %mul3A_2587 = vector.broadcast %add3A_745 : vector<1x1024xf32> to vector<32x1024xf32>
    %mul3A_2588 = arith.mulf %mul3A_2587, %max3A_2299 : vector<32x1024xf32>
    %add3A_2589 = arith.addf %add3A_2586, %mul3A_2588 : vector<32x1024xf32>
    %mul3A_2590 = vector.broadcast %add3A_839 : vector<1x1024xf32> to vector<32x1024xf32>
    %mul3A_2591 = arith.mulf %mul3A_2590, %max3A_2306 : vector<32x1024xf32>
    %add3A_2592 = arith.addf %add3A_2589, %mul3A_2591 : vector<32x1024xf32>
    %mul3A_2593 = vector.broadcast %add3A_933 : vector<1x1024xf32> to vector<32x1024xf32>
    %mul3A_2594 = arith.mulf %mul3A_2593, %max3A_2313 : vector<32x1024xf32>
    %add3A_2595 = arith.addf %add3A_2592, %mul3A_2594 : vector<32x1024xf32>
    %mul3A_2596 = vector.broadcast %add3A_1027 : vector<1x1024xf32> to vector<32x1024xf32>
    %mul3A_2597 = arith.mulf %mul3A_2596, %max3A_2320 : vector<32x1024xf32>
    %add3A_2598 = arith.addf %add3A_2595, %mul3A_2597 : vector<32x1024xf32>
    %mul3A_2599 = vector.broadcast %add3A_380 : vector<1x1024xf32> to vector<32x1024xf32>
    %mul3A_2600 = arith.mulf %mul3A_2599, %max3A_2271 : vector<32x1024xf32>
    %add3A_2601 = arith.addf %max3A_2334, %mul3A_2600 : vector<32x1024xf32>
    %mul3A_2602 = vector.broadcast %add3A_474 : vector<1x1024xf32> to vector<32x1024xf32>
    %mul3A_2603 = arith.mulf %mul3A_2602, %max3A_2278 : vector<32x1024xf32>
    %add3A_2604 = arith.addf %add3A_2601, %mul3A_2603 : vector<32x1024xf32>
    %mul3A_2605 = vector.broadcast %add3A_568 : vector<1x1024xf32> to vector<32x1024xf32>
    %mul3A_2606 = arith.mulf %mul3A_2605, %max3A_2285 : vector<32x1024xf32>
    %add3A_2607 = arith.addf %add3A_2604, %mul3A_2606 : vector<32x1024xf32>
    %mul3A_2608 = vector.broadcast %add3A_662 : vector<1x1024xf32> to vector<32x1024xf32>
    %mul3A_2609 = arith.mulf %mul3A_2608, %max3A_2292 : vector<32x1024xf32>
    %add3A_2610 = arith.addf %add3A_2607, %mul3A_2609 : vector<32x1024xf32>
    %mul3A_2611 = vector.broadcast %add3A_756 : vector<1x1024xf32> to vector<32x1024xf32>
    %mul3A_2612 = arith.mulf %mul3A_2611, %max3A_2299 : vector<32x1024xf32>
    %add3A_2613 = arith.addf %add3A_2610, %mul3A_2612 : vector<32x1024xf32>
    %mul3A_2614 = vector.broadcast %add3A_850 : vector<1x1024xf32> to vector<32x1024xf32>
    %mul3A_2615 = arith.mulf %mul3A_2614, %max3A_2306 : vector<32x1024xf32>
    %add3A_2616 = arith.addf %add3A_2613, %mul3A_2615 : vector<32x1024xf32>
    %mul3A_2617 = vector.broadcast %add3A_944 : vector<1x1024xf32> to vector<32x1024xf32>
    %mul3A_2618 = arith.mulf %mul3A_2617, %max3A_2313 : vector<32x1024xf32>
    %add3A_2619 = arith.addf %add3A_2616, %mul3A_2618 : vector<32x1024xf32>
    %mul3A_2620 = vector.broadcast %add3A_1038 : vector<1x1024xf32> to vector<32x1024xf32>
    %mul3A_2621 = arith.mulf %mul3A_2620, %max3A_2320 : vector<32x1024xf32>
    %add3A_2622 = arith.addf %add3A_2619, %mul3A_2621 : vector<32x1024xf32>
    %mul3A_2623 = vector.broadcast %add3A_391 : vector<1x1024xf32> to vector<32x1024xf32>
    %mul3A_2624 = arith.mulf %mul3A_2623, %max3A_2271 : vector<32x1024xf32>
    %add3A_2625 = arith.addf %max3A_2341, %mul3A_2624 : vector<32x1024xf32>
    %mul3A_2626 = vector.broadcast %add3A_485 : vector<1x1024xf32> to vector<32x1024xf32>
    %mul3A_2627 = arith.mulf %mul3A_2626, %max3A_2278 : vector<32x1024xf32>
    %add3A_2628 = arith.addf %add3A_2625, %mul3A_2627 : vector<32x1024xf32>
    %mul3A_2629 = vector.broadcast %add3A_579 : vector<1x1024xf32> to vector<32x1024xf32>
    %mul3A_2630 = arith.mulf %mul3A_2629, %max3A_2285 : vector<32x1024xf32>
    %add3A_2631 = arith.addf %add3A_2628, %mul3A_2630 : vector<32x1024xf32>
    %mul3A_2632 = vector.broadcast %add3A_673 : vector<1x1024xf32> to vector<32x1024xf32>
    %mul3A_2633 = arith.mulf %mul3A_2632, %max3A_2292 : vector<32x1024xf32>
    %add3A_2634 = arith.addf %add3A_2631, %mul3A_2633 : vector<32x1024xf32>
    %mul3A_2635 = vector.broadcast %add3A_767 : vector<1x1024xf32> to vector<32x1024xf32>
    %mul3A_2636 = arith.mulf %mul3A_2635, %max3A_2299 : vector<32x1024xf32>
    %add3A_2637 = arith.addf %add3A_2634, %mul3A_2636 : vector<32x1024xf32>
    %mul3A_2638 = vector.broadcast %add3A_861 : vector<1x1024xf32> to vector<32x1024xf32>
    %mul3A_2639 = arith.mulf %mul3A_2638, %max3A_2306 : vector<32x1024xf32>
    %add3A_2640 = arith.addf %add3A_2637, %mul3A_2639 : vector<32x1024xf32>
    %mul3A_2641 = vector.broadcast %add3A_955 : vector<1x1024xf32> to vector<32x1024xf32>
    %mul3A_2642 = arith.mulf %mul3A_2641, %max3A_2313 : vector<32x1024xf32>
    %add3A_2643 = arith.addf %add3A_2640, %mul3A_2642 : vector<32x1024xf32>
    %mul3A_2644 = vector.broadcast %add3A_1049 : vector<1x1024xf32> to vector<32x1024xf32>
    %mul3A_2645 = arith.mulf %mul3A_2644, %max3A_2320 : vector<32x1024xf32>
    %add3A_2646 = arith.addf %add3A_2643, %mul3A_2645 : vector<32x1024xf32>
    %mul3A_2647 = vector.broadcast %add3A_402 : vector<1x1024xf32> to vector<32x1024xf32>
    %mul3A_2648 = arith.mulf %mul3A_2647, %max3A_2271 : vector<32x1024xf32>
    %add3A_2649 = arith.addf %max3A_2348, %mul3A_2648 : vector<32x1024xf32>
    %mul3A_2650 = vector.broadcast %add3A_496 : vector<1x1024xf32> to vector<32x1024xf32>
    %mul3A_2651 = arith.mulf %mul3A_2650, %max3A_2278 : vector<32x1024xf32>
    %add3A_2652 = arith.addf %add3A_2649, %mul3A_2651 : vector<32x1024xf32>
    %mul3A_2653 = vector.broadcast %add3A_590 : vector<1x1024xf32> to vector<32x1024xf32>
    %mul3A_2654 = arith.mulf %mul3A_2653, %max3A_2285 : vector<32x1024xf32>
    %add3A_2655 = arith.addf %add3A_2652, %mul3A_2654 : vector<32x1024xf32>
    %mul3A_2656 = vector.broadcast %add3A_684 : vector<1x1024xf32> to vector<32x1024xf32>
    %mul3A_2657 = arith.mulf %mul3A_2656, %max3A_2292 : vector<32x1024xf32>
    %add3A_2658 = arith.addf %add3A_2655, %mul3A_2657 : vector<32x1024xf32>
    %mul3A_2659 = vector.broadcast %add3A_778 : vector<1x1024xf32> to vector<32x1024xf32>
    %mul3A_2660 = arith.mulf %mul3A_2659, %max3A_2299 : vector<32x1024xf32>
    %add3A_2661 = arith.addf %add3A_2658, %mul3A_2660 : vector<32x1024xf32>
    %mul3A_2662 = vector.broadcast %add3A_872 : vector<1x1024xf32> to vector<32x1024xf32>
    %mul3A_2663 = arith.mulf %mul3A_2662, %max3A_2306 : vector<32x1024xf32>
    %add3A_2664 = arith.addf %add3A_2661, %mul3A_2663 : vector<32x1024xf32>
    %mul3A_2665 = vector.broadcast %add3A_966 : vector<1x1024xf32> to vector<32x1024xf32>
    %mul3A_2666 = arith.mulf %mul3A_2665, %max3A_2313 : vector<32x1024xf32>
    %add3A_2667 = arith.addf %add3A_2664, %mul3A_2666 : vector<32x1024xf32>
    %mul3A_2668 = vector.broadcast %add3A_1060 : vector<1x1024xf32> to vector<32x1024xf32>
    %mul3A_2669 = arith.mulf %mul3A_2668, %max3A_2320 : vector<32x1024xf32>
    %add3A_2670 = arith.addf %add3A_2667, %mul3A_2669 : vector<32x1024xf32>
    %mul3A_2671 = vector.broadcast %add3A_413 : vector<1x1024xf32> to vector<32x1024xf32>
    %mul3A_2672 = arith.mulf %mul3A_2671, %max3A_2271 : vector<32x1024xf32>
    %add3A_2673 = arith.addf %max3A_2355, %mul3A_2672 : vector<32x1024xf32>
    %mul3A_2674 = vector.broadcast %add3A_507 : vector<1x1024xf32> to vector<32x1024xf32>
    %mul3A_2675 = arith.mulf %mul3A_2674, %max3A_2278 : vector<32x1024xf32>
    %add3A_2676 = arith.addf %add3A_2673, %mul3A_2675 : vector<32x1024xf32>
    %mul3A_2677 = vector.broadcast %add3A_601 : vector<1x1024xf32> to vector<32x1024xf32>
    %mul3A_2678 = arith.mulf %mul3A_2677, %max3A_2285 : vector<32x1024xf32>
    %add3A_2679 = arith.addf %add3A_2676, %mul3A_2678 : vector<32x1024xf32>
    %mul3A_2680 = vector.broadcast %add3A_695 : vector<1x1024xf32> to vector<32x1024xf32>
    %mul3A_2681 = arith.mulf %mul3A_2680, %max3A_2292 : vector<32x1024xf32>
    %add3A_2682 = arith.addf %add3A_2679, %mul3A_2681 : vector<32x1024xf32>
    %mul3A_2683 = vector.broadcast %add3A_789 : vector<1x1024xf32> to vector<32x1024xf32>
    %mul3A_2684 = arith.mulf %mul3A_2683, %max3A_2299 : vector<32x1024xf32>
    %add3A_2685 = arith.addf %add3A_2682, %mul3A_2684 : vector<32x1024xf32>
    %mul3A_2686 = vector.broadcast %add3A_883 : vector<1x1024xf32> to vector<32x1024xf32>
    %mul3A_2687 = arith.mulf %mul3A_2686, %max3A_2306 : vector<32x1024xf32>
    %add3A_2688 = arith.addf %add3A_2685, %mul3A_2687 : vector<32x1024xf32>
    %mul3A_2689 = vector.broadcast %add3A_977 : vector<1x1024xf32> to vector<32x1024xf32>
    %mul3A_2690 = arith.mulf %mul3A_2689, %max3A_2313 : vector<32x1024xf32>
    %add3A_2691 = arith.addf %add3A_2688, %mul3A_2690 : vector<32x1024xf32>
    %mul3A_2692 = vector.broadcast %add3A_1071 : vector<1x1024xf32> to vector<32x1024xf32>
    %mul3A_2693 = arith.mulf %mul3A_2692, %max3A_2320 : vector<32x1024xf32>
    %add3A_2694 = arith.addf %add3A_2691, %mul3A_2693 : vector<32x1024xf32>
    %mul3A_2695 = vector.broadcast %add3A_424 : vector<1x1024xf32> to vector<32x1024xf32>
    %mul3A_2696 = arith.mulf %mul3A_2695, %max3A_2271 : vector<32x1024xf32>
    %add3A_2697 = arith.addf %max3A_2362, %mul3A_2696 : vector<32x1024xf32>
    %mul3A_2698 = vector.broadcast %add3A_518 : vector<1x1024xf32> to vector<32x1024xf32>
    %mul3A_2699 = arith.mulf %mul3A_2698, %max3A_2278 : vector<32x1024xf32>
    %add3A_2700 = arith.addf %add3A_2697, %mul3A_2699 : vector<32x1024xf32>
    %mul3A_2701 = vector.broadcast %add3A_612 : vector<1x1024xf32> to vector<32x1024xf32>
    %mul3A_2702 = arith.mulf %mul3A_2701, %max3A_2285 : vector<32x1024xf32>
    %add3A_2703 = arith.addf %add3A_2700, %mul3A_2702 : vector<32x1024xf32>
    %mul3A_2704 = vector.broadcast %add3A_706 : vector<1x1024xf32> to vector<32x1024xf32>
    %mul3A_2705 = arith.mulf %mul3A_2704, %max3A_2292 : vector<32x1024xf32>
    %add3A_2706 = arith.addf %add3A_2703, %mul3A_2705 : vector<32x1024xf32>
    %mul3A_2707 = vector.broadcast %add3A_800 : vector<1x1024xf32> to vector<32x1024xf32>
    %mul3A_2708 = arith.mulf %mul3A_2707, %max3A_2299 : vector<32x1024xf32>
    %add3A_2709 = arith.addf %add3A_2706, %mul3A_2708 : vector<32x1024xf32>
    %mul3A_2710 = vector.broadcast %add3A_894 : vector<1x1024xf32> to vector<32x1024xf32>
    %mul3A_2711 = arith.mulf %mul3A_2710, %max3A_2306 : vector<32x1024xf32>
    %add3A_2712 = arith.addf %add3A_2709, %mul3A_2711 : vector<32x1024xf32>
    %mul3A_2713 = vector.broadcast %add3A_988 : vector<1x1024xf32> to vector<32x1024xf32>
    %mul3A_2714 = arith.mulf %mul3A_2713, %max3A_2313 : vector<32x1024xf32>
    %add3A_2715 = arith.addf %add3A_2712, %mul3A_2714 : vector<32x1024xf32>
    %mul3A_2716 = vector.broadcast %add3A_1082 : vector<1x1024xf32> to vector<32x1024xf32>
    %mul3A_2717 = arith.mulf %mul3A_2716, %max3A_2320 : vector<32x1024xf32>
    %add3A_2718 = arith.addf %add3A_2715, %mul3A_2717 : vector<32x1024xf32>
    %mul3A_2719 = vector.broadcast %add3A_435 : vector<1x1024xf32> to vector<32x1024xf32>
    %mul3A_2720 = arith.mulf %mul3A_2719, %max3A_2271 : vector<32x1024xf32>
    %add3A_2721 = arith.addf %max3A_2369, %mul3A_2720 : vector<32x1024xf32>
    %mul3A_2722 = vector.broadcast %add3A_529 : vector<1x1024xf32> to vector<32x1024xf32>
    %mul3A_2723 = arith.mulf %mul3A_2722, %max3A_2278 : vector<32x1024xf32>
    %add3A_2724 = arith.addf %add3A_2721, %mul3A_2723 : vector<32x1024xf32>
    %mul3A_2725 = vector.broadcast %add3A_623 : vector<1x1024xf32> to vector<32x1024xf32>
    %mul3A_2726 = arith.mulf %mul3A_2725, %max3A_2285 : vector<32x1024xf32>
    %add3A_2727 = arith.addf %add3A_2724, %mul3A_2726 : vector<32x1024xf32>
    %mul3A_2728 = vector.broadcast %add3A_717 : vector<1x1024xf32> to vector<32x1024xf32>
    %mul3A_2729 = arith.mulf %mul3A_2728, %max3A_2292 : vector<32x1024xf32>
    %add3A_2730 = arith.addf %add3A_2727, %mul3A_2729 : vector<32x1024xf32>
    %mul3A_2731 = vector.broadcast %add3A_811 : vector<1x1024xf32> to vector<32x1024xf32>
    %mul3A_2732 = arith.mulf %mul3A_2731, %max3A_2299 : vector<32x1024xf32>
    %add3A_2733 = arith.addf %add3A_2730, %mul3A_2732 : vector<32x1024xf32>
    %mul3A_2734 = vector.broadcast %add3A_905 : vector<1x1024xf32> to vector<32x1024xf32>
    %mul3A_2735 = arith.mulf %mul3A_2734, %max3A_2306 : vector<32x1024xf32>
    %add3A_2736 = arith.addf %add3A_2733, %mul3A_2735 : vector<32x1024xf32>
    %mul3A_2737 = vector.broadcast %add3A_999 : vector<1x1024xf32> to vector<32x1024xf32>
    %mul3A_2738 = arith.mulf %mul3A_2737, %max3A_2313 : vector<32x1024xf32>
    %add3A_2739 = arith.addf %add3A_2736, %mul3A_2738 : vector<32x1024xf32>
    %mul3A_2740 = vector.broadcast %add3A_1093 : vector<1x1024xf32> to vector<32x1024xf32>
    %mul3A_2741 = arith.mulf %mul3A_2740, %max3A_2320 : vector<32x1024xf32>
    %add3A_2742 = arith.addf %add3A_2739, %mul3A_2741 : vector<32x1024xf32>
    %mul3A_2743 = vector.broadcast %add3A_446 : vector<1x1024xf32> to vector<32x1024xf32>
    %mul3A_2744 = arith.mulf %mul3A_2743, %max3A_2271 : vector<32x1024xf32>
    %add3A_2745 = arith.addf %max3A_2376, %mul3A_2744 : vector<32x1024xf32>
    %mul3A_2746 = vector.broadcast %add3A_540 : vector<1x1024xf32> to vector<32x1024xf32>
    %mul3A_2747 = arith.mulf %mul3A_2746, %max3A_2278 : vector<32x1024xf32>
    %add3A_2748 = arith.addf %add3A_2745, %mul3A_2747 : vector<32x1024xf32>
    %mul3A_2749 = vector.broadcast %add3A_634 : vector<1x1024xf32> to vector<32x1024xf32>
    %mul3A_2750 = arith.mulf %mul3A_2749, %max3A_2285 : vector<32x1024xf32>
    %add3A_2751 = arith.addf %add3A_2748, %mul3A_2750 : vector<32x1024xf32>
    %mul3A_2752 = vector.broadcast %add3A_728 : vector<1x1024xf32> to vector<32x1024xf32>
    %mul3A_2753 = arith.mulf %mul3A_2752, %max3A_2292 : vector<32x1024xf32>
    %add3A_2754 = arith.addf %add3A_2751, %mul3A_2753 : vector<32x1024xf32>
    %mul3A_2755 = vector.broadcast %add3A_822 : vector<1x1024xf32> to vector<32x1024xf32>
    %mul3A_2756 = arith.mulf %mul3A_2755, %max3A_2299 : vector<32x1024xf32>
    %add3A_2757 = arith.addf %add3A_2754, %mul3A_2756 : vector<32x1024xf32>
    %mul3A_2758 = vector.broadcast %add3A_916 : vector<1x1024xf32> to vector<32x1024xf32>
    %mul3A_2759 = arith.mulf %mul3A_2758, %max3A_2306 : vector<32x1024xf32>
    %add3A_2760 = arith.addf %add3A_2757, %mul3A_2759 : vector<32x1024xf32>
    %mul3A_2761 = vector.broadcast %add3A_1010 : vector<1x1024xf32> to vector<32x1024xf32>
    %mul3A_2762 = arith.mulf %mul3A_2761, %max3A_2313 : vector<32x1024xf32>
    %add3A_2763 = arith.addf %add3A_2760, %mul3A_2762 : vector<32x1024xf32>
    %mul3A_2764 = vector.broadcast %add3A_1104 : vector<1x1024xf32> to vector<32x1024xf32>
    %mul3A_2765 = arith.mulf %mul3A_2764, %max3A_2320 : vector<32x1024xf32>
    %add3A_2766 = arith.addf %add3A_2763, %mul3A_2765 : vector<32x1024xf32>
    %dot_general3A_2767 = arith.constant dense<0.000000e+00> : vector<32x1024xf32>
    %dot_general3A_2768 = tpu.matmul %get3A_2379, %add3A_2406, %dot_general3A_2767 {dimension_numbers = #tpu.dot_dimension_numbers<[1], [0], [0], [1], [0, 0, 1, 1], [], []>, transpose_lhs_hint = false} : vector<32x32xf32>, vector<32x1024xf32>, vector<32x1024xf32> -> vector<32x1024xf32>
    %add3A_2769 = vector.broadcast %get3A_2382 : vector<32x1xf32> to vector<32x1024xf32>
    %add3A_2770 = arith.addf %dot_general3A_2768, %add3A_2769 : vector<32x1024xf32>
    %max3A_2771 = arith.constant 0.000000e+00 : f32
    %max3A_2772 = vector.broadcast %max3A_2771 : f32 to vector<32x1024xf32>
    %max3A_2773 = arith.maximumf %add3A_2770, %max3A_2772 : vector<32x1024xf32>
    %add3A_2774 = arith.addf %add3A_2264, %max3A_2773 : vector<32x1024xf32>
    %dot_general3A_2775 = arith.constant dense<0.000000e+00> : vector<32x1024xf32>
    %dot_general3A_2776 = tpu.matmul %get3A_2379, %add3A_2430, %dot_general3A_2775 {dimension_numbers = #tpu.dot_dimension_numbers<[1], [0], [0], [1], [0, 0, 1, 1], [], []>, transpose_lhs_hint = false} : vector<32x32xf32>, vector<32x1024xf32>, vector<32x1024xf32> -> vector<32x1024xf32>
    %add3A_2777 = vector.broadcast %get3A_2382 : vector<32x1xf32> to vector<32x1024xf32>
    %add3A_2778 = arith.addf %dot_general3A_2776, %add3A_2777 : vector<32x1024xf32>
    %max3A_2779 = arith.constant 0.000000e+00 : f32
    %max3A_2780 = vector.broadcast %max3A_2779 : f32 to vector<32x1024xf32>
    %max3A_2781 = arith.maximumf %add3A_2778, %max3A_2780 : vector<32x1024xf32>
    %add3A_2782 = arith.addf %add3A_2774, %max3A_2781 : vector<32x1024xf32>
    %dot_general3A_2783 = arith.constant dense<0.000000e+00> : vector<32x1024xf32>
    %dot_general3A_2784 = tpu.matmul %get3A_2379, %add3A_2454, %dot_general3A_2783 {dimension_numbers = #tpu.dot_dimension_numbers<[1], [0], [0], [1], [0, 0, 1, 1], [], []>, transpose_lhs_hint = false} : vector<32x32xf32>, vector<32x1024xf32>, vector<32x1024xf32> -> vector<32x1024xf32>
    %add3A_2785 = vector.broadcast %get3A_2382 : vector<32x1xf32> to vector<32x1024xf32>
    %add3A_2786 = arith.addf %dot_general3A_2784, %add3A_2785 : vector<32x1024xf32>
    %max3A_2787 = arith.constant 0.000000e+00 : f32
    %max3A_2788 = vector.broadcast %max3A_2787 : f32 to vector<32x1024xf32>
    %max3A_2789 = arith.maximumf %add3A_2786, %max3A_2788 : vector<32x1024xf32>
    %add3A_2790 = arith.addf %add3A_2782, %max3A_2789 : vector<32x1024xf32>
    %dot_general3A_2791 = arith.constant dense<0.000000e+00> : vector<32x1024xf32>
    %dot_general3A_2792 = tpu.matmul %get3A_2379, %add3A_2478, %dot_general3A_2791 {dimension_numbers = #tpu.dot_dimension_numbers<[1], [0], [0], [1], [0, 0, 1, 1], [], []>, transpose_lhs_hint = false} : vector<32x32xf32>, vector<32x1024xf32>, vector<32x1024xf32> -> vector<32x1024xf32>
    %add3A_2793 = vector.broadcast %get3A_2382 : vector<32x1xf32> to vector<32x1024xf32>
    %add3A_2794 = arith.addf %dot_general3A_2792, %add3A_2793 : vector<32x1024xf32>
    %max3A_2795 = arith.constant 0.000000e+00 : f32
    %max3A_2796 = vector.broadcast %max3A_2795 : f32 to vector<32x1024xf32>
    %max3A_2797 = arith.maximumf %add3A_2794, %max3A_2796 : vector<32x1024xf32>
    %add3A_2798 = arith.addf %add3A_2790, %max3A_2797 : vector<32x1024xf32>
    %dot_general3A_2799 = arith.constant dense<0.000000e+00> : vector<32x1024xf32>
    %dot_general3A_2800 = tpu.matmul %get3A_2379, %add3A_2502, %dot_general3A_2799 {dimension_numbers = #tpu.dot_dimension_numbers<[1], [0], [0], [1], [0, 0, 1, 1], [], []>, transpose_lhs_hint = false} : vector<32x32xf32>, vector<32x1024xf32>, vector<32x1024xf32> -> vector<32x1024xf32>
    %add3A_2801 = vector.broadcast %get3A_2382 : vector<32x1xf32> to vector<32x1024xf32>
    %add3A_2802 = arith.addf %dot_general3A_2800, %add3A_2801 : vector<32x1024xf32>
    %max3A_2803 = arith.constant 0.000000e+00 : f32
    %max3A_2804 = vector.broadcast %max3A_2803 : f32 to vector<32x1024xf32>
    %max3A_2805 = arith.maximumf %add3A_2802, %max3A_2804 : vector<32x1024xf32>
    %add3A_2806 = arith.addf %add3A_2798, %max3A_2805 : vector<32x1024xf32>
    %dot_general3A_2807 = arith.constant dense<0.000000e+00> : vector<32x1024xf32>
    %dot_general3A_2808 = tpu.matmul %get3A_2379, %add3A_2526, %dot_general3A_2807 {dimension_numbers = #tpu.dot_dimension_numbers<[1], [0], [0], [1], [0, 0, 1, 1], [], []>, transpose_lhs_hint = false} : vector<32x32xf32>, vector<32x1024xf32>, vector<32x1024xf32> -> vector<32x1024xf32>
    %add3A_2809 = vector.broadcast %get3A_2382 : vector<32x1xf32> to vector<32x1024xf32>
    %add3A_2810 = arith.addf %dot_general3A_2808, %add3A_2809 : vector<32x1024xf32>
    %max3A_2811 = arith.constant 0.000000e+00 : f32
    %max3A_2812 = vector.broadcast %max3A_2811 : f32 to vector<32x1024xf32>
    %max3A_2813 = arith.maximumf %add3A_2810, %max3A_2812 : vector<32x1024xf32>
    %add3A_2814 = arith.addf %add3A_2806, %max3A_2813 : vector<32x1024xf32>
    %dot_general3A_2815 = arith.constant dense<0.000000e+00> : vector<32x1024xf32>
    %dot_general3A_2816 = tpu.matmul %get3A_2379, %add3A_2550, %dot_general3A_2815 {dimension_numbers = #tpu.dot_dimension_numbers<[1], [0], [0], [1], [0, 0, 1, 1], [], []>, transpose_lhs_hint = false} : vector<32x32xf32>, vector<32x1024xf32>, vector<32x1024xf32> -> vector<32x1024xf32>
    %add3A_2817 = vector.broadcast %get3A_2382 : vector<32x1xf32> to vector<32x1024xf32>
    %add3A_2818 = arith.addf %dot_general3A_2816, %add3A_2817 : vector<32x1024xf32>
    %max3A_2819 = arith.constant 0.000000e+00 : f32
    %max3A_2820 = vector.broadcast %max3A_2819 : f32 to vector<32x1024xf32>
    %max3A_2821 = arith.maximumf %add3A_2818, %max3A_2820 : vector<32x1024xf32>
    %add3A_2822 = arith.addf %add3A_2814, %max3A_2821 : vector<32x1024xf32>
    %dot_general3A_2823 = arith.constant dense<0.000000e+00> : vector<32x1024xf32>
    %dot_general3A_2824 = tpu.matmul %get3A_2379, %add3A_2574, %dot_general3A_2823 {dimension_numbers = #tpu.dot_dimension_numbers<[1], [0], [0], [1], [0, 0, 1, 1], [], []>, transpose_lhs_hint = false} : vector<32x32xf32>, vector<32x1024xf32>, vector<32x1024xf32> -> vector<32x1024xf32>
    %add3A_2825 = vector.broadcast %get3A_2382 : vector<32x1xf32> to vector<32x1024xf32>
    %add3A_2826 = arith.addf %dot_general3A_2824, %add3A_2825 : vector<32x1024xf32>
    %max3A_2827 = arith.constant 0.000000e+00 : f32
    %max3A_2828 = vector.broadcast %max3A_2827 : f32 to vector<32x1024xf32>
    %max3A_2829 = arith.maximumf %add3A_2826, %max3A_2828 : vector<32x1024xf32>
    %add3A_2830 = arith.addf %add3A_2822, %max3A_2829 : vector<32x1024xf32>
    %dot_general3A_2831 = arith.constant dense<0.000000e+00> : vector<32x1024xf32>
    %dot_general3A_2832 = tpu.matmul %get3A_2379, %add3A_2598, %dot_general3A_2831 {dimension_numbers = #tpu.dot_dimension_numbers<[1], [0], [0], [1], [0, 0, 1, 1], [], []>, transpose_lhs_hint = false} : vector<32x32xf32>, vector<32x1024xf32>, vector<32x1024xf32> -> vector<32x1024xf32>
    %add3A_2833 = vector.broadcast %get3A_2382 : vector<32x1xf32> to vector<32x1024xf32>
    %add3A_2834 = arith.addf %dot_general3A_2832, %add3A_2833 : vector<32x1024xf32>
    %max3A_2835 = arith.constant 0.000000e+00 : f32
    %max3A_2836 = vector.broadcast %max3A_2835 : f32 to vector<32x1024xf32>
    %max3A_2837 = arith.maximumf %add3A_2834, %max3A_2836 : vector<32x1024xf32>
    %add3A_2838 = arith.addf %add3A_2830, %max3A_2837 : vector<32x1024xf32>
    %dot_general3A_2839 = arith.constant dense<0.000000e+00> : vector<32x1024xf32>
    %dot_general3A_2840 = tpu.matmul %get3A_2379, %add3A_2622, %dot_general3A_2839 {dimension_numbers = #tpu.dot_dimension_numbers<[1], [0], [0], [1], [0, 0, 1, 1], [], []>, transpose_lhs_hint = false} : vector<32x32xf32>, vector<32x1024xf32>, vector<32x1024xf32> -> vector<32x1024xf32>
    %add3A_2841 = vector.broadcast %get3A_2382 : vector<32x1xf32> to vector<32x1024xf32>
    %add3A_2842 = arith.addf %dot_general3A_2840, %add3A_2841 : vector<32x1024xf32>
    %max3A_2843 = arith.constant 0.000000e+00 : f32
    %max3A_2844 = vector.broadcast %max3A_2843 : f32 to vector<32x1024xf32>
    %max3A_2845 = arith.maximumf %add3A_2842, %max3A_2844 : vector<32x1024xf32>
    %add3A_2846 = arith.addf %add3A_2838, %max3A_2845 : vector<32x1024xf32>
    %dot_general3A_2847 = arith.constant dense<0.000000e+00> : vector<32x1024xf32>
    %dot_general3A_2848 = tpu.matmul %get3A_2379, %add3A_2646, %dot_general3A_2847 {dimension_numbers = #tpu.dot_dimension_numbers<[1], [0], [0], [1], [0, 0, 1, 1], [], []>, transpose_lhs_hint = false} : vector<32x32xf32>, vector<32x1024xf32>, vector<32x1024xf32> -> vector<32x1024xf32>
    %add3A_2849 = vector.broadcast %get3A_2382 : vector<32x1xf32> to vector<32x1024xf32>
    %add3A_2850 = arith.addf %dot_general3A_2848, %add3A_2849 : vector<32x1024xf32>
    %max3A_2851 = arith.constant 0.000000e+00 : f32
    %max3A_2852 = vector.broadcast %max3A_2851 : f32 to vector<32x1024xf32>
    %max3A_2853 = arith.maximumf %add3A_2850, %max3A_2852 : vector<32x1024xf32>
    %add3A_2854 = arith.addf %add3A_2846, %max3A_2853 : vector<32x1024xf32>
    %dot_general3A_2855 = arith.constant dense<0.000000e+00> : vector<32x1024xf32>
    %dot_general3A_2856 = tpu.matmul %get3A_2379, %add3A_2670, %dot_general3A_2855 {dimension_numbers = #tpu.dot_dimension_numbers<[1], [0], [0], [1], [0, 0, 1, 1], [], []>, transpose_lhs_hint = false} : vector<32x32xf32>, vector<32x1024xf32>, vector<32x1024xf32> -> vector<32x1024xf32>
    %add3A_2857 = vector.broadcast %get3A_2382 : vector<32x1xf32> to vector<32x1024xf32>
    %add3A_2858 = arith.addf %dot_general3A_2856, %add3A_2857 : vector<32x1024xf32>
    %max3A_2859 = arith.constant 0.000000e+00 : f32
    %max3A_2860 = vector.broadcast %max3A_2859 : f32 to vector<32x1024xf32>
    %max3A_2861 = arith.maximumf %add3A_2858, %max3A_2860 : vector<32x1024xf32>
    %add3A_2862 = arith.addf %add3A_2854, %max3A_2861 : vector<32x1024xf32>
    %dot_general3A_2863 = arith.constant dense<0.000000e+00> : vector<32x1024xf32>
    %dot_general3A_2864 = tpu.matmul %get3A_2379, %add3A_2694, %dot_general3A_2863 {dimension_numbers = #tpu.dot_dimension_numbers<[1], [0], [0], [1], [0, 0, 1, 1], [], []>, transpose_lhs_hint = false} : vector<32x32xf32>, vector<32x1024xf32>, vector<32x1024xf32> -> vector<32x1024xf32>
    %add3A_2865 = vector.broadcast %get3A_2382 : vector<32x1xf32> to vector<32x1024xf32>
    %add3A_2866 = arith.addf %dot_general3A_2864, %add3A_2865 : vector<32x1024xf32>
    %max3A_2867 = arith.constant 0.000000e+00 : f32
    %max3A_2868 = vector.broadcast %max3A_2867 : f32 to vector<32x1024xf32>
    %max3A_2869 = arith.maximumf %add3A_2866, %max3A_2868 : vector<32x1024xf32>
    %add3A_2870 = arith.addf %add3A_2862, %max3A_2869 : vector<32x1024xf32>
    %dot_general3A_2871 = arith.constant dense<0.000000e+00> : vector<32x1024xf32>
    %dot_general3A_2872 = tpu.matmul %get3A_2379, %add3A_2718, %dot_general3A_2871 {dimension_numbers = #tpu.dot_dimension_numbers<[1], [0], [0], [1], [0, 0, 1, 1], [], []>, transpose_lhs_hint = false} : vector<32x32xf32>, vector<32x1024xf32>, vector<32x1024xf32> -> vector<32x1024xf32>
    %add3A_2873 = vector.broadcast %get3A_2382 : vector<32x1xf32> to vector<32x1024xf32>
    %add3A_2874 = arith.addf %dot_general3A_2872, %add3A_2873 : vector<32x1024xf32>
    %max3A_2875 = arith.constant 0.000000e+00 : f32
    %max3A_2876 = vector.broadcast %max3A_2875 : f32 to vector<32x1024xf32>
    %max3A_2877 = arith.maximumf %add3A_2874, %max3A_2876 : vector<32x1024xf32>
    %add3A_2878 = arith.addf %add3A_2870, %max3A_2877 : vector<32x1024xf32>
    %dot_general3A_2879 = arith.constant dense<0.000000e+00> : vector<32x1024xf32>
    %dot_general3A_2880 = tpu.matmul %get3A_2379, %add3A_2742, %dot_general3A_2879 {dimension_numbers = #tpu.dot_dimension_numbers<[1], [0], [0], [1], [0, 0, 1, 1], [], []>, transpose_lhs_hint = false} : vector<32x32xf32>, vector<32x1024xf32>, vector<32x1024xf32> -> vector<32x1024xf32>
    %add3A_2881 = vector.broadcast %get3A_2382 : vector<32x1xf32> to vector<32x1024xf32>
    %add3A_2882 = arith.addf %dot_general3A_2880, %add3A_2881 : vector<32x1024xf32>
    %max3A_2883 = arith.constant 0.000000e+00 : f32
    %max3A_2884 = vector.broadcast %max3A_2883 : f32 to vector<32x1024xf32>
    %max3A_2885 = arith.maximumf %add3A_2882, %max3A_2884 : vector<32x1024xf32>
    %add3A_2886 = arith.addf %add3A_2878, %max3A_2885 : vector<32x1024xf32>
    %dot_general3A_2887 = arith.constant dense<0.000000e+00> : vector<32x1024xf32>
    %dot_general3A_2888 = tpu.matmul %get3A_2379, %add3A_2766, %dot_general3A_2887 {dimension_numbers = #tpu.dot_dimension_numbers<[1], [0], [0], [1], [0, 0, 1, 1], [], []>, transpose_lhs_hint = false} : vector<32x32xf32>, vector<32x1024xf32>, vector<32x1024xf32> -> vector<32x1024xf32>
    %add3A_2889 = vector.broadcast %get3A_2382 : vector<32x1xf32> to vector<32x1024xf32>
    %add3A_2890 = arith.addf %dot_general3A_2888, %add3A_2889 : vector<32x1024xf32>
    %max3A_2891 = arith.constant 0.000000e+00 : f32
    %max3A_2892 = vector.broadcast %max3A_2891 : f32 to vector<32x1024xf32>
    %max3A_2893 = arith.maximumf %add3A_2890, %max3A_2892 : vector<32x1024xf32>
    %add3A_2894 = arith.addf %add3A_2886, %max3A_2893 : vector<32x1024xf32>
    %iota3A_2895 = tpu.iota {dimensions = array<i32: 1>} : vector<32x1024xi32>
    %lt3A = arith.constant 1000 : i32
    %lt3A_2896 = vector.broadcast %lt3A : i32 to vector<32x1024xi32>
    %lt3A_2897 = arith.cmpi slt, %iota3A_2895, %lt3A_2896 : vector<32x1024xi32>
    %jit3A = arith.constant 0.000000e+00 : f32
    %broadcast_in_dim3A_2898 = vector.broadcast %jit3A : f32 to vector<32x1024xf32>
    %select_n3A = arith.select %lt3A_2897, %add3A_2894, %broadcast_in_dim3A_2898 : vector<32x1024xi1>, vector<32x1024xf32>
    %transpose3A = tpu.transpose %select_n3A, [1, 0] : vector<32x1024xf32> -> vector<1024x32xf32>
    %swap3A = arith.constant 0 : index
    %swap3A_2899 = arith.constant 0 : index
    %swap3A_2900 = vector.load %arg14[%swap3A, %swap3A_2899] : memref<1024x128xf32, #tpu.memory_space<vmem>>, vector<1024x32xf32>
    tpu.vector_store %arg14[%swap3A, %swap3A_2899], %transpose3A {strides = array<i32>} : memref<1024x128xf32, #tpu.memory_space<vmem>>, vector<1024x32xf32>,
    %broadcast_in_dim3A_2901 = arith.constant 0.000000e+00 : f32
    %broadcast_in_dim3A_2902 = vector.broadcast %broadcast_in_dim3A_2901 : f32 to vector<1024x96xf32>
    %swap3A_2903 = arith.constant 0 : index
    %swap3A_2904 = arith.constant 32 : index
    %swap3A_2905 = vector.load %arg14[%swap3A_2903, %swap3A_2904] : memref<1024x128xf32, #tpu.memory_space<vmem>>, vector<1024x96xf32>
    tpu.vector_store %arg14[%swap3A_2903, %swap3A_2904], %broadcast_in_dim3A_2902 {strides = array<i32>} : memref<1024x128xf32, #tpu.memory_space<vmem>>, vector<1024x96xf32>,
    %get3A_2906 = arith.constant 0 : index
    %get3A_2907 = arith.constant 0 : index
    %get3A_2908 = vector.load %arg13[%get3A_2906, %get3A_2907] : memref<1024x50xi32, #tpu.memory_space<vmem>>, vector<1024x50xi32>
    %swap3A_2909 = arith.constant 0 : index
    %swap3A_2910 = arith.constant 0 : index
    %swap3A_2911 = vector.load %arg15[%swap3A_2909, %swap3A_2910] : memref<1024x128xi32, #tpu.memory_space<vmem>>, vector<1024x50xi32>
    tpu.vector_store %arg15[%swap3A_2909, %swap3A_2910], %get3A_2908 {strides = array<i32>} : memref<1024x128xi32, #tpu.memory_space<vmem>>, vector<1024x50xi32>,
    %broadcast_in_dim3A_2912 = arith.constant 0 : i32
    %broadcast_in_dim3A_2913 = vector.broadcast %broadcast_in_dim3A_2912 : i32 to vector<1024x78xi32>
    %swap3A_2914 = arith.constant 0 : index
    %swap3A_2915 = arith.constant 50 : index
    %swap3A_2916 = vector.load %arg15[%swap3A_2914, %swap3A_2915] : memref<1024x128xi32, #tpu.memory_space<vmem>>, vector<1024x78xi32>
    tpu.vector_store %arg15[%swap3A_2914, %swap3A_2915], %broadcast_in_dim3A_2913 {strides = array<i32>} : memref<1024x128xi32, #tpu.memory_space<vmem>>, vector<1024x78xi32>,
    return
  }
}

</mosaic_0001>

<sc_bundles>
// kernel: kernel.4.cloned.1.call-start
scs
__scs_entry_jumppad:
0x0: {  	(pc) =	sbr.rel $0x88, $3  }
0x1: {  	(tag) =	ssettag $0x0;
	lr =	simm.s32 $0x1  }
0x2: {  	[smem:$0x3F94] =	sst lr;
	_ =	strace $0xD0000000  }
0x3: {  	_ = 	snop  }
0x4: {  	_ = 	snop  }
0x5: {  	_ = 	snop  }
0x6: {  	_ = 	snop  }
0x7: {  	_ = 	snop  }
__scs_overlays_trampoline_lowered:
0x8: {  	[smem:$0x3FA3] =	sst s0  }
0x9: {  	[smem:$0x3FA4] =	sst s1  }
0xa: {  	[smem:$0x3FA5] =	sst s2  }
0xb: {  	[smem:$0x3FA6] =	sst s3  }
0xc: {  	[smem:$0x3FA7] =	sst s4  }
0xd: {  	[smem:$0x3FA8] =	sst s5  }
0xe: {  	[smem:$0x3FA9] =	sst s6  }
0xf: {  	[smem:$0x3FAA] =	sst s7  }
0x10: {  	[smem:$0x3FAB] =	sst s8  }
0x11: {  	[smem:$0x3FAC] =	sst s9;
	s0 =	simm.s32 @!p0 $0x0  }
0x12: {  	s1 =	sld [smem:$0x3F92];
	s0 =	simm.s32 @p0 $0x1  }
0x13: {  	[smem:$0x3FAD] =	sst s0;
	s0 =	simm.s32 @!p1 $0x0  }
0x14: {  	s2 =	sld [smem:$0x3F91];
	s0 =	simm.s32 @p1 $0x1  }
0x15: {  	[smem:$0x3FAE] =	sst s0;
	s0 =	simm.s32 @!p2 $0x0  }
0x16: {  	s3 =	sld [smem:$0x3FDB];
	s0 =	simm.s32 @p2 $0x1  }
0x17: {  	s4 =	simm.s32 $0x1BF5;
	[smem:$0x3FB0] =	sst s0  }
0x18: {  	s0 =	sld [smem:$0x3F93];
	_ =	swait.ge [sflag:s4], $0x0  }
0x19: {  	s7 =	sld [smem:$0x3F94]  }
0x1a: {  	s8 =	sadd.s32 $0xFFFFE003, lr  }
0x1b: {  	s9 =	sadd.s32 $0xFFFFFEF7, lr;
	s5 =	simm.s32 $0xFFFFFFFF;
	p2 =	slt.u32 s8, $0xFFFFF086  }
0x1c: {  	p1 =	slt.u32 s9, $0xF7A;
	s5 =	simm.s32 @!p2 $0x0  }
0x1d: {  	s5 =	simm.s32 @p1 $0x1;
	p0 =	seq.s32 s7, s2  }
0x1e: {  	s7 =	smul.u32 @!p0 $0xF7A, s2;
	p2 =	seq.s32 @!p0 s5, $0x0  }
0x1f: {  	s9 =	smul.u32 $0xF7A, s1;
	s8 =	simm.s32 @!p0 $0x1BF5;
	p2 =	por !p2, p0  }
0x20: {  	[sflag:s8] =	ssyncset.s32 @!p0 $0xFFFFF086;
	s6 =	sadd.s32 @!p0 s3, s7;
	s7 =	simm.s32 @!p0 $0x108  }
0x21: {  	s3 =	sadd.s32 s3, s9;
	s6 =	sadd.s32 @!p0 $0x88, s6;
	s7 =	simm.s32 @p2 $0x1082  }
0x22: {  	[simem:s7], [sflag:s8] =	dma.local @!p0 [hbm:s6], $0xF7A  }
0x23: {  	s9 =	sor.u32 $0xD0000000, s2;
	s6 =	simm.s32 $0x108;
	_ =	swait.ge @!p0 [sflag:s8], $0x0  }
0x24: {  	s3 =	sadd.s32 $0x88, s3;
	s6 =	simm.s32 @!p1 $0x1082;
	[sflag:s4] =	ssyncset.s32 $0xFFFFF086  }
0x25: {  	[simem:s6], [sflag:s4] =	dma.local [hbm:s3], $0xF7A  }
0x26: {  	[smem:$0x3F94] =	sst s1;
	(tag) =	ssettag s2;
	_ =	strace s9  }
0x27: {  	s1 =	sld [smem:$0x3FA4]  }
0x28: {  	s2 =	sld [smem:$0x3FA5]  }
0x29: {  	s4 =	sld [smem:$0x3FA7]  }
0x2a: {  	p0 =	seq.s32 s5, $0x0;
	s5 =	sld [smem:$0x3FA8]  }
0x2b: {  	s6 =	sld [smem:$0x3FA9]  }
0x2c: {  	s7 =	sld [smem:$0x3FAA]  }
0x2d: {  	s3 =	simm.s32 $0x108;
	s8 =	sld [smem:$0x3FAB]  }
0x2e: {  	s3 =	simm.s32 @!p0 $0x1082;
	s9 =	sld [smem:$0x3FAC]  }
0x2f: {  	lr =	sadd.s32 s0, s3;
	s0 =	sld [smem:$0x3FA3]  }
0x30: {  	s3 =	sld [smem:$0x3FA6]  }
0x31: {  	[smem:$0x3FAF] =	sst s10  }
0x32: {  	s10 =	sld [smem:$0x3FAD];
	_ =	sdelay $0x3  }
0x33: {  	p0 =	seq.s32 s10, $0x1;
	s10 =	sld [smem:$0x3FAF];
	_ =	sdelay $0x3  }
0x34: {  	[smem:$0x3FAF] =	sst s10  }
0x35: {  	s10 =	sld [smem:$0x3FAE];
	_ =	sdelay $0x3  }
0x36: {  	p1 =	seq.s32 s10, $0x1;
	s10 =	sld [smem:$0x3FAF];
	_ =	sdelay $0x3  }
0x37: {  	[smem:$0x3FAF] =	sst s10  }
0x38: {  	s10 =	sld [smem:$0x3FB0]  }
0x39: {  	_ = 	snop;
	(pc) =	sbr.ind lr, $3  }
0x3a: {  	_ = 	snop  }
0x3b: {  	_ = 	snop  }
0x3c: {  	p2 =	seq.s32 s10, $0x1;
	s10 =	sld [smem:$0x3FAF]  }
0x3d: {  	_ =	shalt  }
0x3e: {  	_ =	shalt  }
0x3f: {  	_ =	shalt  }
0x40: {  	_ =	shalt  }
0x41: {  	_ =	shalt  }
0x42: {  	_ =	shalt  }
0x43: {  	_ =	shalt  }
0x44: {  	_ =	shalt  }
0x45: {  	_ =	shalt  }
0x46: {  	_ =	shalt  }
0x47: {  	_ =	shalt  }
0x48: {  	_ =	shalt  }
0x49: {  	_ =	shalt  }
0x4a: {  	_ =	shalt  }
0x4b: {  	_ =	shalt  }
0x4c: {  	_ =	shalt  }
0x4d: {  	_ =	shalt  }
0x4e: {  	_ =	shalt  }
0x4f: {  	_ =	shalt  }
0x50: {  	_ =	shalt  }
0x51: {  	_ =	shalt  }
0x52: {  	_ =	shalt  }
0x53: {  	_ =	shalt  }
0x54: {  	_ =	shalt  }
0x55: {  	_ =	shalt  }
0x56: {  	_ =	shalt  }
0x57: {  	_ =	shalt  }
0x58: {  	_ =	shalt  }
0x59: {  	_ =	shalt  }
0x5a: {  	_ =	shalt  }
0x5b: {  	_ =	shalt  }
0x5c: {  	_ =	shalt  }
0x5d: {  	_ =	shalt  }
0x5e: {  	_ =	shalt  }
0x5f: {  	_ =	shalt  }
0x60: {  	_ =	shalt  }
0x61: {  	_ =	shalt  }
0x62: {  	_ =	shalt  }
0x63: {  	_ =	shalt  }
0x64: {  	_ =	shalt  }
0x65: {  	_ =	shalt  }
0x66: {  	_ =	shalt  }
0x67: {  	_ =	shalt  }
0x68: {  	_ =	shalt  }
0x69: {  	_ =	shalt  }
0x6a: {  	_ =	shalt  }
0x6b: {  	_ =	shalt  }
0x6c: {  	_ =	shalt  }
0x6d: {  	_ =	shalt  }
0x6e: {  	_ =	shalt  }
0x6f: {  	_ =	shalt  }
0x70: {  	_ =	shalt  }
0x71: {  	_ =	shalt  }
0x72: {  	_ =	shalt  }
0x73: {  	_ =	shalt  }
0x74: {  	_ =	shalt  }
0x75: {  	_ =	shalt  }
0x76: {  	_ =	shalt  }
0x77: {  	_ =	shalt  }
0x78: {  	_ =	shalt  }
0x79: {  	_ =	shalt  }
0x7a: {  	_ =	shalt  }
0x7b: {  	_ =	shalt  }
0x7c: {  	_ =	shalt  }
0x7d: {  	_ =	shalt  }
0x7e: {  	_ =	shalt  }
0x7f: {  	_ =	shalt  }
0x80: {  	_ =	shalt  }
0x81: {  	_ =	shalt  }
0x82: {  	_ =	shalt  }
0x83: {  	_ =	shalt  }
0x84: {  	_ =	shalt  }
0x85: {  	_ =	shalt  }
0x86: {  	_ =	shalt  }
0x87: {  	_ =	shalt  }
.Lfunc_end0:
.L_simem_size_0:
called_computation_lowered:
.L_overlay_start_0:
0x88: {  	s2 =	sld [smem:$0x3FD9]  }
0x89: {  	s3 =	sld [smem:$0x3FFE];
	_ =	sdelay $0x1  }
0x8a: {  	s1 =	srdreg.scid  }
0x8b: {  	s0 =	sand.u32 $0x1, s1  }
0x8c: {  	s17 =	sshll.u32 s0, $0xA;
	s2 =	sadd.s32 s3, s2  }
0x8d: {  	s2 =	sadd.s32 s2, s17  }
0x8e: {  	[smem:$0x3FBB] =	sst s2  }
0x8f: {  	_ = 	snop  }
0x90: {  	s2 =	sld [smem:$0x3FD0];
	(tm) =	ssettm $0x1  }
0x91: {  	s18 =	sld [smem:$0x3FFB];
	_ =	sdelay $0x3  }
0x92: {  	_ =	strace s18  }
0x93: {  	s3 =	sld [smem:$0x3FFC];
	_ =	sdelay $0x3  }
0x94: {  	_ =	strace s3  }
0x95: {  	s3 =	sld [smem:$0x3FFD];
	_ =	sdelay $0x3  }
0x96: {  	_ =	strace s3  }
0x97: {  	_ =	strace $0x8FFFFFFF  }
0x98: {  	s19 =	sld [smem:$0x3FDB];
	_ =	sdelay $0x1  }
0x99: {  	s4 =	simm.s32 $_scs_section_size  }
0x9a: {  	s5 =	simm.s32 $_size__tile_overlayer_lowered;
	s6 =	simm.s32 $_tile_overlayer_lowered  }
0x9b: {  	s22 =	simm.s32 $0x1BFF;
	s21 =	sshll.u32 s6, $0x1;
	s3 =	sadd.s32 s4, s19  }
0x9c: {  	s7 =	simm.s32 $0x0;
	s20 =	sshll.u32 s5, $0x1;
	s5 =	sadd.s32 s21, s3  }
0x9d: {  	[timem:s7], [sflag:s22] =	dma.local [hbm:s5], s20  }
0x9e: {  	_ =	swait.ge [sflag:s22], s20  }
0x9f: {  	s4 =	ssub.s32 $0x0, s20;
	[sflag:s22] =	ssyncset.done $0x0  }
0xa0: {  	[sflag:s22] =	ssyncadd.s32 s4;
	_ =	sdelay $0x1  }
0xa1: {  	s23 =	simm.s32 $0x1B8B  }
0xa2: {  	_ =	swait.ge [sflag:s23], $0x1  }
0xa3: {  	[sflag:s23] =	ssyncset.done $0x0  }
0xa4: {  	s25 =	simm.s32 $0x1B8E;
	s24 =	sld [smem:$0x3FFE];
	[sflag:s23] =	ssyncadd.s32 $0xFFFFFFFF  }
0xa5: {  	s26 =	simm.s32 $execute0_lowered;
	[smem:$0x3FD2] =	sst s25  }
0xa6: {  	s5 =	sshll.u32 s26, $0x1;
	_ =	strace $0x80000046;
	[dreg:$0x1] =	wrdreg $0xFFFFFFFF  }
0xa7: {  	s28 =	simm.s32 $_size_execute0_lowered;
	s3 =	sadd.s32 s3, s5;
	[dreg:$0x0] =	wrdreg $0x0  }
0xa8: {  	s5 =	sshll.u32 s28, $0x1;
	[dreg:$0x2] =	wrdreg s3  }
0xa9: {  	[dreg:$0x3] =	wrdreg s5  }
0xaa: {  	[dreg:$0x4] =	wrdreg $0xC0  }
0xab: {  	_ =	task [dreg:s7], $0x5FFFF  }
0xac: {  	[dreg:$0x1] =	wrdreg $0xFFFFFFFF  }
0xad: {  	[dreg:$0x0] =	wrdreg $0x60  }
0xae: {  	[dreg:$0x2] =	wrdreg s2  }
0xaf: {  	[dreg:$0x3] =	wrdreg s24  }
0xb0: {  	[dreg:$0x4] =	wrdreg $0x9  }
0xb1: {  	_ =	task.clear_ibuf [dreg:s7], $0x5FFFF;
	_ =	strace $0x90000046  }
0xb2: {  	s29 =	simm.s32 $0x9;
	_ =	strace $0x80000048  }
0xb3: {  	_ =	swait.ge [sflag:s29], $0x1  }
0xb4: {  	[sflag:s29] =	ssyncadd.s32 $0xFFFFFFFF  }
0xb5: {  	_ =	strace $0x90000048  }
0xb6: {  	_ =	sfence  }
0xb7: {  	s30 =	sld [smem:$0x0];
	_ =	sdelay $0x2  }
0xb8: {  	s31 =	sshll.u32 s1, $0xD;
	s1 =	sshrl.u32 s1, $0x2  }
0xb9: {  	s3 =	sand.u32 $0x4000, s31;
	s1 =	sadd.s32 s1, s30  }
0xba: {  	s0 =	sor.u32 s3, s0;
	s1 =	sshll.u32 s1, $0x11  }
0xbb: {  	s0 =	sor.u32 s1, s0  }
0xbc: {  	s0 =	sadd.s32 $0x8F2B, s0  }
0xbd: {  	[sflag:s0] =	ssyncadd.remote.s32 $0x1  }
0xbe: {  	_ =	sfence.sel $0xFFFF  }
0xbf: {  	[dreg:$0x0] =	wrdreg $0xFFFFFFFF;
	(pc) =	sbr.abs _section_cstart, $3  }
0xc0: {  	[dreg:$0x1] =	wrdreg $0xFFFFFFFF  }
0xc1: {  	_ =	task.clear_ibuf [dreg:s7], $0x2FFFF;
	_ =	strace $0x9FFFFFFF  }
0xc2: {  	(tm) =	ssettm $0x7FFFFFFF  }
0xc3: {  	_ =	shalt  }
tec
execute0_lowered:
.L_overlay_start_1:
0x0: {  	(tag) =	ssettag $0x1  }
0x1: {  	s2 =	rddreg [dreg:$0x0];
	s1 =	srdreg.scid  }
0x2: {  	s0 =	stileid.u32;
	s4 =	rddreg [dreg:$0x1];
	s3 =	simm.s32 $0x0  }
0x3: {  	s12 =	simm.s32 $0x3;
	s13 =	simm.s32 $0x80;
	s14 =	simm.s32 $0x1000  }
0x4: {  	s15 =	simm.s32 $0x1680;
	s16 =	simm.s32 $0x1080;
	s17 =	simm.s32 $0x5680  }
0x5: {  	s18 =	simm.s32 $0x1;
	s19 =	simm.s32 $0x2;
	s20 =	simm.s32 $0x1100  }
0x6: {  	s21 =	simm.s32 $0x1180;
	s28 =	simm.s32 $0x1480;
	s29 =	simm.s32 $0x1500  }
0x7: {  	s30 =	simm.s32 $0x1580;
	s1 =	sand.u32 $0x1, s1;
	s5 =	sshll.u32 s0, $0x1  }
0x8: {  	s31 =	simm.s32 $0x40;
	[smem:$0x7FF] =	sst s3;
	s5 =	sor.u32 s1, s5  }
0x9: {  	_ =	strace $0x80000047;
	s1 =	ssub.s32 $0x2, s1;
	s7 =	smul.u32 $0x32000, s5  }
0xa: {  	s6 =	sshll.u32 s5, $0x9;
	s5 =	smul.u32 $0x6400, s5;
	s25 =	sshrl.u32 s1, $0x1  }
0xb: {  	s6 =	sadd.s32 s6, s4;
	s4 =	sadd.s32 $0x5800, s4;
	s1 =	ssub.s32 s1, s25  }
0xc: {  	s25 =	simm.s32 $0x1380;
	s6 =	sadd.s32 $0x1800, s6;
	s7 =	sshrl.u32 s7, $0x3  }
0xd: {  	s5 =	sadd.s32 s4, s5;
	[dreg:$0x3] =	wrdreg s6;
	s10 =	sadd.s32 s4, s7  }
0xe: {  	s11 =	smax.u32 s1, $0x1;
	[dreg:$0x4] =	wrdreg s5;
	s4 =	sadd.s32 $0x800, s10  }
0xf: {  	s1 =	simm.s32 $0x1600;
	s22 =	sadd.s32 $0x1000, s10;
	[dreg:$0x5] =	wrdreg s4  }
0x10: {  	s23 =	sadd.s32 $0x1800, s10;
	s24 =	sadd.s32 $0x2000, s10;
	[dreg:$0x6] =	wrdreg s22  }
0x11: {  	s26 =	sadd.s32 $0x2800, s10;
	s5 =	sadd.s32 $0x3800, s10;
	[dreg:$0x7] =	wrdreg s23  }
0x12: {  	s6 =	sadd.s32 $0x4000, s10;
	s7 =	sadd.s32 $0x4800, s10;
	[dreg:$0x8] =	wrdreg s24  }
0x13: {  	s8 =	sadd.s32 $0x5000, s10;
	s9 =	sadd.s32 $0x5800, s10;
	[dreg:$0x9] =	wrdreg s26  }
0x14: {  	s4 =	sadd.s32 $0x3000, s10;
	s10 =	sadd.s32 $0x6000, s10;
	s22 =	simm.s32 $0x1200  }
0x15: {  	s23 =	simm.s32 $0x1280;
	s24 =	simm.s32 $0x1300;
	s26 =	simm.s32 $0x1400  }
.LBB2_1:
0x16: {  	s0 =	rddreg [dreg:$0x3]  }
0x17: {  	[tilespmem:s3], [sflag:$0x3] =	stream.linear.gather [hbm4b:s0+s3], $0x1000, $0x38;
	[tilespmem:$0x9680] =	vst v63  }
0x18: {  	_ =	swait.ge [sflag:s12], $0x1000  }
0x19: {  	[sflag:s12] =	ssyncset.done $0x0  }
0x1a: {  	[sflag:s12] =	ssyncadd.s32 $0xFFFFF000  }
0x1b: {  	v0 =	vld [tilespmem:$0x0]  }
0x1c: {  	v1 =	vld [tilespmem:$0x10]  }
0x1d: {  	v2 =	vld [tilespmem:$0x20]  }
0x1e: {  	v3 =	vld [tilespmem:$0x30]  }
0x1f: {  	v53 =	vld [tilespmem:$0x90]  }
0x20: {  	v54 =	vld [tilespmem:$0xA0];
	[tilespmem:$0x1000] =	vst v0  }
0x21: {  	v55 =	vld [tilespmem:$0xB0];
	[tilespmem:$0x1010] =	vst v1  }
0x22: {  	v57 =	vld [tilespmem:$0x110];
	[tilespmem:$0x1020] =	vst v2  }
0x23: {  	v58 =	vld [tilespmem:$0x120];
	[tilespmem:$0x1030] =	vst v3  }
0x24: {  	v59 =	vld [tilespmem:$0x130];
	[tilespmem:$0x1042] =	vst v53  }
0x25: {  	v61 =	vld [tilespmem:$0x190];
	[tilespmem:$0x1052] =	vst v54  }
0x26: {  	v62 =	vld [tilespmem:$0x1A0];
	[tilespmem:$0x1062] =	vst v55  }
0x27: {  	v63 =	vld [tilespmem:$0x1B0];
	[tilespmem:$0x1074] =	vst v57  }
0x28: {  	v9 =	vld [tilespmem:$0x210];
	[tilespmem:$0x1084] =	vst v58  }
0x29: {  	v10 =	vld [tilespmem:$0x220];
	[tilespmem:$0x1094] =	vst v59  }
0x2a: {  	v11 =	vld [tilespmem:$0x230];
	[tilespmem:$0x10A6] =	vst v61  }
0x2b: {  	v13 =	vld [tilespmem:$0x290];
	[tilespmem:$0x10B6] =	vst v62  }
0x2c: {  	v14 =	vld [tilespmem:$0x2A0];
	[tilespmem:$0x10C6] =	vst v63  }
0x2d: {  	v15 =	vld [tilespmem:$0x2B0];
	[tilespmem:$0x10D8] =	vst v9  }
0x2e: {  	v17 =	vld [tilespmem:$0x310];
	[tilespmem:$0x10E8] =	vst v10  }
0x2f: {  	v18 =	vld [tilespmem:$0x320];
	[tilespmem:$0x10F8] =	vst v11  }
0x30: {  	v19 =	vld [tilespmem:$0x330];
	[tilespmem:$0x110A] =	vst v13  }
0x31: {  	v21 =	vld [tilespmem:$0x390];
	[tilespmem:$0x111A] =	vst v14  }
0x32: {  	v22 =	vld [tilespmem:$0x3A0];
	[tilespmem:$0x112A] =	vst v15  }
0x33: {  	v23 =	vld [tilespmem:$0x3B0];
	[tilespmem:$0x113C] =	vst v17  }
0x34: {  	v25 =	vld [tilespmem:$0x410];
	[tilespmem:$0x114C] =	vst v18  }
0x35: {  	v26 =	vld [tilespmem:$0x420];
	[tilespmem:$0x115C] =	vst v19  }
0x36: {  	v27 =	vld [tilespmem:$0x430];
	[tilespmem:$0x116E] =	vst v21  }
0x37: {  	v29 =	vld [tilespmem:$0x490];
	[tilespmem:$0x117E] =	vst v22  }
0x38: {  	v30 =	vld [tilespmem:$0x4A0];
	[tilespmem:$0x118E] =	vst v23  }
0x39: {  	v31 =	vld [tilespmem:$0x4B0];
	[tilespmem:$0x11A0] =	vst v25  }
0x3a: {  	v33 =	vld [tilespmem:$0x510];
	[tilespmem:$0x11B0] =	vst v26  }
0x3b: {  	v34 =	vld [tilespmem:$0x520];
	[tilespmem:$0x11C0] =	vst v27  }
0x3c: {  	v35 =	vld [tilespmem:$0x530];
	[tilespmem:$0x11D2] =	vst v29  }
0x3d: {  	v37 =	vld [tilespmem:$0x590];
	[tilespmem:$0x11E2] =	vst v30  }
0x3e: {  	v38 =	vld [tilespmem:$0x5A0];
	[tilespmem:$0x11F2] =	vst v31  }
0x3f: {  	v39 =	vld [tilespmem:$0x5B0];
	[tilespmem:$0x1204] =	vst v33  }
0x40: {  	v41 =	vld [tilespmem:$0x610];
	[tilespmem:$0x1214] =	vst v34  }
0x41: {  	v42 =	vld [tilespmem:$0x620];
	[tilespmem:$0x1224] =	vst v35  }
0x42: {  	v43 =	vld [tilespmem:$0x630];
	[tilespmem:$0x1236] =	vst v37  }
0x43: {  	v45 =	vld [tilespmem:$0x690];
	[tilespmem:$0x1246] =	vst v38  }
0x44: {  	v46 =	vld [tilespmem:$0x6A0];
	[tilespmem:$0x1256] =	vst v39  }
0x45: {  	v47 =	vld [tilespmem:$0x6B0];
	[tilespmem:$0x1268] =	vst v41  }
0x46: {  	v49 =	vld [tilespmem:$0x710];
	[tilespmem:$0x1278] =	vst v42  }
0x47: {  	v50 =	vld [tilespmem:$0x720];
	[tilespmem:$0x1288] =	vst v43  }
0x48: {  	v51 =	vld [tilespmem:$0x730];
	[tilespmem:$0x129A] =	vst v45  }
0x49: {  	v4 =	vld [tilespmem:$0x80];
	[tilespmem:$0x12AA] =	vst v46  }
0x4a: {  	v56 =	vld [tilespmem:$0x100];
	[tilespmem:$0x12BA] =	vst v47  }
0x4b: {  	v60 =	vld [tilespmem:$0x180];
	[tilespmem:$0x12CC] =	vst v49  }
0x4c: {  	v8 =	vld [tilespmem:$0x200];
	[tilespmem:$0x12DC] =	vst v50  }
0x4d: {  	v12 =	vld [tilespmem:$0x280];
	[tilespmem:$0x12EC] =	vst v51  }
0x4e: {  	v16 =	vld [tilespmem:$0x300];
	[tilespmem:$0x1032] =	vst v4  }
0x4f: {  	v20 =	vld [tilespmem:$0x380];
	[tilespmem:$0x1064] =	vst v56  }
0x50: {  	v24 =	vld [tilespmem:$0x400];
	[tilespmem:$0x1096] =	vst v60  }
0x51: {  	v28 =	vld [tilespmem:$0x480];
	[tilespmem:$0x10C8] =	vst v8  }
0x52: {  	v32 =	vld [tilespmem:$0x500];
	[tilespmem:$0x10FA] =	vst v12  }
0x53: {  	v36 =	vld [tilespmem:$0x580];
	[tilespmem:$0x112C] =	vst v16  }
0x54: {  	v40 =	vld [tilespmem:$0x600];
	[tilespmem:$0x115E] =	vst v20  }
0x55: {  	v44 =	vld [tilespmem:$0x680];
	[tilespmem:$0x1190] =	vst v24  }
0x56: {  	v48 =	vld [tilespmem:$0x700];
	[tilespmem:$0x11C2] =	vst v28  }
0x57: {  	v52 =	vld [tilespmem:$0x780];
	[tilespmem:$0x11F4] =	vst v32  }
0x58: {  	v53 =	vld [tilespmem:$0x790];
	[tilespmem:$0x1226] =	vst v36  }
0x59: {  	v54 =	vld [tilespmem:$0x7A0];
	[tilespmem:$0x1258] =	vst v40  }
0x5a: {  	v55 =	vld [tilespmem:$0x7B0];
	[tilespmem:$0x128A] =	vst v44  }
0x5b: {  	v57 =	vld [tilespmem:$0x810];
	[tilespmem:$0x12BC] =	vst v48  }
0x5c: {  	v58 =	vld [tilespmem:$0x820];
	[tilespmem:$0x12EE] =	vst v52  }
0x5d: {  	v59 =	vld [tilespmem:$0x830];
	[tilespmem:$0x12FE] =	vst v53  }
0x5e: {  	v61 =	vld [tilespmem:$0x890];
	[tilespmem:$0x130E] =	vst v54  }
0x5f: {  	v62 =	vld [tilespmem:$0x8A0];
	[tilespmem:$0x131E] =	vst v55  }
0x60: {  	v63 =	vld [tilespmem:$0x8B0];
	[tilespmem:$0x1330] =	vst v57  }
0x61: {  	v9 =	vld [tilespmem:$0x910];
	[tilespmem:$0x1340] =	vst v58  }
0x62: {  	v10 =	vld [tilespmem:$0x920];
	[tilespmem:$0x1350] =	vst v59  }
0x63: {  	v11 =	vld [tilespmem:$0x930];
	[tilespmem:$0x1362] =	vst v61  }
0x64: {  	v13 =	vld [tilespmem:$0x990];
	[tilespmem:$0x1372] =	vst v62  }
0x65: {  	v14 =	vld [tilespmem:$0x9A0];
	[tilespmem:$0x1382] =	vst v63  }
0x66: {  	v15 =	vld [tilespmem:$0x9B0];
	[tilespmem:$0x1394] =	vst v9  }
0x67: {  	v17 =	vld [tilespmem:$0xA10];
	[tilespmem:$0x13A4] =	vst v10  }
0x68: {  	v18 =	vld [tilespmem:$0xA20];
	[tilespmem:$0x13B4] =	vst v11  }
0x69: {  	v19 =	vld [tilespmem:$0xA30];
	[tilespmem:$0x13C6] =	vst v13  }
0x6a: {  	v21 =	vld [tilespmem:$0xA90];
	[tilespmem:$0x13D6] =	vst v14  }
0x6b: {  	v22 =	vld [tilespmem:$0xAA0];
	[tilespmem:$0x13E6] =	vst v15  }
0x6c: {  	v23 =	vld [tilespmem:$0xAB0];
	[tilespmem:$0x13F8] =	vst v17  }
0x6d: {  	v25 =	vld [tilespmem:$0xB10];
	[tilespmem:$0x1408] =	vst v18  }
0x6e: {  	v26 =	vld [tilespmem:$0xB20];
	[tilespmem:$0x1418] =	vst v19  }
0x6f: {  	v27 =	vld [tilespmem:$0xB30];
	[tilespmem:$0x142A] =	vst v21  }
0x70: {  	v29 =	vld [tilespmem:$0xB90];
	[tilespmem:$0x143A] =	vst v22  }
0x71: {  	v30 =	vld [tilespmem:$0xBA0];
	[tilespmem:$0x144A] =	vst v23  }
0x72: {  	v31 =	vld [tilespmem:$0xBB0];
	[tilespmem:$0x145C] =	vst v25  }
0x73: {  	v33 =	vld [tilespmem:$0xC10];
	[tilespmem:$0x146C] =	vst v26  }
0x74: {  	v34 =	vld [tilespmem:$0xC20];
	[tilespmem:$0x147C] =	vst v27  }
0x75: {  	v35 =	vld [tilespmem:$0xC30];
	[tilespmem:$0x148E] =	vst v29  }
0x76: {  	v37 =	vld [tilespmem:$0xC90];
	[tilespmem:$0x149E] =	vst v30  }
0x77: {  	v38 =	vld [tilespmem:$0xCA0];
	[tilespmem:$0x14AE] =	vst v31  }
0x78: {  	v39 =	vld [tilespmem:$0xCB0];
	[tilespmem:$0x14C0] =	vst v33  }
0x79: {  	v41 =	vld [tilespmem:$0xD10];
	[tilespmem:$0x14D0] =	vst v34  }
0x7a: {  	v42 =	vld [tilespmem:$0xD20];
	[tilespmem:$0x14E0] =	vst v35  }
0x7b: {  	v43 =	vld [tilespmem:$0xD30];
	[tilespmem:$0x14F2] =	vst v37  }
0x7c: {  	v45 =	vld [tilespmem:$0xD90];
	[tilespmem:$0x1502] =	vst v38  }
0x7d: {  	v46 =	vld [tilespmem:$0xDA0];
	[tilespmem:$0x1512] =	vst v39  }
0x7e: {  	v47 =	vld [tilespmem:$0xDB0];
	[tilespmem:$0x1524] =	vst v41  }
0x7f: {  	v49 =	vld [tilespmem:$0xE10];
	[tilespmem:$0x1534] =	vst v42  }
0x80: {  	v50 =	vld [tilespmem:$0xE20];
	[tilespmem:$0x1544] =	vst v43  }
0x81: {  	v51 =	vld [tilespmem:$0xE30];
	[tilespmem:$0x1556] =	vst v45  }
0x82: {  	v56 =	vld [tilespmem:$0x800];
	[tilespmem:$0x1566] =	vst v46  }
0x83: {  	v60 =	vld [tilespmem:$0x880];
	[tilespmem:$0x1576] =	vst v47  }
0x84: {  	v8 =	vld [tilespmem:$0x900];
	[tilespmem:$0x1588] =	vst v49  }
0x85: {  	v12 =	vld [tilespmem:$0x980];
	[tilespmem:$0x1598] =	vst v50  }
0x86: {  	v16 =	vld [tilespmem:$0xA00];
	[tilespmem:$0x15A8] =	vst v51  }
0x87: {  	v20 =	vld [tilespmem:$0xA80];
	[tilespmem:$0x1320] =	vst v56  }
0x88: {  	v24 =	vld [tilespmem:$0xB00];
	[tilespmem:$0x1352] =	vst v60  }
0x89: {  	v28 =	vld [tilespmem:$0xB80];
	[tilespmem:$0x1384] =	vst v8  }
0x8a: {  	v32 =	vld [tilespmem:$0xC00];
	[tilespmem:$0x13B6] =	vst v12  }
0x8b: {  	v36 =	vld [tilespmem:$0xC80];
	[tilespmem:$0x13E8] =	vst v16  }
0x8c: {  	v40 =	vld [tilespmem:$0xD00];
	[tilespmem:$0x141A] =	vst v20  }
0x8d: {  	v44 =	vld [tilespmem:$0xD80];
	[tilespmem:$0x144C] =	vst v24  }
0x8e: {  	v48 =	vld [tilespmem:$0xE00];
	[tilespmem:$0x147E] =	vst v28  }
0x8f: {  	v52 =	vld [tilespmem:$0xE80];
	[tilespmem:$0x14B0] =	vst v32  }
0x90: {  	v53 =	vld [tilespmem:$0xE90];
	[tilespmem:$0x14E2] =	vst v36  }
0x91: {  	v54 =	vld [tilespmem:$0xEA0];
	[tilespmem:$0x1514] =	vst v40  }
0x92: {  	v55 =	vld [tilespmem:$0xEB0];
	[tilespmem:$0x1546] =	vst v44  }
0x93: {  	v57 =	vld [tilespmem:$0xF10];
	[tilespmem:$0x1578] =	vst v48  }
0x94: {  	v58 =	vld [tilespmem:$0xF20];
	[tilespmem:$0x15AA] =	vst v52  }
0x95: {  	v59 =	vld [tilespmem:$0xF30];
	[tilespmem:$0x15BA] =	vst v53  }
0x96: {  	v61 =	vld [tilespmem:$0xF90];
	[tilespmem:$0x15CA] =	vst v54  }
0x97: {  	v62 =	vld [tilespmem:$0xFA0];
	[tilespmem:$0x15DA] =	vst v55  }
0x98: {  	v63 =	vld [tilespmem:$0xFB0];
	[tilespmem:$0x15EC] =	vst v57  }
0x99: {  	v56 =	vld [tilespmem:$0xF00];
	[tilespmem:$0x15FC] =	vst v58  }
0x9a: {  	v60 =	vld [tilespmem:$0xF80];
	[tilespmem:$0x160C] =	vst v59  }
0x9b: {  	[tilespmem:$0x161E] =	vst v61  }
0x9c: {  	[tilespmem:$0x162E] =	vst v62  }
0x9d: {  	[tilespmem:$0x163E] =	vst v63  }
0x9e: {  	[tilespmem:$0x15DC] =	vst v56  }
0x9f: {  	[tilespmem:$0x160E] =	vst v60  }
0xa0: {  	[tilespmem:s15], [sflag:$0x1] =	stream.indirect.gather [hbm4b:s2+s13], $0x80, s14, s13, $0xb8;
	[tilespmem:$0x9680] =	vst v63  }
0xa1: {  	_ = 	snop  }
0xa2: {  	[tilespmem:s17], [sflag:$0x1] =	stream.indirect.gather [hbm4b:s2+s13], $0x80, s16, s13, $0xb8;
	[tilespmem:$0x9680] =	vst v63  }
0xa3: {  	_ =	swait.ge [sflag:s18], $0x4000  }
0xa4: {  	[sflag:s18] =	ssyncset.done $0x0  }
0xa5: {  	s0 =	rddreg [dreg:$0x4];
	[sflag:s18] =	ssyncadd.s32 $0xFFFFC000  }
0xa6: {  	[hbm4b:s0+s3] =	stream.linear.scatter [tilespmem:s15], [sflag:$0x2], $0x4000, $0x38;
	[tilespmem:$0x9680] =	vst v63  }
0xa7: {  	_ =	swait.ge [sflag:s19], $0x4000  }
0xa8: {  	[sflag:s19] =	ssyncset.done $0x0  }
0xa9: {  	[sflag:s19] =	ssyncadd.s32 $0xFFFFC000  }
0xaa: {  	[tilespmem:s15], [sflag:$0x1] =	stream.indirect.gather [hbm4b:s2+s13], $0x80, s20, s13, $0xb8;
	[tilespmem:$0x9680] =	vst v63  }
0xab: {  	_ =	swait.ge [sflag:s18], $0x4000  }
0xac: {  	[sflag:s18] =	ssyncset.done $0x0  }
0xad: {  	s0 =	rddreg [dreg:$0x5];
	[sflag:s18] =	ssyncadd.s32 $0xFFFFC000  }
0xae: {  	[hbm4b:s0+s3] =	stream.linear.scatter [tilespmem:s17], [sflag:$0x2], $0x4000, $0x38;
	[tilespmem:$0x9680] =	vst v63  }
0xaf: {  	_ =	swait.ge [sflag:s19], $0x4000  }
0xb0: {  	[sflag:s19] =	ssyncset.done $0x0  }
0xb1: {  	[sflag:s19] =	ssyncadd.s32 $0xFFFFC000  }
0xb2: {  	[tilespmem:s17], [sflag:$0x1] =	stream.indirect.gather [hbm4b:s2+s13], $0x80, s21, s13, $0xb8;
	[tilespmem:$0x9680] =	vst v63  }
0xb3: {  	_ =	swait.ge [sflag:s18], $0x4000  }
0xb4: {  	[sflag:s18] =	ssyncset.done $0x0  }
0xb5: {  	s0 =	rddreg [dreg:$0x6];
	[sflag:s18] =	ssyncadd.s32 $0xFFFFC000  }
0xb6: {  	[hbm4b:s0+s3] =	stream.linear.scatter [tilespmem:s15], [sflag:$0x2], $0x4000, $0x38;
	[tilespmem:$0x9680] =	vst v63  }
0xb7: {  	_ =	swait.ge [sflag:s19], $0x4000  }
0xb8: {  	[sflag:s19] =	ssyncset.done $0x0  }
0xb9: {  	[sflag:s19] =	ssyncadd.s32 $0xFFFFC000  }
0xba: {  	[tilespmem:s15], [sflag:$0x1] =	stream.indirect.gather [hbm4b:s2+s13], $0x80, s22, s13, $0xb8;
	[tilespmem:$0x9680] =	vst v63  }
0xbb: {  	_ =	swait.ge [sflag:s18], $0x4000  }
0xbc: {  	[sflag:s18] =	ssyncset.done $0x0  }
0xbd: {  	s0 =	rddreg [dreg:$0x7];
	[sflag:s18] =	ssyncadd.s32 $0xFFFFC000  }
0xbe: {  	[hbm4b:s0+s3] =	stream.linear.scatter [tilespmem:s17], [sflag:$0x2], $0x4000, $0x38;
	[tilespmem:$0x9680] =	vst v63  }
0xbf: {  	_ =	swait.ge [sflag:s19], $0x4000  }
0xc0: {  	[sflag:s19] =	ssyncset.done $0x0  }
0xc1: {  	[sflag:s19] =	ssyncadd.s32 $0xFFFFC000  }
0xc2: {  	[tilespmem:s17], [sflag:$0x1] =	stream.indirect.gather [hbm4b:s2+s13], $0x80, s23, s13, $0xb8;
	[tilespmem:$0x9680] =	vst v63  }
0xc3: {  	_ =	swait.ge [sflag:s18], $0x4000  }
0xc4: {  	[sflag:s18] =	ssyncset.done $0x0  }
0xc5: {  	s0 =	rddreg [dreg:$0x8];
	[sflag:s18] =	ssyncadd.s32 $0xFFFFC000  }
0xc6: {  	[hbm4b:s0+s3] =	stream.linear.scatter [tilespmem:s15], [sflag:$0x2], $0x4000, $0x38;
	[tilespmem:$0x9680] =	vst v63  }
0xc7: {  	_ =	swait.ge [sflag:s19], $0x4000  }
0xc8: {  	[sflag:s19] =	ssyncset.done $0x0  }
0xc9: {  	[sflag:s19] =	ssyncadd.s32 $0xFFFFC000  }
0xca: {  	[tilespmem:s15], [sflag:$0x1] =	stream.indirect.gather [hbm4b:s2+s13], $0x80, s24, s13, $0xb8;
	[tilespmem:$0x9680] =	vst v63  }
0xcb: {  	_ =	swait.ge [sflag:s18], $0x4000  }
0xcc: {  	[sflag:s18] =	ssyncset.done $0x0  }
0xcd: {  	s0 =	rddreg [dreg:$0x9];
	[sflag:s18] =	ssyncadd.s32 $0xFFFFC000  }
0xce: {  	[hbm4b:s0+s3] =	stream.linear.scatter [tilespmem:s17], [sflag:$0x2], $0x4000, $0x38;
	[tilespmem:$0x9680] =	vst v63  }
0xcf: {  	_ =	swait.ge [sflag:s19], $0x4000  }
0xd0: {  	[sflag:s19] =	ssyncset.done $0x0  }
0xd1: {  	[sflag:s19] =	ssyncadd.s32 $0xFFFFC000  }
0xd2: {  	[tilespmem:s17], [sflag:$0x1] =	stream.indirect.gather [hbm4b:s2+s13], $0x80, s25, s13, $0xb8;
	[tilespmem:$0x9680] =	vst v63  }
0xd3: {  	_ =	swait.ge [sflag:s18], $0x4000  }
0xd4: {  	[sflag:s18] =	ssyncset.done $0x0  }
0xd5: {  	[sflag:s18] =	ssyncadd.s32 $0xFFFFC000  }
0xd6: {  	[hbm4b:s4+s3] =	stream.linear.scatter [tilespmem:s15], [sflag:$0x2], $0x4000, $0x38;
	[tilespmem:$0x9680] =	vst v63  }
0xd7: {  	_ =	swait.ge [sflag:s19], $0x4000  }
0xd8: {  	[sflag:s19] =	ssyncset.done $0x0  }
0xd9: {  	[sflag:s19] =	ssyncadd.s32 $0xFFFFC000  }
0xda: {  	[tilespmem:s15], [sflag:$0x1] =	stream.indirect.gather [hbm4b:s2+s13], $0x80, s26, s13, $0xb8;
	[tilespmem:$0x9680] =	vst v63  }
0xdb: {  	_ =	swait.ge [sflag:s18], $0x4000  }
0xdc: {  	[sflag:s18] =	ssyncset.done $0x0  }
0xdd: {  	[sflag:s18] =	ssyncadd.s32 $0xFFFFC000  }
0xde: {  	[hbm4b:s5+s3] =	stream.linear.scatter [tilespmem:s17], [sflag:$0x2], $0x4000, $0x38;
	[tilespmem:$0x9680] =	vst v63  }
0xdf: {  	_ =	swait.ge [sflag:s19], $0x4000  }
0xe0: {  	[sflag:s19] =	ssyncset.done $0x0  }
0xe1: {  	[sflag:s19] =	ssyncadd.s32 $0xFFFFC000  }
0xe2: {  	[tilespmem:s17], [sflag:$0x1] =	stream.indirect.gather [hbm4b:s2+s13], $0x80, s28, s13, $0xb8;
	[tilespmem:$0x9680] =	vst v63  }
0xe3: {  	_ =	swait.ge [sflag:s18], $0x4000  }
0xe4: {  	[sflag:s18] =	ssyncset.done $0x0  }
0xe5: {  	[sflag:s18] =	ssyncadd.s32 $0xFFFFC000  }
0xe6: {  	[hbm4b:s6+s3] =	stream.linear.scatter [tilespmem:s15], [sflag:$0x2], $0x4000, $0x38;
	[tilespmem:$0x9680] =	vst v63  }
0xe7: {  	_ =	swait.ge [sflag:s19], $0x4000  }
0xe8: {  	[sflag:s19] =	ssyncset.done $0x0  }
0xe9: {  	[sflag:s19] =	ssyncadd.s32 $0xFFFFC000  }
0xea: {  	[tilespmem:s15], [sflag:$0x1] =	stream.indirect.gather [hbm4b:s2+s13], $0x80, s29, s13, $0xb8;
	[tilespmem:$0x9680] =	vst v63  }
0xeb: {  	_ =	swait.ge [sflag:s18], $0x4000  }
0xec: {  	[sflag:s18] =	ssyncset.done $0x0  }
0xed: {  	[sflag:s18] =	ssyncadd.s32 $0xFFFFC000  }
0xee: {  	[hbm4b:s7+s3] =	stream.linear.scatter [tilespmem:s17], [sflag:$0x2], $0x4000, $0x38;
	[tilespmem:$0x9680] =	vst v63  }
0xef: {  	_ =	swait.ge [sflag:s19], $0x4000  }
0xf0: {  	[sflag:s19] =	ssyncset.done $0x0  }
0xf1: {  	[sflag:s19] =	ssyncadd.s32 $0xFFFFC000  }
0xf2: {  	[tilespmem:s17], [sflag:$0x1] =	stream.indirect.gather [hbm4b:s2+s13], $0x80, s30, s13, $0xb8;
	[tilespmem:$0x9680] =	vst v63  }
0xf3: {  	_ =	swait.ge [sflag:s18], $0x4000  }
0xf4: {  	[sflag:s18] =	ssyncset.done $0x0  }
0xf5: {  	[sflag:s18] =	ssyncadd.s32 $0xFFFFC000  }
0xf6: {  	[hbm4b:s8+s3] =	stream.linear.scatter [tilespmem:s15], [sflag:$0x2], $0x4000, $0x38;
	[tilespmem:$0x9680] =	vst v63  }
0xf7: {  	_ =	swait.ge [sflag:s19], $0x4000  }
0xf8: {  	[sflag:s19] =	ssyncset.done $0x0  }
0xf9: {  	[sflag:s19] =	ssyncadd.s32 $0xFFFFC000  }
0xfa: {  	[tilespmem:s15], [sflag:$0x1] =	stream.indirect.gather [hbm4b:s2+s31], $0x80, s1, s31, $0xb8;
	[tilespmem:$0x9680] =	vst v63  }
0xfb: {  	_ =	swait.ge [sflag:s18], $0x4000  }
0xfc: {  	[sflag:s18] =	ssyncset.done $0x0  }
0xfd: {  	[sflag:s18] =	ssyncadd.s32 $0xFFFFC000  }
0xfe: {  	[hbm4b:s9+s3] =	stream.linear.scatter [tilespmem:s17], [sflag:$0x2], $0x4000, $0x38;
	[tilespmem:$0x9680] =	vst v63  }
0xff: {  	_ =	swait.ge [sflag:s18], $0x2000  }
0x100: {  	[sflag:s18] =	ssyncset.done $0x0  }
0x101: {  	[sflag:s18] =	ssyncadd.s32 $0xFFFFE000  }
0x102: {  	[hbm4b:s10+s3] =	stream.linear.scatter [tilespmem:s15], [sflag:$0x2], $0x2000, $0x38;
	[tilespmem:$0x9680] =	vst v63  }
0x103: {  	p0 =	sne.s32 s11, $0x1;
	_ =	swait.ge [sflag:s19], $0x4000  }
.Ltmp0:
0x104: {  	[sflag:s19] =	ssyncset.done $0x0;
	(pc) =	sbr.rel @p0 .LBB2_1-.Ltmp0, $4  }
0x105: {  	[sflag:s19] =	ssyncadd.s32 $0xFFFFC000  }
0x106: {  	_ =	swait.ge [sflag:s19], $0x2000  }
0x107: {  	[sflag:s19] =	ssyncset.done $0x0  }
0x108: {  	s11 =	sadd.s32 $0xFFFFFFFF, s11;
	[sflag:s19] =	ssyncadd.s32 $0xFFFFE000  }
0x109: {  	_ =	sfence.sel $0x180000  }
0x10a: {  	[bflag:$0x0] =	sbarrier.arrive $0xFFFF  }
0x10b: {  	_ =	strace $0x90000047  }
0x10c: {  	s0 =	stileid.u32;
	[bflag:$0x2] =	sbarrier.arrive $0xFFFF  }
0x10d: {  	p0 =	sne.s32 s0, $0x0;
	s0 =	rddreg [dreg:$0x2]  }
0x10e: {  	s0 =	sadd.s32 @!p0 $0x100000, s0  }
0x10f: {  	[sflag:s0] =	ssyncadd.tile.s32 @!p0 $0x1;
	_ =	shalt  }
.Lfunc_end2:
_tile_overlayer_lowered:
.L_overlay_start_2:
0x110: {  	(tag) =	ssettag $0x2  }
0x111: {  	s0 =	rddreg [dreg:$0x0];
	s2 =	stileid.u32  }
0x112: {  	s1 =	rddreg [dreg:$0x1];
	p0 =	sne.s32 s2, $0x0  }
0x113: {  	s3 =	rddreg [dreg:$0x2];
	[bflag:$0x3] =	sbarrier.arrive $0xFFFF;
	s2 =	simm.s32 @!p0 $0x1C03  }
0x114: {  	[timem:s3], [sflag:s2] =	dma.local @!p0 [hbm:s0], s1  }
0x115: {  	s0 =	simm.s32 @!p0 $0x3  }
0x116: {  	_ =	swait.ge @!p0 [sflag:s0], s1  }
0x117: {  	s1 =	ssub.s32 @!p0 $0x0, s1;
	[sflag:s0] =	ssyncset.done @!p0 $0x0  }
0x118: {  	[sflag:s0] =	ssyncadd.s32 @!p0 s1  }
0x119: {  	[bflag:$0x3] =	sbarrier.arrive $0xFFFF  }
0x11a: {  	_ =	shalt  }

</sc_bundles>
